<compile_context>
chip_gen: v7x
topology: tpu7x:2x2x1
jax: 0.10.2.dev20260603
libtpu: 0.0.44.dev20260713+nightly
codegen_flags: <defaults>
</compile_context>

<pallas_src>
import functools

import jax
import jax.numpy as jnp
from jax import lax
from jax.experimental import pallas as pl
from jax.experimental.pallas import tpu as pltpu
from jax.experimental.pallas import tpu_sc as plsc

N = 10000
E = 320000
D = 128
H = 128
GROUP = 10

NC = 2
NS = 16
NW = NC * NS
WIN = 128
NWIN = 80
CHW = 16
NCH = NWIN // CHW
EPW = WIN * NWIN
EPAD = NW * EPW
NP = 10240
ROWS_PER_TILE = NP // NS

_mesh = functools.partial(
    plsc.VectorSubcoreMesh, core_axis_name="c", subcore_axis_name="s",
    num_cores=NC, num_subcores=NS)


def _deg_body(col_hbm, w_hbm, deg_out, col_v, w_v, zero_v, deg_sp):
    cid = lax.axis_index("c")
    sid = lax.axis_index("s")
    wid = cid * NS + sid

    pltpu.sync_copy(col_hbm.at[wid], col_v)
    pltpu.sync_copy(w_hbm.at[wid], w_v)

    @pl.when(sid == 0)
    def _():
        z16 = jnp.zeros((16,), jnp.float32)

        def zb(i, c):
            zero_v[pl.ds(i * 16, 16)] = z16
            return c
        lax.fori_loop(0, NP // 16, zb, 0)
        pltpu.sync_copy(zero_v, deg_sp)

    plsc.subcore_barrier()

    def win(wi, c):
        pltpu.sync_copy(w_v.at[wi], deg_sp.at[col_v.at[wi]], add=True)
        return c
    lax.fori_loop(0, NWIN, win, 0)

    plsc.subcore_barrier()

    @pl.when(sid == 0)
    def _():
        pltpu.sync_copy(deg_sp, deg_out.at[cid])


def _sc_degree(col3, w3):
    k = pl.kernel(
        _deg_body,
        out_type=jax.ShapeDtypeStruct((NC, NP), jnp.float32),
        mesh=_mesh(),
        compiler_params=pltpu.CompilerParams(needs_layout_passes=False),
        scratch_types=[
            pltpu.VMEM((NWIN, WIN), jnp.int32),
            pltpu.VMEM((NWIN, WIN), jnp.float32),
            pltpu.VMEM((NP,), jnp.float32),
            pltpu.VMEM_SHARED((NP,), jnp.float32),
        ],
    )
    return k(col3, w3)


def _agg_body(xw_hbm, row_hbm, col_hbm, w_hbm, dis_hbm, out_hbm,
              row_v, col_v, w_v, dis_v, msg_v, acc_sp, sem):
    cid = lax.axis_index("c")
    sid = lax.axis_index("s")
    wid = cid * NS + sid

    pltpu.sync_copy(dis_hbm, dis_v)

    z16 = jnp.zeros((16,), jnp.float32)

    @plsc.parallel_loop(0, WIN, unroll=4)
    def zb(i):
        for g in range(8):
            msg_v[i, pl.ds(g * 16, 16)] = z16
    for j in range(ROWS_PER_TILE // WIN):
        pltpu.sync_copy(msg_v, acc_sp.at[pl.ds(sid * ROWS_PER_TILE + j * WIN, WIN)])

    plsc.subcore_barrier()

    def chunk(ci, c0):
        pltpu.sync_copy(row_hbm.at[wid, pl.ds(ci * CHW, CHW)], row_v)
        pltpu.sync_copy(col_hbm.at[wid, pl.ds(ci * CHW, CHW)], col_v)
        pltpu.sync_copy(w_hbm.at[wid, pl.ds(ci * CHW, CHW)], w_v)

        def win(wi, c):

            @plsc.parallel_loop(0, 8, unroll=2)
            def scale(g):
                r16 = row_v[wi, pl.ds(g * 16, 16)]
                c16 = col_v[wi, pl.ds(g * 16, 16)]
                w16 = w_v[wi, pl.ds(g * 16, 16)]
                nm16 = plsc.load_gather(dis_v, [r16]) * w16 * plsc.load_gather(dis_v, [c16])
                for l in range(16):
                    sv = jnp.full((16,), nm16[l], jnp.float32)
                    e = g * 16 + l
                    for ch in range(8):
                        msg_v[e, pl.ds(ch * 16, 16)] = msg_v[e, pl.ds(ch * 16, 16)] * sv

            pltpu.sync_copy(msg_v, acc_sp.at[col_v.at[wi]], add=True)
            return c
        lax.fori_loop(0, CHW, win, 0)
        return c0
    lax.fori_loop(0, NCH, chunk, 0)

    plsc.subcore_barrier()
    pltpu.sync_copy(acc_sp.at[pl.ds(sid * ROWS_PER_TILE, ROWS_PER_TILE)],
                    out_hbm.at[cid, pl.ds(sid * ROWS_PER_TILE, ROWS_PER_TILE)])


def _sc_aggregate(xw, row3, col3, w3, dis):
    k = pl.kernel(
        _agg_body,
        out_type=jax.ShapeDtypeStruct((NC, NP, H), jnp.float32),
        mesh=_mesh(),
        compiler_params=pltpu.CompilerParams(needs_layout_passes=False),
        scratch_types=[
            pltpu.VMEM((CHW, WIN), jnp.int32),
            pltpu.VMEM((CHW, WIN), jnp.int32),
            pltpu.VMEM((CHW, WIN), jnp.float32),
            pltpu.VMEM((N,), jnp.float32),
            pltpu.VMEM((WIN, H), jnp.float32),
            pltpu.VMEM_SHARED((NP, H), jnp.float32),
            pltpu.SemaphoreType.DMA,
        ],
    )
    return k(xw, row3, col3, w3, dis)


NCEN = 1024


def _aggc_body(xw_hbm, row_hbm, col_hbm, w_hbm, dis_hbm, out_hbm,
               row_v, col_v, w_v, rowm_v, colm_v, dis_v, msg_v, acc_sp, sem):
    cid = lax.axis_index("c")
    sid = lax.axis_index("s")
    wid = cid * NS + sid

    pltpu.sync_copy(dis_hbm, dis_v)

    z16 = jnp.zeros((16,), jnp.float32)

    @plsc.parallel_loop(0, 64, unroll=4)
    def zb(i):
        for g in range(8):
            msg_v[i, pl.ds(g * 16, 16)] = z16
    pltpu.sync_copy(msg_v.at[pl.ds(0, 64)], acc_sp.at[pl.ds(sid * 64, 64)])

    plsc.subcore_barrier()

    def chunk(ci, c0):
        pltpu.sync_copy(row_hbm.at[wid, pl.ds(ci * CHW, CHW)], row_v)
        pltpu.sync_copy(col_hbm.at[wid, pl.ds(ci * CHW, CHW)], col_v)
        pltpu.sync_copy(w_hbm.at[wid, pl.ds(ci * CHW, CHW)], w_v)

        def win(wi, c):
            @plsc.parallel_loop(0, 8)
            def mk(g):
                c16 = col_v[wi, pl.ds(g * 16, 16)]
                r16 = row_v[wi, pl.ds(g * 16, 16)]
                q = c16 // GROUP
                is_c = c16 == q * GROUP
                colm_v[pl.ds(g * 16, 16)] = jnp.where(is_c, q, -1)
                rowm_v[pl.ds(g * 16, 16)] = jnp.where(is_c, r16, -1)

            pltpu.async_copy(xw_hbm.at[plsc.Indices(rowm_v, ignored_value=-1)],
                             msg_v, sem).wait()

            def scale(g, c2):
                r16 = row_v[wi, pl.ds(g * 16, 16)]
                c16 = colm_v[pl.ds(g * 16, 16)]
                w16 = w_v[wi, pl.ds(g * 16, 16)]
                nm16 = plsc.load_gather(dis_v, [r16]) * w16 * plsc.load_gather(
                    dis_v, [col_v[wi, pl.ds(g * 16, 16)]])
                for l in range(16):
                    @pl.when(c16[l] >= 0)
                    def _():
                        sv = jnp.full((16,), nm16[l], jnp.float32)
                        e = g * 16 + l
                        for ch in range(8):
                            msg_v[e, pl.ds(ch * 16, 16)] = (
                                msg_v[e, pl.ds(ch * 16, 16)] * sv)
                return c2
            lax.fori_loop(0, 8, scale, 0)

            pltpu.sync_copy(msg_v,
                            acc_sp.at[plsc.Indices(colm_v, ignored_value=-1)],
                            add=True)
            return c
        lax.fori_loop(0, CHW, win, 0)
        return c0
    lax.fori_loop(0, NCH, chunk, 0)

    plsc.subcore_barrier()
    pltpu.sync_copy(acc_sp.at[pl.ds(sid * 64, 64)],
                    out_hbm.at[cid, pl.ds(sid * 64, 64)])


def _sc_aggregate_centers(xw, row3, col3, w3, dis):
    k = pl.kernel(
        _aggc_body,
        out_type=jax.ShapeDtypeStruct((NC, NCEN, H), jnp.float32),
        mesh=_mesh(),
        compiler_params=pltpu.CompilerParams(needs_layout_passes=False),
        scratch_types=[
            pltpu.VMEM((CHW, WIN), jnp.int32),
            pltpu.VMEM((CHW, WIN), jnp.int32),
            pltpu.VMEM((CHW, WIN), jnp.float32),
            pltpu.VMEM((WIN,), jnp.int32),
            pltpu.VMEM((WIN,), jnp.int32),
            pltpu.VMEM((N,), jnp.float32),
            pltpu.VMEM((WIN, H), jnp.float32),
            pltpu.VMEM_SHARED((NCEN, H), jnp.float32),
            pltpu.SemaphoreType.DMA,
        ],
    )
    return k(xw, row3, col3, w3, dis)


def _dis_body(dp_ref, out_ref):
    deg = dp_ref[0] + dp_ref[1]
    dc = jnp.maximum(deg, 1e-12)
    y = lax.rsqrt(dc)
    y = y * (1.5 - 0.5 * dc * y * y)
    out_ref[...] = jnp.where(deg > 0, y, 0.0)


def _tc_dis(deg_parts):
    npad = 80 * 128
    dp = jnp.pad(deg_parts, ((0, 0), (0, npad - N))).reshape(NC, 80, 128)
    out = pl.pallas_call(
        _dis_body,
        out_shape=jax.ShapeDtypeStruct((80, 128), jnp.float32),
    )(dp)
    return out.reshape(npad)[:N]


def _mm_body(x_ref, w_ref, o_ref):
    o_ref[...] = jnp.dot(x_ref[...].astype(jnp.bfloat16),
                         w_ref[...].astype(jnp.bfloat16),
                         preferred_element_type=jnp.float32)


def _tc_matmul(x, w):
    m = x.shape[0]
    bm = 400
    return pl.pallas_call(
        _mm_body,
        grid=(m // bm,),
        in_specs=[pl.BlockSpec((bm, x.shape[1]), lambda i: (i, 0)),
                  pl.BlockSpec(w.shape, lambda i: (0, 0))],
        out_specs=pl.BlockSpec((bm, w.shape[1]), lambda i: (i, 0)),
        out_shape=jax.ShapeDtypeStruct((m, w.shape[1]), jnp.float32),
    )(x, w)


def _mid_body(a_ref, b_ref, w_ref, o_ref):
    h = jnp.maximum(a_ref[...] + b_ref[...], 0.0)
    o_ref[...] = jnp.dot(h.astype(jnp.bfloat16),
                         w_ref[...].astype(jnp.bfloat16),
                         preferred_element_type=jnp.float32)


def _tc_relu_matmul(a, b, w):
    m = a.shape[0]
    bm = 400
    return pl.pallas_call(
        _mid_body,
        grid=(m // bm,),
        in_specs=[pl.BlockSpec((bm, a.shape[1]), lambda i: (i, 0)),
                  pl.BlockSpec((bm, a.shape[1]), lambda i: (i, 0)),
                  pl.BlockSpec(w.shape, lambda i: (0, 0))],
        out_specs=pl.BlockSpec((bm, w.shape[1]), lambda i: (i, 0)),
        out_shape=jax.ShapeDtypeStruct((m, w.shape[1]), jnp.float32),
    )(a, b, w)


def _head_body(a_ref, b_ref, w_ref, o_ref):
    h = jnp.maximum(a_ref[...] + b_ref[...], 0.0)
    hb = h.astype(jnp.bfloat16).astype(jnp.float32)
    wb = w_ref[...].astype(jnp.bfloat16).astype(jnp.float32)
    p = jnp.sum(hb * wb, axis=1, keepdims=True)
    o_ref[...] = jnp.maximum(p, 0.0)


def _tc_head(c0, c1, w_row):
    m = c0.shape[0]
    return pl.pallas_call(
        _head_body,
        out_shape=jax.ShapeDtypeStruct((m, 1), jnp.float32),
    )(c0, c1, w_row)


def kernel(x, edge_index, edge_weight, W0, W1, W_lin):
    row = edge_index[0].astype(jnp.int32)
    col = edge_index[1].astype(jnp.int32)
    w = edge_weight.astype(jnp.float32)

    pad = EPAD - E
    prow = jnp.zeros((pad,), jnp.int32)
    pcol = (jnp.arange(pad, dtype=jnp.int32) * 7) % N
    pw = jnp.zeros((pad,), jnp.float32)
    row3 = jnp.concatenate([row, prow]).reshape(NW, NWIN, WIN)
    col3 = jnp.concatenate([col, pcol]).reshape(NW, NWIN, WIN)
    w3 = jnp.concatenate([w, pw]).reshape(NW, NWIN, WIN)

    deg_parts = _sc_degree(col3, w3)[:, :N]
    dis = _tc_dis(deg_parts)

    xw0 = _tc_matmul(x, W0)
    p0 = _sc_aggregate(xw0, row3, col3, w3, dis)

    hw1 = _tc_relu_matmul(p0[0, :N], p0[1, :N], W1)
    p1 = _sc_aggregate_centers(hw1, row3, col3, w3, dis)

    c0 = p1[0, :N // GROUP]
    c1 = p1[1, :N // GROUP]
    w_row = W_lin.reshape(1, H)
    return _tc_head(c0, c1, w_row)

# --- scband reference (transcript-rebuilt; emitter-appended) ---
"""Pipeline reference for scband-kcn-56642028699847 (READ-ONLY COPY).

The authoritative reference and input builder live on the scoring server;
editing this copy changes nothing except your own understanding.
"""

import jax, jax.numpy as jnp
import numpy as np

N = 10000
E = 320000
D = 128
H = 128
OUT = 1
GROUP = 10  # n_neighbors + 1


def setup_inputs(seed: int = 0) -> dict:
    key = jax.random.key(seed)
    ks = jax.random.split(key, 6)
    x = jax.random.normal(ks[0], (N, D), dtype=jnp.float32)
    edge_index = jax.random.randint(ks[1], (2, E), 0, N)
    edge_weight = jax.random.uniform(ks[2], (E,), dtype=jnp.float32)
    W0 = jax.random.normal(ks[3], (D, H), dtype=jnp.float32) * (1.0 / np.sqrt(D))
    W1 = jax.random.normal(ks[4], (H, H), dtype=jnp.float32) * (1.0 / np.sqrt(H))
    W_lin = jax.random.normal(ks[5], (H, OUT), dtype=jnp.float32) * (1.0 / np.sqrt(H))
    return {"x": x, "edge_index": edge_index, "edge_weight": edge_weight, "W0": W0, "W1": W1, "W_lin": W_lin}


def _gcn_conv(x, edge_index, edge_weight, W):
    # GCNConv(bias=False, add_self_loops=False) with edge_weight:
    # symmetric normalization norm = d^{-1/2}[src] * w * d^{-1/2}[dst]
    row = edge_index[0]
    col = edge_index[1]
    xw = x @ W
    deg = jax.ops.segment_sum(edge_weight, col, num_segments=N)
    deg_inv_sqrt = jnp.where(deg > 0, jax.lax.rsqrt(jnp.maximum(deg, 1e-12)), 0.0)
    norm = deg_inv_sqrt[row] * edge_weight * deg_inv_sqrt[col]
    msg = xw[row] * norm[:, None]
    out = jax.ops.segment_sum(msg, col, num_segments=N)
    return out


def reference(x, edge_index, edge_weight, W0, W1, W_lin):
    # GNN layer 0
    h = _gcn_conv(x, edge_index, edge_weight, W0)
    h = jax.nn.relu(h)
    # dropout p=0.0 / eval mode -> identity
    # GNN layer 1
    h = _gcn_conv(h, edge_index, edge_weight, W1)
    h = jax.nn.relu(h)
    # KCN head: reshape to [-1, n_neighbors+1, H], take center node, linear (no bias), relu
    h = h.reshape(-1, GROUP, h.shape[1])
    center = h[:, 0]
    pred = jax.nn.relu(center @ W_lin)
    return pred

if __name__ == "__main__":
    import jax
    _d = setup_inputs()
    print(jax.jit(kernel)(*tuple(_d.values())))

</pallas_src>

<mosaic_0001>
#map = affine_map<(d0, d1) -> (0, 0, 0)>
#map1 = affine_map<(d0, d1) -> (0, 0)>
module attributes {stable_mosaic.version = 14 : i64} {
  func.func @_deg_body(%arg0: i32, %arg1: i32, %arg2: memref<32x80x128xi32, #tpu.memory_space<hbm>>, %arg3: memref<32x80x128xf32, #tpu.memory_space<hbm>>, %arg4: memref<2x10240xf32, #tpu.memory_space<hbm>>, %arg5: memref<80x128xi32, #tpu.memory_space<vmem>>, %arg6: memref<80x128xf32, #tpu.memory_space<vmem>>, %arg7: memref<10240xf32, #tpu.memory_space<vmem>>, %arg8: memref<10240xf32, #tpu.memory_space<vmem_shared>>) attributes {dimension_semantics = [#tpu.dimension_semantics<core_parallel>, #tpu.dimension_semantics<subcore_parallel>], iteration_bounds = array<i64: 2, 16>, scalar_prefetch = 0 : i64, scratch_operands = 4 : i64, tpu.core_type = #tpu.core_type<sc_vector_subcore>, window_params = [{transform_indices = #map}, {transform_indices = #map}, {transform_indices = #map1}]} {
    %mul3A = arith.constant 16 : i32
    %mul3A_0 = arith.muli %arg0, %mul3A : i32
    %add3A = arith.addi %mul3A_0, %arg1 : i32
    "tpu.region"() ({
      %run_scoped3A = tpu.sem_alloc : memref<!tpu.dma_semaphore, #tpu.memory_space<semaphore_mem>>
      %dma_start3A = arith.constant 0 : i32
      %dma_start3A_14 = arith.constant 0 : i32
      %dma_start3A_15 = tpu.memref_slice %arg2[%add3A, %dma_start3A, %dma_start3A_14] : memref<32x80x128xi32, #tpu.memory_space<hbm>> -> memref<1x80x128xi32, #tpu.memory_space<hbm>>
      %dma_start3A_16 = tpu.memref_squeeze %dma_start3A_15 : memref<1x80x128xi32, #tpu.memory_space<hbm>> -> memref<80x128xi32, #tpu.memory_space<hbm>>
      %dma_start3A_17 = arith.constant 0 : i32
      %dma_start3A_18 = arith.constant 0 : i32
      %dma_start3A_19 = tpu.memref_slice %arg2[%add3A, %dma_start3A_17, %dma_start3A_18] : memref<32x80x128xi32, #tpu.memory_space<hbm>> -> memref<1x80x128xi32, #tpu.memory_space<hbm>>
      %dma_start3A_20 = tpu.memref_squeeze %dma_start3A_19 : memref<1x80x128xi32, #tpu.memory_space<hbm>> -> memref<80x128xi32, #tpu.memory_space<hbm>>
      tpu.enqueue_dma source(%dma_start3A_20 : memref<80x128xi32, #tpu.memory_space<hbm>>) target(%arg5 : memref<80x128xi32, #tpu.memory_space<vmem>>) target_semaphore(%run_scoped3A : memref<!tpu.dma_semaphore, #tpu.memory_space<semaphore_mem>>)
      %dma_wait3A = arith.constant 0 : i32
      %dma_wait3A_21 = arith.constant 0 : i32
      %dma_wait3A_22 = tpu.memref_slice %arg2[%add3A, %dma_wait3A, %dma_wait3A_21] : memref<32x80x128xi32, #tpu.memory_space<hbm>> -> memref<1x80x128xi32, #tpu.memory_space<hbm>>
      %dma_wait3A_23 = tpu.memref_squeeze %dma_wait3A_22 : memref<1x80x128xi32, #tpu.memory_space<hbm>> -> memref<80x128xi32, #tpu.memory_space<hbm>>
      %dma_wait3A_24 = arith.constant 0 : i32
      %dma_wait3A_25 = arith.constant 0 : i32
      %dma_wait3A_26 = tpu.memref_slice %arg2[%add3A, %dma_wait3A_24, %dma_wait3A_25] : memref<32x80x128xi32, #tpu.memory_space<hbm>> -> memref<1x80x128xi32, #tpu.memory_space<hbm>>
      %dma_wait3A_27 = tpu.memref_squeeze %dma_wait3A_26 : memref<1x80x128xi32, #tpu.memory_space<hbm>> -> memref<80x128xi32, #tpu.memory_space<hbm>>
      tpu.wait_dma2 semaphore(%run_scoped3A : memref<!tpu.dma_semaphore, #tpu.memory_space<semaphore_mem>>) src(%dma_wait3A_27 : memref<80x128xi32, #tpu.memory_space<hbm>>) dst(%arg5 : memref<80x128xi32, #tpu.memory_space<vmem>>)
      tpu.yield
    }) : () -> ()
    "tpu.region"() ({
      %run_scoped3A = tpu.sem_alloc : memref<!tpu.dma_semaphore, #tpu.memory_space<semaphore_mem>>
      %dma_start3A = arith.constant 0 : i32
      %dma_start3A_14 = arith.constant 0 : i32
      %dma_start3A_15 = tpu.memref_slice %arg3[%add3A, %dma_start3A, %dma_start3A_14] : memref<32x80x128xf32, #tpu.memory_space<hbm>> -> memref<1x80x128xf32, #tpu.memory_space<hbm>>
      %dma_start3A_16 = tpu.memref_squeeze %dma_start3A_15 : memref<1x80x128xf32, #tpu.memory_space<hbm>> -> memref<80x128xf32, #tpu.memory_space<hbm>>
      %dma_start3A_17 = arith.constant 0 : i32
      %dma_start3A_18 = arith.constant 0 : i32
      %dma_start3A_19 = tpu.memref_slice %arg3[%add3A, %dma_start3A_17, %dma_start3A_18] : memref<32x80x128xf32, #tpu.memory_space<hbm>> -> memref<1x80x128xf32, #tpu.memory_space<hbm>>
      %dma_start3A_20 = tpu.memref_squeeze %dma_start3A_19 : memref<1x80x128xf32, #tpu.memory_space<hbm>> -> memref<80x128xf32, #tpu.memory_space<hbm>>
      tpu.enqueue_dma source(%dma_start3A_20 : memref<80x128xf32, #tpu.memory_space<hbm>>) target(%arg6 : memref<80x128xf32, #tpu.memory_space<vmem>>) target_semaphore(%run_scoped3A : memref<!tpu.dma_semaphore, #tpu.memory_space<semaphore_mem>>)
      %dma_wait3A = arith.constant 0 : i32
      %dma_wait3A_21 = arith.constant 0 : i32
      %dma_wait3A_22 = tpu.memref_slice %arg3[%add3A, %dma_wait3A, %dma_wait3A_21] : memref<32x80x128xf32, #tpu.memory_space<hbm>> -> memref<1x80x128xf32, #tpu.memory_space<hbm>>
      %dma_wait3A_23 = tpu.memref_squeeze %dma_wait3A_22 : memref<1x80x128xf32, #tpu.memory_space<hbm>> -> memref<80x128xf32, #tpu.memory_space<hbm>>
      %dma_wait3A_24 = arith.constant 0 : i32
      %dma_wait3A_25 = arith.constant 0 : i32
      %dma_wait3A_26 = tpu.memref_slice %arg3[%add3A, %dma_wait3A_24, %dma_wait3A_25] : memref<32x80x128xf32, #tpu.memory_space<hbm>> -> memref<1x80x128xf32, #tpu.memory_space<hbm>>
      %dma_wait3A_27 = tpu.memref_squeeze %dma_wait3A_26 : memref<1x80x128xf32, #tpu.memory_space<hbm>> -> memref<80x128xf32, #tpu.memory_space<hbm>>
      tpu.wait_dma2 semaphore(%run_scoped3A : memref<!tpu.dma_semaphore, #tpu.memory_space<semaphore_mem>>) src(%dma_wait3A_27 : memref<80x128xf32, #tpu.memory_space<hbm>>) dst(%arg6 : memref<80x128xf32, #tpu.memory_space<vmem>>)
      tpu.yield
    }) : () -> ()
    %eq3A = arith.constant 0 : i32
    %eq3A_1 = arith.cmpi eq, %arg1, %eq3A : i32
    %convert_element_type3A = arith.extui %eq3A_1 : i1 to i32
    %cond3A = arith.constant 0 : i32
    %cond3A_2 = arith.cmpi ne, %convert_element_type3A, %cond3A : i32
    scf.if %cond3A_2 {
      %broadcast_in_dim3A = arith.constant 0.000000e+00 : f32
      %broadcast_in_dim3A_14 = vector.broadcast %broadcast_in_dim3A : f32 to vector<16xf32>
      %scan3A_15 = arith.constant 0 : i32
      %scan3A_16 = arith.constant 0 : i32
      %scan3A_17 = arith.constant 640 : i32
      %scan3A_18 = arith.addi %scan3A_16, %scan3A_17 : i32
      %scan3A_19 = arith.constant 1 : i32
      scf.for %scan3A_21 = %scan3A_16 to %scan3A_18 step %scan3A_19  : i32 {
        %mul3A_22 = arith.constant 16 : i32
        %mul3A_23 = arith.muli %scan3A_21, %mul3A_22 : i32
        %swap3A = arith.index_cast %mul3A_23 : i32 to index
        %swap3A_24 = tpu.vector_load %arg7[%swap3A] {strides = array<i32>} : memref<10240xf32, #tpu.memory_space<vmem>>, vector<16xf32>,
        tpu.vector_store %arg7[%swap3A], %broadcast_in_dim3A_14 {strides = array<i32>} : memref<10240xf32, #tpu.memory_space<vmem>>, vector<16xf32>,
      }
      %scan3A_20 = arith.constant 640 : i32
      "tpu.region"() ({
        %run_scoped3A = tpu.sem_alloc : memref<!tpu.dma_semaphore, #tpu.memory_space<semaphore_mem>>
        tpu.enqueue_dma source(%arg7 : memref<10240xf32, #tpu.memory_space<vmem>>) target(%arg8 : memref<10240xf32, #tpu.memory_space<vmem_shared>>) target_semaphore(%run_scoped3A : memref<!tpu.dma_semaphore, #tpu.memory_space<semaphore_mem>>)
        tpu.wait_dma2 semaphore(%run_scoped3A : memref<!tpu.dma_semaphore, #tpu.memory_space<semaphore_mem>>) src(%arg7 : memref<10240xf32, #tpu.memory_space<vmem>>) dst(%arg8 : memref<10240xf32, #tpu.memory_space<vmem_shared>>)
        tpu.yield
      }) : () -> ()
    } else {
    }
    %barrier3A = arith.constant 0 : index
    tpu.barrier barrier_id(%barrier3A)
    %scan3A = arith.constant 0 : i32
    %scan3A_3 = arith.constant 0 : i32
    %scan3A_4 = arith.constant 80 : i32
    %scan3A_5 = arith.addi %scan3A_3, %scan3A_4 : i32
    %scan3A_6 = arith.constant 1 : i32
    scf.for %scan3A_14 = %scan3A_3 to %scan3A_5 step %scan3A_6  : i32 {
      "tpu.region"() ({
        %run_scoped3A = tpu.sem_alloc : memref<!tpu.dma_semaphore, #tpu.memory_space<semaphore_mem>>
        %dma_start3A = arith.constant 0 : i32
        %dma_start3A_15 = tpu.memref_slice %arg6[%scan3A_14, %dma_start3A] : memref<80x128xf32, #tpu.memory_space<vmem>> -> memref<1x128xf32, #tpu.memory_space<vmem>>
        %dma_start3A_16 = tpu.memref_squeeze %dma_start3A_15 : memref<1x128xf32, #tpu.memory_space<vmem>> -> memref<128xf32, #tpu.memory_space<vmem>>
        %dma_start3A_17 = arith.constant 0 : i32
        %dma_start3A_18 = tpu.memref_slice %arg5[%scan3A_14, %dma_start3A_17] : memref<80x128xi32, #tpu.memory_space<vmem>> -> memref<1x128xi32, #tpu.memory_space<vmem>>
        %dma_start3A_19 = tpu.memref_squeeze %dma_start3A_18 : memref<1x128xi32, #tpu.memory_space<vmem>> -> memref<128xi32, #tpu.memory_space<vmem>>
        %dma_start3A_20 = arith.constant 0 : i32
        %dma_start3A_21 = tpu.memref_slice %arg8[%dma_start3A_20] : memref<10240xf32, #tpu.memory_space<vmem_shared>> -> memref<10240xf32, #tpu.memory_space<vmem_shared>>
        tpu.enqueue_indirect_dma source(%dma_start3A_16 : memref<128xf32, #tpu.memory_space<vmem>>) target(%dma_start3A_21 : memref<10240xf32, #tpu.memory_space<vmem_shared>>) offsets(%dma_start3A_19 : memref<128xi32, #tpu.memory_space<vmem>>) semaphore(%run_scoped3A : memref<!tpu.dma_semaphore, #tpu.memory_space<semaphore_mem>>) {add = true}
        %dma_wait3A = arith.constant 0 : i32
        %dma_wait3A_22 = tpu.memref_slice %arg6[%scan3A_14, %dma_wait3A] : memref<80x128xf32, #tpu.memory_space<vmem>> -> memref<1x128xf32, #tpu.memory_space<vmem>>
        %dma_wait3A_23 = tpu.memref_squeeze %dma_wait3A_22 : memref<1x128xf32, #tpu.memory_space<vmem>> -> memref<128xf32, #tpu.memory_space<vmem>>
        %dma_wait3A_24 = arith.constant 0 : i32
        %dma_wait3A_25 = tpu.memref_slice %arg5[%scan3A_14, %dma_wait3A_24] : memref<80x128xi32, #tpu.memory_space<vmem>> -> memref<1x128xi32, #tpu.memory_space<vmem>>
        %dma_wait3A_26 = tpu.memref_squeeze %dma_wait3A_25 : memref<1x128xi32, #tpu.memory_space<vmem>> -> memref<128xi32, #tpu.memory_space<vmem>>
        %dma_wait3A_27 = arith.constant 0 : i32
        %dma_wait3A_28 = tpu.memref_slice %arg8[%dma_wait3A_27] : memref<10240xf32, #tpu.memory_space<vmem_shared>> -> memref<10240xf32, #tpu.memory_space<vmem_shared>>
        tpu.wait_indirect_dma semaphore(%run_scoped3A : memref<!tpu.dma_semaphore, #tpu.memory_space<semaphore_mem>>) src(%dma_wait3A_23 : memref<128xf32, #tpu.memory_space<vmem>>) dst(%dma_wait3A_28 : memref<10240xf32, #tpu.memory_space<vmem_shared>>)
        tpu.yield
      }) : () -> ()
    }
    %scan3A_7 = arith.constant 80 : i32
    %barrier3A_8 = arith.constant 0 : index
    tpu.barrier barrier_id(%barrier3A_8)
    %eq3A_9 = arith.constant 0 : i32
    %eq3A_10 = arith.cmpi eq, %arg1, %eq3A_9 : i32
    %convert_element_type3A_11 = arith.extui %eq3A_10 : i1 to i32
    %cond3A_12 = arith.constant 0 : i32
    %cond3A_13 = arith.cmpi ne, %convert_element_type3A_11, %cond3A_12 : i32
    scf.if %cond3A_13 {
      "tpu.region"() ({
        %run_scoped3A = tpu.sem_alloc : memref<!tpu.dma_semaphore, #tpu.memory_space<semaphore_mem>>
        %dma_start3A = arith.constant 0 : i32
        %dma_start3A_14 = tpu.memref_slice %arg4[%arg0, %dma_start3A] : memref<2x10240xf32, #tpu.memory_space<hbm>> -> memref<1x10240xf32, #tpu.memory_space<hbm>>
        %dma_start3A_15 = tpu.memref_squeeze %dma_start3A_14 : memref<1x10240xf32, #tpu.memory_space<hbm>> -> memref<10240xf32, #tpu.memory_space<hbm>>
        tpu.enqueue_dma source(%arg8 : memref<10240xf32, #tpu.memory_space<vmem_shared>>) target(%dma_start3A_15 : memref<10240xf32, #tpu.memory_space<hbm>>) target_semaphore(%run_scoped3A : memref<!tpu.dma_semaphore, #tpu.memory_space<semaphore_mem>>)
        %dma_wait3A = arith.constant 0 : i32
        %dma_wait3A_16 = tpu.memref_slice %arg4[%arg0, %dma_wait3A] : memref<2x10240xf32, #tpu.memory_space<hbm>> -> memref<1x10240xf32, #tpu.memory_space<hbm>>
        %dma_wait3A_17 = tpu.memref_squeeze %dma_wait3A_16 : memref<1x10240xf32, #tpu.memory_space<hbm>> -> memref<10240xf32, #tpu.memory_space<hbm>>
        tpu.wait_dma2 semaphore(%run_scoped3A : memref<!tpu.dma_semaphore, #tpu.memory_space<semaphore_mem>>) src(%arg8 : memref<10240xf32, #tpu.memory_space<vmem_shared>>) dst(%dma_wait3A_17 : memref<10240xf32, #tpu.memory_space<hbm>>)
        tpu.yield
      }) : () -> ()
    } else {
    }
    return
  }
}

#map = affine_map<(d0, d1) -> (0, 0)>
#map1 = affine_map<(d0, d1) -> (0, 0, 0)>
#map2 = affine_map<(d0, d1) -> (0)>
module attributes {stable_mosaic.version = 14 : i64} {
  func.func @_agg_body(%arg0: i32, %arg1: i32, %arg2: memref<10000x128xf32, #tpu.memory_space<hbm>>, %arg3: memref<32x80x128xi32, #tpu.memory_space<hbm>>, %arg4: memref<32x80x128xi32, #tpu.memory_space<hbm>>, %arg5: memref<32x80x128xf32, #tpu.memory_space<hbm>>, %arg6: memref<10000xf32, #tpu.memory_space<hbm>>, %arg7: memref<2x10240x128xf32, #tpu.memory_space<hbm>>, %arg8: memref<16x128xi32, #tpu.memory_space<vmem>>, %arg9: memref<16x128xi32, #tpu.memory_space<vmem>>, %arg10: memref<16x128xf32, #tpu.memory_space<vmem>>, %arg11: memref<10000xf32, #tpu.memory_space<vmem>>, %arg12: memref<128x128xf32, #tpu.memory_space<vmem>>, %arg13: memref<10240x128xf32, #tpu.memory_space<vmem_shared>>, %arg14: memref<!tpu.dma_semaphore, #tpu.memory_space<semaphore_mem>>) attributes {dimension_semantics = [#tpu.dimension_semantics<core_parallel>, #tpu.dimension_semantics<subcore_parallel>], iteration_bounds = array<i64: 2, 16>, scalar_prefetch = 0 : i64, scratch_operands = 7 : i64, tpu.core_type = #tpu.core_type<sc_vector_subcore>, window_params = [{transform_indices = #map}, {transform_indices = #map1}, {transform_indices = #map1}, {transform_indices = #map1}, {transform_indices = #map2}, {transform_indices = #map1}]} {
    %mul3A = arith.constant 16 : i32
    %mul3A_0 = arith.muli %arg0, %mul3A : i32
    %add3A = arith.addi %mul3A_0, %arg1 : i32
    "tpu.region"() ({
      %run_scoped3A = tpu.sem_alloc : memref<!tpu.dma_semaphore, #tpu.memory_space<semaphore_mem>>
      tpu.enqueue_dma source(%arg6 : memref<10000xf32, #tpu.memory_space<hbm>>) target(%arg11 : memref<10000xf32, #tpu.memory_space<vmem>>) target_semaphore(%run_scoped3A : memref<!tpu.dma_semaphore, #tpu.memory_space<semaphore_mem>>)
      tpu.wait_dma2 semaphore(%run_scoped3A : memref<!tpu.dma_semaphore, #tpu.memory_space<semaphore_mem>>) src(%arg6 : memref<10000xf32, #tpu.memory_space<hbm>>) dst(%arg11 : memref<10000xf32, #tpu.memory_space<vmem>>)
      tpu.yield
    }) : () -> ()
    %broadcast_in_dim3A = arith.constant 0.000000e+00 : f32
    %broadcast_in_dim3A_1 = vector.broadcast %broadcast_in_dim3A : f32 to vector<16xf32>
    %parallel_loop3A = arith.constant 0 : i32
    %parallel_loop3A_2 = arith.constant 128 : i32
    %parallel_loop3A_3 = arith.constant 1 : i32
    scf.for %parallel_loop3A_34 = %parallel_loop3A to %parallel_loop3A_2 step %parallel_loop3A_3  : i32 {
      %parallel_loop3A_35 = arith.index_cast %parallel_loop3A_34 : i32 to index
      %parallel_loop3A_36 = arith.constant 0 : index
      %parallel_loop3A_37 = tpu.vector_load %arg12[%parallel_loop3A_35, %parallel_loop3A_36] {strides = array<i32>} : memref<128x128xf32, #tpu.memory_space<vmem>>, vector<16xf32>,
      tpu.vector_store %arg12[%parallel_loop3A_35, %parallel_loop3A_36], %broadcast_in_dim3A_1 {strides = array<i32>} : memref<128x128xf32, #tpu.memory_space<vmem>>, vector<16xf32>,
      %parallel_loop3A_38 = arith.index_cast %parallel_loop3A_34 : i32 to index
      %parallel_loop3A_39 = arith.constant 16 : index
      %parallel_loop3A_40 = tpu.vector_load %arg12[%parallel_loop3A_38, %parallel_loop3A_39] {strides = array<i32>} : memref<128x128xf32, #tpu.memory_space<vmem>>, vector<16xf32>,
      tpu.vector_store %arg12[%parallel_loop3A_38, %parallel_loop3A_39], %broadcast_in_dim3A_1 {strides = array<i32>} : memref<128x128xf32, #tpu.memory_space<vmem>>, vector<16xf32>,
      %parallel_loop3A_41 = arith.index_cast %parallel_loop3A_34 : i32 to index
      %parallel_loop3A_42 = arith.constant 32 : index
      %parallel_loop3A_43 = tpu.vector_load %arg12[%parallel_loop3A_41, %parallel_loop3A_42] {strides = array<i32>} : memref<128x128xf32, #tpu.memory_space<vmem>>, vector<16xf32>,
      tpu.vector_store %arg12[%parallel_loop3A_41, %parallel_loop3A_42], %broadcast_in_dim3A_1 {strides = array<i32>} : memref<128x128xf32, #tpu.memory_space<vmem>>, vector<16xf32>,
      %parallel_loop3A_44 = arith.index_cast %parallel_loop3A_34 : i32 to index
      %parallel_loop3A_45 = arith.constant 48 : index
      %parallel_loop3A_46 = tpu.vector_load %arg12[%parallel_loop3A_44, %parallel_loop3A_45] {strides = array<i32>} : memref<128x128xf32, #tpu.memory_space<vmem>>, vector<16xf32>,
      tpu.vector_store %arg12[%parallel_loop3A_44, %parallel_loop3A_45], %broadcast_in_dim3A_1 {strides = array<i32>} : memref<128x128xf32, #tpu.memory_space<vmem>>, vector<16xf32>,
      %parallel_loop3A_47 = arith.index_cast %parallel_loop3A_34 : i32 to index
      %parallel_loop3A_48 = arith.constant 64 : index
      %parallel_loop3A_49 = tpu.vector_load %arg12[%parallel_loop3A_47, %parallel_loop3A_48] {strides = array<i32>} : memref<128x128xf32, #tpu.memory_space<vmem>>, vector<16xf32>,
      tpu.vector_store %arg12[%parallel_loop3A_47, %parallel_loop3A_48], %broadcast_in_dim3A_1 {strides = array<i32>} : memref<128x128xf32, #tpu.memory_space<vmem>>, vector<16xf32>,
      %parallel_loop3A_50 = arith.index_cast %parallel_loop3A_34 : i32 to index
      %parallel_loop3A_51 = arith.constant 80 : index
      %parallel_loop3A_52 = tpu.vector_load %arg12[%parallel_loop3A_50, %parallel_loop3A_51] {strides = array<i32>} : memref<128x128xf32, #tpu.memory_space<vmem>>, vector<16xf32>,
      tpu.vector_store %arg12[%parallel_loop3A_50, %parallel_loop3A_51], %broadcast_in_dim3A_1 {strides = array<i32>} : memref<128x128xf32, #tpu.memory_space<vmem>>, vector<16xf32>,
      %parallel_loop3A_53 = arith.index_cast %parallel_loop3A_34 : i32 to index
      %parallel_loop3A_54 = arith.constant 96 : index
      %parallel_loop3A_55 = tpu.vector_load %arg12[%parallel_loop3A_53, %parallel_loop3A_54] {strides = array<i32>} : memref<128x128xf32, #tpu.memory_space<vmem>>, vector<16xf32>,
      tpu.vector_store %arg12[%parallel_loop3A_53, %parallel_loop3A_54], %broadcast_in_dim3A_1 {strides = array<i32>} : memref<128x128xf32, #tpu.memory_space<vmem>>, vector<16xf32>,
      %parallel_loop3A_56 = arith.index_cast %parallel_loop3A_34 : i32 to index
      %parallel_loop3A_57 = arith.constant 112 : index
      %parallel_loop3A_58 = tpu.vector_load %arg12[%parallel_loop3A_56, %parallel_loop3A_57] {strides = array<i32>} : memref<128x128xf32, #tpu.memory_space<vmem>>, vector<16xf32>,
      tpu.vector_store %arg12[%parallel_loop3A_56, %parallel_loop3A_57], %broadcast_in_dim3A_1 {strides = array<i32>} : memref<128x128xf32, #tpu.memory_space<vmem>>, vector<16xf32>,
    } {sc.loop_unroll_factor = 4 : i64, sc.parallel_access}
    %mul3A_4 = arith.constant 640 : i32
    %mul3A_5 = arith.muli %arg1, %mul3A_4 : i32
    %add3A_6 = arith.constant 0 : i32
    %add3A_7 = arith.addi %mul3A_5, %add3A_6 : i32
    "tpu.region"() ({
      %run_scoped3A = tpu.sem_alloc : memref<!tpu.dma_semaphore, #tpu.memory_space<semaphore_mem>>
      %dma_start3A = arith.constant 0 : i32
      %dma_start3A_34 = tpu.memref_slice %arg13[%add3A_7, %dma_start3A] : memref<10240x128xf32, #tpu.memory_space<vmem_shared>> -> memref<128x128xf32, #tpu.memory_space<vmem_shared>>
      %dma_start3A_35 = arith.constant 0 : i32
      %dma_start3A_36 = tpu.memref_slice %arg13[%add3A_7, %dma_start3A_35] : memref<10240x128xf32, #tpu.memory_space<vmem_shared>> -> memref<128x128xf32, #tpu.memory_space<vmem_shared>>
      tpu.enqueue_dma source(%arg12 : memref<128x128xf32, #tpu.memory_space<vmem>>) target(%dma_start3A_36 : memref<128x128xf32, #tpu.memory_space<vmem_shared>>) target_semaphore(%run_scoped3A : memref<!tpu.dma_semaphore, #tpu.memory_space<semaphore_mem>>)
      %dma_wait3A = arith.constant 0 : i32
      %dma_wait3A_37 = tpu.memref_slice %arg13[%add3A_7, %dma_wait3A] : memref<10240x128xf32, #tpu.memory_space<vmem_shared>> -> memref<128x128xf32, #tpu.memory_space<vmem_shared>>
      %dma_wait3A_38 = arith.constant 0 : i32
      %dma_wait3A_39 = tpu.memref_slice %arg13[%add3A_7, %dma_wait3A_38] : memref<10240x128xf32, #tpu.memory_space<vmem_shared>> -> memref<128x128xf32, #tpu.memory_space<vmem_shared>>
      tpu.wait_dma2 semaphore(%run_scoped3A : memref<!tpu.dma_semaphore, #tpu.memory_space<semaphore_mem>>) src(%arg12 : memref<128x128xf32, #tpu.memory_space<vmem>>) dst(%dma_wait3A_39 : memref<128x128xf32, #tpu.memory_space<vmem_shared>>)
      tpu.yield
    }) : () -> ()
    %mul3A_8 = arith.constant 640 : i32
    %mul3A_9 = arith.muli %arg1, %mul3A_8 : i32
    %add3A_10 = arith.constant 128 : i32
    %add3A_11 = arith.addi %mul3A_9, %add3A_10 : i32
    "tpu.region"() ({
      %run_scoped3A = tpu.sem_alloc : memref<!tpu.dma_semaphore, #tpu.memory_space<semaphore_mem>>
      %dma_start3A = arith.constant 0 : i32
      %dma_start3A_34 = tpu.memref_slice %arg13[%add3A_11, %dma_start3A] : memref<10240x128xf32, #tpu.memory_space<vmem_shared>> -> memref<128x128xf32, #tpu.memory_space<vmem_shared>>
      %dma_start3A_35 = arith.constant 0 : i32
      %dma_start3A_36 = tpu.memref_slice %arg13[%add3A_11, %dma_start3A_35] : memref<10240x128xf32, #tpu.memory_space<vmem_shared>> -> memref<128x128xf32, #tpu.memory_space<vmem_shared>>
      tpu.enqueue_dma source(%arg12 : memref<128x128xf32, #tpu.memory_space<vmem>>) target(%dma_start3A_36 : memref<128x128xf32, #tpu.memory_space<vmem_shared>>) target_semaphore(%run_scoped3A : memref<!tpu.dma_semaphore, #tpu.memory_space<semaphore_mem>>)
      %dma_wait3A = arith.constant 0 : i32
      %dma_wait3A_37 = tpu.memref_slice %arg13[%add3A_11, %dma_wait3A] : memref<10240x128xf32, #tpu.memory_space<vmem_shared>> -> memref<128x128xf32, #tpu.memory_space<vmem_shared>>
      %dma_wait3A_38 = arith.constant 0 : i32
      %dma_wait3A_39 = tpu.memref_slice %arg13[%add3A_11, %dma_wait3A_38] : memref<10240x128xf32, #tpu.memory_space<vmem_shared>> -> memref<128x128xf32, #tpu.memory_space<vmem_shared>>
      tpu.wait_dma2 semaphore(%run_scoped3A : memref<!tpu.dma_semaphore, #tpu.memory_space<semaphore_mem>>) src(%arg12 : memref<128x128xf32, #tpu.memory_space<vmem>>) dst(%dma_wait3A_39 : memref<128x128xf32, #tpu.memory_space<vmem_shared>>)
      tpu.yield
    }) : () -> ()
    %mul3A_12 = arith.constant 640 : i32
    %mul3A_13 = arith.muli %arg1, %mul3A_12 : i32
    %add3A_14 = arith.constant 256 : i32
    %add3A_15 = arith.addi %mul3A_13, %add3A_14 : i32
    "tpu.region"() ({
      %run_scoped3A = tpu.sem_alloc : memref<!tpu.dma_semaphore, #tpu.memory_space<semaphore_mem>>
      %dma_start3A = arith.constant 0 : i32
      %dma_start3A_34 = tpu.memref_slice %arg13[%add3A_15, %dma_start3A] : memref<10240x128xf32, #tpu.memory_space<vmem_shared>> -> memref<128x128xf32, #tpu.memory_space<vmem_shared>>
      %dma_start3A_35 = arith.constant 0 : i32
      %dma_start3A_36 = tpu.memref_slice %arg13[%add3A_15, %dma_start3A_35] : memref<10240x128xf32, #tpu.memory_space<vmem_shared>> -> memref<128x128xf32, #tpu.memory_space<vmem_shared>>
      tpu.enqueue_dma source(%arg12 : memref<128x128xf32, #tpu.memory_space<vmem>>) target(%dma_start3A_36 : memref<128x128xf32, #tpu.memory_space<vmem_shared>>) target_semaphore(%run_scoped3A : memref<!tpu.dma_semaphore, #tpu.memory_space<semaphore_mem>>)
      %dma_wait3A = arith.constant 0 : i32
      %dma_wait3A_37 = tpu.memref_slice %arg13[%add3A_15, %dma_wait3A] : memref<10240x128xf32, #tpu.memory_space<vmem_shared>> -> memref<128x128xf32, #tpu.memory_space<vmem_shared>>
      %dma_wait3A_38 = arith.constant 0 : i32
      %dma_wait3A_39 = tpu.memref_slice %arg13[%add3A_15, %dma_wait3A_38] : memref<10240x128xf32, #tpu.memory_space<vmem_shared>> -> memref<128x128xf32, #tpu.memory_space<vmem_shared>>
      tpu.wait_dma2 semaphore(%run_scoped3A : memref<!tpu.dma_semaphore, #tpu.memory_space<semaphore_mem>>) src(%arg12 : memref<128x128xf32, #tpu.memory_space<vmem>>) dst(%dma_wait3A_39 : memref<128x128xf32, #tpu.memory_space<vmem_shared>>)
      tpu.yield
    }) : () -> ()
    %mul3A_16 = arith.constant 640 : i32
    %mul3A_17 = arith.muli %arg1, %mul3A_16 : i32
    %add3A_18 = arith.constant 384 : i32
    %add3A_19 = arith.addi %mul3A_17, %add3A_18 : i32
    "tpu.region"() ({
      %run_scoped3A = tpu.sem_alloc : memref<!tpu.dma_semaphore, #tpu.memory_space<semaphore_mem>>
      %dma_start3A = arith.constant 0 : i32
      %dma_start3A_34 = tpu.memref_slice %arg13[%add3A_19, %dma_start3A] : memref<10240x128xf32, #tpu.memory_space<vmem_shared>> -> memref<128x128xf32, #tpu.memory_space<vmem_shared>>
      %dma_start3A_35 = arith.constant 0 : i32
      %dma_start3A_36 = tpu.memref_slice %arg13[%add3A_19, %dma_start3A_35] : memref<10240x128xf32, #tpu.memory_space<vmem_shared>> -> memref<128x128xf32, #tpu.memory_space<vmem_shared>>
      tpu.enqueue_dma source(%arg12 : memref<128x128xf32, #tpu.memory_space<vmem>>) target(%dma_start3A_36 : memref<128x128xf32, #tpu.memory_space<vmem_shared>>) target_semaphore(%run_scoped3A : memref<!tpu.dma_semaphore, #tpu.memory_space<semaphore_mem>>)
      %dma_wait3A = arith.constant 0 : i32
      %dma_wait3A_37 = tpu.memref_slice %arg13[%add3A_19, %dma_wait3A] : memref<10240x128xf32, #tpu.memory_space<vmem_shared>> -> memref<128x128xf32, #tpu.memory_space<vmem_shared>>
      %dma_wait3A_38 = arith.constant 0 : i32
      %dma_wait3A_39 = tpu.memref_slice %arg13[%add3A_19, %dma_wait3A_38] : memref<10240x128xf32, #tpu.memory_space<vmem_shared>> -> memref<128x128xf32, #tpu.memory_space<vmem_shared>>
      tpu.wait_dma2 semaphore(%run_scoped3A : memref<!tpu.dma_semaphore, #tpu.memory_space<semaphore_mem>>) src(%arg12 : memref<128x128xf32, #tpu.memory_space<vmem>>) dst(%dma_wait3A_39 : memref<128x128xf32, #tpu.memory_space<vmem_shared>>)
      tpu.yield
    }) : () -> ()
    %mul3A_20 = arith.constant 640 : i32
    %mul3A_21 = arith.muli %arg1, %mul3A_20 : i32
    %add3A_22 = arith.constant 512 : i32
    %add3A_23 = arith.addi %mul3A_21, %add3A_22 : i32
    "tpu.region"() ({
      %run_scoped3A = tpu.sem_alloc : memref<!tpu.dma_semaphore, #tpu.memory_space<semaphore_mem>>
      %dma_start3A = arith.constant 0 : i32
      %dma_start3A_34 = tpu.memref_slice %arg13[%add3A_23, %dma_start3A] : memref<10240x128xf32, #tpu.memory_space<vmem_shared>> -> memref<128x128xf32, #tpu.memory_space<vmem_shared>>
      %dma_start3A_35 = arith.constant 0 : i32
      %dma_start3A_36 = tpu.memref_slice %arg13[%add3A_23, %dma_start3A_35] : memref<10240x128xf32, #tpu.memory_space<vmem_shared>> -> memref<128x128xf32, #tpu.memory_space<vmem_shared>>
      tpu.enqueue_dma source(%arg12 : memref<128x128xf32, #tpu.memory_space<vmem>>) target(%dma_start3A_36 : memref<128x128xf32, #tpu.memory_space<vmem_shared>>) target_semaphore(%run_scoped3A : memref<!tpu.dma_semaphore, #tpu.memory_space<semaphore_mem>>)
      %dma_wait3A = arith.constant 0 : i32
      %dma_wait3A_37 = tpu.memref_slice %arg13[%add3A_23, %dma_wait3A] : memref<10240x128xf32, #tpu.memory_space<vmem_shared>> -> memref<128x128xf32, #tpu.memory_space<vmem_shared>>
      %dma_wait3A_38 = arith.constant 0 : i32
      %dma_wait3A_39 = tpu.memref_slice %arg13[%add3A_23, %dma_wait3A_38] : memref<10240x128xf32, #tpu.memory_space<vmem_shared>> -> memref<128x128xf32, #tpu.memory_space<vmem_shared>>
      tpu.wait_dma2 semaphore(%run_scoped3A : memref<!tpu.dma_semaphore, #tpu.memory_space<semaphore_mem>>) src(%arg12 : memref<128x128xf32, #tpu.memory_space<vmem>>) dst(%dma_wait3A_39 : memref<128x128xf32, #tpu.memory_space<vmem_shared>>)
      tpu.yield
    }) : () -> ()
    %barrier3A = arith.constant 0 : index
    tpu.barrier barrier_id(%barrier3A)
    %scan3A = arith.constant 0 : i32
    %scan3A_24 = arith.constant 0 : i32
    %scan3A_25 = arith.constant 5 : i32
    %scan3A_26 = arith.addi %scan3A_24, %scan3A_25 : i32
    %scan3A_27 = arith.constant 1 : i32
    scf.for %scan3A_34 = %scan3A_24 to %scan3A_26 step %scan3A_27  : i32 {
      %mul3A_35 = arith.constant 16 : i32
      %mul3A_36 = arith.muli %scan3A_34, %mul3A_35 : i32
      "tpu.region"() ({
        %run_scoped3A = tpu.sem_alloc : memref<!tpu.dma_semaphore, #tpu.memory_space<semaphore_mem>>
        %dma_start3A = arith.constant 0 : i32
        %dma_start3A_47 = tpu.memref_slice %arg3[%add3A, %mul3A_36, %dma_start3A] : memref<32x80x128xi32, #tpu.memory_space<hbm>> -> memref<1x16x128xi32, #tpu.memory_space<hbm>>
        %dma_start3A_48 = tpu.memref_squeeze %dma_start3A_47 : memref<1x16x128xi32, #tpu.memory_space<hbm>> -> memref<16x128xi32, #tpu.memory_space<hbm>>
        %dma_start3A_49 = arith.constant 0 : i32
        %dma_start3A_50 = tpu.memref_slice %arg3[%add3A, %mul3A_36, %dma_start3A_49] : memref<32x80x128xi32, #tpu.memory_space<hbm>> -> memref<1x16x128xi32, #tpu.memory_space<hbm>>
        %dma_start3A_51 = tpu.memref_squeeze %dma_start3A_50 : memref<1x16x128xi32, #tpu.memory_space<hbm>> -> memref<16x128xi32, #tpu.memory_space<hbm>>
        tpu.enqueue_dma source(%dma_start3A_51 : memref<16x128xi32, #tpu.memory_space<hbm>>) target(%arg8 : memref<16x128xi32, #tpu.memory_space<vmem>>) target_semaphore(%run_scoped3A : memref<!tpu.dma_semaphore, #tpu.memory_space<semaphore_mem>>)
        %dma_wait3A = arith.constant 0 : i32
        %dma_wait3A_52 = tpu.memref_slice %arg3[%add3A, %mul3A_36, %dma_wait3A] : memref<32x80x128xi32, #tpu.memory_space<hbm>> -> memref<1x16x128xi32, #tpu.memory_space<hbm>>
        %dma_wait3A_53 = tpu.memref_squeeze %dma_wait3A_52 : memref<1x16x128xi32, #tpu.memory_space<hbm>> -> memref<16x128xi32, #tpu.memory_space<hbm>>
        %dma_wait3A_54 = arith.constant 0 : i32
        %dma_wait3A_55 = tpu.memref_slice %arg3[%add3A, %mul3A_36, %dma_wait3A_54] : memref<32x80x128xi32, #tpu.memory_space<hbm>> -> memref<1x16x128xi32, #tpu.memory_space<hbm>>
        %dma_wait3A_56 = tpu.memref_squeeze %dma_wait3A_55 : memref<1x16x128xi32, #tpu.memory_space<hbm>> -> memref<16x128xi32, #tpu.memory_space<hbm>>
        tpu.wait_dma2 semaphore(%run_scoped3A : memref<!tpu.dma_semaphore, #tpu.memory_space<semaphore_mem>>) src(%dma_wait3A_56 : memref<16x128xi32, #tpu.memory_space<hbm>>) dst(%arg8 : memref<16x128xi32, #tpu.memory_space<vmem>>)
        tpu.yield
      }) : () -> ()
      %mul3A_37 = arith.constant 16 : i32
      %mul3A_38 = arith.muli %scan3A_34, %mul3A_37 : i32
      "tpu.region"() ({
        %run_scoped3A = tpu.sem_alloc : memref<!tpu.dma_semaphore, #tpu.memory_space<semaphore_mem>>
        %dma_start3A = arith.constant 0 : i32
        %dma_start3A_47 = tpu.memref_slice %arg4[%add3A, %mul3A_38, %dma_start3A] : memref<32x80x128xi32, #tpu.memory_space<hbm>> -> memref<1x16x128xi32, #tpu.memory_space<hbm>>
        %dma_start3A_48 = tpu.memref_squeeze %dma_start3A_47 : memref<1x16x128xi32, #tpu.memory_space<hbm>> -> memref<16x128xi32, #tpu.memory_space<hbm>>
        %dma_start3A_49 = arith.constant 0 : i32
        %dma_start3A_50 = tpu.memref_slice %arg4[%add3A, %mul3A_38, %dma_start3A_49] : memref<32x80x128xi32, #tpu.memory_space<hbm>> -> memref<1x16x128xi32, #tpu.memory_space<hbm>>
        %dma_start3A_51 = tpu.memref_squeeze %dma_start3A_50 : memref<1x16x128xi32, #tpu.memory_space<hbm>> -> memref<16x128xi32, #tpu.memory_space<hbm>>
        tpu.enqueue_dma source(%dma_start3A_51 : memref<16x128xi32, #tpu.memory_space<hbm>>) target(%arg9 : memref<16x128xi32, #tpu.memory_space<vmem>>) target_semaphore(%run_scoped3A : memref<!tpu.dma_semaphore, #tpu.memory_space<semaphore_mem>>)
        %dma_wait3A = arith.constant 0 : i32
        %dma_wait3A_52 = tpu.memref_slice %arg4[%add3A, %mul3A_38, %dma_wait3A] : memref<32x80x128xi32, #tpu.memory_space<hbm>> -> memref<1x16x128xi32, #tpu.memory_space<hbm>>
        %dma_wait3A_53 = tpu.memref_squeeze %dma_wait3A_52 : memref<1x16x128xi32, #tpu.memory_space<hbm>> -> memref<16x128xi32, #tpu.memory_space<hbm>>
        %dma_wait3A_54 = arith.constant 0 : i32
        %dma_wait3A_55 = tpu.memref_slice %arg4[%add3A, %mul3A_38, %dma_wait3A_54] : memref<32x80x128xi32, #tpu.memory_space<hbm>> -> memref<1x16x128xi32, #tpu.memory_space<hbm>>
        %dma_wait3A_56 = tpu.memref_squeeze %dma_wait3A_55 : memref<1x16x128xi32, #tpu.memory_space<hbm>> -> memref<16x128xi32, #tpu.memory_space<hbm>>
        tpu.wait_dma2 semaphore(%run_scoped3A : memref<!tpu.dma_semaphore, #tpu.memory_space<semaphore_mem>>) src(%dma_wait3A_56 : memref<16x128xi32, #tpu.memory_space<hbm>>) dst(%arg9 : memref<16x128xi32, #tpu.memory_space<vmem>>)
        tpu.yield
      }) : () -> ()
      %mul3A_39 = arith.constant 16 : i32
      %mul3A_40 = arith.muli %scan3A_34, %mul3A_39 : i32
      "tpu.region"() ({
        %run_scoped3A = tpu.sem_alloc : memref<!tpu.dma_semaphore, #tpu.memory_space<semaphore_mem>>
        %dma_start3A = arith.constant 0 : i32
        %dma_start3A_47 = tpu.memref_slice %arg5[%add3A, %mul3A_40, %dma_start3A] : memref<32x80x128xf32, #tpu.memory_space<hbm>> -> memref<1x16x128xf32, #tpu.memory_space<hbm>>
        %dma_start3A_48 = tpu.memref_squeeze %dma_start3A_47 : memref<1x16x128xf32, #tpu.memory_space<hbm>> -> memref<16x128xf32, #tpu.memory_space<hbm>>
        %dma_start3A_49 = arith.constant 0 : i32
        %dma_start3A_50 = tpu.memref_slice %arg5[%add3A, %mul3A_40, %dma_start3A_49] : memref<32x80x128xf32, #tpu.memory_space<hbm>> -> memref<1x16x128xf32, #tpu.memory_space<hbm>>
        %dma_start3A_51 = tpu.memref_squeeze %dma_start3A_50 : memref<1x16x128xf32, #tpu.memory_space<hbm>> -> memref<16x128xf32, #tpu.memory_space<hbm>>
        tpu.enqueue_dma source(%dma_start3A_51 : memref<16x128xf32, #tpu.memory_space<hbm>>) target(%arg10 : memref<16x128xf32, #tpu.memory_space<vmem>>) target_semaphore(%run_scoped3A : memref<!tpu.dma_semaphore, #tpu.memory_space<semaphore_mem>>)
        %dma_wait3A = arith.constant 0 : i32
        %dma_wait3A_52 = tpu.memref_slice %arg5[%add3A, %mul3A_40, %dma_wait3A] : memref<32x80x128xf32, #tpu.memory_space<hbm>> -> memref<1x16x128xf32, #tpu.memory_space<hbm>>
        %dma_wait3A_53 = tpu.memref_squeeze %dma_wait3A_52 : memref<1x16x128xf32, #tpu.memory_space<hbm>> -> memref<16x128xf32, #tpu.memory_space<hbm>>
        %dma_wait3A_54 = arith.constant 0 : i32
        %dma_wait3A_55 = tpu.memref_slice %arg5[%add3A, %mul3A_40, %dma_wait3A_54] : memref<32x80x128xf32, #tpu.memory_space<hbm>> -> memref<1x16x128xf32, #tpu.memory_space<hbm>>
        %dma_wait3A_56 = tpu.memref_squeeze %dma_wait3A_55 : memref<1x16x128xf32, #tpu.memory_space<hbm>> -> memref<16x128xf32, #tpu.memory_space<hbm>>
        tpu.wait_dma2 semaphore(%run_scoped3A : memref<!tpu.dma_semaphore, #tpu.memory_space<semaphore_mem>>) src(%dma_wait3A_56 : memref<16x128xf32, #tpu.memory_space<hbm>>) dst(%arg10 : memref<16x128xf32, #tpu.memory_space<vmem>>)
        tpu.yield
      }) : () -> ()
      %scan3A_41 = arith.constant 0 : i32
      %scan3A_42 = arith.constant 0 : i32
      %scan3A_43 = arith.constant 16 : i32
      %scan3A_44 = arith.addi %scan3A_42, %scan3A_43 : i32
      %scan3A_45 = arith.constant 1 : i32
      scf.for %scan3A_47 = %scan3A_42 to %scan3A_44 step %scan3A_45  : i32 {
        %parallel_loop3A_48 = arith.constant 0 : i32
        %parallel_loop3A_49 = arith.constant 8 : i32
        %parallel_loop3A_50 = arith.constant 1 : i32
        scf.for %parallel_loop3A_51 = %parallel_loop3A_48 to %parallel_loop3A_49 step %parallel_loop3A_50  : i32 {
          %parallel_loop3A_52 = arith.constant 16 : i32
          %parallel_loop3A_53 = arith.muli %parallel_loop3A_51, %parallel_loop3A_52 : i32
          %parallel_loop3A_54 = arith.index_cast %scan3A_47 : i32 to index
          %parallel_loop3A_55 = arith.index_cast %parallel_loop3A_53 : i32 to index
          %parallel_loop3A_56 = tpu.vector_load %arg8[%parallel_loop3A_54, %parallel_loop3A_55] {strides = array<i32>} : memref<16x128xi32, #tpu.memory_space<vmem>>, vector<16xi32>,
          %parallel_loop3A_57 = arith.constant 16 : i32
          %parallel_loop3A_58 = arith.muli %parallel_loop3A_51, %parallel_loop3A_57 : i32
          %parallel_loop3A_59 = arith.index_cast %scan3A_47 : i32 to index
          %parallel_loop3A_60 = arith.index_cast %parallel_loop3A_58 : i32 to index
          %parallel_loop3A_61 = tpu.vector_load %arg9[%parallel_loop3A_59, %parallel_loop3A_60] {strides = array<i32>} : memref<16x128xi32, #tpu.memory_space<vmem>>, vector<16xi32>,
          %parallel_loop3A_62 = arith.constant 16 : i32
          %parallel_loop3A_63 = arith.muli %parallel_loop3A_51, %parallel_loop3A_62 : i32
          %parallel_loop3A_64 = arith.index_cast %scan3A_47 : i32 to index
          %parallel_loop3A_65 = arith.index_cast %parallel_loop3A_63 : i32 to index
          %parallel_loop3A_66 = tpu.vector_load %arg10[%parallel_loop3A_64, %parallel_loop3A_65] {strides = array<i32>} : memref<16x128xf32, #tpu.memory_space<vmem>>, vector<16xf32>,
          %parallel_loop3A_67 = tpu.vector_load_idx %arg11[%parallel_loop3A_56] : memref<10000xf32, #tpu.memory_space<vmem>>[vector<16xi32>], vector<16xf32>,
          %parallel_loop3A_68 = arith.mulf %parallel_loop3A_67, %parallel_loop3A_66 : vector<16xf32>
          %parallel_loop3A_69 = tpu.vector_load_idx %arg11[%parallel_loop3A_61] : memref<10000xf32, #tpu.memory_space<vmem>>[vector<16xi32>], vector<16xf32>,
          %parallel_loop3A_70 = arith.mulf %parallel_loop3A_68, %parallel_loop3A_69 : vector<16xf32>
          %parallel_loop3A_71 = vector.extract_strided_slice %parallel_loop3A_70 {offsets = [0], sizes = [1], strides = [1]} : vector<16xf32> to vector<1xf32>
          %parallel_loop3A_72 = vector.extract %parallel_loop3A_71[0] : f32 from vector<1xf32>
          %parallel_loop3A_73 = vector.broadcast %parallel_loop3A_72 : f32 to vector<16xf32>
          %parallel_loop3A_74 = arith.constant 16 : i32
          %parallel_loop3A_75 = arith.muli %parallel_loop3A_51, %parallel_loop3A_74 : i32
          %parallel_loop3A_76 = arith.constant 0 : i32
          %parallel_loop3A_77 = arith.addi %parallel_loop3A_75, %parallel_loop3A_76 : i32
          %parallel_loop3A_78 = arith.index_cast %parallel_loop3A_77 : i32 to index
          %parallel_loop3A_79 = arith.constant 0 : index
          %parallel_loop3A_80 = tpu.vector_load %arg12[%parallel_loop3A_78, %parallel_loop3A_79] {strides = array<i32>} : memref<128x128xf32, #tpu.memory_space<vmem>>, vector<16xf32>,
          %parallel_loop3A_81 = arith.mulf %parallel_loop3A_80, %parallel_loop3A_73 : vector<16xf32>
          %parallel_loop3A_82 = arith.index_cast %parallel_loop3A_77 : i32 to index
          %parallel_loop3A_83 = arith.constant 0 : index
          %parallel_loop3A_84 = tpu.vector_load %arg12[%parallel_loop3A_82, %parallel_loop3A_83] {strides = array<i32>} : memref<128x128xf32, #tpu.memory_space<vmem>>, vector<16xf32>,
          tpu.vector_store %arg12[%parallel_loop3A_82, %parallel_loop3A_83], %parallel_loop3A_81 {strides = array<i32>} : memref<128x128xf32, #tpu.memory_space<vmem>>, vector<16xf32>,
          %parallel_loop3A_85 = arith.index_cast %parallel_loop3A_77 : i32 to index
          %parallel_loop3A_86 = arith.constant 16 : index
          %parallel_loop3A_87 = tpu.vector_load %arg12[%parallel_loop3A_85, %parallel_loop3A_86] {strides = array<i32>} : memref<128x128xf32, #tpu.memory_space<vmem>>, vector<16xf32>,
          %parallel_loop3A_88 = arith.mulf %parallel_loop3A_87, %parallel_loop3A_73 : vector<16xf32>
          %parallel_loop3A_89 = arith.index_cast %parallel_loop3A_77 : i32 to index
          %parallel_loop3A_90 = arith.constant 16 : index
          %parallel_loop3A_91 = tpu.vector_load %arg12[%parallel_loop3A_89, %parallel_loop3A_90] {strides = array<i32>} : memref<128x128xf32, #tpu.memory_space<vmem>>, vector<16xf32>,
          tpu.vector_store %arg12[%parallel_loop3A_89, %parallel_loop3A_90], %parallel_loop3A_88 {strides = array<i32>} : memref<128x128xf32, #tpu.memory_space<vmem>>, vector<16xf32>,
          %parallel_loop3A_92 = arith.index_cast %parallel_loop3A_77 : i32 to index
          %parallel_loop3A_93 = arith.constant 32 : index
          %parallel_loop3A_94 = tpu.vector_load %arg12[%parallel_loop3A_92, %parallel_loop3A_93] {strides = array<i32>} : memref<128x128xf32, #tpu.memory_space<vmem>>, vector<16xf32>,
          %parallel_loop3A_95 = arith.mulf %parallel_loop3A_94, %parallel_loop3A_73 : vector<16xf32>
          %parallel_loop3A_96 = arith.index_cast %parallel_loop3A_77 : i32 to index
          %parallel_loop3A_97 = arith.constant 32 : index
          %parallel_loop3A_98 = tpu.vector_load %arg12[%parallel_loop3A_96, %parallel_loop3A_97] {strides = array<i32>} : memref<128x128xf32, #tpu.memory_space<vmem>>, vector<16xf32>,
          tpu.vector_store %arg12[%parallel_loop3A_96, %parallel_loop3A_97], %parallel_loop3A_95 {strides = array<i32>} : memref<128x128xf32, #tpu.memory_space<vmem>>, vector<16xf32>,
          %parallel_loop3A_99 = arith.index_cast %parallel_loop3A_77 : i32 to index
          %parallel_loop3A_100 = arith.constant 48 : index
          %parallel_loop3A_101 = tpu.vector_load %arg12[%parallel_loop3A_99, %parallel_loop3A_100] {strides = array<i32>} : memref<128x128xf32, #tpu.memory_space<vmem>>, vector<16xf32>,
          %parallel_loop3A_102 = arith.mulf %parallel_loop3A_101, %parallel_loop3A_73 : vector<16xf32>
          %parallel_loop3A_103 = arith.index_cast %parallel_loop3A_77 : i32 to index
          %parallel_loop3A_104 = arith.constant 48 : index
          %parallel_loop3A_105 = tpu.vector_load %arg12[%parallel_loop3A_103, %parallel_loop3A_104] {strides = array<i32>} : memref<128x128xf32, #tpu.memory_space<vmem>>, vector<16xf32>,
          tpu.vector_store %arg12[%parallel_loop3A_103, %parallel_loop3A_104], %parallel_loop3A_102 {strides = array<i32>} : memref<128x128xf32, #tpu.memory_space<vmem>>, vector<16xf32>,
          %parallel_loop3A_106 = arith.index_cast %parallel_loop3A_77 : i32 to index
          %parallel_loop3A_107 = arith.constant 64 : index
          %parallel_loop3A_108 = tpu.vector_load %arg12[%parallel_loop3A_106, %parallel_loop3A_107] {strides = array<i32>} : memref<128x128xf32, #tpu.memory_space<vmem>>, vector<16xf32>,
          %parallel_loop3A_109 = arith.mulf %parallel_loop3A_108, %parallel_loop3A_73 : vector<16xf32>
          %parallel_loop3A_110 = arith.index_cast %parallel_loop3A_77 : i32 to index
          %parallel_loop3A_111 = arith.constant 64 : index
          %parallel_loop3A_112 = tpu.vector_load %arg12[%parallel_loop3A_110, %parallel_loop3A_111] {strides = array<i32>} : memref<128x128xf32, #tpu.memory_space<vmem>>, vector<16xf32>,
          tpu.vector_store %arg12[%parallel_loop3A_110, %parallel_loop3A_111], %parallel_loop3A_109 {strides = array<i32>} : memref<128x128xf32, #tpu.memory_space<vmem>>, vector<16xf32>,
          %parallel_loop3A_113 = arith.index_cast %parallel_loop3A_77 : i32 to index
          %parallel_loop3A_114 = arith.constant 80 : index
          %parallel_loop3A_115 = tpu.vector_load %arg12[%parallel_loop3A_113, %parallel_loop3A_114] {strides = array<i32>} : memref<128x128xf32, #tpu.memory_space<vmem>>, vector<16xf32>,
          %parallel_loop3A_116 = arith.mulf %parallel_loop3A_115, %parallel_loop3A_73 : vector<16xf32>
          %parallel_loop3A_117 = arith.index_cast %parallel_loop3A_77 : i32 to index
          %parallel_loop3A_118 = arith.constant 80 : index
          %parallel_loop3A_119 = tpu.vector_load %arg12[%parallel_loop3A_117, %parallel_loop3A_118] {strides = array<i32>} : memref<128x128xf32, #tpu.memory_space<vmem>>, vector<16xf32>,
          tpu.vector_store %arg12[%parallel_loop3A_117, %parallel_loop3A_118], %parallel_loop3A_116 {strides = array<i32>} : memref<128x128xf32, #tpu.memory_space<vmem>>, vector<16xf32>,
          %parallel_loop3A_120 = arith.index_cast %parallel_loop3A_77 : i32 to index
          %parallel_loop3A_121 = arith.constant 96 : index
          %parallel_loop3A_122 = tpu.vector_load %arg12[%parallel_loop3A_120, %parallel_loop3A_121] {strides = array<i32>} : memref<128x128xf32, #tpu.memory_space<vmem>>, vector<16xf32>,
          %parallel_loop3A_123 = arith.mulf %parallel_loop3A_122, %parallel_loop3A_73 : vector<16xf32>
          %parallel_loop3A_124 = arith.index_cast %parallel_loop3A_77 : i32 to index
          %parallel_loop3A_125 = arith.constant 96 : index
          %parallel_loop3A_126 = tpu.vector_load %arg12[%parallel_loop3A_124, %parallel_loop3A_125] {strides = array<i32>} : memref<128x128xf32, #tpu.memory_space<vmem>>, vector<16xf32>,
          tpu.vector_store %arg12[%parallel_loop3A_124, %parallel_loop3A_125], %parallel_loop3A_123 {strides = array<i32>} : memref<128x128xf32, #tpu.memory_space<vmem>>, vector<16xf32>,
          %parallel_loop3A_127 = arith.index_cast %parallel_loop3A_77 : i32 to index
          %parallel_loop3A_128 = arith.constant 112 : index
          %parallel_loop3A_129 = tpu.vector_load %arg12[%parallel_loop3A_127, %parallel_loop3A_128] {strides = array<i32>} : memref<128x128xf32, #tpu.memory_space<vmem>>, vector<16xf32>,
          %parallel_loop3A_130 = arith.mulf %parallel_loop3A_129, %parallel_loop3A_73 : vector<16xf32>
          %parallel_loop3A_131 = arith.index_cast %parallel_loop3A_77 : i32 to index
          %parallel_loop3A_132 = arith.constant 112 : index
          %parallel_loop3A_133 = tpu.vector_load %arg12[%parallel_loop3A_131, %parallel_loop3A_132] {strides = array<i32>} : memref<128x128xf32, #tpu.memory_space<vmem>>, vector<16xf32>,
          tpu.vector_store %arg12[%parallel_loop3A_131, %parallel_loop3A_132], %parallel_loop3A_130 {strides = array<i32>} : memref<128x128xf32, #tpu.memory_space<vmem>>, vector<16xf32>,
          %parallel_loop3A_134 = vector.extract_strided_slice %parallel_loop3A_70 {offsets = [1], sizes = [1], strides = [1]} : vector<16xf32> to vector<1xf32>
          %parallel_loop3A_135 = vector.extract %parallel_loop3A_134[0] : f32 from vector<1xf32>
          %parallel_loop3A_136 = vector.broadcast %parallel_loop3A_135 : f32 to vector<16xf32>
          %parallel_loop3A_137 = arith.constant 16 : i32
          %parallel_loop3A_138 = arith.muli %parallel_loop3A_51, %parallel_loop3A_137 : i32
          %parallel_loop3A_139 = arith.constant 1 : i32
          %parallel_loop3A_140 = arith.addi %parallel_loop3A_138, %parallel_loop3A_139 : i32
          %parallel_loop3A_141 = arith.index_cast %parallel_loop3A_140 : i32 to index
          %parallel_loop3A_142 = arith.constant 0 : index
          %parallel_loop3A_143 = tpu.vector_load %arg12[%parallel_loop3A_141, %parallel_loop3A_142] {strides = array<i32>} : memref<128x128xf32, #tpu.memory_space<vmem>>, vector<16xf32>,
          %parallel_loop3A_144 = arith.mulf %parallel_loop3A_143, %parallel_loop3A_136 : vector<16xf32>
          %parallel_loop3A_145 = arith.index_cast %parallel_loop3A_140 : i32 to index
          %parallel_loop3A_146 = arith.constant 0 : index
          %parallel_loop3A_147 = tpu.vector_load %arg12[%parallel_loop3A_145, %parallel_loop3A_146] {strides = array<i32>} : memref<128x128xf32, #tpu.memory_space<vmem>>, vector<16xf32>,
          tpu.vector_store %arg12[%parallel_loop3A_145, %parallel_loop3A_146], %parallel_loop3A_144 {strides = array<i32>} : memref<128x128xf32, #tpu.memory_space<vmem>>, vector<16xf32>,
          %parallel_loop3A_148 = arith.index_cast %parallel_loop3A_140 : i32 to index
          %parallel_loop3A_149 = arith.constant 16 : index
          %parallel_loop3A_150 = tpu.vector_load %arg12[%parallel_loop3A_148, %parallel_loop3A_149] {strides = array<i32>} : memref<128x128xf32, #tpu.memory_space<vmem>>, vector<16xf32>,
          %parallel_loop3A_151 = arith.mulf %parallel_loop3A_150, %parallel_loop3A_136 : vector<16xf32>
          %parallel_loop3A_152 = arith.index_cast %parallel_loop3A_140 : i32 to index
          %parallel_loop3A_153 = arith.constant 16 : index
          %parallel_loop3A_154 = tpu.vector_load %arg12[%parallel_loop3A_152, %parallel_loop3A_153] {strides = array<i32>} : memref<128x128xf32, #tpu.memory_space<vmem>>, vector<16xf32>,
          tpu.vector_store %arg12[%parallel_loop3A_152, %parallel_loop3A_153], %parallel_loop3A_151 {strides = array<i32>} : memref<128x128xf32, #tpu.memory_space<vmem>>, vector<16xf32>,
          %parallel_loop3A_155 = arith.index_cast %parallel_loop3A_140 : i32 to index
          %parallel_loop3A_156 = arith.constant 32 : index
          %parallel_loop3A_157 = tpu.vector_load %arg12[%parallel_loop3A_155, %parallel_loop3A_156] {strides = array<i32>} : memref<128x128xf32, #tpu.memory_space<vmem>>, vector<16xf32>,
          %parallel_loop3A_158 = arith.mulf %parallel_loop3A_157, %parallel_loop3A_136 : vector<16xf32>
          %parallel_loop3A_159 = arith.index_cast %parallel_loop3A_140 : i32 to index
          %parallel_loop3A_160 = arith.constant 32 : index
          %parallel_loop3A_161 = tpu.vector_load %arg12[%parallel_loop3A_159, %parallel_loop3A_160] {strides = array<i32>} : memref<128x128xf32, #tpu.memory_space<vmem>>, vector<16xf32>,
          tpu.vector_store %arg12[%parallel_loop3A_159, %parallel_loop3A_160], %parallel_loop3A_158 {strides = array<i32>} : memref<128x128xf32, #tpu.memory_space<vmem>>, vector<16xf32>,
          %parallel_loop3A_162 = arith.index_cast %parallel_loop3A_140 : i32 to index
          %parallel_loop3A_163 = arith.constant 48 : index
          %parallel_loop3A_164 = tpu.vector_load %arg12[%parallel_loop3A_162, %parallel_loop3A_163] {strides = array<i32>} : memref<128x128xf32, #tpu.memory_space<vmem>>, vector<16xf32>,
          %parallel_loop3A_165 = arith.mulf %parallel_loop3A_164, %parallel_loop3A_136 : vector<16xf32>
          %parallel_loop3A_166 = arith.index_cast %parallel_loop3A_140 : i32 to index
          %parallel_loop3A_167 = arith.constant 48 : index
          %parallel_loop3A_168 = tpu.vector_load %arg12[%parallel_loop3A_166, %parallel_loop3A_167] {strides = array<i32>} : memref<128x128xf32, #tpu.memory_space<vmem>>, vector<16xf32>,
          tpu.vector_store %arg12[%parallel_loop3A_166, %parallel_loop3A_167], %parallel_loop3A_165 {strides = array<i32>} : memref<128x128xf32, #tpu.memory_space<vmem>>, vector<16xf32>,
          %parallel_loop3A_169 = arith.index_cast %parallel_loop3A_140 : i32 to index
          %parallel_loop3A_170 = arith.constant 64 : index
          %parallel_loop3A_171 = tpu.vector_load %arg12[%parallel_loop3A_169, %parallel_loop3A_170] {strides = array<i32>} : memref<128x128xf32, #tpu.memory_space<vmem>>, vector<16xf32>,
          %parallel_loop3A_172 = arith.mulf %parallel_loop3A_171, %parallel_loop3A_136 : vector<16xf32>
          %parallel_loop3A_173 = arith.index_cast %parallel_loop3A_140 : i32 to index
          %parallel_loop3A_174 = arith.constant 64 : index
          %parallel_loop3A_175 = tpu.vector_load %arg12[%parallel_loop3A_173, %parallel_loop3A_174] {strides = array<i32>} : memref<128x128xf32, #tpu.memory_space<vmem>>, vector<16xf32>,
          tpu.vector_store %arg12[%parallel_loop3A_173, %parallel_loop3A_174], %parallel_loop3A_172 {strides = array<i32>} : memref<128x128xf32, #tpu.memory_space<vmem>>, vector<16xf32>,
          %parallel_loop3A_176 = arith.index_cast %parallel_loop3A_140 : i32 to index
          %parallel_loop3A_177 = arith.constant 80 : index
          %parallel_loop3A_178 = tpu.vector_load %arg12[%parallel_loop3A_176, %parallel_loop3A_177] {strides = array<i32>} : memref<128x128xf32, #tpu.memory_space<vmem>>, vector<16xf32>,
          %parallel_loop3A_179 = arith.mulf %parallel_loop3A_178, %parallel_loop3A_136 : vector<16xf32>
          %parallel_loop3A_180 = arith.index_cast %parallel_loop3A_140 : i32 to index
          %parallel_loop3A_181 = arith.constant 80 : index
          %parallel_loop3A_182 = tpu.vector_load %arg12[%parallel_loop3A_180, %parallel_loop3A_181] {strides = array<i32>} : memref<128x128xf32, #tpu.memory_space<vmem>>, vector<16xf32>,
          tpu.vector_store %arg12[%parallel_loop3A_180, %parallel_loop3A_181], %parallel_loop3A_179 {strides = array<i32>} : memref<128x128xf32, #tpu.memory_space<vmem>>, vector<16xf32>,
          %parallel_loop3A_183 = arith.index_cast %parallel_loop3A_140 : i32 to index
          %parallel_loop3A_184 = arith.constant 96 : index
          %parallel_loop3A_185 = tpu.vector_load %arg12[%parallel_loop3A_183, %parallel_loop3A_184] {strides = array<i32>} : memref<128x128xf32, #tpu.memory_space<vmem>>, vector<16xf32>,
          %parallel_loop3A_186 = arith.mulf %parallel_loop3A_185, %parallel_loop3A_136 : vector<16xf32>
          %parallel_loop3A_187 = arith.index_cast %parallel_loop3A_140 : i32 to index
          %parallel_loop3A_188 = arith.constant 96 : index
          %parallel_loop3A_189 = tpu.vector_load %arg12[%parallel_loop3A_187, %parallel_loop3A_188] {strides = array<i32>} : memref<128x128xf32, #tpu.memory_space<vmem>>, vector<16xf32>,
          tpu.vector_store %arg12[%parallel_loop3A_187, %parallel_loop3A_188], %parallel_loop3A_186 {strides = array<i32>} : memref<128x128xf32, #tpu.memory_space<vmem>>, vector<16xf32>,
          %parallel_loop3A_190 = arith.index_cast %parallel_loop3A_140 : i32 to index
          %parallel_loop3A_191 = arith.constant 112 : index
          %parallel_loop3A_192 = tpu.vector_load %arg12[%parallel_loop3A_190, %parallel_loop3A_191] {strides = array<i32>} : memref<128x128xf32, #tpu.memory_space<vmem>>, vector<16xf32>,
          %parallel_loop3A_193 = arith.mulf %parallel_loop3A_192, %parallel_loop3A_136 : vector<16xf32>
          %parallel_loop3A_194 = arith.index_cast %parallel_loop3A_140 : i32 to index
          %parallel_loop3A_195 = arith.constant 112 : index
          %parallel_loop3A_196 = tpu.vector_load %arg12[%parallel_loop3A_194, %parallel_loop3A_195] {strides = array<i32>} : memref<128x128xf32, #tpu.memory_space<vmem>>, vector<16xf32>,
          tpu.vector_store %arg12[%parallel_loop3A_194, %parallel_loop3A_195], %parallel_loop3A_193 {strides = array<i32>} : memref<128x128xf32, #tpu.memory_space<vmem>>, vector<16xf32>,
          %parallel_loop3A_197 = vector.extract_strided_slice %parallel_loop3A_70 {offsets = [2], sizes = [1], strides = [1]} : vector<16xf32> to vector<1xf32>
          %parallel_loop3A_198 = vector.extract %parallel_loop3A_197[0] : f32 from vector<1xf32>
          %parallel_loop3A_199 = vector.broadcast %parallel_loop3A_198 : f32 to vector<16xf32>
          %parallel_loop3A_200 = arith.constant 16 : i32
          %parallel_loop3A_201 = arith.muli %parallel_loop3A_51, %parallel_loop3A_200 : i32
          %parallel_loop3A_202 = arith.constant 2 : i32
          %parallel_loop3A_203 = arith.addi %parallel_loop3A_201, %parallel_loop3A_202 : i32
          %parallel_loop3A_204 = arith.index_cast %parallel_loop3A_203 : i32 to index
          %parallel_loop3A_205 = arith.constant 0 : index
          %parallel_loop3A_206 = tpu.vector_load %arg12[%parallel_loop3A_204, %parallel_loop3A_205] {strides = array<i32>} : memref<128x128xf32, #tpu.memory_space<vmem>>, vector<16xf32>,
          %parallel_loop3A_207 = arith.mulf %parallel_loop3A_206, %parallel_loop3A_199 : vector<16xf32>
          %parallel_loop3A_208 = arith.index_cast %parallel_loop3A_203 : i32 to index
          %parallel_loop3A_209 = arith.constant 0 : index
          %parallel_loop3A_210 = tpu.vector_load %arg12[%parallel_loop3A_208, %parallel_loop3A_209] {strides = array<i32>} : memref<128x128xf32, #tpu.memory_space<vmem>>, vector<16xf32>,
          tpu.vector_store %arg12[%parallel_loop3A_208, %parallel_loop3A_209], %parallel_loop3A_207 {strides = array<i32>} : memref<128x128xf32, #tpu.memory_space<vmem>>, vector<16xf32>,
          %parallel_loop3A_211 = arith.index_cast %parallel_loop3A_203 : i32 to index
          %parallel_loop3A_212 = arith.constant 16 : index
          %parallel_loop3A_213 = tpu.vector_load %arg12[%parallel_loop3A_211, %parallel_loop3A_212] {strides = array<i32>} : memref<128x128xf32, #tpu.memory_space<vmem>>, vector<16xf32>,
          %parallel_loop3A_214 = arith.mulf %parallel_loop3A_213, %parallel_loop3A_199 : vector<16xf32>
          %parallel_loop3A_215 = arith.index_cast %parallel_loop3A_203 : i32 to index
          %parallel_loop3A_216 = arith.constant 16 : index
          %parallel_loop3A_217 = tpu.vector_load %arg12[%parallel_loop3A_215, %parallel_loop3A_216] {strides = array<i32>} : memref<128x128xf32, #tpu.memory_space<vmem>>, vector<16xf32>,
          tpu.vector_store %arg12[%parallel_loop3A_215, %parallel_loop3A_216], %parallel_loop3A_214 {strides = array<i32>} : memref<128x128xf32, #tpu.memory_space<vmem>>, vector<16xf32>,
          %parallel_loop3A_218 = arith.index_cast %parallel_loop3A_203 : i32 to index
          %parallel_loop3A_219 = arith.constant 32 : index
          %parallel_loop3A_220 = tpu.vector_load %arg12[%parallel_loop3A_218, %parallel_loop3A_219] {strides = array<i32>} : memref<128x128xf32, #tpu.memory_space<vmem>>, vector<16xf32>,
          %parallel_loop3A_221 = arith.mulf %parallel_loop3A_220, %parallel_loop3A_199 : vector<16xf32>
          %parallel_loop3A_222 = arith.index_cast %parallel_loop3A_203 : i32 to index
          %parallel_loop3A_223 = arith.constant 32 : index
          %parallel_loop3A_224 = tpu.vector_load %arg12[%parallel_loop3A_222, %parallel_loop3A_223] {strides = array<i32>} : memref<128x128xf32, #tpu.memory_space<vmem>>, vector<16xf32>,
          tpu.vector_store %arg12[%parallel_loop3A_222, %parallel_loop3A_223], %parallel_loop3A_221 {strides = array<i32>} : memref<128x128xf32, #tpu.memory_space<vmem>>, vector<16xf32>,
          %parallel_loop3A_225 = arith.index_cast %parallel_loop3A_203 : i32 to index
          %parallel_loop3A_226 = arith.constant 48 : index
          %parallel_loop3A_227 = tpu.vector_load %arg12[%parallel_loop3A_225, %parallel_loop3A_226] {strides = array<i32>} : memref<128x128xf32, #tpu.memory_space<vmem>>, vector<16xf32>,
          %parallel_loop3A_228 = arith.mulf %parallel_loop3A_227, %parallel_loop3A_199 : vector<16xf32>
          %parallel_loop3A_229 = arith.index_cast %parallel_loop3A_203 : i32 to index
          %parallel_loop3A_230 = arith.constant 48 : index
          %parallel_loop3A_231 = tpu.vector_load %arg12[%parallel_loop3A_229, %parallel_loop3A_230] {strides = array<i32>} : memref<128x128xf32, #tpu.memory_space<vmem>>, vector<16xf32>,
          tpu.vector_store %arg12[%parallel_loop3A_229, %parallel_loop3A_230], %parallel_loop3A_228 {strides = array<i32>} : memref<128x128xf32, #tpu.memory_space<vmem>>, vector<16xf32>,
          %parallel_loop3A_232 = arith.index_cast %parallel_loop3A_203 : i32 to index
          %parallel_loop3A_233 = arith.constant 64 : index
          %parallel_loop3A_234 = tpu.vector_load %arg12[%parallel_loop3A_232, %parallel_loop3A_233] {strides = array<i32>} : memref<128x128xf32, #tpu.memory_space<vmem>>, vector<16xf32>,
          %parallel_loop3A_235 = arith.mulf %parallel_loop3A_234, %parallel_loop3A_199 : vector<16xf32>
          %parallel_loop3A_236 = arith.index_cast %parallel_loop3A_203 : i32 to index
          %parallel_loop3A_237 = arith.constant 64 : index
          %parallel_loop3A_238 = tpu.vector_load %arg12[%parallel_loop3A_236, %parallel_loop3A_237] {strides = array<i32>} : memref<128x128xf32, #tpu.memory_space<vmem>>, vector<16xf32>,
          tpu.vector_store %arg12[%parallel_loop3A_236, %parallel_loop3A_237], %parallel_loop3A_235 {strides = array<i32>} : memref<128x128xf32, #tpu.memory_space<vmem>>, vector<16xf32>,
          %parallel_loop3A_239 = arith.index_cast %parallel_loop3A_203 : i32 to index
          %parallel_loop3A_240 = arith.constant 80 : index
          %parallel_loop3A_241 = tpu.vector_load %arg12[%parallel_loop3A_239, %parallel_loop3A_240] {strides = array<i32>} : memref<128x128xf32, #tpu.memory_space<vmem>>, vector<16xf32>,
          %parallel_loop3A_242 = arith.mulf %parallel_loop3A_241, %parallel_loop3A_199 : vector<16xf32>
          %parallel_loop3A_243 = arith.index_cast %parallel_loop3A_203 : i32 to index
          %parallel_loop3A_244 = arith.constant 80 : index
          %parallel_loop3A_245 = tpu.vector_load %arg12[%parallel_loop3A_243, %parallel_loop3A_244] {strides = array<i32>} : memref<128x128xf32, #tpu.memory_space<vmem>>, vector<16xf32>,
          tpu.vector_store %arg12[%parallel_loop3A_243, %parallel_loop3A_244], %parallel_loop3A_242 {strides = array<i32>} : memref<128x128xf32, #tpu.memory_space<vmem>>, vector<16xf32>,
          %parallel_loop3A_246 = arith.index_cast %parallel_loop3A_203 : i32 to index
          %parallel_loop3A_247 = arith.constant 96 : index
          %parallel_loop3A_248 = tpu.vector_load %arg12[%parallel_loop3A_246, %parallel_loop3A_247] {strides = array<i32>} : memref<128x128xf32, #tpu.memory_space<vmem>>, vector<16xf32>,
          %parallel_loop3A_249 = arith.mulf %parallel_loop3A_248, %parallel_loop3A_199 : vector<16xf32>
          %parallel_loop3A_250 = arith.index_cast %parallel_loop3A_203 : i32 to index
          %parallel_loop3A_251 = arith.constant 96 : index
          %parallel_loop3A_252 = tpu.vector_load %arg12[%parallel_loop3A_250, %parallel_loop3A_251] {strides = array<i32>} : memref<128x128xf32, #tpu.memory_space<vmem>>, vector<16xf32>,
          tpu.vector_store %arg12[%parallel_loop3A_250, %parallel_loop3A_251], %parallel_loop3A_249 {strides = array<i32>} : memref<128x128xf32, #tpu.memory_space<vmem>>, vector<16xf32>,
          %parallel_loop3A_253 = arith.index_cast %parallel_loop3A_203 : i32 to index
          %parallel_loop3A_254 = arith.constant 112 : index
          %parallel_loop3A_255 = tpu.vector_load %arg12[%parallel_loop3A_253, %parallel_loop3A_254] {strides = array<i32>} : memref<128x128xf32, #tpu.memory_space<vmem>>, vector<16xf32>,
          %parallel_loop3A_256 = arith.mulf %parallel_loop3A_255, %parallel_loop3A_199 : vector<16xf32>
          %parallel_loop3A_257 = arith.index_cast %parallel_loop3A_203 : i32 to index
          %parallel_loop3A_258 = arith.constant 112 : index
          %parallel_loop3A_259 = tpu.vector_load %arg12[%parallel_loop3A_257, %parallel_loop3A_258] {strides = array<i32>} : memref<128x128xf32, #tpu.memory_space<vmem>>, vector<16xf32>,
          tpu.vector_store %arg12[%parallel_loop3A_257, %parallel_loop3A_258], %parallel_loop3A_256 {strides = array<i32>} : memref<128x128xf32, #tpu.memory_space<vmem>>, vector<16xf32>,
          %parallel_loop3A_260 = vector.extract_strided_slice %parallel_loop3A_70 {offsets = [3], sizes = [1], strides = [1]} : vector<16xf32> to vector<1xf32>
          %parallel_loop3A_261 = vector.extract %parallel_loop3A_260[0] : f32 from vector<1xf32>
          %parallel_loop3A_262 = vector.broadcast %parallel_loop3A_261 : f32 to vector<16xf32>
          %parallel_loop3A_263 = arith.constant 16 : i32
          %parallel_loop3A_264 = arith.muli %parallel_loop3A_51, %parallel_loop3A_263 : i32
          %parallel_loop3A_265 = arith.constant 3 : i32
          %parallel_loop3A_266 = arith.addi %parallel_loop3A_264, %parallel_loop3A_265 : i32
          %parallel_loop3A_267 = arith.index_cast %parallel_loop3A_266 : i32 to index
          %parallel_loop3A_268 = arith.constant 0 : index
          %parallel_loop3A_269 = tpu.vector_load %arg12[%parallel_loop3A_267, %parallel_loop3A_268] {strides = array<i32>} : memref<128x128xf32, #tpu.memory_space<vmem>>, vector<16xf32>,
          %parallel_loop3A_270 = arith.mulf %parallel_loop3A_269, %parallel_loop3A_262 : vector<16xf32>
          %parallel_loop3A_271 = arith.index_cast %parallel_loop3A_266 : i32 to index
          %parallel_loop3A_272 = arith.constant 0 : index
          %parallel_loop3A_273 = tpu.vector_load %arg12[%parallel_loop3A_271, %parallel_loop3A_272] {strides = array<i32>} : memref<128x128xf32, #tpu.memory_space<vmem>>, vector<16xf32>,
          tpu.vector_store %arg12[%parallel_loop3A_271, %parallel_loop3A_272], %parallel_loop3A_270 {strides = array<i32>} : memref<128x128xf32, #tpu.memory_space<vmem>>, vector<16xf32>,
          %parallel_loop3A_274 = arith.index_cast %parallel_loop3A_266 : i32 to index
          %parallel_loop3A_275 = arith.constant 16 : index
          %parallel_loop3A_276 = tpu.vector_load %arg12[%parallel_loop3A_274, %parallel_loop3A_275] {strides = array<i32>} : memref<128x128xf32, #tpu.memory_space<vmem>>, vector<16xf32>,
          %parallel_loop3A_277 = arith.mulf %parallel_loop3A_276, %parallel_loop3A_262 : vector<16xf32>
          %parallel_loop3A_278 = arith.index_cast %parallel_loop3A_266 : i32 to index
          %parallel_loop3A_279 = arith.constant 16 : index
          %parallel_loop3A_280 = tpu.vector_load %arg12[%parallel_loop3A_278, %parallel_loop3A_279] {strides = array<i32>} : memref<128x128xf32, #tpu.memory_space<vmem>>, vector<16xf32>,
          tpu.vector_store %arg12[%parallel_loop3A_278, %parallel_loop3A_279], %parallel_loop3A_277 {strides = array<i32>} : memref<128x128xf32, #tpu.memory_space<vmem>>, vector<16xf32>,
          %parallel_loop3A_281 = arith.index_cast %parallel_loop3A_266 : i32 to index
          %parallel_loop3A_282 = arith.constant 32 : index
          %parallel_loop3A_283 = tpu.vector_load %arg12[%parallel_loop3A_281, %parallel_loop3A_282] {strides = array<i32>} : memref<128x128xf32, #tpu.memory_space<vmem>>, vector<16xf32>,
          %parallel_loop3A_284 = arith.mulf %parallel_loop3A_283, %parallel_loop3A_262 : vector<16xf32>
          %parallel_loop3A_285 = arith.index_cast %parallel_loop3A_266 : i32 to index
          %parallel_loop3A_286 = arith.constant 32 : index
          %parallel_loop3A_287 = tpu.vector_load %arg12[%parallel_loop3A_285, %parallel_loop3A_286] {strides = array<i32>} : memref<128x128xf32, #tpu.memory_space<vmem>>, vector<16xf32>,
          tpu.vector_store %arg12[%parallel_loop3A_285, %parallel_loop3A_286], %parallel_loop3A_284 {strides = array<i32>} : memref<128x128xf32, #tpu.memory_space<vmem>>, vector<16xf32>,
          %parallel_loop3A_288 = arith.index_cast %parallel_loop3A_266 : i32 to index
          %parallel_loop3A_289 = arith.constant 48 : index
          %parallel_loop3A_290 = tpu.vector_load %arg12[%parallel_loop3A_288, %parallel_loop3A_289] {strides = array<i32>} : memref<128x128xf32, #tpu.memory_space<vmem>>, vector<16xf32>,
          %parallel_loop3A_291 = arith.mulf %parallel_loop3A_290, %parallel_loop3A_262 : vector<16xf32>
          %parallel_loop3A_292 = arith.index_cast %parallel_loop3A_266 : i32 to index
          %parallel_loop3A_293 = arith.constant 48 : index
          %parallel_loop3A_294 = tpu.vector_load %arg12[%parallel_loop3A_292, %parallel_loop3A_293] {strides = array<i32>} : memref<128x128xf32, #tpu.memory_space<vmem>>, vector<16xf32>,
          tpu.vector_store %arg12[%parallel_loop3A_292, %parallel_loop3A_293], %parallel_loop3A_291 {strides = array<i32>} : memref<128x128xf32, #tpu.memory_space<vmem>>, vector<16xf32>,
          %parallel_loop3A_295 = arith.index_cast %parallel_loop3A_266 : i32 to index
          %parallel_loop3A_296 = arith.constant 64 : index
          %parallel_loop3A_297 = tpu.vector_load %arg12[%parallel_loop3A_295, %parallel_loop3A_296] {strides = array<i32>} : memref<128x128xf32, #tpu.memory_space<vmem>>, vector<16xf32>,
          %parallel_loop3A_298 = arith.mulf %parallel_loop3A_297, %parallel_loop3A_262 : vector<16xf32>
          %parallel_loop3A_299 = arith.index_cast %parallel_loop3A_266 : i32 to index
          %parallel_loop3A_300 = arith.constant 64 : index
          %parallel_loop3A_301 = tpu.vector_load %arg12[%parallel_loop3A_299, %parallel_loop3A_300] {strides = array<i32>} : memref<128x128xf32, #tpu.memory_space<vmem>>, vector<16xf32>,
          tpu.vector_store %arg12[%parallel_loop3A_299, %parallel_loop3A_300], %parallel_loop3A_298 {strides = array<i32>} : memref<128x128xf32, #tpu.memory_space<vmem>>, vector<16xf32>,
          %parallel_loop3A_302 = arith.index_cast %parallel_loop3A_266 : i32 to index
          %parallel_loop3A_303 = arith.constant 80 : index
          %parallel_loop3A_304 = tpu.vector_load %arg12[%parallel_loop3A_302, %parallel_loop3A_303] {strides = array<i32>} : memref<128x128xf32, #tpu.memory_space<vmem>>, vector<16xf32>,
          %parallel_loop3A_305 = arith.mulf %parallel_loop3A_304, %parallel_loop3A_262 : vector<16xf32>
          %parallel_loop3A_306 = arith.index_cast %parallel_loop3A_266 : i32 to index
          %parallel_loop3A_307 = arith.constant 80 : index
          %parallel_loop3A_308 = tpu.vector_load %arg12[%parallel_loop3A_306, %parallel_loop3A_307] {strides = array<i32>} : memref<128x128xf32, #tpu.memory_space<vmem>>, vector<16xf32>,
          tpu.vector_store %arg12[%parallel_loop3A_306, %parallel_loop3A_307], %parallel_loop3A_305 {strides = array<i32>} : memref<128x128xf32, #tpu.memory_space<vmem>>, vector<16xf32>,
          %parallel_loop3A_309 = arith.index_cast %parallel_loop3A_266 : i32 to index
          %parallel_loop3A_310 = arith.constant 96 : index
          %parallel_loop3A_311 = tpu.vector_load %arg12[%parallel_loop3A_309, %parallel_loop3A_310] {strides = array<i32>} : memref<128x128xf32, #tpu.memory_space<vmem>>, vector<16xf32>,
          %parallel_loop3A_312 = arith.mulf %parallel_loop3A_311, %parallel_loop3A_262 : vector<16xf32>
          %parallel_loop3A_313 = arith.index_cast %parallel_loop3A_266 : i32 to index
          %parallel_loop3A_314 = arith.constant 96 : index
          %parallel_loop3A_315 = tpu.vector_load %arg12[%parallel_loop3A_313, %parallel_loop3A_314] {strides = array<i32>} : memref<128x128xf32, #tpu.memory_space<vmem>>, vector<16xf32>,
          tpu.vector_store %arg12[%parallel_loop3A_313, %parallel_loop3A_314], %parallel_loop3A_312 {strides = array<i32>} : memref<128x128xf32, #tpu.memory_space<vmem>>, vector<16xf32>,
          %parallel_loop3A_316 = arith.index_cast %parallel_loop3A_266 : i32 to index
          %parallel_loop3A_317 = arith.constant 112 : index
          %parallel_loop3A_318 = tpu.vector_load %arg12[%parallel_loop3A_316, %parallel_loop3A_317] {strides = array<i32>} : memref<128x128xf32, #tpu.memory_space<vmem>>, vector<16xf32>,
          %parallel_loop3A_319 = arith.mulf %parallel_loop3A_318, %parallel_loop3A_262 : vector<16xf32>
          %parallel_loop3A_320 = arith.index_cast %parallel_loop3A_266 : i32 to index
          %parallel_loop3A_321 = arith.constant 112 : index
          %parallel_loop3A_322 = tpu.vector_load %arg12[%parallel_loop3A_320, %parallel_loop3A_321] {strides = array<i32>} : memref<128x128xf32, #tpu.memory_space<vmem>>, vector<16xf32>,
          tpu.vector_store %arg12[%parallel_loop3A_320, %parallel_loop3A_321], %parallel_loop3A_319 {strides = array<i32>} : memref<128x128xf32, #tpu.memory_space<vmem>>, vector<16xf32>,
          %parallel_loop3A_323 = vector.extract_strided_slice %parallel_loop3A_70 {offsets = [4], sizes = [1], strides = [1]} : vector<16xf32> to vector<1xf32>
          %parallel_loop3A_324 = vector.extract %parallel_loop3A_323[0] : f32 from vector<1xf32>
          %parallel_loop3A_325 = vector.broadcast %parallel_loop3A_324 : f32 to vector<16xf32>
          %parallel_loop3A_326 = arith.constant 16 : i32
          %parallel_loop3A_327 = arith.muli %parallel_loop3A_51, %parallel_loop3A_326 : i32
          %parallel_loop3A_328 = arith.constant 4 : i32
          %parallel_loop3A_329 = arith.addi %parallel_loop3A_327, %parallel_loop3A_328 : i32
          %parallel_loop3A_330 = arith.index_cast %parallel_loop3A_329 : i32 to index
          %parallel_loop3A_331 = arith.constant 0 : index
          %parallel_loop3A_332 = tpu.vector_load %arg12[%parallel_loop3A_330, %parallel_loop3A_331] {strides = array<i32>} : memref<128x128xf32, #tpu.memory_space<vmem>>, vector<16xf32>,
          %parallel_loop3A_333 = arith.mulf %parallel_loop3A_332, %parallel_loop3A_325 : vector<16xf32>
          %parallel_loop3A_334 = arith.index_cast %parallel_loop3A_329 : i32 to index
          %parallel_loop3A_335 = arith.constant 0 : index
          %parallel_loop3A_336 = tpu.vector_load %arg12[%parallel_loop3A_334, %parallel_loop3A_335] {strides = array<i32>} : memref<128x128xf32, #tpu.memory_space<vmem>>, vector<16xf32>,
          tpu.vector_store %arg12[%parallel_loop3A_334, %parallel_loop3A_335], %parallel_loop3A_333 {strides = array<i32>} : memref<128x128xf32, #tpu.memory_space<vmem>>, vector<16xf32>,
          %parallel_loop3A_337 = arith.index_cast %parallel_loop3A_329 : i32 to index
          %parallel_loop3A_338 = arith.constant 16 : index
          %parallel_loop3A_339 = tpu.vector_load %arg12[%parallel_loop3A_337, %parallel_loop3A_338] {strides = array<i32>} : memref<128x128xf32, #tpu.memory_space<vmem>>, vector<16xf32>,
          %parallel_loop3A_340 = arith.mulf %parallel_loop3A_339, %parallel_loop3A_325 : vector<16xf32>
          %parallel_loop3A_341 = arith.index_cast %parallel_loop3A_329 : i32 to index
          %parallel_loop3A_342 = arith.constant 16 : index
          %parallel_loop3A_343 = tpu.vector_load %arg12[%parallel_loop3A_341, %parallel_loop3A_342] {strides = array<i32>} : memref<128x128xf32, #tpu.memory_space<vmem>>, vector<16xf32>,
          tpu.vector_store %arg12[%parallel_loop3A_341, %parallel_loop3A_342], %parallel_loop3A_340 {strides = array<i32>} : memref<128x128xf32, #tpu.memory_space<vmem>>, vector<16xf32>,
          %parallel_loop3A_344 = arith.index_cast %parallel_loop3A_329 : i32 to index
          %parallel_loop3A_345 = arith.constant 32 : index
          %parallel_loop3A_346 = tpu.vector_load %arg12[%parallel_loop3A_344, %parallel_loop3A_345] {strides = array<i32>} : memref<128x128xf32, #tpu.memory_space<vmem>>, vector<16xf32>,
          %parallel_loop3A_347 = arith.mulf %parallel_loop3A_346, %parallel_loop3A_325 : vector<16xf32>
          %parallel_loop3A_348 = arith.index_cast %parallel_loop3A_329 : i32 to index
          %parallel_loop3A_349 = arith.constant 32 : index
          %parallel_loop3A_350 = tpu.vector_load %arg12[%parallel_loop3A_348, %parallel_loop3A_349] {strides = array<i32>} : memref<128x128xf32, #tpu.memory_space<vmem>>, vector<16xf32>,
          tpu.vector_store %arg12[%parallel_loop3A_348, %parallel_loop3A_349], %parallel_loop3A_347 {strides = array<i32>} : memref<128x128xf32, #tpu.memory_space<vmem>>, vector<16xf32>,
          %parallel_loop3A_351 = arith.index_cast %parallel_loop3A_329 : i32 to index
          %parallel_loop3A_352 = arith.constant 48 : index
          %parallel_loop3A_353 = tpu.vector_load %arg12[%parallel_loop3A_351, %parallel_loop3A_352] {strides = array<i32>} : memref<128x128xf32, #tpu.memory_space<vmem>>, vector<16xf32>,
          %parallel_loop3A_354 = arith.mulf %parallel_loop3A_353, %parallel_loop3A_325 : vector<16xf32>
          %parallel_loop3A_355 = arith.index_cast %parallel_loop3A_329 : i32 to index
          %parallel_loop3A_356 = arith.constant 48 : index
          %parallel_loop3A_357 = tpu.vector_load %arg12[%parallel_loop3A_355, %parallel_loop3A_356] {strides = array<i32>} : memref<128x128xf32, #tpu.memory_space<vmem>>, vector<16xf32>,
          tpu.vector_store %arg12[%parallel_loop3A_355, %parallel_loop3A_356], %parallel_loop3A_354 {strides = array<i32>} : memref<128x128xf32, #tpu.memory_space<vmem>>, vector<16xf32>,
          %parallel_loop3A_358 = arith.index_cast %parallel_loop3A_329 : i32 to index
          %parallel_loop3A_359 = arith.constant 64 : index
          %parallel_loop3A_360 = tpu.vector_load %arg12[%parallel_loop3A_358, %parallel_loop3A_359] {strides = array<i32>} : memref<128x128xf32, #tpu.memory_space<vmem>>, vector<16xf32>,
          %parallel_loop3A_361 = arith.mulf %parallel_loop3A_360, %parallel_loop3A_325 : vector<16xf32>
          %parallel_loop3A_362 = arith.index_cast %parallel_loop3A_329 : i32 to index
          %parallel_loop3A_363 = arith.constant 64 : index
          %parallel_loop3A_364 = tpu.vector_load %arg12[%parallel_loop3A_362, %parallel_loop3A_363] {strides = array<i32>} : memref<128x128xf32, #tpu.memory_space<vmem>>, vector<16xf32>,
          tpu.vector_store %arg12[%parallel_loop3A_362, %parallel_loop3A_363], %parallel_loop3A_361 {strides = array<i32>} : memref<128x128xf32, #tpu.memory_space<vmem>>, vector<16xf32>,
          %parallel_loop3A_365 = arith.index_cast %parallel_loop3A_329 : i32 to index
          %parallel_loop3A_366 = arith.constant 80 : index
          %parallel_loop3A_367 = tpu.vector_load %arg12[%parallel_loop3A_365, %parallel_loop3A_366] {strides = array<i32>} : memref<128x128xf32, #tpu.memory_space<vmem>>, vector<16xf32>,
          %parallel_loop3A_368 = arith.mulf %parallel_loop3A_367, %parallel_loop3A_325 : vector<16xf32>
          %parallel_loop3A_369 = arith.index_cast %parallel_loop3A_329 : i32 to index
          %parallel_loop3A_370 = arith.constant 80 : index
          %parallel_loop3A_371 = tpu.vector_load %arg12[%parallel_loop3A_369, %parallel_loop3A_370] {strides = array<i32>} : memref<128x128xf32, #tpu.memory_space<vmem>>, vector<16xf32>,
          tpu.vector_store %arg12[%parallel_loop3A_369, %parallel_loop3A_370], %parallel_loop3A_368 {strides = array<i32>} : memref<128x128xf32, #tpu.memory_space<vmem>>, vector<16xf32>,
          %parallel_loop3A_372 = arith.index_cast %parallel_loop3A_329 : i32 to index
          %parallel_loop3A_373 = arith.constant 96 : index
          %parallel_loop3A_374 = tpu.vector_load %arg12[%parallel_loop3A_372, %parallel_loop3A_373] {strides = array<i32>} : memref<128x128xf32, #tpu.memory_space<vmem>>, vector<16xf32>,
          %parallel_loop3A_375 = arith.mulf %parallel_loop3A_374, %parallel_loop3A_325 : vector<16xf32>
          %parallel_loop3A_376 = arith.index_cast %parallel_loop3A_329 : i32 to index
          %parallel_loop3A_377 = arith.constant 96 : index
          %parallel_loop3A_378 = tpu.vector_load %arg12[%parallel_loop3A_376, %parallel_loop3A_377] {strides = array<i32>} : memref<128x128xf32, #tpu.memory_space<vmem>>, vector<16xf32>,
          tpu.vector_store %arg12[%parallel_loop3A_376, %parallel_loop3A_377], %parallel_loop3A_375 {strides = array<i32>} : memref<128x128xf32, #tpu.memory_space<vmem>>, vector<16xf32>,
          %parallel_loop3A_379 = arith.index_cast %parallel_loop3A_329 : i32 to index
          %parallel_loop3A_380 = arith.constant 112 : index
          %parallel_loop3A_381 = tpu.vector_load %arg12[%parallel_loop3A_379, %parallel_loop3A_380] {strides = array<i32>} : memref<128x128xf32, #tpu.memory_space<vmem>>, vector<16xf32>,
          %parallel_loop3A_382 = arith.mulf %parallel_loop3A_381, %parallel_loop3A_325 : vector<16xf32>
          %parallel_loop3A_383 = arith.index_cast %parallel_loop3A_329 : i32 to index
          %parallel_loop3A_384 = arith.constant 112 : index
          %parallel_loop3A_385 = tpu.vector_load %arg12[%parallel_loop3A_383, %parallel_loop3A_384] {strides = array<i32>} : memref<128x128xf32, #tpu.memory_space<vmem>>, vector<16xf32>,
          tpu.vector_store %arg12[%parallel_loop3A_383, %parallel_loop3A_384], %parallel_loop3A_382 {strides = array<i32>} : memref<128x128xf32, #tpu.memory_space<vmem>>, vector<16xf32>,
          %parallel_loop3A_386 = vector.extract_strided_slice %parallel_loop3A_70 {offsets = [5], sizes = [1], strides = [1]} : vector<16xf32> to vector<1xf32>
          %parallel_loop3A_387 = vector.extract %parallel_loop3A_386[0] : f32 from vector<1xf32>
          %parallel_loop3A_388 = vector.broadcast %parallel_loop3A_387 : f32 to vector<16xf32>
          %parallel_loop3A_389 = arith.constant 16 : i32
          %parallel_loop3A_390 = arith.muli %parallel_loop3A_51, %parallel_loop3A_389 : i32
          %parallel_loop3A_391 = arith.constant 5 : i32
          %parallel_loop3A_392 = arith.addi %parallel_loop3A_390, %parallel_loop3A_391 : i32
          %parallel_loop3A_393 = arith.index_cast %parallel_loop3A_392 : i32 to index
          %parallel_loop3A_394 = arith.constant 0 : index
          %parallel_loop3A_395 = tpu.vector_load %arg12[%parallel_loop3A_393, %parallel_loop3A_394] {strides = array<i32>} : memref<128x128xf32, #tpu.memory_space<vmem>>, vector<16xf32>,
          %parallel_loop3A_396 = arith.mulf %parallel_loop3A_395, %parallel_loop3A_388 : vector<16xf32>
          %parallel_loop3A_397 = arith.index_cast %parallel_loop3A_392 : i32 to index
          %parallel_loop3A_398 = arith.constant 0 : index
          %parallel_loop3A_399 = tpu.vector_load %arg12[%parallel_loop3A_397, %parallel_loop3A_398] {strides = array<i32>} : memref<128x128xf32, #tpu.memory_space<vmem>>, vector<16xf32>,
          tpu.vector_store %arg12[%parallel_loop3A_397, %parallel_loop3A_398], %parallel_loop3A_396 {strides = array<i32>} : memref<128x128xf32, #tpu.memory_space<vmem>>, vector<16xf32>,
          %parallel_loop3A_400 = arith.index_cast %parallel_loop3A_392 : i32 to index
          %parallel_loop3A_401 = arith.constant 16 : index
          %parallel_loop3A_402 = tpu.vector_load %arg12[%parallel_loop3A_400, %parallel_loop3A_401] {strides = array<i32>} : memref<128x128xf32, #tpu.memory_space<vmem>>, vector<16xf32>,
          %parallel_loop3A_403 = arith.mulf %parallel_loop3A_402, %parallel_loop3A_388 : vector<16xf32>
          %parallel_loop3A_404 = arith.index_cast %parallel_loop3A_392 : i32 to index
          %parallel_loop3A_405 = arith.constant 16 : index
          %parallel_loop3A_406 = tpu.vector_load %arg12[%parallel_loop3A_404, %parallel_loop3A_405] {strides = array<i32>} : memref<128x128xf32, #tpu.memory_space<vmem>>, vector<16xf32>,
          tpu.vector_store %arg12[%parallel_loop3A_404, %parallel_loop3A_405], %parallel_loop3A_403 {strides = array<i32>} : memref<128x128xf32, #tpu.memory_space<vmem>>, vector<16xf32>,
          %parallel_loop3A_407 = arith.index_cast %parallel_loop3A_392 : i32 to index
          %parallel_loop3A_408 = arith.constant 32 : index
          %parallel_loop3A_409 = tpu.vector_load %arg12[%parallel_loop3A_407, %parallel_loop3A_408] {strides = array<i32>} : memref<128x128xf32, #tpu.memory_space<vmem>>, vector<16xf32>,
          %parallel_loop3A_410 = arith.mulf %parallel_loop3A_409, %parallel_loop3A_388 : vector<16xf32>
          %parallel_loop3A_411 = arith.index_cast %parallel_loop3A_392 : i32 to index
          %parallel_loop3A_412 = arith.constant 32 : index
          %parallel_loop3A_413 = tpu.vector_load %arg12[%parallel_loop3A_411, %parallel_loop3A_412] {strides = array<i32>} : memref<128x128xf32, #tpu.memory_space<vmem>>, vector<16xf32>,
          tpu.vector_store %arg12[%parallel_loop3A_411, %parallel_loop3A_412], %parallel_loop3A_410 {strides = array<i32>} : memref<128x128xf32, #tpu.memory_space<vmem>>, vector<16xf32>,
          %parallel_loop3A_414 = arith.index_cast %parallel_loop3A_392 : i32 to index
          %parallel_loop3A_415 = arith.constant 48 : index
          %parallel_loop3A_416 = tpu.vector_load %arg12[%parallel_loop3A_414, %parallel_loop3A_415] {strides = array<i32>} : memref<128x128xf32, #tpu.memory_space<vmem>>, vector<16xf32>,
          %parallel_loop3A_417 = arith.mulf %parallel_loop3A_416, %parallel_loop3A_388 : vector<16xf32>
          %parallel_loop3A_418 = arith.index_cast %parallel_loop3A_392 : i32 to index
          %parallel_loop3A_419 = arith.constant 48 : index
          %parallel_loop3A_420 = tpu.vector_load %arg12[%parallel_loop3A_418, %parallel_loop3A_419] {strides = array<i32>} : memref<128x128xf32, #tpu.memory_space<vmem>>, vector<16xf32>,
          tpu.vector_store %arg12[%parallel_loop3A_418, %parallel_loop3A_419], %parallel_loop3A_417 {strides = array<i32>} : memref<128x128xf32, #tpu.memory_space<vmem>>, vector<16xf32>,
          %parallel_loop3A_421 = arith.index_cast %parallel_loop3A_392 : i32 to index
          %parallel_loop3A_422 = arith.constant 64 : index
          %parallel_loop3A_423 = tpu.vector_load %arg12[%parallel_loop3A_421, %parallel_loop3A_422] {strides = array<i32>} : memref<128x128xf32, #tpu.memory_space<vmem>>, vector<16xf32>,
          %parallel_loop3A_424 = arith.mulf %parallel_loop3A_423, %parallel_loop3A_388 : vector<16xf32>
          %parallel_loop3A_425 = arith.index_cast %parallel_loop3A_392 : i32 to index
          %parallel_loop3A_426 = arith.constant 64 : index
          %parallel_loop3A_427 = tpu.vector_load %arg12[%parallel_loop3A_425, %parallel_loop3A_426] {strides = array<i32>} : memref<128x128xf32, #tpu.memory_space<vmem>>, vector<16xf32>,
          tpu.vector_store %arg12[%parallel_loop3A_425, %parallel_loop3A_426], %parallel_loop3A_424 {strides = array<i32>} : memref<128x128xf32, #tpu.memory_space<vmem>>, vector<16xf32>,
          %parallel_loop3A_428 = arith.index_cast %parallel_loop3A_392 : i32 to index
          %parallel_loop3A_429 = arith.constant 80 : index
          %parallel_loop3A_430 = tpu.vector_load %arg12[%parallel_loop3A_428, %parallel_loop3A_429] {strides = array<i32>} : memref<128x128xf32, #tpu.memory_space<vmem>>, vector<16xf32>,
          %parallel_loop3A_431 = arith.mulf %parallel_loop3A_430, %parallel_loop3A_388 : vector<16xf32>
          %parallel_loop3A_432 = arith.index_cast %parallel_loop3A_392 : i32 to index
          %parallel_loop3A_433 = arith.constant 80 : index
          %parallel_loop3A_434 = tpu.vector_load %arg12[%parallel_loop3A_432, %parallel_loop3A_433] {strides = array<i32>} : memref<128x128xf32, #tpu.memory_space<vmem>>, vector<16xf32>,
          tpu.vector_store %arg12[%parallel_loop3A_432, %parallel_loop3A_433], %parallel_loop3A_431 {strides = array<i32>} : memref<128x128xf32, #tpu.memory_space<vmem>>, vector<16xf32>,
          %parallel_loop3A_435 = arith.index_cast %parallel_loop3A_392 : i32 to index
          %parallel_loop3A_436 = arith.constant 96 : index
          %parallel_loop3A_437 = tpu.vector_load %arg12[%parallel_loop3A_435, %parallel_loop3A_436] {strides = array<i32>} : memref<128x128xf32, #tpu.memory_space<vmem>>, vector<16xf32>,
          %parallel_loop3A_438 = arith.mulf %parallel_loop3A_437, %parallel_loop3A_388 : vector<16xf32>
          %parallel_loop3A_439 = arith.index_cast %parallel_loop3A_392 : i32 to index
          %parallel_loop3A_440 = arith.constant 96 : index
          %parallel_loop3A_441 = tpu.vector_load %arg12[%parallel_loop3A_439, %parallel_loop3A_440] {strides = array<i32>} : memref<128x128xf32, #tpu.memory_space<vmem>>, vector<16xf32>,
          tpu.vector_store %arg12[%parallel_loop3A_439, %parallel_loop3A_440], %parallel_loop3A_438 {strides = array<i32>} : memref<128x128xf32, #tpu.memory_space<vmem>>, vector<16xf32>,
          %parallel_loop3A_442 = arith.index_cast %parallel_loop3A_392 : i32 to index
          %parallel_loop3A_443 = arith.constant 112 : index
          %parallel_loop3A_444 = tpu.vector_load %arg12[%parallel_loop3A_442, %parallel_loop3A_443] {strides = array<i32>} : memref<128x128xf32, #tpu.memory_space<vmem>>, vector<16xf32>,
          %parallel_loop3A_445 = arith.mulf %parallel_loop3A_444, %parallel_loop3A_388 : vector<16xf32>
          %parallel_loop3A_446 = arith.index_cast %parallel_loop3A_392 : i32 to index
          %parallel_loop3A_447 = arith.constant 112 : index
          %parallel_loop3A_448 = tpu.vector_load %arg12[%parallel_loop3A_446, %parallel_loop3A_447] {strides = array<i32>} : memref<128x128xf32, #tpu.memory_space<vmem>>, vector<16xf32>,
          tpu.vector_store %arg12[%parallel_loop3A_446, %parallel_loop3A_447], %parallel_loop3A_445 {strides = array<i32>} : memref<128x128xf32, #tpu.memory_space<vmem>>, vector<16xf32>,
          %parallel_loop3A_449 = vector.extract_strided_slice %parallel_loop3A_70 {offsets = [6], sizes = [1], strides = [1]} : vector<16xf32> to vector<1xf32>
          %parallel_loop3A_450 = vector.extract %parallel_loop3A_449[0] : f32 from vector<1xf32>
          %parallel_loop3A_451 = vector.broadcast %parallel_loop3A_450 : f32 to vector<16xf32>
          %parallel_loop3A_452 = arith.constant 16 : i32
          %parallel_loop3A_453 = arith.muli %parallel_loop3A_51, %parallel_loop3A_452 : i32
          %parallel_loop3A_454 = arith.constant 6 : i32
          %parallel_loop3A_455 = arith.addi %parallel_loop3A_453, %parallel_loop3A_454 : i32
          %parallel_loop3A_456 = arith.index_cast %parallel_loop3A_455 : i32 to index
          %parallel_loop3A_457 = arith.constant 0 : index
          %parallel_loop3A_458 = tpu.vector_load %arg12[%parallel_loop3A_456, %parallel_loop3A_457] {strides = array<i32>} : memref<128x128xf32, #tpu.memory_space<vmem>>, vector<16xf32>,
          %parallel_loop3A_459 = arith.mulf %parallel_loop3A_458, %parallel_loop3A_451 : vector<16xf32>
          %parallel_loop3A_460 = arith.index_cast %parallel_loop3A_455 : i32 to index
          %parallel_loop3A_461 = arith.constant 0 : index
          %parallel_loop3A_462 = tpu.vector_load %arg12[%parallel_loop3A_460, %parallel_loop3A_461] {strides = array<i32>} : memref<128x128xf32, #tpu.memory_space<vmem>>, vector<16xf32>,
          tpu.vector_store %arg12[%parallel_loop3A_460, %parallel_loop3A_461], %parallel_loop3A_459 {strides = array<i32>} : memref<128x128xf32, #tpu.memory_space<vmem>>, vector<16xf32>,
          %parallel_loop3A_463 = arith.index_cast %parallel_loop3A_455 : i32 to index
          %parallel_loop3A_464 = arith.constant 16 : index
          %parallel_loop3A_465 = tpu.vector_load %arg12[%parallel_loop3A_463, %parallel_loop3A_464] {strides = array<i32>} : memref<128x128xf32, #tpu.memory_space<vmem>>, vector<16xf32>,
          %parallel_loop3A_466 = arith.mulf %parallel_loop3A_465, %parallel_loop3A_451 : vector<16xf32>
          %parallel_loop3A_467 = arith.index_cast %parallel_loop3A_455 : i32 to index
          %parallel_loop3A_468 = arith.constant 16 : index
          %parallel_loop3A_469 = tpu.vector_load %arg12[%parallel_loop3A_467, %parallel_loop3A_468] {strides = array<i32>} : memref<128x128xf32, #tpu.memory_space<vmem>>, vector<16xf32>,
          tpu.vector_store %arg12[%parallel_loop3A_467, %parallel_loop3A_468], %parallel_loop3A_466 {strides = array<i32>} : memref<128x128xf32, #tpu.memory_space<vmem>>, vector<16xf32>,
          %parallel_loop3A_470 = arith.index_cast %parallel_loop3A_455 : i32 to index
          %parallel_loop3A_471 = arith.constant 32 : index
          %parallel_loop3A_472 = tpu.vector_load %arg12[%parallel_loop3A_470, %parallel_loop3A_471] {strides = array<i32>} : memref<128x128xf32, #tpu.memory_space<vmem>>, vector<16xf32>,
          %parallel_loop3A_473 = arith.mulf %parallel_loop3A_472, %parallel_loop3A_451 : vector<16xf32>
          %parallel_loop3A_474 = arith.index_cast %parallel_loop3A_455 : i32 to index
          %parallel_loop3A_475 = arith.constant 32 : index
          %parallel_loop3A_476 = tpu.vector_load %arg12[%parallel_loop3A_474, %parallel_loop3A_475] {strides = array<i32>} : memref<128x128xf32, #tpu.memory_space<vmem>>, vector<16xf32>,
          tpu.vector_store %arg12[%parallel_loop3A_474, %parallel_loop3A_475], %parallel_loop3A_473 {strides = array<i32>} : memref<128x128xf32, #tpu.memory_space<vmem>>, vector<16xf32>,
          %parallel_loop3A_477 = arith.index_cast %parallel_loop3A_455 : i32 to index
          %parallel_loop3A_478 = arith.constant 48 : index
          %parallel_loop3A_479 = tpu.vector_load %arg12[%parallel_loop3A_477, %parallel_loop3A_478] {strides = array<i32>} : memref<128x128xf32, #tpu.memory_space<vmem>>, vector<16xf32>,
          %parallel_loop3A_480 = arith.mulf %parallel_loop3A_479, %parallel_loop3A_451 : vector<16xf32>
          %parallel_loop3A_481 = arith.index_cast %parallel_loop3A_455 : i32 to index
          %parallel_loop3A_482 = arith.constant 48 : index
          %parallel_loop3A_483 = tpu.vector_load %arg12[%parallel_loop3A_481, %parallel_loop3A_482] {strides = array<i32>} : memref<128x128xf32, #tpu.memory_space<vmem>>, vector<16xf32>,
          tpu.vector_store %arg12[%parallel_loop3A_481, %parallel_loop3A_482], %parallel_loop3A_480 {strides = array<i32>} : memref<128x128xf32, #tpu.memory_space<vmem>>, vector<16xf32>,
          %parallel_loop3A_484 = arith.index_cast %parallel_loop3A_455 : i32 to index
          %parallel_loop3A_485 = arith.constant 64 : index
          %parallel_loop3A_486 = tpu.vector_load %arg12[%parallel_loop3A_484, %parallel_loop3A_485] {strides = array<i32>} : memref<128x128xf32, #tpu.memory_space<vmem>>, vector<16xf32>,
          %parallel_loop3A_487 = arith.mulf %parallel_loop3A_486, %parallel_loop3A_451 : vector<16xf32>
          %parallel_loop3A_488 = arith.index_cast %parallel_loop3A_455 : i32 to index
          %parallel_loop3A_489 = arith.constant 64 : index
          %parallel_loop3A_490 = tpu.vector_load %arg12[%parallel_loop3A_488, %parallel_loop3A_489] {strides = array<i32>} : memref<128x128xf32, #tpu.memory_space<vmem>>, vector<16xf32>,
          tpu.vector_store %arg12[%parallel_loop3A_488, %parallel_loop3A_489], %parallel_loop3A_487 {strides = array<i32>} : memref<128x128xf32, #tpu.memory_space<vmem>>, vector<16xf32>,
          %parallel_loop3A_491 = arith.index_cast %parallel_loop3A_455 : i32 to index
          %parallel_loop3A_492 = arith.constant 80 : index
          %parallel_loop3A_493 = tpu.vector_load %arg12[%parallel_loop3A_491, %parallel_loop3A_492] {strides = array<i32>} : memref<128x128xf32, #tpu.memory_space<vmem>>, vector<16xf32>,
          %parallel_loop3A_494 = arith.mulf %parallel_loop3A_493, %parallel_loop3A_451 : vector<16xf32>
          %parallel_loop3A_495 = arith.index_cast %parallel_loop3A_455 : i32 to index
          %parallel_loop3A_496 = arith.constant 80 : index
          %parallel_loop3A_497 = tpu.vector_load %arg12[%parallel_loop3A_495, %parallel_loop3A_496] {strides = array<i32>} : memref<128x128xf32, #tpu.memory_space<vmem>>, vector<16xf32>,
          tpu.vector_store %arg12[%parallel_loop3A_495, %parallel_loop3A_496], %parallel_loop3A_494 {strides = array<i32>} : memref<128x128xf32, #tpu.memory_space<vmem>>, vector<16xf32>,
          %parallel_loop3A_498 = arith.index_cast %parallel_loop3A_455 : i32 to index
          %parallel_loop3A_499 = arith.constant 96 : index
          %parallel_loop3A_500 = tpu.vector_load %arg12[%parallel_loop3A_498, %parallel_loop3A_499] {strides = array<i32>} : memref<128x128xf32, #tpu.memory_space<vmem>>, vector<16xf32>,
          %parallel_loop3A_501 = arith.mulf %parallel_loop3A_500, %parallel_loop3A_451 : vector<16xf32>
          %parallel_loop3A_502 = arith.index_cast %parallel_loop3A_455 : i32 to index
          %parallel_loop3A_503 = arith.constant 96 : index
          %parallel_loop3A_504 = tpu.vector_load %arg12[%parallel_loop3A_502, %parallel_loop3A_503] {strides = array<i32>} : memref<128x128xf32, #tpu.memory_space<vmem>>, vector<16xf32>,
          tpu.vector_store %arg12[%parallel_loop3A_502, %parallel_loop3A_503], %parallel_loop3A_501 {strides = array<i32>} : memref<128x128xf32, #tpu.memory_space<vmem>>, vector<16xf32>,
          %parallel_loop3A_505 = arith.index_cast %parallel_loop3A_455 : i32 to index
          %parallel_loop3A_506 = arith.constant 112 : index
          %parallel_loop3A_507 = tpu.vector_load %arg12[%parallel_loop3A_505, %parallel_loop3A_506] {strides = array<i32>} : memref<128x128xf32, #tpu.memory_space<vmem>>, vector<16xf32>,
          %parallel_loop3A_508 = arith.mulf %parallel_loop3A_507, %parallel_loop3A_451 : vector<16xf32>
          %parallel_loop3A_509 = arith.index_cast %parallel_loop3A_455 : i32 to index
          %parallel_loop3A_510 = arith.constant 112 : index
          %parallel_loop3A_511 = tpu.vector_load %arg12[%parallel_loop3A_509, %parallel_loop3A_510] {strides = array<i32>} : memref<128x128xf32, #tpu.memory_space<vmem>>, vector<16xf32>,
          tpu.vector_store %arg12[%parallel_loop3A_509, %parallel_loop3A_510], %parallel_loop3A_508 {strides = array<i32>} : memref<128x128xf32, #tpu.memory_space<vmem>>, vector<16xf32>,
          %parallel_loop3A_512 = vector.extract_strided_slice %parallel_loop3A_70 {offsets = [7], sizes = [1], strides = [1]} : vector<16xf32> to vector<1xf32>
          %parallel_loop3A_513 = vector.extract %parallel_loop3A_512[0] : f32 from vector<1xf32>
          %parallel_loop3A_514 = vector.broadcast %parallel_loop3A_513 : f32 to vector<16xf32>
          %parallel_loop3A_515 = arith.constant 16 : i32
          %parallel_loop3A_516 = arith.muli %parallel_loop3A_51, %parallel_loop3A_515 : i32
          %parallel_loop3A_517 = arith.constant 7 : i32
          %parallel_loop3A_518 = arith.addi %parallel_loop3A_516, %parallel_loop3A_517 : i32
          %parallel_loop3A_519 = arith.index_cast %parallel_loop3A_518 : i32 to index
          %parallel_loop3A_520 = arith.constant 0 : index
          %parallel_loop3A_521 = tpu.vector_load %arg12[%parallel_loop3A_519, %parallel_loop3A_520] {strides = array<i32>} : memref<128x128xf32, #tpu.memory_space<vmem>>, vector<16xf32>,
          %parallel_loop3A_522 = arith.mulf %parallel_loop3A_521, %parallel_loop3A_514 : vector<16xf32>
          %parallel_loop3A_523 = arith.index_cast %parallel_loop3A_518 : i32 to index
          %parallel_loop3A_524 = arith.constant 0 : index
          %parallel_loop3A_525 = tpu.vector_load %arg12[%parallel_loop3A_523, %parallel_loop3A_524] {strides = array<i32>} : memref<128x128xf32, #tpu.memory_space<vmem>>, vector<16xf32>,
          tpu.vector_store %arg12[%parallel_loop3A_523, %parallel_loop3A_524], %parallel_loop3A_522 {strides = array<i32>} : memref<128x128xf32, #tpu.memory_space<vmem>>, vector<16xf32>,
          %parallel_loop3A_526 = arith.index_cast %parallel_loop3A_518 : i32 to index
          %parallel_loop3A_527 = arith.constant 16 : index
          %parallel_loop3A_528 = tpu.vector_load %arg12[%parallel_loop3A_526, %parallel_loop3A_527] {strides = array<i32>} : memref<128x128xf32, #tpu.memory_space<vmem>>, vector<16xf32>,
          %parallel_loop3A_529 = arith.mulf %parallel_loop3A_528, %parallel_loop3A_514 : vector<16xf32>
          %parallel_loop3A_530 = arith.index_cast %parallel_loop3A_518 : i32 to index
          %parallel_loop3A_531 = arith.constant 16 : index
          %parallel_loop3A_532 = tpu.vector_load %arg12[%parallel_loop3A_530, %parallel_loop3A_531] {strides = array<i32>} : memref<128x128xf32, #tpu.memory_space<vmem>>, vector<16xf32>,
          tpu.vector_store %arg12[%parallel_loop3A_530, %parallel_loop3A_531], %parallel_loop3A_529 {strides = array<i32>} : memref<128x128xf32, #tpu.memory_space<vmem>>, vector<16xf32>,
          %parallel_loop3A_533 = arith.index_cast %parallel_loop3A_518 : i32 to index
          %parallel_loop3A_534 = arith.constant 32 : index
          %parallel_loop3A_535 = tpu.vector_load %arg12[%parallel_loop3A_533, %parallel_loop3A_534] {strides = array<i32>} : memref<128x128xf32, #tpu.memory_space<vmem>>, vector<16xf32>,
          %parallel_loop3A_536 = arith.mulf %parallel_loop3A_535, %parallel_loop3A_514 : vector<16xf32>
          %parallel_loop3A_537 = arith.index_cast %parallel_loop3A_518 : i32 to index
          %parallel_loop3A_538 = arith.constant 32 : index
          %parallel_loop3A_539 = tpu.vector_load %arg12[%parallel_loop3A_537, %parallel_loop3A_538] {strides = array<i32>} : memref<128x128xf32, #tpu.memory_space<vmem>>, vector<16xf32>,
          tpu.vector_store %arg12[%parallel_loop3A_537, %parallel_loop3A_538], %parallel_loop3A_536 {strides = array<i32>} : memref<128x128xf32, #tpu.memory_space<vmem>>, vector<16xf32>,
          %parallel_loop3A_540 = arith.index_cast %parallel_loop3A_518 : i32 to index
          %parallel_loop3A_541 = arith.constant 48 : index
          %parallel_loop3A_542 = tpu.vector_load %arg12[%parallel_loop3A_540, %parallel_loop3A_541] {strides = array<i32>} : memref<128x128xf32, #tpu.memory_space<vmem>>, vector<16xf32>,
          %parallel_loop3A_543 = arith.mulf %parallel_loop3A_542, %parallel_loop3A_514 : vector<16xf32>
          %parallel_loop3A_544 = arith.index_cast %parallel_loop3A_518 : i32 to index
          %parallel_loop3A_545 = arith.constant 48 : index
          %parallel_loop3A_546 = tpu.vector_load %arg12[%parallel_loop3A_544, %parallel_loop3A_545] {strides = array<i32>} : memref<128x128xf32, #tpu.memory_space<vmem>>, vector<16xf32>,
          tpu.vector_store %arg12[%parallel_loop3A_544, %parallel_loop3A_545], %parallel_loop3A_543 {strides = array<i32>} : memref<128x128xf32, #tpu.memory_space<vmem>>, vector<16xf32>,
          %parallel_loop3A_547 = arith.index_cast %parallel_loop3A_518 : i32 to index
          %parallel_loop3A_548 = arith.constant 64 : index
          %parallel_loop3A_549 = tpu.vector_load %arg12[%parallel_loop3A_547, %parallel_loop3A_548] {strides = array<i32>} : memref<128x128xf32, #tpu.memory_space<vmem>>, vector<16xf32>,
          %parallel_loop3A_550 = arith.mulf %parallel_loop3A_549, %parallel_loop3A_514 : vector<16xf32>
          %parallel_loop3A_551 = arith.index_cast %parallel_loop3A_518 : i32 to index
          %parallel_loop3A_552 = arith.constant 64 : index
          %parallel_loop3A_553 = tpu.vector_load %arg12[%parallel_loop3A_551, %parallel_loop3A_552] {strides = array<i32>} : memref<128x128xf32, #tpu.memory_space<vmem>>, vector<16xf32>,
          tpu.vector_store %arg12[%parallel_loop3A_551, %parallel_loop3A_552], %parallel_loop3A_550 {strides = array<i32>} : memref<128x128xf32, #tpu.memory_space<vmem>>, vector<16xf32>,
          %parallel_loop3A_554 = arith.index_cast %parallel_loop3A_518 : i32 to index
          %parallel_loop3A_555 = arith.constant 80 : index
          %parallel_loop3A_556 = tpu.vector_load %arg12[%parallel_loop3A_554, %parallel_loop3A_555] {strides = array<i32>} : memref<128x128xf32, #tpu.memory_space<vmem>>, vector<16xf32>,
          %parallel_loop3A_557 = arith.mulf %parallel_loop3A_556, %parallel_loop3A_514 : vector<16xf32>
          %parallel_loop3A_558 = arith.index_cast %parallel_loop3A_518 : i32 to index
          %parallel_loop3A_559 = arith.constant 80 : index
          %parallel_loop3A_560 = tpu.vector_load %arg12[%parallel_loop3A_558, %parallel_loop3A_559] {strides = array<i32>} : memref<128x128xf32, #tpu.memory_space<vmem>>, vector<16xf32>,
          tpu.vector_store %arg12[%parallel_loop3A_558, %parallel_loop3A_559], %parallel_loop3A_557 {strides = array<i32>} : memref<128x128xf32, #tpu.memory_space<vmem>>, vector<16xf32>,
          %parallel_loop3A_561 = arith.index_cast %parallel_loop3A_518 : i32 to index
          %parallel_loop3A_562 = arith.constant 96 : index
          %parallel_loop3A_563 = tpu.vector_load %arg12[%parallel_loop3A_561, %parallel_loop3A_562] {strides = array<i32>} : memref<128x128xf32, #tpu.memory_space<vmem>>, vector<16xf32>,
          %parallel_loop3A_564 = arith.mulf %parallel_loop3A_563, %parallel_loop3A_514 : vector<16xf32>
          %parallel_loop3A_565 = arith.index_cast %parallel_loop3A_518 : i32 to index
          %parallel_loop3A_566 = arith.constant 96 : index
          %parallel_loop3A_567 = tpu.vector_load %arg12[%parallel_loop3A_565, %parallel_loop3A_566] {strides = array<i32>} : memref<128x128xf32, #tpu.memory_space<vmem>>, vector<16xf32>,
          tpu.vector_store %arg12[%parallel_loop3A_565, %parallel_loop3A_566], %parallel_loop3A_564 {strides = array<i32>} : memref<128x128xf32, #tpu.memory_space<vmem>>, vector<16xf32>,
          %parallel_loop3A_568 = arith.index_cast %parallel_loop3A_518 : i32 to index
          %parallel_loop3A_569 = arith.constant 112 : index
          %parallel_loop3A_570 = tpu.vector_load %arg12[%parallel_loop3A_568, %parallel_loop3A_569] {strides = array<i32>} : memref<128x128xf32, #tpu.memory_space<vmem>>, vector<16xf32>,
          %parallel_loop3A_571 = arith.mulf %parallel_loop3A_570, %parallel_loop3A_514 : vector<16xf32>
          %parallel_loop3A_572 = arith.index_cast %parallel_loop3A_518 : i32 to index
          %parallel_loop3A_573 = arith.constant 112 : index
          %parallel_loop3A_574 = tpu.vector_load %arg12[%parallel_loop3A_572, %parallel_loop3A_573] {strides = array<i32>} : memref<128x128xf32, #tpu.memory_space<vmem>>, vector<16xf32>,
          tpu.vector_store %arg12[%parallel_loop3A_572, %parallel_loop3A_573], %parallel_loop3A_571 {strides = array<i32>} : memref<128x128xf32, #tpu.memory_space<vmem>>, vector<16xf32>,
          %parallel_loop3A_575 = vector.extract_strided_slice %parallel_loop3A_70 {offsets = [8], sizes = [1], strides = [1]} : vector<16xf32> to vector<1xf32>
          %parallel_loop3A_576 = vector.extract %parallel_loop3A_575[0] : f32 from vector<1xf32>
          %parallel_loop3A_577 = vector.broadcast %parallel_loop3A_576 : f32 to vector<16xf32>
          %parallel_loop3A_578 = arith.constant 16 : i32
          %parallel_loop3A_579 = arith.muli %parallel_loop3A_51, %parallel_loop3A_578 : i32
          %parallel_loop3A_580 = arith.constant 8 : i32
          %parallel_loop3A_581 = arith.addi %parallel_loop3A_579, %parallel_loop3A_580 : i32
          %parallel_loop3A_582 = arith.index_cast %parallel_loop3A_581 : i32 to index
          %parallel_loop3A_583 = arith.constant 0 : index
          %parallel_loop3A_584 = tpu.vector_load %arg12[%parallel_loop3A_582, %parallel_loop3A_583] {strides = array<i32>} : memref<128x128xf32, #tpu.memory_space<vmem>>, vector<16xf32>,
          %parallel_loop3A_585 = arith.mulf %parallel_loop3A_584, %parallel_loop3A_577 : vector<16xf32>
          %parallel_loop3A_586 = arith.index_cast %parallel_loop3A_581 : i32 to index
          %parallel_loop3A_587 = arith.constant 0 : index
          %parallel_loop3A_588 = tpu.vector_load %arg12[%parallel_loop3A_586, %parallel_loop3A_587] {strides = array<i32>} : memref<128x128xf32, #tpu.memory_space<vmem>>, vector<16xf32>,
          tpu.vector_store %arg12[%parallel_loop3A_586, %parallel_loop3A_587], %parallel_loop3A_585 {strides = array<i32>} : memref<128x128xf32, #tpu.memory_space<vmem>>, vector<16xf32>,
          %parallel_loop3A_589 = arith.index_cast %parallel_loop3A_581 : i32 to index
          %parallel_loop3A_590 = arith.constant 16 : index
          %parallel_loop3A_591 = tpu.vector_load %arg12[%parallel_loop3A_589, %parallel_loop3A_590] {strides = array<i32>} : memref<128x128xf32, #tpu.memory_space<vmem>>, vector<16xf32>,
          %parallel_loop3A_592 = arith.mulf %parallel_loop3A_591, %parallel_loop3A_577 : vector<16xf32>
          %parallel_loop3A_593 = arith.index_cast %parallel_loop3A_581 : i32 to index
          %parallel_loop3A_594 = arith.constant 16 : index
          %parallel_loop3A_595 = tpu.vector_load %arg12[%parallel_loop3A_593, %parallel_loop3A_594] {strides = array<i32>} : memref<128x128xf32, #tpu.memory_space<vmem>>, vector<16xf32>,
          tpu.vector_store %arg12[%parallel_loop3A_593, %parallel_loop3A_594], %parallel_loop3A_592 {strides = array<i32>} : memref<128x128xf32, #tpu.memory_space<vmem>>, vector<16xf32>,
          %parallel_loop3A_596 = arith.index_cast %parallel_loop3A_581 : i32 to index
          %parallel_loop3A_597 = arith.constant 32 : index
          %parallel_loop3A_598 = tpu.vector_load %arg12[%parallel_loop3A_596, %parallel_loop3A_597] {strides = array<i32>} : memref<128x128xf32, #tpu.memory_space<vmem>>, vector<16xf32>,
          %parallel_loop3A_599 = arith.mulf %parallel_loop3A_598, %parallel_loop3A_577 : vector<16xf32>
          %parallel_loop3A_600 = arith.index_cast %parallel_loop3A_581 : i32 to index
          %parallel_loop3A_601 = arith.constant 32 : index
          %parallel_loop3A_602 = tpu.vector_load %arg12[%parallel_loop3A_600, %parallel_loop3A_601] {strides = array<i32>} : memref<128x128xf32, #tpu.memory_space<vmem>>, vector<16xf32>,
          tpu.vector_store %arg12[%parallel_loop3A_600, %parallel_loop3A_601], %parallel_loop3A_599 {strides = array<i32>} : memref<128x128xf32, #tpu.memory_space<vmem>>, vector<16xf32>,
          %parallel_loop3A_603 = arith.index_cast %parallel_loop3A_581 : i32 to index
          %parallel_loop3A_604 = arith.constant 48 : index
          %parallel_loop3A_605 = tpu.vector_load %arg12[%parallel_loop3A_603, %parallel_loop3A_604] {strides = array<i32>} : memref<128x128xf32, #tpu.memory_space<vmem>>, vector<16xf32>,
          %parallel_loop3A_606 = arith.mulf %parallel_loop3A_605, %parallel_loop3A_577 : vector<16xf32>
          %parallel_loop3A_607 = arith.index_cast %parallel_loop3A_581 : i32 to index
          %parallel_loop3A_608 = arith.constant 48 : index
          %parallel_loop3A_609 = tpu.vector_load %arg12[%parallel_loop3A_607, %parallel_loop3A_608] {strides = array<i32>} : memref<128x128xf32, #tpu.memory_space<vmem>>, vector<16xf32>,
          tpu.vector_store %arg12[%parallel_loop3A_607, %parallel_loop3A_608], %parallel_loop3A_606 {strides = array<i32>} : memref<128x128xf32, #tpu.memory_space<vmem>>, vector<16xf32>,
          %parallel_loop3A_610 = arith.index_cast %parallel_loop3A_581 : i32 to index
          %parallel_loop3A_611 = arith.constant 64 : index
          %parallel_loop3A_612 = tpu.vector_load %arg12[%parallel_loop3A_610, %parallel_loop3A_611] {strides = array<i32>} : memref<128x128xf32, #tpu.memory_space<vmem>>, vector<16xf32>,
          %parallel_loop3A_613 = arith.mulf %parallel_loop3A_612, %parallel_loop3A_577 : vector<16xf32>
          %parallel_loop3A_614 = arith.index_cast %parallel_loop3A_581 : i32 to index
          %parallel_loop3A_615 = arith.constant 64 : index
          %parallel_loop3A_616 = tpu.vector_load %arg12[%parallel_loop3A_614, %parallel_loop3A_615] {strides = array<i32>} : memref<128x128xf32, #tpu.memory_space<vmem>>, vector<16xf32>,
          tpu.vector_store %arg12[%parallel_loop3A_614, %parallel_loop3A_615], %parallel_loop3A_613 {strides = array<i32>} : memref<128x128xf32, #tpu.memory_space<vmem>>, vector<16xf32>,
          %parallel_loop3A_617 = arith.index_cast %parallel_loop3A_581 : i32 to index
          %parallel_loop3A_618 = arith.constant 80 : index
          %parallel_loop3A_619 = tpu.vector_load %arg12[%parallel_loop3A_617, %parallel_loop3A_618] {strides = array<i32>} : memref<128x128xf32, #tpu.memory_space<vmem>>, vector<16xf32>,
          %parallel_loop3A_620 = arith.mulf %parallel_loop3A_619, %parallel_loop3A_577 : vector<16xf32>
          %parallel_loop3A_621 = arith.index_cast %parallel_loop3A_581 : i32 to index
          %parallel_loop3A_622 = arith.constant 80 : index
          %parallel_loop3A_623 = tpu.vector_load %arg12[%parallel_loop3A_621, %parallel_loop3A_622] {strides = array<i32>} : memref<128x128xf32, #tpu.memory_space<vmem>>, vector<16xf32>,
          tpu.vector_store %arg12[%parallel_loop3A_621, %parallel_loop3A_622], %parallel_loop3A_620 {strides = array<i32>} : memref<128x128xf32, #tpu.memory_space<vmem>>, vector<16xf32>,
          %parallel_loop3A_624 = arith.index_cast %parallel_loop3A_581 : i32 to index
          %parallel_loop3A_625 = arith.constant 96 : index
          %parallel_loop3A_626 = tpu.vector_load %arg12[%parallel_loop3A_624, %parallel_loop3A_625] {strides = array<i32>} : memref<128x128xf32, #tpu.memory_space<vmem>>, vector<16xf32>,
          %parallel_loop3A_627 = arith.mulf %parallel_loop3A_626, %parallel_loop3A_577 : vector<16xf32>
          %parallel_loop3A_628 = arith.index_cast %parallel_loop3A_581 : i32 to index
          %parallel_loop3A_629 = arith.constant 96 : index
          %parallel_loop3A_630 = tpu.vector_load %arg12[%parallel_loop3A_628, %parallel_loop3A_629] {strides = array<i32>} : memref<128x128xf32, #tpu.memory_space<vmem>>, vector<16xf32>,
          tpu.vector_store %arg12[%parallel_loop3A_628, %parallel_loop3A_629], %parallel_loop3A_627 {strides = array<i32>} : memref<128x128xf32, #tpu.memory_space<vmem>>, vector<16xf32>,
          %parallel_loop3A_631 = arith.index_cast %parallel_loop3A_581 : i32 to index
          %parallel_loop3A_632 = arith.constant 112 : index
          %parallel_loop3A_633 = tpu.vector_load %arg12[%parallel_loop3A_631, %parallel_loop3A_632] {strides = array<i32>} : memref<128x128xf32, #tpu.memory_space<vmem>>, vector<16xf32>,
          %parallel_loop3A_634 = arith.mulf %parallel_loop3A_633, %parallel_loop3A_577 : vector<16xf32>
          %parallel_loop3A_635 = arith.index_cast %parallel_loop3A_581 : i32 to index
          %parallel_loop3A_636 = arith.constant 112 : index
          %parallel_loop3A_637 = tpu.vector_load %arg12[%parallel_loop3A_635, %parallel_loop3A_636] {strides = array<i32>} : memref<128x128xf32, #tpu.memory_space<vmem>>, vector<16xf32>,
          tpu.vector_store %arg12[%parallel_loop3A_635, %parallel_loop3A_636], %parallel_loop3A_634 {strides = array<i32>} : memref<128x128xf32, #tpu.memory_space<vmem>>, vector<16xf32>,
          %parallel_loop3A_638 = vector.extract_strided_slice %parallel_loop3A_70 {offsets = [9], sizes = [1], strides = [1]} : vector<16xf32> to vector<1xf32>
          %parallel_loop3A_639 = vector.extract %parallel_loop3A_638[0] : f32 from vector<1xf32>
          %parallel_loop3A_640 = vector.broadcast %parallel_loop3A_639 : f32 to vector<16xf32>
          %parallel_loop3A_641 = arith.constant 16 : i32
          %parallel_loop3A_642 = arith.muli %parallel_loop3A_51, %parallel_loop3A_641 : i32
          %parallel_loop3A_643 = arith.constant 9 : i32
          %parallel_loop3A_644 = arith.addi %parallel_loop3A_642, %parallel_loop3A_643 : i32
          %parallel_loop3A_645 = arith.index_cast %parallel_loop3A_644 : i32 to index
          %parallel_loop3A_646 = arith.constant 0 : index
          %parallel_loop3A_647 = tpu.vector_load %arg12[%parallel_loop3A_645, %parallel_loop3A_646] {strides = array<i32>} : memref<128x128xf32, #tpu.memory_space<vmem>>, vector<16xf32>,
          %parallel_loop3A_648 = arith.mulf %parallel_loop3A_647, %parallel_loop3A_640 : vector<16xf32>
          %parallel_loop3A_649 = arith.index_cast %parallel_loop3A_644 : i32 to index
          %parallel_loop3A_650 = arith.constant 0 : index
          %parallel_loop3A_651 = tpu.vector_load %arg12[%parallel_loop3A_649, %parallel_loop3A_650] {strides = array<i32>} : memref<128x128xf32, #tpu.memory_space<vmem>>, vector<16xf32>,
          tpu.vector_store %arg12[%parallel_loop3A_649, %parallel_loop3A_650], %parallel_loop3A_648 {strides = array<i32>} : memref<128x128xf32, #tpu.memory_space<vmem>>, vector<16xf32>,
          %parallel_loop3A_652 = arith.index_cast %parallel_loop3A_644 : i32 to index
          %parallel_loop3A_653 = arith.constant 16 : index
          %parallel_loop3A_654 = tpu.vector_load %arg12[%parallel_loop3A_652, %parallel_loop3A_653] {strides = array<i32>} : memref<128x128xf32, #tpu.memory_space<vmem>>, vector<16xf32>,
          %parallel_loop3A_655 = arith.mulf %parallel_loop3A_654, %parallel_loop3A_640 : vector<16xf32>
          %parallel_loop3A_656 = arith.index_cast %parallel_loop3A_644 : i32 to index
          %parallel_loop3A_657 = arith.constant 16 : index
          %parallel_loop3A_658 = tpu.vector_load %arg12[%parallel_loop3A_656, %parallel_loop3A_657] {strides = array<i32>} : memref<128x128xf32, #tpu.memory_space<vmem>>, vector<16xf32>,
          tpu.vector_store %arg12[%parallel_loop3A_656, %parallel_loop3A_657], %parallel_loop3A_655 {strides = array<i32>} : memref<128x128xf32, #tpu.memory_space<vmem>>, vector<16xf32>,
          %parallel_loop3A_659 = arith.index_cast %parallel_loop3A_644 : i32 to index
          %parallel_loop3A_660 = arith.constant 32 : index
          %parallel_loop3A_661 = tpu.vector_load %arg12[%parallel_loop3A_659, %parallel_loop3A_660] {strides = array<i32>} : memref<128x128xf32, #tpu.memory_space<vmem>>, vector<16xf32>,
          %parallel_loop3A_662 = arith.mulf %parallel_loop3A_661, %parallel_loop3A_640 : vector<16xf32>
          %parallel_loop3A_663 = arith.index_cast %parallel_loop3A_644 : i32 to index
          %parallel_loop3A_664 = arith.constant 32 : index
          %parallel_loop3A_665 = tpu.vector_load %arg12[%parallel_loop3A_663, %parallel_loop3A_664] {strides = array<i32>} : memref<128x128xf32, #tpu.memory_space<vmem>>, vector<16xf32>,
          tpu.vector_store %arg12[%parallel_loop3A_663, %parallel_loop3A_664], %parallel_loop3A_662 {strides = array<i32>} : memref<128x128xf32, #tpu.memory_space<vmem>>, vector<16xf32>,
          %parallel_loop3A_666 = arith.index_cast %parallel_loop3A_644 : i32 to index
          %parallel_loop3A_667 = arith.constant 48 : index
          %parallel_loop3A_668 = tpu.vector_load %arg12[%parallel_loop3A_666, %parallel_loop3A_667] {strides = array<i32>} : memref<128x128xf32, #tpu.memory_space<vmem>>, vector<16xf32>,
          %parallel_loop3A_669 = arith.mulf %parallel_loop3A_668, %parallel_loop3A_640 : vector<16xf32>
          %parallel_loop3A_670 = arith.index_cast %parallel_loop3A_644 : i32 to index
          %parallel_loop3A_671 = arith.constant 48 : index
          %parallel_loop3A_672 = tpu.vector_load %arg12[%parallel_loop3A_670, %parallel_loop3A_671] {strides = array<i32>} : memref<128x128xf32, #tpu.memory_space<vmem>>, vector<16xf32>,
          tpu.vector_store %arg12[%parallel_loop3A_670, %parallel_loop3A_671], %parallel_loop3A_669 {strides = array<i32>} : memref<128x128xf32, #tpu.memory_space<vmem>>, vector<16xf32>,
          %parallel_loop3A_673 = arith.index_cast %parallel_loop3A_644 : i32 to index
          %parallel_loop3A_674 = arith.constant 64 : index
          %parallel_loop3A_675 = tpu.vector_load %arg12[%parallel_loop3A_673, %parallel_loop3A_674] {strides = array<i32>} : memref<128x128xf32, #tpu.memory_space<vmem>>, vector<16xf32>,
          %parallel_loop3A_676 = arith.mulf %parallel_loop3A_675, %parallel_loop3A_640 : vector<16xf32>
          %parallel_loop3A_677 = arith.index_cast %parallel_loop3A_644 : i32 to index
          %parallel_loop3A_678 = arith.constant 64 : index
          %parallel_loop3A_679 = tpu.vector_load %arg12[%parallel_loop3A_677, %parallel_loop3A_678] {strides = array<i32>} : memref<128x128xf32, #tpu.memory_space<vmem>>, vector<16xf32>,
          tpu.vector_store %arg12[%parallel_loop3A_677, %parallel_loop3A_678], %parallel_loop3A_676 {strides = array<i32>} : memref<128x128xf32, #tpu.memory_space<vmem>>, vector<16xf32>,
          %parallel_loop3A_680 = arith.index_cast %parallel_loop3A_644 : i32 to index
          %parallel_loop3A_681 = arith.constant 80 : index
          %parallel_loop3A_682 = tpu.vector_load %arg12[%parallel_loop3A_680, %parallel_loop3A_681] {strides = array<i32>} : memref<128x128xf32, #tpu.memory_space<vmem>>, vector<16xf32>,
          %parallel_loop3A_683 = arith.mulf %parallel_loop3A_682, %parallel_loop3A_640 : vector<16xf32>
          %parallel_loop3A_684 = arith.index_cast %parallel_loop3A_644 : i32 to index
          %parallel_loop3A_685 = arith.constant 80 : index
          %parallel_loop3A_686 = tpu.vector_load %arg12[%parallel_loop3A_684, %parallel_loop3A_685] {strides = array<i32>} : memref<128x128xf32, #tpu.memory_space<vmem>>, vector<16xf32>,
          tpu.vector_store %arg12[%parallel_loop3A_684, %parallel_loop3A_685], %parallel_loop3A_683 {strides = array<i32>} : memref<128x128xf32, #tpu.memory_space<vmem>>, vector<16xf32>,
          %parallel_loop3A_687 = arith.index_cast %parallel_loop3A_644 : i32 to index
          %parallel_loop3A_688 = arith.constant 96 : index
          %parallel_loop3A_689 = tpu.vector_load %arg12[%parallel_loop3A_687, %parallel_loop3A_688] {strides = array<i32>} : memref<128x128xf32, #tpu.memory_space<vmem>>, vector<16xf32>,
          %parallel_loop3A_690 = arith.mulf %parallel_loop3A_689, %parallel_loop3A_640 : vector<16xf32>
          %parallel_loop3A_691 = arith.index_cast %parallel_loop3A_644 : i32 to index
          %parallel_loop3A_692 = arith.constant 96 : index
          %parallel_loop3A_693 = tpu.vector_load %arg12[%parallel_loop3A_691, %parallel_loop3A_692] {strides = array<i32>} : memref<128x128xf32, #tpu.memory_space<vmem>>, vector<16xf32>,
          tpu.vector_store %arg12[%parallel_loop3A_691, %parallel_loop3A_692], %parallel_loop3A_690 {strides = array<i32>} : memref<128x128xf32, #tpu.memory_space<vmem>>, vector<16xf32>,
          %parallel_loop3A_694 = arith.index_cast %parallel_loop3A_644 : i32 to index
          %parallel_loop3A_695 = arith.constant 112 : index
          %parallel_loop3A_696 = tpu.vector_load %arg12[%parallel_loop3A_694, %parallel_loop3A_695] {strides = array<i32>} : memref<128x128xf32, #tpu.memory_space<vmem>>, vector<16xf32>,
          %parallel_loop3A_697 = arith.mulf %parallel_loop3A_696, %parallel_loop3A_640 : vector<16xf32>
          %parallel_loop3A_698 = arith.index_cast %parallel_loop3A_644 : i32 to index
          %parallel_loop3A_699 = arith.constant 112 : index
          %parallel_loop3A_700 = tpu.vector_load %arg12[%parallel_loop3A_698, %parallel_loop3A_699] {strides = array<i32>} : memref<128x128xf32, #tpu.memory_space<vmem>>, vector<16xf32>,
          tpu.vector_store %arg12[%parallel_loop3A_698, %parallel_loop3A_699], %parallel_loop3A_697 {strides = array<i32>} : memref<128x128xf32, #tpu.memory_space<vmem>>, vector<16xf32>,
          %parallel_loop3A_701 = vector.extract_strided_slice %parallel_loop3A_70 {offsets = [10], sizes = [1], strides = [1]} : vector<16xf32> to vector<1xf32>
          %parallel_loop3A_702 = vector.extract %parallel_loop3A_701[0] : f32 from vector<1xf32>
          %parallel_loop3A_703 = vector.broadcast %parallel_loop3A_702 : f32 to vector<16xf32>
          %parallel_loop3A_704 = arith.constant 16 : i32
          %parallel_loop3A_705 = arith.muli %parallel_loop3A_51, %parallel_loop3A_704 : i32
          %parallel_loop3A_706 = arith.constant 10 : i32
          %parallel_loop3A_707 = arith.addi %parallel_loop3A_705, %parallel_loop3A_706 : i32
          %parallel_loop3A_708 = arith.index_cast %parallel_loop3A_707 : i32 to index
          %parallel_loop3A_709 = arith.constant 0 : index
          %parallel_loop3A_710 = tpu.vector_load %arg12[%parallel_loop3A_708, %parallel_loop3A_709] {strides = array<i32>} : memref<128x128xf32, #tpu.memory_space<vmem>>, vector<16xf32>,
          %parallel_loop3A_711 = arith.mulf %parallel_loop3A_710, %parallel_loop3A_703 : vector<16xf32>
          %parallel_loop3A_712 = arith.index_cast %parallel_loop3A_707 : i32 to index
          %parallel_loop3A_713 = arith.constant 0 : index
          %parallel_loop3A_714 = tpu.vector_load %arg12[%parallel_loop3A_712, %parallel_loop3A_713] {strides = array<i32>} : memref<128x128xf32, #tpu.memory_space<vmem>>, vector<16xf32>,
          tpu.vector_store %arg12[%parallel_loop3A_712, %parallel_loop3A_713], %parallel_loop3A_711 {strides = array<i32>} : memref<128x128xf32, #tpu.memory_space<vmem>>, vector<16xf32>,
          %parallel_loop3A_715 = arith.index_cast %parallel_loop3A_707 : i32 to index
          %parallel_loop3A_716 = arith.constant 16 : index
          %parallel_loop3A_717 = tpu.vector_load %arg12[%parallel_loop3A_715, %parallel_loop3A_716] {strides = array<i32>} : memref<128x128xf32, #tpu.memory_space<vmem>>, vector<16xf32>,
          %parallel_loop3A_718 = arith.mulf %parallel_loop3A_717, %parallel_loop3A_703 : vector<16xf32>
          %parallel_loop3A_719 = arith.index_cast %parallel_loop3A_707 : i32 to index
          %parallel_loop3A_720 = arith.constant 16 : index
          %parallel_loop3A_721 = tpu.vector_load %arg12[%parallel_loop3A_719, %parallel_loop3A_720] {strides = array<i32>} : memref<128x128xf32, #tpu.memory_space<vmem>>, vector<16xf32>,
          tpu.vector_store %arg12[%parallel_loop3A_719, %parallel_loop3A_720], %parallel_loop3A_718 {strides = array<i32>} : memref<128x128xf32, #tpu.memory_space<vmem>>, vector<16xf32>,
          %parallel_loop3A_722 = arith.index_cast %parallel_loop3A_707 : i32 to index
          %parallel_loop3A_723 = arith.constant 32 : index
          %parallel_loop3A_724 = tpu.vector_load %arg12[%parallel_loop3A_722, %parallel_loop3A_723] {strides = array<i32>} : memref<128x128xf32, #tpu.memory_space<vmem>>, vector<16xf32>,
          %parallel_loop3A_725 = arith.mulf %parallel_loop3A_724, %parallel_loop3A_703 : vector<16xf32>
          %parallel_loop3A_726 = arith.index_cast %parallel_loop3A_707 : i32 to index
          %parallel_loop3A_727 = arith.constant 32 : index
          %parallel_loop3A_728 = tpu.vector_load %arg12[%parallel_loop3A_726, %parallel_loop3A_727] {strides = array<i32>} : memref<128x128xf32, #tpu.memory_space<vmem>>, vector<16xf32>,
          tpu.vector_store %arg12[%parallel_loop3A_726, %parallel_loop3A_727], %parallel_loop3A_725 {strides = array<i32>} : memref<128x128xf32, #tpu.memory_space<vmem>>, vector<16xf32>,
          %parallel_loop3A_729 = arith.index_cast %parallel_loop3A_707 : i32 to index
          %parallel_loop3A_730 = arith.constant 48 : index
          %parallel_loop3A_731 = tpu.vector_load %arg12[%parallel_loop3A_729, %parallel_loop3A_730] {strides = array<i32>} : memref<128x128xf32, #tpu.memory_space<vmem>>, vector<16xf32>,
          %parallel_loop3A_732 = arith.mulf %parallel_loop3A_731, %parallel_loop3A_703 : vector<16xf32>
          %parallel_loop3A_733 = arith.index_cast %parallel_loop3A_707 : i32 to index
          %parallel_loop3A_734 = arith.constant 48 : index
          %parallel_loop3A_735 = tpu.vector_load %arg12[%parallel_loop3A_733, %parallel_loop3A_734] {strides = array<i32>} : memref<128x128xf32, #tpu.memory_space<vmem>>, vector<16xf32>,
          tpu.vector_store %arg12[%parallel_loop3A_733, %parallel_loop3A_734], %parallel_loop3A_732 {strides = array<i32>} : memref<128x128xf32, #tpu.memory_space<vmem>>, vector<16xf32>,
          %parallel_loop3A_736 = arith.index_cast %parallel_loop3A_707 : i32 to index
          %parallel_loop3A_737 = arith.constant 64 : index
          %parallel_loop3A_738 = tpu.vector_load %arg12[%parallel_loop3A_736, %parallel_loop3A_737] {strides = array<i32>} : memref<128x128xf32, #tpu.memory_space<vmem>>, vector<16xf32>,
          %parallel_loop3A_739 = arith.mulf %parallel_loop3A_738, %parallel_loop3A_703 : vector<16xf32>
          %parallel_loop3A_740 = arith.index_cast %parallel_loop3A_707 : i32 to index
          %parallel_loop3A_741 = arith.constant 64 : index
          %parallel_loop3A_742 = tpu.vector_load %arg12[%parallel_loop3A_740, %parallel_loop3A_741] {strides = array<i32>} : memref<128x128xf32, #tpu.memory_space<vmem>>, vector<16xf32>,
          tpu.vector_store %arg12[%parallel_loop3A_740, %parallel_loop3A_741], %parallel_loop3A_739 {strides = array<i32>} : memref<128x128xf32, #tpu.memory_space<vmem>>, vector<16xf32>,
          %parallel_loop3A_743 = arith.index_cast %parallel_loop3A_707 : i32 to index
          %parallel_loop3A_744 = arith.constant 80 : index
          %parallel_loop3A_745 = tpu.vector_load %arg12[%parallel_loop3A_743, %parallel_loop3A_744] {strides = array<i32>} : memref<128x128xf32, #tpu.memory_space<vmem>>, vector<16xf32>,
          %parallel_loop3A_746 = arith.mulf %parallel_loop3A_745, %parallel_loop3A_703 : vector<16xf32>
          %parallel_loop3A_747 = arith.index_cast %parallel_loop3A_707 : i32 to index
          %parallel_loop3A_748 = arith.constant 80 : index
          %parallel_loop3A_749 = tpu.vector_load %arg12[%parallel_loop3A_747, %parallel_loop3A_748] {strides = array<i32>} : memref<128x128xf32, #tpu.memory_space<vmem>>, vector<16xf32>,
          tpu.vector_store %arg12[%parallel_loop3A_747, %parallel_loop3A_748], %parallel_loop3A_746 {strides = array<i32>} : memref<128x128xf32, #tpu.memory_space<vmem>>, vector<16xf32>,
          %parallel_loop3A_750 = arith.index_cast %parallel_loop3A_707 : i32 to index
          %parallel_loop3A_751 = arith.constant 96 : index
          %parallel_loop3A_752 = tpu.vector_load %arg12[%parallel_loop3A_750, %parallel_loop3A_751] {strides = array<i32>} : memref<128x128xf32, #tpu.memory_space<vmem>>, vector<16xf32>,
          %parallel_loop3A_753 = arith.mulf %parallel_loop3A_752, %parallel_loop3A_703 : vector<16xf32>
          %parallel_loop3A_754 = arith.index_cast %parallel_loop3A_707 : i32 to index
          %parallel_loop3A_755 = arith.constant 96 : index
          %parallel_loop3A_756 = tpu.vector_load %arg12[%parallel_loop3A_754, %parallel_loop3A_755] {strides = array<i32>} : memref<128x128xf32, #tpu.memory_space<vmem>>, vector<16xf32>,
          tpu.vector_store %arg12[%parallel_loop3A_754, %parallel_loop3A_755], %parallel_loop3A_753 {strides = array<i32>} : memref<128x128xf32, #tpu.memory_space<vmem>>, vector<16xf32>,
          %parallel_loop3A_757 = arith.index_cast %parallel_loop3A_707 : i32 to index
          %parallel_loop3A_758 = arith.constant 112 : index
          %parallel_loop3A_759 = tpu.vector_load %arg12[%parallel_loop3A_757, %parallel_loop3A_758] {strides = array<i32>} : memref<128x128xf32, #tpu.memory_space<vmem>>, vector<16xf32>,
          %parallel_loop3A_760 = arith.mulf %parallel_loop3A_759, %parallel_loop3A_703 : vector<16xf32>
          %parallel_loop3A_761 = arith.index_cast %parallel_loop3A_707 : i32 to index
          %parallel_loop3A_762 = arith.constant 112 : index
          %parallel_loop3A_763 = tpu.vector_load %arg12[%parallel_loop3A_761, %parallel_loop3A_762] {strides = array<i32>} : memref<128x128xf32, #tpu.memory_space<vmem>>, vector<16xf32>,
          tpu.vector_store %arg12[%parallel_loop3A_761, %parallel_loop3A_762], %parallel_loop3A_760 {strides = array<i32>} : memref<128x128xf32, #tpu.memory_space<vmem>>, vector<16xf32>,
          %parallel_loop3A_764 = vector.extract_strided_slice %parallel_loop3A_70 {offsets = [11], sizes = [1], strides = [1]} : vector<16xf32> to vector<1xf32>
          %parallel_loop3A_765 = vector.extract %parallel_loop3A_764[0] : f32 from vector<1xf32>
          %parallel_loop3A_766 = vector.broadcast %parallel_loop3A_765 : f32 to vector<16xf32>
          %parallel_loop3A_767 = arith.constant 16 : i32
          %parallel_loop3A_768 = arith.muli %parallel_loop3A_51, %parallel_loop3A_767 : i32
          %parallel_loop3A_769 = arith.constant 11 : i32
          %parallel_loop3A_770 = arith.addi %parallel_loop3A_768, %parallel_loop3A_769 : i32
          %parallel_loop3A_771 = arith.index_cast %parallel_loop3A_770 : i32 to index
          %parallel_loop3A_772 = arith.constant 0 : index
          %parallel_loop3A_773 = tpu.vector_load %arg12[%parallel_loop3A_771, %parallel_loop3A_772] {strides = array<i32>} : memref<128x128xf32, #tpu.memory_space<vmem>>, vector<16xf32>,
          %parallel_loop3A_774 = arith.mulf %parallel_loop3A_773, %parallel_loop3A_766 : vector<16xf32>
          %parallel_loop3A_775 = arith.index_cast %parallel_loop3A_770 : i32 to index
          %parallel_loop3A_776 = arith.constant 0 : index
          %parallel_loop3A_777 = tpu.vector_load %arg12[%parallel_loop3A_775, %parallel_loop3A_776] {strides = array<i32>} : memref<128x128xf32, #tpu.memory_space<vmem>>, vector<16xf32>,
          tpu.vector_store %arg12[%parallel_loop3A_775, %parallel_loop3A_776], %parallel_loop3A_774 {strides = array<i32>} : memref<128x128xf32, #tpu.memory_space<vmem>>, vector<16xf32>,
          %parallel_loop3A_778 = arith.index_cast %parallel_loop3A_770 : i32 to index
          %parallel_loop3A_779 = arith.constant 16 : index
          %parallel_loop3A_780 = tpu.vector_load %arg12[%parallel_loop3A_778, %parallel_loop3A_779] {strides = array<i32>} : memref<128x128xf32, #tpu.memory_space<vmem>>, vector<16xf32>,
          %parallel_loop3A_781 = arith.mulf %parallel_loop3A_780, %parallel_loop3A_766 : vector<16xf32>
          %parallel_loop3A_782 = arith.index_cast %parallel_loop3A_770 : i32 to index
          %parallel_loop3A_783 = arith.constant 16 : index
          %parallel_loop3A_784 = tpu.vector_load %arg12[%parallel_loop3A_782, %parallel_loop3A_783] {strides = array<i32>} : memref<128x128xf32, #tpu.memory_space<vmem>>, vector<16xf32>,
          tpu.vector_store %arg12[%parallel_loop3A_782, %parallel_loop3A_783], %parallel_loop3A_781 {strides = array<i32>} : memref<128x128xf32, #tpu.memory_space<vmem>>, vector<16xf32>,
          %parallel_loop3A_785 = arith.index_cast %parallel_loop3A_770 : i32 to index
          %parallel_loop3A_786 = arith.constant 32 : index
          %parallel_loop3A_787 = tpu.vector_load %arg12[%parallel_loop3A_785, %parallel_loop3A_786] {strides = array<i32>} : memref<128x128xf32, #tpu.memory_space<vmem>>, vector<16xf32>,
          %parallel_loop3A_788 = arith.mulf %parallel_loop3A_787, %parallel_loop3A_766 : vector<16xf32>
          %parallel_loop3A_789 = arith.index_cast %parallel_loop3A_770 : i32 to index
          %parallel_loop3A_790 = arith.constant 32 : index
          %parallel_loop3A_791 = tpu.vector_load %arg12[%parallel_loop3A_789, %parallel_loop3A_790] {strides = array<i32>} : memref<128x128xf32, #tpu.memory_space<vmem>>, vector<16xf32>,
          tpu.vector_store %arg12[%parallel_loop3A_789, %parallel_loop3A_790], %parallel_loop3A_788 {strides = array<i32>} : memref<128x128xf32, #tpu.memory_space<vmem>>, vector<16xf32>,
          %parallel_loop3A_792 = arith.index_cast %parallel_loop3A_770 : i32 to index
          %parallel_loop3A_793 = arith.constant 48 : index
          %parallel_loop3A_794 = tpu.vector_load %arg12[%parallel_loop3A_792, %parallel_loop3A_793] {strides = array<i32>} : memref<128x128xf32, #tpu.memory_space<vmem>>, vector<16xf32>,
          %parallel_loop3A_795 = arith.mulf %parallel_loop3A_794, %parallel_loop3A_766 : vector<16xf32>
          %parallel_loop3A_796 = arith.index_cast %parallel_loop3A_770 : i32 to index
          %parallel_loop3A_797 = arith.constant 48 : index
          %parallel_loop3A_798 = tpu.vector_load %arg12[%parallel_loop3A_796, %parallel_loop3A_797] {strides = array<i32>} : memref<128x128xf32, #tpu.memory_space<vmem>>, vector<16xf32>,
          tpu.vector_store %arg12[%parallel_loop3A_796, %parallel_loop3A_797], %parallel_loop3A_795 {strides = array<i32>} : memref<128x128xf32, #tpu.memory_space<vmem>>, vector<16xf32>,
          %parallel_loop3A_799 = arith.index_cast %parallel_loop3A_770 : i32 to index
          %parallel_loop3A_800 = arith.constant 64 : index
          %parallel_loop3A_801 = tpu.vector_load %arg12[%parallel_loop3A_799, %parallel_loop3A_800] {strides = array<i32>} : memref<128x128xf32, #tpu.memory_space<vmem>>, vector<16xf32>,
          %parallel_loop3A_802 = arith.mulf %parallel_loop3A_801, %parallel_loop3A_766 : vector<16xf32>
          %parallel_loop3A_803 = arith.index_cast %parallel_loop3A_770 : i32 to index
          %parallel_loop3A_804 = arith.constant 64 : index
          %parallel_loop3A_805 = tpu.vector_load %arg12[%parallel_loop3A_803, %parallel_loop3A_804] {strides = array<i32>} : memref<128x128xf32, #tpu.memory_space<vmem>>, vector<16xf32>,
          tpu.vector_store %arg12[%parallel_loop3A_803, %parallel_loop3A_804], %parallel_loop3A_802 {strides = array<i32>} : memref<128x128xf32, #tpu.memory_space<vmem>>, vector<16xf32>,
          %parallel_loop3A_806 = arith.index_cast %parallel_loop3A_770 : i32 to index
          %parallel_loop3A_807 = arith.constant 80 : index
          %parallel_loop3A_808 = tpu.vector_load %arg12[%parallel_loop3A_806, %parallel_loop3A_807] {strides = array<i32>} : memref<128x128xf32, #tpu.memory_space<vmem>>, vector<16xf32>,
          %parallel_loop3A_809 = arith.mulf %parallel_loop3A_808, %parallel_loop3A_766 : vector<16xf32>
          %parallel_loop3A_810 = arith.index_cast %parallel_loop3A_770 : i32 to index
          %parallel_loop3A_811 = arith.constant 80 : index
          %parallel_loop3A_812 = tpu.vector_load %arg12[%parallel_loop3A_810, %parallel_loop3A_811] {strides = array<i32>} : memref<128x128xf32, #tpu.memory_space<vmem>>, vector<16xf32>,
          tpu.vector_store %arg12[%parallel_loop3A_810, %parallel_loop3A_811], %parallel_loop3A_809 {strides = array<i32>} : memref<128x128xf32, #tpu.memory_space<vmem>>, vector<16xf32>,
          %parallel_loop3A_813 = arith.index_cast %parallel_loop3A_770 : i32 to index
          %parallel_loop3A_814 = arith.constant 96 : index
          %parallel_loop3A_815 = tpu.vector_load %arg12[%parallel_loop3A_813, %parallel_loop3A_814] {strides = array<i32>} : memref<128x128xf32, #tpu.memory_space<vmem>>, vector<16xf32>,
          %parallel_loop3A_816 = arith.mulf %parallel_loop3A_815, %parallel_loop3A_766 : vector<16xf32>
          %parallel_loop3A_817 = arith.index_cast %parallel_loop3A_770 : i32 to index
          %parallel_loop3A_818 = arith.constant 96 : index
          %parallel_loop3A_819 = tpu.vector_load %arg12[%parallel_loop3A_817, %parallel_loop3A_818] {strides = array<i32>} : memref<128x128xf32, #tpu.memory_space<vmem>>, vector<16xf32>,
          tpu.vector_store %arg12[%parallel_loop3A_817, %parallel_loop3A_818], %parallel_loop3A_816 {strides = array<i32>} : memref<128x128xf32, #tpu.memory_space<vmem>>, vector<16xf32>,
          %parallel_loop3A_820 = arith.index_cast %parallel_loop3A_770 : i32 to index
          %parallel_loop3A_821 = arith.constant 112 : index
          %parallel_loop3A_822 = tpu.vector_load %arg12[%parallel_loop3A_820, %parallel_loop3A_821] {strides = array<i32>} : memref<128x128xf32, #tpu.memory_space<vmem>>, vector<16xf32>,
          %parallel_loop3A_823 = arith.mulf %parallel_loop3A_822, %parallel_loop3A_766 : vector<16xf32>
          %parallel_loop3A_824 = arith.index_cast %parallel_loop3A_770 : i32 to index
          %parallel_loop3A_825 = arith.constant 112 : index
          %parallel_loop3A_826 = tpu.vector_load %arg12[%parallel_loop3A_824, %parallel_loop3A_825] {strides = array<i32>} : memref<128x128xf32, #tpu.memory_space<vmem>>, vector<16xf32>,
          tpu.vector_store %arg12[%parallel_loop3A_824, %parallel_loop3A_825], %parallel_loop3A_823 {strides = array<i32>} : memref<128x128xf32, #tpu.memory_space<vmem>>, vector<16xf32>,
          %parallel_loop3A_827 = vector.extract_strided_slice %parallel_loop3A_70 {offsets = [12], sizes = [1], strides = [1]} : vector<16xf32> to vector<1xf32>
          %parallel_loop3A_828 = vector.extract %parallel_loop3A_827[0] : f32 from vector<1xf32>
          %parallel_loop3A_829 = vector.broadcast %parallel_loop3A_828 : f32 to vector<16xf32>
          %parallel_loop3A_830 = arith.constant 16 : i32
          %parallel_loop3A_831 = arith.muli %parallel_loop3A_51, %parallel_loop3A_830 : i32
          %parallel_loop3A_832 = arith.constant 12 : i32
          %parallel_loop3A_833 = arith.addi %parallel_loop3A_831, %parallel_loop3A_832 : i32
          %parallel_loop3A_834 = arith.index_cast %parallel_loop3A_833 : i32 to index
          %parallel_loop3A_835 = arith.constant 0 : index
          %parallel_loop3A_836 = tpu.vector_load %arg12[%parallel_loop3A_834, %parallel_loop3A_835] {strides = array<i32>} : memref<128x128xf32, #tpu.memory_space<vmem>>, vector<16xf32>,
          %parallel_loop3A_837 = arith.mulf %parallel_loop3A_836, %parallel_loop3A_829 : vector<16xf32>
          %parallel_loop3A_838 = arith.index_cast %parallel_loop3A_833 : i32 to index
          %parallel_loop3A_839 = arith.constant 0 : index
          %parallel_loop3A_840 = tpu.vector_load %arg12[%parallel_loop3A_838, %parallel_loop3A_839] {strides = array<i32>} : memref<128x128xf32, #tpu.memory_space<vmem>>, vector<16xf32>,
          tpu.vector_store %arg12[%parallel_loop3A_838, %parallel_loop3A_839], %parallel_loop3A_837 {strides = array<i32>} : memref<128x128xf32, #tpu.memory_space<vmem>>, vector<16xf32>,
          %parallel_loop3A_841 = arith.index_cast %parallel_loop3A_833 : i32 to index
          %parallel_loop3A_842 = arith.constant 16 : index
          %parallel_loop3A_843 = tpu.vector_load %arg12[%parallel_loop3A_841, %parallel_loop3A_842] {strides = array<i32>} : memref<128x128xf32, #tpu.memory_space<vmem>>, vector<16xf32>,
          %parallel_loop3A_844 = arith.mulf %parallel_loop3A_843, %parallel_loop3A_829 : vector<16xf32>
          %parallel_loop3A_845 = arith.index_cast %parallel_loop3A_833 : i32 to index
          %parallel_loop3A_846 = arith.constant 16 : index
          %parallel_loop3A_847 = tpu.vector_load %arg12[%parallel_loop3A_845, %parallel_loop3A_846] {strides = array<i32>} : memref<128x128xf32, #tpu.memory_space<vmem>>, vector<16xf32>,
          tpu.vector_store %arg12[%parallel_loop3A_845, %parallel_loop3A_846], %parallel_loop3A_844 {strides = array<i32>} : memref<128x128xf32, #tpu.memory_space<vmem>>, vector<16xf32>,
          %parallel_loop3A_848 = arith.index_cast %parallel_loop3A_833 : i32 to index
          %parallel_loop3A_849 = arith.constant 32 : index
          %parallel_loop3A_850 = tpu.vector_load %arg12[%parallel_loop3A_848, %parallel_loop3A_849] {strides = array<i32>} : memref<128x128xf32, #tpu.memory_space<vmem>>, vector<16xf32>,
          %parallel_loop3A_851 = arith.mulf %parallel_loop3A_850, %parallel_loop3A_829 : vector<16xf32>
          %parallel_loop3A_852 = arith.index_cast %parallel_loop3A_833 : i32 to index
          %parallel_loop3A_853 = arith.constant 32 : index
          %parallel_loop3A_854 = tpu.vector_load %arg12[%parallel_loop3A_852, %parallel_loop3A_853] {strides = array<i32>} : memref<128x128xf32, #tpu.memory_space<vmem>>, vector<16xf32>,
          tpu.vector_store %arg12[%parallel_loop3A_852, %parallel_loop3A_853], %parallel_loop3A_851 {strides = array<i32>} : memref<128x128xf32, #tpu.memory_space<vmem>>, vector<16xf32>,
          %parallel_loop3A_855 = arith.index_cast %parallel_loop3A_833 : i32 to index
          %parallel_loop3A_856 = arith.constant 48 : index
          %parallel_loop3A_857 = tpu.vector_load %arg12[%parallel_loop3A_855, %parallel_loop3A_856] {strides = array<i32>} : memref<128x128xf32, #tpu.memory_space<vmem>>, vector<16xf32>,
          %parallel_loop3A_858 = arith.mulf %parallel_loop3A_857, %parallel_loop3A_829 : vector<16xf32>
          %parallel_loop3A_859 = arith.index_cast %parallel_loop3A_833 : i32 to index
          %parallel_loop3A_860 = arith.constant 48 : index
          %parallel_loop3A_861 = tpu.vector_load %arg12[%parallel_loop3A_859, %parallel_loop3A_860] {strides = array<i32>} : memref<128x128xf32, #tpu.memory_space<vmem>>, vector<16xf32>,
          tpu.vector_store %arg12[%parallel_loop3A_859, %parallel_loop3A_860], %parallel_loop3A_858 {strides = array<i32>} : memref<128x128xf32, #tpu.memory_space<vmem>>, vector<16xf32>,
          %parallel_loop3A_862 = arith.index_cast %parallel_loop3A_833 : i32 to index
          %parallel_loop3A_863 = arith.constant 64 : index
          %parallel_loop3A_864 = tpu.vector_load %arg12[%parallel_loop3A_862, %parallel_loop3A_863] {strides = array<i32>} : memref<128x128xf32, #tpu.memory_space<vmem>>, vector<16xf32>,
          %parallel_loop3A_865 = arith.mulf %parallel_loop3A_864, %parallel_loop3A_829 : vector<16xf32>
          %parallel_loop3A_866 = arith.index_cast %parallel_loop3A_833 : i32 to index
          %parallel_loop3A_867 = arith.constant 64 : index
          %parallel_loop3A_868 = tpu.vector_load %arg12[%parallel_loop3A_866, %parallel_loop3A_867] {strides = array<i32>} : memref<128x128xf32, #tpu.memory_space<vmem>>, vector<16xf32>,
          tpu.vector_store %arg12[%parallel_loop3A_866, %parallel_loop3A_867], %parallel_loop3A_865 {strides = array<i32>} : memref<128x128xf32, #tpu.memory_space<vmem>>, vector<16xf32>,
          %parallel_loop3A_869 = arith.index_cast %parallel_loop3A_833 : i32 to index
          %parallel_loop3A_870 = arith.constant 80 : index
          %parallel_loop3A_871 = tpu.vector_load %arg12[%parallel_loop3A_869, %parallel_loop3A_870] {strides = array<i32>} : memref<128x128xf32, #tpu.memory_space<vmem>>, vector<16xf32>,
          %parallel_loop3A_872 = arith.mulf %parallel_loop3A_871, %parallel_loop3A_829 : vector<16xf32>
          %parallel_loop3A_873 = arith.index_cast %parallel_loop3A_833 : i32 to index
          %parallel_loop3A_874 = arith.constant 80 : index
          %parallel_loop3A_875 = tpu.vector_load %arg12[%parallel_loop3A_873, %parallel_loop3A_874] {strides = array<i32>} : memref<128x128xf32, #tpu.memory_space<vmem>>, vector<16xf32>,
          tpu.vector_store %arg12[%parallel_loop3A_873, %parallel_loop3A_874], %parallel_loop3A_872 {strides = array<i32>} : memref<128x128xf32, #tpu.memory_space<vmem>>, vector<16xf32>,
          %parallel_loop3A_876 = arith.index_cast %parallel_loop3A_833 : i32 to index
          %parallel_loop3A_877 = arith.constant 96 : index
          %parallel_loop3A_878 = tpu.vector_load %arg12[%parallel_loop3A_876, %parallel_loop3A_877] {strides = array<i32>} : memref<128x128xf32, #tpu.memory_space<vmem>>, vector<16xf32>,
          %parallel_loop3A_879 = arith.mulf %parallel_loop3A_878, %parallel_loop3A_829 : vector<16xf32>
          %parallel_loop3A_880 = arith.index_cast %parallel_loop3A_833 : i32 to index
          %parallel_loop3A_881 = arith.constant 96 : index
          %parallel_loop3A_882 = tpu.vector_load %arg12[%parallel_loop3A_880, %parallel_loop3A_881] {strides = array<i32>} : memref<128x128xf32, #tpu.memory_space<vmem>>, vector<16xf32>,
          tpu.vector_store %arg12[%parallel_loop3A_880, %parallel_loop3A_881], %parallel_loop3A_879 {strides = array<i32>} : memref<128x128xf32, #tpu.memory_space<vmem>>, vector<16xf32>,
          %parallel_loop3A_883 = arith.index_cast %parallel_loop3A_833 : i32 to index
          %parallel_loop3A_884 = arith.constant 112 : index
          %parallel_loop3A_885 = tpu.vector_load %arg12[%parallel_loop3A_883, %parallel_loop3A_884] {strides = array<i32>} : memref<128x128xf32, #tpu.memory_space<vmem>>, vector<16xf32>,
          %parallel_loop3A_886 = arith.mulf %parallel_loop3A_885, %parallel_loop3A_829 : vector<16xf32>
          %parallel_loop3A_887 = arith.index_cast %parallel_loop3A_833 : i32 to index
          %parallel_loop3A_888 = arith.constant 112 : index
          %parallel_loop3A_889 = tpu.vector_load %arg12[%parallel_loop3A_887, %parallel_loop3A_888] {strides = array<i32>} : memref<128x128xf32, #tpu.memory_space<vmem>>, vector<16xf32>,
          tpu.vector_store %arg12[%parallel_loop3A_887, %parallel_loop3A_888], %parallel_loop3A_886 {strides = array<i32>} : memref<128x128xf32, #tpu.memory_space<vmem>>, vector<16xf32>,
          %parallel_loop3A_890 = vector.extract_strided_slice %parallel_loop3A_70 {offsets = [13], sizes = [1], strides = [1]} : vector<16xf32> to vector<1xf32>
          %parallel_loop3A_891 = vector.extract %parallel_loop3A_890[0] : f32 from vector<1xf32>
          %parallel_loop3A_892 = vector.broadcast %parallel_loop3A_891 : f32 to vector<16xf32>
          %parallel_loop3A_893 = arith.constant 16 : i32
          %parallel_loop3A_894 = arith.muli %parallel_loop3A_51, %parallel_loop3A_893 : i32
          %parallel_loop3A_895 = arith.constant 13 : i32
          %parallel_loop3A_896 = arith.addi %parallel_loop3A_894, %parallel_loop3A_895 : i32
          %parallel_loop3A_897 = arith.index_cast %parallel_loop3A_896 : i32 to index
          %parallel_loop3A_898 = arith.constant 0 : index
          %parallel_loop3A_899 = tpu.vector_load %arg12[%parallel_loop3A_897, %parallel_loop3A_898] {strides = array<i32>} : memref<128x128xf32, #tpu.memory_space<vmem>>, vector<16xf32>,
          %parallel_loop3A_900 = arith.mulf %parallel_loop3A_899, %parallel_loop3A_892 : vector<16xf32>
          %parallel_loop3A_901 = arith.index_cast %parallel_loop3A_896 : i32 to index
          %parallel_loop3A_902 = arith.constant 0 : index
          %parallel_loop3A_903 = tpu.vector_load %arg12[%parallel_loop3A_901, %parallel_loop3A_902] {strides = array<i32>} : memref<128x128xf32, #tpu.memory_space<vmem>>, vector<16xf32>,
          tpu.vector_store %arg12[%parallel_loop3A_901, %parallel_loop3A_902], %parallel_loop3A_900 {strides = array<i32>} : memref<128x128xf32, #tpu.memory_space<vmem>>, vector<16xf32>,
          %parallel_loop3A_904 = arith.index_cast %parallel_loop3A_896 : i32 to index
          %parallel_loop3A_905 = arith.constant 16 : index
          %parallel_loop3A_906 = tpu.vector_load %arg12[%parallel_loop3A_904, %parallel_loop3A_905] {strides = array<i32>} : memref<128x128xf32, #tpu.memory_space<vmem>>, vector<16xf32>,
          %parallel_loop3A_907 = arith.mulf %parallel_loop3A_906, %parallel_loop3A_892 : vector<16xf32>
          %parallel_loop3A_908 = arith.index_cast %parallel_loop3A_896 : i32 to index
          %parallel_loop3A_909 = arith.constant 16 : index
          %parallel_loop3A_910 = tpu.vector_load %arg12[%parallel_loop3A_908, %parallel_loop3A_909] {strides = array<i32>} : memref<128x128xf32, #tpu.memory_space<vmem>>, vector<16xf32>,
          tpu.vector_store %arg12[%parallel_loop3A_908, %parallel_loop3A_909], %parallel_loop3A_907 {strides = array<i32>} : memref<128x128xf32, #tpu.memory_space<vmem>>, vector<16xf32>,
          %parallel_loop3A_911 = arith.index_cast %parallel_loop3A_896 : i32 to index
          %parallel_loop3A_912 = arith.constant 32 : index
          %parallel_loop3A_913 = tpu.vector_load %arg12[%parallel_loop3A_911, %parallel_loop3A_912] {strides = array<i32>} : memref<128x128xf32, #tpu.memory_space<vmem>>, vector<16xf32>,
          %parallel_loop3A_914 = arith.mulf %parallel_loop3A_913, %parallel_loop3A_892 : vector<16xf32>
          %parallel_loop3A_915 = arith.index_cast %parallel_loop3A_896 : i32 to index
          %parallel_loop3A_916 = arith.constant 32 : index
          %parallel_loop3A_917 = tpu.vector_load %arg12[%parallel_loop3A_915, %parallel_loop3A_916] {strides = array<i32>} : memref<128x128xf32, #tpu.memory_space<vmem>>, vector<16xf32>,
          tpu.vector_store %arg12[%parallel_loop3A_915, %parallel_loop3A_916], %parallel_loop3A_914 {strides = array<i32>} : memref<128x128xf32, #tpu.memory_space<vmem>>, vector<16xf32>,
          %parallel_loop3A_918 = arith.index_cast %parallel_loop3A_896 : i32 to index
          %parallel_loop3A_919 = arith.constant 48 : index
          %parallel_loop3A_920 = tpu.vector_load %arg12[%parallel_loop3A_918, %parallel_loop3A_919] {strides = array<i32>} : memref<128x128xf32, #tpu.memory_space<vmem>>, vector<16xf32>,
          %parallel_loop3A_921 = arith.mulf %parallel_loop3A_920, %parallel_loop3A_892 : vector<16xf32>
          %parallel_loop3A_922 = arith.index_cast %parallel_loop3A_896 : i32 to index
          %parallel_loop3A_923 = arith.constant 48 : index
          %parallel_loop3A_924 = tpu.vector_load %arg12[%parallel_loop3A_922, %parallel_loop3A_923] {strides = array<i32>} : memref<128x128xf32, #tpu.memory_space<vmem>>, vector<16xf32>,
          tpu.vector_store %arg12[%parallel_loop3A_922, %parallel_loop3A_923], %parallel_loop3A_921 {strides = array<i32>} : memref<128x128xf32, #tpu.memory_space<vmem>>, vector<16xf32>,
          %parallel_loop3A_925 = arith.index_cast %parallel_loop3A_896 : i32 to index
          %parallel_loop3A_926 = arith.constant 64 : index
          %parallel_loop3A_927 = tpu.vector_load %arg12[%parallel_loop3A_925, %parallel_loop3A_926] {strides = array<i32>} : memref<128x128xf32, #tpu.memory_space<vmem>>, vector<16xf32>,
          %parallel_loop3A_928 = arith.mulf %parallel_loop3A_927, %parallel_loop3A_892 : vector<16xf32>
          %parallel_loop3A_929 = arith.index_cast %parallel_loop3A_896 : i32 to index
          %parallel_loop3A_930 = arith.constant 64 : index
          %parallel_loop3A_931 = tpu.vector_load %arg12[%parallel_loop3A_929, %parallel_loop3A_930] {strides = array<i32>} : memref<128x128xf32, #tpu.memory_space<vmem>>, vector<16xf32>,
          tpu.vector_store %arg12[%parallel_loop3A_929, %parallel_loop3A_930], %parallel_loop3A_928 {strides = array<i32>} : memref<128x128xf32, #tpu.memory_space<vmem>>, vector<16xf32>,
          %parallel_loop3A_932 = arith.index_cast %parallel_loop3A_896 : i32 to index
          %parallel_loop3A_933 = arith.constant 80 : index
          %parallel_loop3A_934 = tpu.vector_load %arg12[%parallel_loop3A_932, %parallel_loop3A_933] {strides = array<i32>} : memref<128x128xf32, #tpu.memory_space<vmem>>, vector<16xf32>,
          %parallel_loop3A_935 = arith.mulf %parallel_loop3A_934, %parallel_loop3A_892 : vector<16xf32>
          %parallel_loop3A_936 = arith.index_cast %parallel_loop3A_896 : i32 to index
          %parallel_loop3A_937 = arith.constant 80 : index
          %parallel_loop3A_938 = tpu.vector_load %arg12[%parallel_loop3A_936, %parallel_loop3A_937] {strides = array<i32>} : memref<128x128xf32, #tpu.memory_space<vmem>>, vector<16xf32>,
          tpu.vector_store %arg12[%parallel_loop3A_936, %parallel_loop3A_937], %parallel_loop3A_935 {strides = array<i32>} : memref<128x128xf32, #tpu.memory_space<vmem>>, vector<16xf32>,
          %parallel_loop3A_939 = arith.index_cast %parallel_loop3A_896 : i32 to index
          %parallel_loop3A_940 = arith.constant 96 : index
          %parallel_loop3A_941 = tpu.vector_load %arg12[%parallel_loop3A_939, %parallel_loop3A_940] {strides = array<i32>} : memref<128x128xf32, #tpu.memory_space<vmem>>, vector<16xf32>,
          %parallel_loop3A_942 = arith.mulf %parallel_loop3A_941, %parallel_loop3A_892 : vector<16xf32>
          %parallel_loop3A_943 = arith.index_cast %parallel_loop3A_896 : i32 to index
          %parallel_loop3A_944 = arith.constant 96 : index
          %parallel_loop3A_945 = tpu.vector_load %arg12[%parallel_loop3A_943, %parallel_loop3A_944] {strides = array<i32>} : memref<128x128xf32, #tpu.memory_space<vmem>>, vector<16xf32>,
          tpu.vector_store %arg12[%parallel_loop3A_943, %parallel_loop3A_944], %parallel_loop3A_942 {strides = array<i32>} : memref<128x128xf32, #tpu.memory_space<vmem>>, vector<16xf32>,
          %parallel_loop3A_946 = arith.index_cast %parallel_loop3A_896 : i32 to index
          %parallel_loop3A_947 = arith.constant 112 : index
          %parallel_loop3A_948 = tpu.vector_load %arg12[%parallel_loop3A_946, %parallel_loop3A_947] {strides = array<i32>} : memref<128x128xf32, #tpu.memory_space<vmem>>, vector<16xf32>,
          %parallel_loop3A_949 = arith.mulf %parallel_loop3A_948, %parallel_loop3A_892 : vector<16xf32>
          %parallel_loop3A_950 = arith.index_cast %parallel_loop3A_896 : i32 to index
          %parallel_loop3A_951 = arith.constant 112 : index
          %parallel_loop3A_952 = tpu.vector_load %arg12[%parallel_loop3A_950, %parallel_loop3A_951] {strides = array<i32>} : memref<128x128xf32, #tpu.memory_space<vmem>>, vector<16xf32>,
          tpu.vector_store %arg12[%parallel_loop3A_950, %parallel_loop3A_951], %parallel_loop3A_949 {strides = array<i32>} : memref<128x128xf32, #tpu.memory_space<vmem>>, vector<16xf32>,
          %parallel_loop3A_953 = vector.extract_strided_slice %parallel_loop3A_70 {offsets = [14], sizes = [1], strides = [1]} : vector<16xf32> to vector<1xf32>
          %parallel_loop3A_954 = vector.extract %parallel_loop3A_953[0] : f32 from vector<1xf32>
          %parallel_loop3A_955 = vector.broadcast %parallel_loop3A_954 : f32 to vector<16xf32>
          %parallel_loop3A_956 = arith.constant 16 : i32
          %parallel_loop3A_957 = arith.muli %parallel_loop3A_51, %parallel_loop3A_956 : i32
          %parallel_loop3A_958 = arith.constant 14 : i32
          %parallel_loop3A_959 = arith.addi %parallel_loop3A_957, %parallel_loop3A_958 : i32
          %parallel_loop3A_960 = arith.index_cast %parallel_loop3A_959 : i32 to index
          %parallel_loop3A_961 = arith.constant 0 : index
          %parallel_loop3A_962 = tpu.vector_load %arg12[%parallel_loop3A_960, %parallel_loop3A_961] {strides = array<i32>} : memref<128x128xf32, #tpu.memory_space<vmem>>, vector<16xf32>,
          %parallel_loop3A_963 = arith.mulf %parallel_loop3A_962, %parallel_loop3A_955 : vector<16xf32>
          %parallel_loop3A_964 = arith.index_cast %parallel_loop3A_959 : i32 to index
          %parallel_loop3A_965 = arith.constant 0 : index
          %parallel_loop3A_966 = tpu.vector_load %arg12[%parallel_loop3A_964, %parallel_loop3A_965] {strides = array<i32>} : memref<128x128xf32, #tpu.memory_space<vmem>>, vector<16xf32>,
          tpu.vector_store %arg12[%parallel_loop3A_964, %parallel_loop3A_965], %parallel_loop3A_963 {strides = array<i32>} : memref<128x128xf32, #tpu.memory_space<vmem>>, vector<16xf32>,
          %parallel_loop3A_967 = arith.index_cast %parallel_loop3A_959 : i32 to index
          %parallel_loop3A_968 = arith.constant 16 : index
          %parallel_loop3A_969 = tpu.vector_load %arg12[%parallel_loop3A_967, %parallel_loop3A_968] {strides = array<i32>} : memref<128x128xf32, #tpu.memory_space<vmem>>, vector<16xf32>,
          %parallel_loop3A_970 = arith.mulf %parallel_loop3A_969, %parallel_loop3A_955 : vector<16xf32>
          %parallel_loop3A_971 = arith.index_cast %parallel_loop3A_959 : i32 to index
          %parallel_loop3A_972 = arith.constant 16 : index
          %parallel_loop3A_973 = tpu.vector_load %arg12[%parallel_loop3A_971, %parallel_loop3A_972] {strides = array<i32>} : memref<128x128xf32, #tpu.memory_space<vmem>>, vector<16xf32>,
          tpu.vector_store %arg12[%parallel_loop3A_971, %parallel_loop3A_972], %parallel_loop3A_970 {strides = array<i32>} : memref<128x128xf32, #tpu.memory_space<vmem>>, vector<16xf32>,
          %parallel_loop3A_974 = arith.index_cast %parallel_loop3A_959 : i32 to index
          %parallel_loop3A_975 = arith.constant 32 : index
          %parallel_loop3A_976 = tpu.vector_load %arg12[%parallel_loop3A_974, %parallel_loop3A_975] {strides = array<i32>} : memref<128x128xf32, #tpu.memory_space<vmem>>, vector<16xf32>,
          %parallel_loop3A_977 = arith.mulf %parallel_loop3A_976, %parallel_loop3A_955 : vector<16xf32>
          %parallel_loop3A_978 = arith.index_cast %parallel_loop3A_959 : i32 to index
          %parallel_loop3A_979 = arith.constant 32 : index
          %parallel_loop3A_980 = tpu.vector_load %arg12[%parallel_loop3A_978, %parallel_loop3A_979] {strides = array<i32>} : memref<128x128xf32, #tpu.memory_space<vmem>>, vector<16xf32>,
          tpu.vector_store %arg12[%parallel_loop3A_978, %parallel_loop3A_979], %parallel_loop3A_977 {strides = array<i32>} : memref<128x128xf32, #tpu.memory_space<vmem>>, vector<16xf32>,
          %parallel_loop3A_981 = arith.index_cast %parallel_loop3A_959 : i32 to index
          %parallel_loop3A_982 = arith.constant 48 : index
          %parallel_loop3A_983 = tpu.vector_load %arg12[%parallel_loop3A_981, %parallel_loop3A_982] {strides = array<i32>} : memref<128x128xf32, #tpu.memory_space<vmem>>, vector<16xf32>,
          %parallel_loop3A_984 = arith.mulf %parallel_loop3A_983, %parallel_loop3A_955 : vector<16xf32>
          %parallel_loop3A_985 = arith.index_cast %parallel_loop3A_959 : i32 to index
          %parallel_loop3A_986 = arith.constant 48 : index
          %parallel_loop3A_987 = tpu.vector_load %arg12[%parallel_loop3A_985, %parallel_loop3A_986] {strides = array<i32>} : memref<128x128xf32, #tpu.memory_space<vmem>>, vector<16xf32>,
          tpu.vector_store %arg12[%parallel_loop3A_985, %parallel_loop3A_986], %parallel_loop3A_984 {strides = array<i32>} : memref<128x128xf32, #tpu.memory_space<vmem>>, vector<16xf32>,
          %parallel_loop3A_988 = arith.index_cast %parallel_loop3A_959 : i32 to index
          %parallel_loop3A_989 = arith.constant 64 : index
          %parallel_loop3A_990 = tpu.vector_load %arg12[%parallel_loop3A_988, %parallel_loop3A_989] {strides = array<i32>} : memref<128x128xf32, #tpu.memory_space<vmem>>, vector<16xf32>,
          %parallel_loop3A_991 = arith.mulf %parallel_loop3A_990, %parallel_loop3A_955 : vector<16xf32>
          %parallel_loop3A_992 = arith.index_cast %parallel_loop3A_959 : i32 to index
          %parallel_loop3A_993 = arith.constant 64 : index
          %parallel_loop3A_994 = tpu.vector_load %arg12[%parallel_loop3A_992, %parallel_loop3A_993] {strides = array<i32>} : memref<128x128xf32, #tpu.memory_space<vmem>>, vector<16xf32>,
          tpu.vector_store %arg12[%parallel_loop3A_992, %parallel_loop3A_993], %parallel_loop3A_991 {strides = array<i32>} : memref<128x128xf32, #tpu.memory_space<vmem>>, vector<16xf32>,
          %parallel_loop3A_995 = arith.index_cast %parallel_loop3A_959 : i32 to index
          %parallel_loop3A_996 = arith.constant 80 : index
          %parallel_loop3A_997 = tpu.vector_load %arg12[%parallel_loop3A_995, %parallel_loop3A_996] {strides = array<i32>} : memref<128x128xf32, #tpu.memory_space<vmem>>, vector<16xf32>,
          %parallel_loop3A_998 = arith.mulf %parallel_loop3A_997, %parallel_loop3A_955 : vector<16xf32>
          %parallel_loop3A_999 = arith.index_cast %parallel_loop3A_959 : i32 to index
          %parallel_loop3A_1000 = arith.constant 80 : index
          %parallel_loop3A_1001 = tpu.vector_load %arg12[%parallel_loop3A_999, %parallel_loop3A_1000] {strides = array<i32>} : memref<128x128xf32, #tpu.memory_space<vmem>>, vector<16xf32>,
          tpu.vector_store %arg12[%parallel_loop3A_999, %parallel_loop3A_1000], %parallel_loop3A_998 {strides = array<i32>} : memref<128x128xf32, #tpu.memory_space<vmem>>, vector<16xf32>,
          %parallel_loop3A_1002 = arith.index_cast %parallel_loop3A_959 : i32 to index
          %parallel_loop3A_1003 = arith.constant 96 : index
          %parallel_loop3A_1004 = tpu.vector_load %arg12[%parallel_loop3A_1002, %parallel_loop3A_1003] {strides = array<i32>} : memref<128x128xf32, #tpu.memory_space<vmem>>, vector<16xf32>,
          %parallel_loop3A_1005 = arith.mulf %parallel_loop3A_1004, %parallel_loop3A_955 : vector<16xf32>
          %parallel_loop3A_1006 = arith.index_cast %parallel_loop3A_959 : i32 to index
          %parallel_loop3A_1007 = arith.constant 96 : index
          %parallel_loop3A_1008 = tpu.vector_load %arg12[%parallel_loop3A_1006, %parallel_loop3A_1007] {strides = array<i32>} : memref<128x128xf32, #tpu.memory_space<vmem>>, vector<16xf32>,
          tpu.vector_store %arg12[%parallel_loop3A_1006, %parallel_loop3A_1007], %parallel_loop3A_1005 {strides = array<i32>} : memref<128x128xf32, #tpu.memory_space<vmem>>, vector<16xf32>,
          %parallel_loop3A_1009 = arith.index_cast %parallel_loop3A_959 : i32 to index
          %parallel_loop3A_1010 = arith.constant 112 : index
          %parallel_loop3A_1011 = tpu.vector_load %arg12[%parallel_loop3A_1009, %parallel_loop3A_1010] {strides = array<i32>} : memref<128x128xf32, #tpu.memory_space<vmem>>, vector<16xf32>,
          %parallel_loop3A_1012 = arith.mulf %parallel_loop3A_1011, %parallel_loop3A_955 : vector<16xf32>
          %parallel_loop3A_1013 = arith.index_cast %parallel_loop3A_959 : i32 to index
          %parallel_loop3A_1014 = arith.constant 112 : index
          %parallel_loop3A_1015 = tpu.vector_load %arg12[%parallel_loop3A_1013, %parallel_loop3A_1014] {strides = array<i32>} : memref<128x128xf32, #tpu.memory_space<vmem>>, vector<16xf32>,
          tpu.vector_store %arg12[%parallel_loop3A_1013, %parallel_loop3A_1014], %parallel_loop3A_1012 {strides = array<i32>} : memref<128x128xf32, #tpu.memory_space<vmem>>, vector<16xf32>,
          %parallel_loop3A_1016 = vector.extract_strided_slice %parallel_loop3A_70 {offsets = [15], sizes = [1], strides = [1]} : vector<16xf32> to vector<1xf32>
          %parallel_loop3A_1017 = vector.extract %parallel_loop3A_1016[0] : f32 from vector<1xf32>
          %parallel_loop3A_1018 = vector.broadcast %parallel_loop3A_1017 : f32 to vector<16xf32>
          %parallel_loop3A_1019 = arith.constant 16 : i32
          %parallel_loop3A_1020 = arith.muli %parallel_loop3A_51, %parallel_loop3A_1019 : i32
          %parallel_loop3A_1021 = arith.constant 15 : i32
          %parallel_loop3A_1022 = arith.addi %parallel_loop3A_1020, %parallel_loop3A_1021 : i32
          %parallel_loop3A_1023 = arith.index_cast %parallel_loop3A_1022 : i32 to index
          %parallel_loop3A_1024 = arith.constant 0 : index
          %parallel_loop3A_1025 = tpu.vector_load %arg12[%parallel_loop3A_1023, %parallel_loop3A_1024] {strides = array<i32>} : memref<128x128xf32, #tpu.memory_space<vmem>>, vector<16xf32>,
          %parallel_loop3A_1026 = arith.mulf %parallel_loop3A_1025, %parallel_loop3A_1018 : vector<16xf32>
          %parallel_loop3A_1027 = arith.index_cast %parallel_loop3A_1022 : i32 to index
          %parallel_loop3A_1028 = arith.constant 0 : index
          %parallel_loop3A_1029 = tpu.vector_load %arg12[%parallel_loop3A_1027, %parallel_loop3A_1028] {strides = array<i32>} : memref<128x128xf32, #tpu.memory_space<vmem>>, vector<16xf32>,
          tpu.vector_store %arg12[%parallel_loop3A_1027, %parallel_loop3A_1028], %parallel_loop3A_1026 {strides = array<i32>} : memref<128x128xf32, #tpu.memory_space<vmem>>, vector<16xf32>,
          %parallel_loop3A_1030 = arith.index_cast %parallel_loop3A_1022 : i32 to index
          %parallel_loop3A_1031 = arith.constant 16 : index
          %parallel_loop3A_1032 = tpu.vector_load %arg12[%parallel_loop3A_1030, %parallel_loop3A_1031] {strides = array<i32>} : memref<128x128xf32, #tpu.memory_space<vmem>>, vector<16xf32>,
          %parallel_loop3A_1033 = arith.mulf %parallel_loop3A_1032, %parallel_loop3A_1018 : vector<16xf32>
          %parallel_loop3A_1034 = arith.index_cast %parallel_loop3A_1022 : i32 to index
          %parallel_loop3A_1035 = arith.constant 16 : index
          %parallel_loop3A_1036 = tpu.vector_load %arg12[%parallel_loop3A_1034, %parallel_loop3A_1035] {strides = array<i32>} : memref<128x128xf32, #tpu.memory_space<vmem>>, vector<16xf32>,
          tpu.vector_store %arg12[%parallel_loop3A_1034, %parallel_loop3A_1035], %parallel_loop3A_1033 {strides = array<i32>} : memref<128x128xf32, #tpu.memory_space<vmem>>, vector<16xf32>,
          %parallel_loop3A_1037 = arith.index_cast %parallel_loop3A_1022 : i32 to index
          %parallel_loop3A_1038 = arith.constant 32 : index
          %parallel_loop3A_1039 = tpu.vector_load %arg12[%parallel_loop3A_1037, %parallel_loop3A_1038] {strides = array<i32>} : memref<128x128xf32, #tpu.memory_space<vmem>>, vector<16xf32>,
          %parallel_loop3A_1040 = arith.mulf %parallel_loop3A_1039, %parallel_loop3A_1018 : vector<16xf32>
          %parallel_loop3A_1041 = arith.index_cast %parallel_loop3A_1022 : i32 to index
          %parallel_loop3A_1042 = arith.constant 32 : index
          %parallel_loop3A_1043 = tpu.vector_load %arg12[%parallel_loop3A_1041, %parallel_loop3A_1042] {strides = array<i32>} : memref<128x128xf32, #tpu.memory_space<vmem>>, vector<16xf32>,
          tpu.vector_store %arg12[%parallel_loop3A_1041, %parallel_loop3A_1042], %parallel_loop3A_1040 {strides = array<i32>} : memref<128x128xf32, #tpu.memory_space<vmem>>, vector<16xf32>,
          %parallel_loop3A_1044 = arith.index_cast %parallel_loop3A_1022 : i32 to index
          %parallel_loop3A_1045 = arith.constant 48 : index
          %parallel_loop3A_1046 = tpu.vector_load %arg12[%parallel_loop3A_1044, %parallel_loop3A_1045] {strides = array<i32>} : memref<128x128xf32, #tpu.memory_space<vmem>>, vector<16xf32>,
          %parallel_loop3A_1047 = arith.mulf %parallel_loop3A_1046, %parallel_loop3A_1018 : vector<16xf32>
          %parallel_loop3A_1048 = arith.index_cast %parallel_loop3A_1022 : i32 to index
          %parallel_loop3A_1049 = arith.constant 48 : index
          %parallel_loop3A_1050 = tpu.vector_load %arg12[%parallel_loop3A_1048, %parallel_loop3A_1049] {strides = array<i32>} : memref<128x128xf32, #tpu.memory_space<vmem>>, vector<16xf32>,
          tpu.vector_store %arg12[%parallel_loop3A_1048, %parallel_loop3A_1049], %parallel_loop3A_1047 {strides = array<i32>} : memref<128x128xf32, #tpu.memory_space<vmem>>, vector<16xf32>,
          %parallel_loop3A_1051 = arith.index_cast %parallel_loop3A_1022 : i32 to index
          %parallel_loop3A_1052 = arith.constant 64 : index
          %parallel_loop3A_1053 = tpu.vector_load %arg12[%parallel_loop3A_1051, %parallel_loop3A_1052] {strides = array<i32>} : memref<128x128xf32, #tpu.memory_space<vmem>>, vector<16xf32>,
          %parallel_loop3A_1054 = arith.mulf %parallel_loop3A_1053, %parallel_loop3A_1018 : vector<16xf32>
          %parallel_loop3A_1055 = arith.index_cast %parallel_loop3A_1022 : i32 to index
          %parallel_loop3A_1056 = arith.constant 64 : index
          %parallel_loop3A_1057 = tpu.vector_load %arg12[%parallel_loop3A_1055, %parallel_loop3A_1056] {strides = array<i32>} : memref<128x128xf32, #tpu.memory_space<vmem>>, vector<16xf32>,
          tpu.vector_store %arg12[%parallel_loop3A_1055, %parallel_loop3A_1056], %parallel_loop3A_1054 {strides = array<i32>} : memref<128x128xf32, #tpu.memory_space<vmem>>, vector<16xf32>,
          %parallel_loop3A_1058 = arith.index_cast %parallel_loop3A_1022 : i32 to index
          %parallel_loop3A_1059 = arith.constant 80 : index
          %parallel_loop3A_1060 = tpu.vector_load %arg12[%parallel_loop3A_1058, %parallel_loop3A_1059] {strides = array<i32>} : memref<128x128xf32, #tpu.memory_space<vmem>>, vector<16xf32>,
          %parallel_loop3A_1061 = arith.mulf %parallel_loop3A_1060, %parallel_loop3A_1018 : vector<16xf32>
          %parallel_loop3A_1062 = arith.index_cast %parallel_loop3A_1022 : i32 to index
          %parallel_loop3A_1063 = arith.constant 80 : index
          %parallel_loop3A_1064 = tpu.vector_load %arg12[%parallel_loop3A_1062, %parallel_loop3A_1063] {strides = array<i32>} : memref<128x128xf32, #tpu.memory_space<vmem>>, vector<16xf32>,
          tpu.vector_store %arg12[%parallel_loop3A_1062, %parallel_loop3A_1063], %parallel_loop3A_1061 {strides = array<i32>} : memref<128x128xf32, #tpu.memory_space<vmem>>, vector<16xf32>,
          %parallel_loop3A_1065 = arith.index_cast %parallel_loop3A_1022 : i32 to index
          %parallel_loop3A_1066 = arith.constant 96 : index
          %parallel_loop3A_1067 = tpu.vector_load %arg12[%parallel_loop3A_1065, %parallel_loop3A_1066] {strides = array<i32>} : memref<128x128xf32, #tpu.memory_space<vmem>>, vector<16xf32>,
          %parallel_loop3A_1068 = arith.mulf %parallel_loop3A_1067, %parallel_loop3A_1018 : vector<16xf32>
          %parallel_loop3A_1069 = arith.index_cast %parallel_loop3A_1022 : i32 to index
          %parallel_loop3A_1070 = arith.constant 96 : index
          %parallel_loop3A_1071 = tpu.vector_load %arg12[%parallel_loop3A_1069, %parallel_loop3A_1070] {strides = array<i32>} : memref<128x128xf32, #tpu.memory_space<vmem>>, vector<16xf32>,
          tpu.vector_store %arg12[%parallel_loop3A_1069, %parallel_loop3A_1070], %parallel_loop3A_1068 {strides = array<i32>} : memref<128x128xf32, #tpu.memory_space<vmem>>, vector<16xf32>,
          %parallel_loop3A_1072 = arith.index_cast %parallel_loop3A_1022 : i32 to index
          %parallel_loop3A_1073 = arith.constant 112 : index
          %parallel_loop3A_1074 = tpu.vector_load %arg12[%parallel_loop3A_1072, %parallel_loop3A_1073] {strides = array<i32>} : memref<128x128xf32, #tpu.memory_space<vmem>>, vector<16xf32>,
          %parallel_loop3A_1075 = arith.mulf %parallel_loop3A_1074, %parallel_loop3A_1018 : vector<16xf32>
          %parallel_loop3A_1076 = arith.index_cast %parallel_loop3A_1022 : i32 to index
          %parallel_loop3A_1077 = arith.constant 112 : index
          %parallel_loop3A_1078 = tpu.vector_load %arg12[%parallel_loop3A_1076, %parallel_loop3A_1077] {strides = array<i32>} : memref<128x128xf32, #tpu.memory_space<vmem>>, vector<16xf32>,
          tpu.vector_store %arg12[%parallel_loop3A_1076, %parallel_loop3A_1077], %parallel_loop3A_1075 {strides = array<i32>} : memref<128x128xf32, #tpu.memory_space<vmem>>, vector<16xf32>,
        } {sc.loop_unroll_factor = 2 : i64, sc.parallel_access}
        "tpu.region"() ({
          %run_scoped3A = tpu.sem_alloc : memref<!tpu.dma_semaphore, #tpu.memory_space<semaphore_mem>>
          %dma_start3A = arith.constant 0 : i32
          %dma_start3A_51 = tpu.memref_slice %arg9[%scan3A_47, %dma_start3A] : memref<16x128xi32, #tpu.memory_space<vmem>> -> memref<1x128xi32, #tpu.memory_space<vmem>>
          %dma_start3A_52 = tpu.memref_squeeze %dma_start3A_51 : memref<1x128xi32, #tpu.memory_space<vmem>> -> memref<128xi32, #tpu.memory_space<vmem>>
          %dma_start3A_53 = arith.constant 0 : i32
          %dma_start3A_54 = arith.constant 0 : i32
          %dma_start3A_55 = tpu.memref_slice %arg13[%dma_start3A_53, %dma_start3A_54] : memref<10240x128xf32, #tpu.memory_space<vmem_shared>> -> memref<10240x128xf32, #tpu.memory_space<vmem_shared>>
          tpu.enqueue_indirect_dma source(%arg12 : memref<128x128xf32, #tpu.memory_space<vmem>>) target(%dma_start3A_55 : memref<10240x128xf32, #tpu.memory_space<vmem_shared>>) offsets(%dma_start3A_52 : memref<128xi32, #tpu.memory_space<vmem>>) semaphore(%run_scoped3A : memref<!tpu.dma_semaphore, #tpu.memory_space<semaphore_mem>>) {add = true}
          %dma_wait3A = arith.constant 0 : i32
          %dma_wait3A_56 = tpu.memref_slice %arg9[%scan3A_47, %dma_wait3A] : memref<16x128xi32, #tpu.memory_space<vmem>> -> memref<1x128xi32, #tpu.memory_space<vmem>>
          %dma_wait3A_57 = tpu.memref_squeeze %dma_wait3A_56 : memref<1x128xi32, #tpu.memory_space<vmem>> -> memref<128xi32, #tpu.memory_space<vmem>>
          %dma_wait3A_58 = arith.constant 0 : i32
          %dma_wait3A_59 = arith.constant 0 : i32
          %dma_wait3A_60 = tpu.memref_slice %arg13[%dma_wait3A_58, %dma_wait3A_59] : memref<10240x128xf32, #tpu.memory_space<vmem_shared>> -> memref<10240x128xf32, #tpu.memory_space<vmem_shared>>
          tpu.wait_indirect_dma semaphore(%run_scoped3A : memref<!tpu.dma_semaphore, #tpu.memory_space<semaphore_mem>>) src(%arg12 : memref<128x128xf32, #tpu.memory_space<vmem>>) dst(%dma_wait3A_60 : memref<10240x128xf32, #tpu.memory_space<vmem_shared>>)
          tpu.yield
        }) : () -> ()
      }
      %scan3A_46 = arith.constant 16 : i32
    }
    %scan3A_28 = arith.constant 5 : i32
    %barrier3A_29 = arith.constant 0 : index
    tpu.barrier barrier_id(%barrier3A_29)
    %mul3A_30 = arith.constant 640 : i32
    %mul3A_31 = arith.muli %arg1, %mul3A_30 : i32
    %mul3A_32 = arith.constant 640 : i32
    %mul3A_33 = arith.muli %arg1, %mul3A_32 : i32
    "tpu.region"() ({
      %run_scoped3A = tpu.sem_alloc : memref<!tpu.dma_semaphore, #tpu.memory_space<semaphore_mem>>
      %dma_start3A = arith.constant 0 : i32
      %dma_start3A_34 = tpu.memref_slice %arg7[%arg0, %mul3A_33, %dma_start3A] : memref<2x10240x128xf32, #tpu.memory_space<hbm>> -> memref<1x640x128xf32, #tpu.memory_space<hbm>>
      %dma_start3A_35 = tpu.memref_squeeze %dma_start3A_34 : memref<1x640x128xf32, #tpu.memory_space<hbm>> -> memref<640x128xf32, #tpu.memory_space<hbm>>
      %dma_start3A_36 = arith.constant 0 : i32
      %dma_start3A_37 = tpu.memref_slice %arg13[%mul3A_31, %dma_start3A_36] : memref<10240x128xf32, #tpu.memory_space<vmem_shared>> -> memref<640x128xf32, #tpu.memory_space<vmem_shared>>
      tpu.enqueue_dma source(%dma_start3A_37 : memref<640x128xf32, #tpu.memory_space<vmem_shared>>) target(%dma_start3A_35 : memref<640x128xf32, #tpu.memory_space<hbm>>) target_semaphore(%run_scoped3A : memref<!tpu.dma_semaphore, #tpu.memory_space<semaphore_mem>>)
      %dma_wait3A = arith.constant 0 : i32
      %dma_wait3A_38 = tpu.memref_slice %arg7[%arg0, %mul3A_33, %dma_wait3A] : memref<2x10240x128xf32, #tpu.memory_space<hbm>> -> memref<1x640x128xf32, #tpu.memory_space<hbm>>
      %dma_wait3A_39 = tpu.memref_squeeze %dma_wait3A_38 : memref<1x640x128xf32, #tpu.memory_space<hbm>> -> memref<640x128xf32, #tpu.memory_space<hbm>>
      %dma_wait3A_40 = arith.constant 0 : i32
      %dma_wait3A_41 = tpu.memref_slice %arg13[%mul3A_31, %dma_wait3A_40] : memref<10240x128xf32, #tpu.memory_space<vmem_shared>> -> memref<640x128xf32, #tpu.memory_space<vmem_shared>>
      tpu.wait_dma2 semaphore(%run_scoped3A : memref<!tpu.dma_semaphore, #tpu.memory_space<semaphore_mem>>) src(%dma_wait3A_41 : memref<640x128xf32, #tpu.memory_space<vmem_shared>>) dst(%dma_wait3A_39 : memref<640x128xf32, #tpu.memory_space<hbm>>)
      tpu.yield
    }) : () -> ()
    return
  }
}

#map = affine_map<(d0, d1) -> (0, 0)>
#map1 = affine_map<(d0, d1) -> (0, 0, 0)>
#map2 = affine_map<(d0, d1) -> (0)>
module attributes {stable_mosaic.version = 14 : i64} {
  func.func @_aggc_body(%arg0: i32, %arg1: i32, %arg2: memref<10000x128xf32, #tpu.memory_space<hbm>>, %arg3: memref<32x80x128xi32, #tpu.memory_space<hbm>>, %arg4: memref<32x80x128xi32, #tpu.memory_space<hbm>>, %arg5: memref<32x80x128xf32, #tpu.memory_space<hbm>>, %arg6: memref<10000xf32, #tpu.memory_space<hbm>>, %arg7: memref<2x1024x128xf32, #tpu.memory_space<hbm>>, %arg8: memref<16x128xi32, #tpu.memory_space<vmem>>, %arg9: memref<16x128xi32, #tpu.memory_space<vmem>>, %arg10: memref<16x128xf32, #tpu.memory_space<vmem>>, %arg11: memref<128xi32, #tpu.memory_space<vmem>>, %arg12: memref<128xi32, #tpu.memory_space<vmem>>, %arg13: memref<10000xf32, #tpu.memory_space<vmem>>, %arg14: memref<128x128xf32, #tpu.memory_space<vmem>>, %arg15: memref<1024x128xf32, #tpu.memory_space<vmem_shared>>, %arg16: memref<!tpu.dma_semaphore, #tpu.memory_space<semaphore_mem>>) attributes {dimension_semantics = [#tpu.dimension_semantics<core_parallel>, #tpu.dimension_semantics<subcore_parallel>], iteration_bounds = array<i64: 2, 16>, scalar_prefetch = 0 : i64, scratch_operands = 9 : i64, tpu.core_type = #tpu.core_type<sc_vector_subcore>, window_params = [{transform_indices = #map}, {transform_indices = #map1}, {transform_indices = #map1}, {transform_indices = #map1}, {transform_indices = #map2}, {transform_indices = #map1}]} {
    %mul3A = arith.constant 16 : i32
    %mul3A_0 = arith.muli %arg0, %mul3A : i32
    %add3A = arith.addi %mul3A_0, %arg1 : i32
    "tpu.region"() ({
      %run_scoped3A = tpu.sem_alloc : memref<!tpu.dma_semaphore, #tpu.memory_space<semaphore_mem>>
      tpu.enqueue_dma source(%arg6 : memref<10000xf32, #tpu.memory_space<hbm>>) target(%arg13 : memref<10000xf32, #tpu.memory_space<vmem>>) target_semaphore(%run_scoped3A : memref<!tpu.dma_semaphore, #tpu.memory_space<semaphore_mem>>)
      tpu.wait_dma2 semaphore(%run_scoped3A : memref<!tpu.dma_semaphore, #tpu.memory_space<semaphore_mem>>) src(%arg6 : memref<10000xf32, #tpu.memory_space<hbm>>) dst(%arg13 : memref<10000xf32, #tpu.memory_space<vmem>>)
      tpu.yield
    }) : () -> ()
    %broadcast_in_dim3A = arith.constant 0.000000e+00 : f32
    %broadcast_in_dim3A_1 = vector.broadcast %broadcast_in_dim3A : f32 to vector<16xf32>
    %parallel_loop3A = arith.constant 0 : i32
    %parallel_loop3A_2 = arith.constant 64 : i32
    %parallel_loop3A_3 = arith.constant 1 : i32
    scf.for %parallel_loop3A_16 = %parallel_loop3A to %parallel_loop3A_2 step %parallel_loop3A_3  : i32 {
      %parallel_loop3A_17 = arith.index_cast %parallel_loop3A_16 : i32 to index
      %parallel_loop3A_18 = arith.constant 0 : index
      %parallel_loop3A_19 = tpu.vector_load %arg14[%parallel_loop3A_17, %parallel_loop3A_18] {strides = array<i32>} : memref<128x128xf32, #tpu.memory_space<vmem>>, vector<16xf32>,
      tpu.vector_store %arg14[%parallel_loop3A_17, %parallel_loop3A_18], %broadcast_in_dim3A_1 {strides = array<i32>} : memref<128x128xf32, #tpu.memory_space<vmem>>, vector<16xf32>,
      %parallel_loop3A_20 = arith.index_cast %parallel_loop3A_16 : i32 to index
      %parallel_loop3A_21 = arith.constant 16 : index
      %parallel_loop3A_22 = tpu.vector_load %arg14[%parallel_loop3A_20, %parallel_loop3A_21] {strides = array<i32>} : memref<128x128xf32, #tpu.memory_space<vmem>>, vector<16xf32>,
      tpu.vector_store %arg14[%parallel_loop3A_20, %parallel_loop3A_21], %broadcast_in_dim3A_1 {strides = array<i32>} : memref<128x128xf32, #tpu.memory_space<vmem>>, vector<16xf32>,
      %parallel_loop3A_23 = arith.index_cast %parallel_loop3A_16 : i32 to index
      %parallel_loop3A_24 = arith.constant 32 : index
      %parallel_loop3A_25 = tpu.vector_load %arg14[%parallel_loop3A_23, %parallel_loop3A_24] {strides = array<i32>} : memref<128x128xf32, #tpu.memory_space<vmem>>, vector<16xf32>,
      tpu.vector_store %arg14[%parallel_loop3A_23, %parallel_loop3A_24], %broadcast_in_dim3A_1 {strides = array<i32>} : memref<128x128xf32, #tpu.memory_space<vmem>>, vector<16xf32>,
      %parallel_loop3A_26 = arith.index_cast %parallel_loop3A_16 : i32 to index
      %parallel_loop3A_27 = arith.constant 48 : index
      %parallel_loop3A_28 = tpu.vector_load %arg14[%parallel_loop3A_26, %parallel_loop3A_27] {strides = array<i32>} : memref<128x128xf32, #tpu.memory_space<vmem>>, vector<16xf32>,
      tpu.vector_store %arg14[%parallel_loop3A_26, %parallel_loop3A_27], %broadcast_in_dim3A_1 {strides = array<i32>} : memref<128x128xf32, #tpu.memory_space<vmem>>, vector<16xf32>,
      %parallel_loop3A_29 = arith.index_cast %parallel_loop3A_16 : i32 to index
      %parallel_loop3A_30 = arith.constant 64 : index
      %parallel_loop3A_31 = tpu.vector_load %arg14[%parallel_loop3A_29, %parallel_loop3A_30] {strides = array<i32>} : memref<128x128xf32, #tpu.memory_space<vmem>>, vector<16xf32>,
      tpu.vector_store %arg14[%parallel_loop3A_29, %parallel_loop3A_30], %broadcast_in_dim3A_1 {strides = array<i32>} : memref<128x128xf32, #tpu.memory_space<vmem>>, vector<16xf32>,
      %parallel_loop3A_32 = arith.index_cast %parallel_loop3A_16 : i32 to index
      %parallel_loop3A_33 = arith.constant 80 : index
      %parallel_loop3A_34 = tpu.vector_load %arg14[%parallel_loop3A_32, %parallel_loop3A_33] {strides = array<i32>} : memref<128x128xf32, #tpu.memory_space<vmem>>, vector<16xf32>,
      tpu.vector_store %arg14[%parallel_loop3A_32, %parallel_loop3A_33], %broadcast_in_dim3A_1 {strides = array<i32>} : memref<128x128xf32, #tpu.memory_space<vmem>>, vector<16xf32>,
      %parallel_loop3A_35 = arith.index_cast %parallel_loop3A_16 : i32 to index
      %parallel_loop3A_36 = arith.constant 96 : index
      %parallel_loop3A_37 = tpu.vector_load %arg14[%parallel_loop3A_35, %parallel_loop3A_36] {strides = array<i32>} : memref<128x128xf32, #tpu.memory_space<vmem>>, vector<16xf32>,
      tpu.vector_store %arg14[%parallel_loop3A_35, %parallel_loop3A_36], %broadcast_in_dim3A_1 {strides = array<i32>} : memref<128x128xf32, #tpu.memory_space<vmem>>, vector<16xf32>,
      %parallel_loop3A_38 = arith.index_cast %parallel_loop3A_16 : i32 to index
      %parallel_loop3A_39 = arith.constant 112 : index
      %parallel_loop3A_40 = tpu.vector_load %arg14[%parallel_loop3A_38, %parallel_loop3A_39] {strides = array<i32>} : memref<128x128xf32, #tpu.memory_space<vmem>>, vector<16xf32>,
      tpu.vector_store %arg14[%parallel_loop3A_38, %parallel_loop3A_39], %broadcast_in_dim3A_1 {strides = array<i32>} : memref<128x128xf32, #tpu.memory_space<vmem>>, vector<16xf32>,
    } {sc.loop_unroll_factor = 4 : i64, sc.parallel_access}
    %mul3A_4 = arith.constant 64 : i32
    %mul3A_5 = arith.muli %arg1, %mul3A_4 : i32
    "tpu.region"() ({
      %run_scoped3A = tpu.sem_alloc : memref<!tpu.dma_semaphore, #tpu.memory_space<semaphore_mem>>
      %dma_start3A = arith.constant 0 : i32
      %dma_start3A_16 = arith.constant 0 : i32
      %dma_start3A_17 = tpu.memref_slice %arg14[%dma_start3A, %dma_start3A_16] : memref<128x128xf32, #tpu.memory_space<vmem>> -> memref<64x128xf32, #tpu.memory_space<vmem>>
      %dma_start3A_18 = arith.constant 0 : i32
      %dma_start3A_19 = tpu.memref_slice %arg15[%mul3A_5, %dma_start3A_18] : memref<1024x128xf32, #tpu.memory_space<vmem_shared>> -> memref<64x128xf32, #tpu.memory_space<vmem_shared>>
      %dma_start3A_20 = arith.constant 0 : i32
      %dma_start3A_21 = tpu.memref_slice %arg15[%mul3A_5, %dma_start3A_20] : memref<1024x128xf32, #tpu.memory_space<vmem_shared>> -> memref<64x128xf32, #tpu.memory_space<vmem_shared>>
      %dma_start3A_22 = arith.constant 0 : i32
      %dma_start3A_23 = arith.constant 0 : i32
      %dma_start3A_24 = tpu.memref_slice %arg14[%dma_start3A_22, %dma_start3A_23] : memref<128x128xf32, #tpu.memory_space<vmem>> -> memref<64x128xf32, #tpu.memory_space<vmem>>
      tpu.enqueue_dma source(%dma_start3A_24 : memref<64x128xf32, #tpu.memory_space<vmem>>) target(%dma_start3A_21 : memref<64x128xf32, #tpu.memory_space<vmem_shared>>) target_semaphore(%run_scoped3A : memref<!tpu.dma_semaphore, #tpu.memory_space<semaphore_mem>>)
      %dma_wait3A = arith.constant 0 : i32
      %dma_wait3A_25 = arith.constant 0 : i32
      %dma_wait3A_26 = tpu.memref_slice %arg14[%dma_wait3A, %dma_wait3A_25] : memref<128x128xf32, #tpu.memory_space<vmem>> -> memref<64x128xf32, #tpu.memory_space<vmem>>
      %dma_wait3A_27 = arith.constant 0 : i32
      %dma_wait3A_28 = tpu.memref_slice %arg15[%mul3A_5, %dma_wait3A_27] : memref<1024x128xf32, #tpu.memory_space<vmem_shared>> -> memref<64x128xf32, #tpu.memory_space<vmem_shared>>
      %dma_wait3A_29 = arith.constant 0 : i32
      %dma_wait3A_30 = tpu.memref_slice %arg15[%mul3A_5, %dma_wait3A_29] : memref<1024x128xf32, #tpu.memory_space<vmem_shared>> -> memref<64x128xf32, #tpu.memory_space<vmem_shared>>
      %dma_wait3A_31 = arith.constant 0 : i32
      %dma_wait3A_32 = arith.constant 0 : i32
      %dma_wait3A_33 = tpu.memref_slice %arg14[%dma_wait3A_31, %dma_wait3A_32] : memref<128x128xf32, #tpu.memory_space<vmem>> -> memref<64x128xf32, #tpu.memory_space<vmem>>
      tpu.wait_dma2 semaphore(%run_scoped3A : memref<!tpu.dma_semaphore, #tpu.memory_space<semaphore_mem>>) src(%dma_wait3A_33 : memref<64x128xf32, #tpu.memory_space<vmem>>) dst(%dma_wait3A_30 : memref<64x128xf32, #tpu.memory_space<vmem_shared>>)
      tpu.yield
    }) : () -> ()
    %barrier3A = arith.constant 0 : index
    tpu.barrier barrier_id(%barrier3A)
    %scan3A = arith.constant 0 : i32
    %scan3A_6 = arith.constant 0 : i32
    %scan3A_7 = arith.constant 5 : i32
    %scan3A_8 = arith.addi %scan3A_6, %scan3A_7 : i32
    %scan3A_9 = arith.constant 1 : i32
    scf.for %scan3A_16 = %scan3A_6 to %scan3A_8 step %scan3A_9  : i32 {
      %mul3A_17 = arith.constant 16 : i32
      %mul3A_18 = arith.muli %scan3A_16, %mul3A_17 : i32
      "tpu.region"() ({
        %run_scoped3A = tpu.sem_alloc : memref<!tpu.dma_semaphore, #tpu.memory_space<semaphore_mem>>
        %dma_start3A = arith.constant 0 : i32
        %dma_start3A_29 = tpu.memref_slice %arg3[%add3A, %mul3A_18, %dma_start3A] : memref<32x80x128xi32, #tpu.memory_space<hbm>> -> memref<1x16x128xi32, #tpu.memory_space<hbm>>
        %dma_start3A_30 = tpu.memref_squeeze %dma_start3A_29 : memref<1x16x128xi32, #tpu.memory_space<hbm>> -> memref<16x128xi32, #tpu.memory_space<hbm>>
        %dma_start3A_31 = arith.constant 0 : i32
        %dma_start3A_32 = tpu.memref_slice %arg3[%add3A, %mul3A_18, %dma_start3A_31] : memref<32x80x128xi32, #tpu.memory_space<hbm>> -> memref<1x16x128xi32, #tpu.memory_space<hbm>>
        %dma_start3A_33 = tpu.memref_squeeze %dma_start3A_32 : memref<1x16x128xi32, #tpu.memory_space<hbm>> -> memref<16x128xi32, #tpu.memory_space<hbm>>
        tpu.enqueue_dma source(%dma_start3A_33 : memref<16x128xi32, #tpu.memory_space<hbm>>) target(%arg8 : memref<16x128xi32, #tpu.memory_space<vmem>>) target_semaphore(%run_scoped3A : memref<!tpu.dma_semaphore, #tpu.memory_space<semaphore_mem>>)
        %dma_wait3A = arith.constant 0 : i32
        %dma_wait3A_34 = tpu.memref_slice %arg3[%add3A, %mul3A_18, %dma_wait3A] : memref<32x80x128xi32, #tpu.memory_space<hbm>> -> memref<1x16x128xi32, #tpu.memory_space<hbm>>
        %dma_wait3A_35 = tpu.memref_squeeze %dma_wait3A_34 : memref<1x16x128xi32, #tpu.memory_space<hbm>> -> memref<16x128xi32, #tpu.memory_space<hbm>>
        %dma_wait3A_36 = arith.constant 0 : i32
        %dma_wait3A_37 = tpu.memref_slice %arg3[%add3A, %mul3A_18, %dma_wait3A_36] : memref<32x80x128xi32, #tpu.memory_space<hbm>> -> memref<1x16x128xi32, #tpu.memory_space<hbm>>
        %dma_wait3A_38 = tpu.memref_squeeze %dma_wait3A_37 : memref<1x16x128xi32, #tpu.memory_space<hbm>> -> memref<16x128xi32, #tpu.memory_space<hbm>>
        tpu.wait_dma2 semaphore(%run_scoped3A : memref<!tpu.dma_semaphore, #tpu.memory_space<semaphore_mem>>) src(%dma_wait3A_38 : memref<16x128xi32, #tpu.memory_space<hbm>>) dst(%arg8 : memref<16x128xi32, #tpu.memory_space<vmem>>)
        tpu.yield
      }) : () -> ()
      %mul3A_19 = arith.constant 16 : i32
      %mul3A_20 = arith.muli %scan3A_16, %mul3A_19 : i32
      "tpu.region"() ({
        %run_scoped3A = tpu.sem_alloc : memref<!tpu.dma_semaphore, #tpu.memory_space<semaphore_mem>>
        %dma_start3A = arith.constant 0 : i32
        %dma_start3A_29 = tpu.memref_slice %arg4[%add3A, %mul3A_20, %dma_start3A] : memref<32x80x128xi32, #tpu.memory_space<hbm>> -> memref<1x16x128xi32, #tpu.memory_space<hbm>>
        %dma_start3A_30 = tpu.memref_squeeze %dma_start3A_29 : memref<1x16x128xi32, #tpu.memory_space<hbm>> -> memref<16x128xi32, #tpu.memory_space<hbm>>
        %dma_start3A_31 = arith.constant 0 : i32
        %dma_start3A_32 = tpu.memref_slice %arg4[%add3A, %mul3A_20, %dma_start3A_31] : memref<32x80x128xi32, #tpu.memory_space<hbm>> -> memref<1x16x128xi32, #tpu.memory_space<hbm>>
        %dma_start3A_33 = tpu.memref_squeeze %dma_start3A_32 : memref<1x16x128xi32, #tpu.memory_space<hbm>> -> memref<16x128xi32, #tpu.memory_space<hbm>>
        tpu.enqueue_dma source(%dma_start3A_33 : memref<16x128xi32, #tpu.memory_space<hbm>>) target(%arg9 : memref<16x128xi32, #tpu.memory_space<vmem>>) target_semaphore(%run_scoped3A : memref<!tpu.dma_semaphore, #tpu.memory_space<semaphore_mem>>)
        %dma_wait3A = arith.constant 0 : i32
        %dma_wait3A_34 = tpu.memref_slice %arg4[%add3A, %mul3A_20, %dma_wait3A] : memref<32x80x128xi32, #tpu.memory_space<hbm>> -> memref<1x16x128xi32, #tpu.memory_space<hbm>>
        %dma_wait3A_35 = tpu.memref_squeeze %dma_wait3A_34 : memref<1x16x128xi32, #tpu.memory_space<hbm>> -> memref<16x128xi32, #tpu.memory_space<hbm>>
        %dma_wait3A_36 = arith.constant 0 : i32
        %dma_wait3A_37 = tpu.memref_slice %arg4[%add3A, %mul3A_20, %dma_wait3A_36] : memref<32x80x128xi32, #tpu.memory_space<hbm>> -> memref<1x16x128xi32, #tpu.memory_space<hbm>>
        %dma_wait3A_38 = tpu.memref_squeeze %dma_wait3A_37 : memref<1x16x128xi32, #tpu.memory_space<hbm>> -> memref<16x128xi32, #tpu.memory_space<hbm>>
        tpu.wait_dma2 semaphore(%run_scoped3A : memref<!tpu.dma_semaphore, #tpu.memory_space<semaphore_mem>>) src(%dma_wait3A_38 : memref<16x128xi32, #tpu.memory_space<hbm>>) dst(%arg9 : memref<16x128xi32, #tpu.memory_space<vmem>>)
        tpu.yield
      }) : () -> ()
      %mul3A_21 = arith.constant 16 : i32
      %mul3A_22 = arith.muli %scan3A_16, %mul3A_21 : i32
      "tpu.region"() ({
        %run_scoped3A = tpu.sem_alloc : memref<!tpu.dma_semaphore, #tpu.memory_space<semaphore_mem>>
        %dma_start3A = arith.constant 0 : i32
        %dma_start3A_29 = tpu.memref_slice %arg5[%add3A, %mul3A_22, %dma_start3A] : memref<32x80x128xf32, #tpu.memory_space<hbm>> -> memref<1x16x128xf32, #tpu.memory_space<hbm>>
        %dma_start3A_30 = tpu.memref_squeeze %dma_start3A_29 : memref<1x16x128xf32, #tpu.memory_space<hbm>> -> memref<16x128xf32, #tpu.memory_space<hbm>>
        %dma_start3A_31 = arith.constant 0 : i32
        %dma_start3A_32 = tpu.memref_slice %arg5[%add3A, %mul3A_22, %dma_start3A_31] : memref<32x80x128xf32, #tpu.memory_space<hbm>> -> memref<1x16x128xf32, #tpu.memory_space<hbm>>
        %dma_start3A_33 = tpu.memref_squeeze %dma_start3A_32 : memref<1x16x128xf32, #tpu.memory_space<hbm>> -> memref<16x128xf32, #tpu.memory_space<hbm>>
        tpu.enqueue_dma source(%dma_start3A_33 : memref<16x128xf32, #tpu.memory_space<hbm>>) target(%arg10 : memref<16x128xf32, #tpu.memory_space<vmem>>) target_semaphore(%run_scoped3A : memref<!tpu.dma_semaphore, #tpu.memory_space<semaphore_mem>>)
        %dma_wait3A = arith.constant 0 : i32
        %dma_wait3A_34 = tpu.memref_slice %arg5[%add3A, %mul3A_22, %dma_wait3A] : memref<32x80x128xf32, #tpu.memory_space<hbm>> -> memref<1x16x128xf32, #tpu.memory_space<hbm>>
        %dma_wait3A_35 = tpu.memref_squeeze %dma_wait3A_34 : memref<1x16x128xf32, #tpu.memory_space<hbm>> -> memref<16x128xf32, #tpu.memory_space<hbm>>
        %dma_wait3A_36 = arith.constant 0 : i32
        %dma_wait3A_37 = tpu.memref_slice %arg5[%add3A, %mul3A_22, %dma_wait3A_36] : memref<32x80x128xf32, #tpu.memory_space<hbm>> -> memref<1x16x128xf32, #tpu.memory_space<hbm>>
        %dma_wait3A_38 = tpu.memref_squeeze %dma_wait3A_37 : memref<1x16x128xf32, #tpu.memory_space<hbm>> -> memref<16x128xf32, #tpu.memory_space<hbm>>
        tpu.wait_dma2 semaphore(%run_scoped3A : memref<!tpu.dma_semaphore, #tpu.memory_space<semaphore_mem>>) src(%dma_wait3A_38 : memref<16x128xf32, #tpu.memory_space<hbm>>) dst(%arg10 : memref<16x128xf32, #tpu.memory_space<vmem>>)
        tpu.yield
      }) : () -> ()
      %scan3A_23 = arith.constant 0 : i32
      %scan3A_24 = arith.constant 0 : i32
      %scan3A_25 = arith.constant 16 : i32
      %scan3A_26 = arith.addi %scan3A_24, %scan3A_25 : i32
      %scan3A_27 = arith.constant 1 : i32
      scf.for %scan3A_29 = %scan3A_24 to %scan3A_26 step %scan3A_27  : i32 {
        %parallel_loop3A_30 = arith.constant 0 : i32
        %parallel_loop3A_31 = arith.constant 8 : i32
        %parallel_loop3A_32 = arith.constant 1 : i32
        scf.for %parallel_loop3A_44 = %parallel_loop3A_30 to %parallel_loop3A_31 step %parallel_loop3A_32  : i32 {
          %parallel_loop3A_45 = arith.constant 16 : i32
          %parallel_loop3A_46 = arith.muli %parallel_loop3A_44, %parallel_loop3A_45 : i32
          %parallel_loop3A_47 = arith.index_cast %scan3A_29 : i32 to index
          %parallel_loop3A_48 = arith.index_cast %parallel_loop3A_46 : i32 to index
          %parallel_loop3A_49 = tpu.vector_load %arg9[%parallel_loop3A_47, %parallel_loop3A_48] {strides = array<i32>} : memref<16x128xi32, #tpu.memory_space<vmem>>, vector<16xi32>,
          %parallel_loop3A_50 = arith.constant 16 : i32
          %parallel_loop3A_51 = arith.muli %parallel_loop3A_44, %parallel_loop3A_50 : i32
          %parallel_loop3A_52 = arith.index_cast %scan3A_29 : i32 to index
          %parallel_loop3A_53 = arith.index_cast %parallel_loop3A_51 : i32 to index
          %parallel_loop3A_54 = tpu.vector_load %arg8[%parallel_loop3A_52, %parallel_loop3A_53] {strides = array<i32>} : memref<16x128xi32, #tpu.memory_space<vmem>>, vector<16xi32>,
          %parallel_loop3A_55 = arith.constant 10 : i32
          %parallel_loop3A_56 = vector.broadcast %parallel_loop3A_55 : i32 to vector<16xi32>
          %parallel_loop3A_57 = arith.divsi %parallel_loop3A_49, %parallel_loop3A_56 : vector<16xi32>
          %parallel_loop3A_58 = arith.constant 0 : i32
          %parallel_loop3A_59 = vector.broadcast %parallel_loop3A_58 : i32 to vector<16xi32>
          %parallel_loop3A_60 = arith.cmpi sgt, %parallel_loop3A_49, %parallel_loop3A_59 : vector<16xi32>
          %parallel_loop3A_61 = arith.extui %parallel_loop3A_60 : vector<16xi1> to vector<16xi32>
          %parallel_loop3A_62 = arith.constant 0 : i32
          %parallel_loop3A_63 = vector.broadcast %parallel_loop3A_62 : i32 to vector<16xi32>
          %parallel_loop3A_64 = arith.cmpi slt, %parallel_loop3A_49, %parallel_loop3A_63 : vector<16xi32>
          %parallel_loop3A_65 = arith.extui %parallel_loop3A_64 : vector<16xi1> to vector<16xi32>
          %parallel_loop3A_66 = arith.subi %parallel_loop3A_61, %parallel_loop3A_65 : vector<16xi32>
          %parallel_loop3A_67 = arith.constant 0 : i32
          %parallel_loop3A_68 = arith.cmpi sgt, %parallel_loop3A_55, %parallel_loop3A_67 : i32
          %parallel_loop3A_69 = arith.extui %parallel_loop3A_68 : i1 to i32
          %parallel_loop3A_70 = arith.constant 0 : i32
          %parallel_loop3A_71 = arith.cmpi slt, %parallel_loop3A_55, %parallel_loop3A_70 : i32
          %parallel_loop3A_72 = arith.extui %parallel_loop3A_71 : i1 to i32
          %parallel_loop3A_73 = arith.subi %parallel_loop3A_69, %parallel_loop3A_72 : i32
          %parallel_loop3A_74 = vector.broadcast %parallel_loop3A_73 : i32 to vector<16xi32>
          %parallel_loop3A_75 = arith.cmpi ne, %parallel_loop3A_66, %parallel_loop3A_74 : vector<16xi32>
          %parallel_loop3A_76 = vector.broadcast %parallel_loop3A_55 : i32 to vector<16xi32>
          %parallel_loop3A_77 = arith.remsi %parallel_loop3A_49, %parallel_loop3A_76 : vector<16xi32>
          %parallel_loop3A_78 = arith.constant 0 : i32
          %parallel_loop3A_79 = vector.broadcast %parallel_loop3A_78 : i32 to vector<16xi32>
          %parallel_loop3A_80 = arith.cmpi ne, %parallel_loop3A_77, %parallel_loop3A_79 : vector<16xi32>
          %parallel_loop3A_81 = arith.andi %parallel_loop3A_75, %parallel_loop3A_80 : vector<16xi1>
          %parallel_loop3A_82 = arith.constant 1 : i32
          %parallel_loop3A_83 = vector.broadcast %parallel_loop3A_82 : i32 to vector<16xi32>
          %parallel_loop3A_84 = arith.subi %parallel_loop3A_57, %parallel_loop3A_83 : vector<16xi32>
          %parallel_loop3A_85 = arith.select %parallel_loop3A_81, %parallel_loop3A_84, %parallel_loop3A_57 : vector<16xi1>, vector<16xi32>
          %parallel_loop3A_86 = arith.constant 10 : i32
          %parallel_loop3A_87 = vector.broadcast %parallel_loop3A_86 : i32 to vector<16xi32>
          %parallel_loop3A_88 = arith.muli %parallel_loop3A_85, %parallel_loop3A_87 : vector<16xi32>
          %parallel_loop3A_89 = arith.cmpi eq, %parallel_loop3A_49, %parallel_loop3A_88 : vector<16xi32>
          %parallel_loop3A_90 = arith.constant -1 : i32
          %parallel_loop3A_91 = vector.broadcast %parallel_loop3A_90 : i32 to vector<16xi32>
          %parallel_loop3A_92 = arith.select %parallel_loop3A_89, %parallel_loop3A_85, %parallel_loop3A_91 : vector<16xi1>, vector<16xi32>
          %parallel_loop3A_93 = arith.constant 16 : i32
          %parallel_loop3A_94 = arith.muli %parallel_loop3A_44, %parallel_loop3A_93 : i32
          %parallel_loop3A_95 = arith.index_cast %parallel_loop3A_94 : i32 to index
          %parallel_loop3A_96 = tpu.vector_load %arg12[%parallel_loop3A_95] {strides = array<i32>} : memref<128xi32, #tpu.memory_space<vmem>>, vector<16xi32>,
          tpu.vector_store %arg12[%parallel_loop3A_95], %parallel_loop3A_92 {strides = array<i32>} : memref<128xi32, #tpu.memory_space<vmem>>, vector<16xi32>,
          %parallel_loop3A_97 = arith.constant -1 : i32
          %parallel_loop3A_98 = vector.broadcast %parallel_loop3A_97 : i32 to vector<16xi32>
          %parallel_loop3A_99 = arith.select %parallel_loop3A_89, %parallel_loop3A_54, %parallel_loop3A_98 : vector<16xi1>, vector<16xi32>
          %parallel_loop3A_100 = arith.constant 16 : i32
          %parallel_loop3A_101 = arith.muli %parallel_loop3A_44, %parallel_loop3A_100 : i32
          %parallel_loop3A_102 = arith.index_cast %parallel_loop3A_101 : i32 to index
          %parallel_loop3A_103 = tpu.vector_load %arg11[%parallel_loop3A_102] {strides = array<i32>} : memref<128xi32, #tpu.memory_space<vmem>>, vector<16xi32>,
          tpu.vector_store %arg11[%parallel_loop3A_102], %parallel_loop3A_99 {strides = array<i32>} : memref<128xi32, #tpu.memory_space<vmem>>, vector<16xi32>,
        } {sc.loop_unroll_factor = 1 : i64, sc.parallel_access}
        %dma_start3A = arith.constant 0 : i32
        %dma_start3A_33 = arith.constant 0 : i32
        %dma_start3A_34 = tpu.memref_slice %arg2[%dma_start3A, %dma_start3A_33] : memref<10000x128xf32, #tpu.memory_space<hbm>> -> memref<10000x128xf32, #tpu.memory_space<hbm>>
        %dma_start3A_35 = arith.constant -1 : i32
        tpu.enqueue_indirect_dma source(%dma_start3A_34 : memref<10000x128xf32, #tpu.memory_space<hbm>>) target(%arg14 : memref<128x128xf32, #tpu.memory_space<vmem>>) offsets(%arg11 : memref<128xi32, #tpu.memory_space<vmem>>) offset_filter(%dma_start3A_35) semaphore(%arg16 : memref<!tpu.dma_semaphore, #tpu.memory_space<semaphore_mem>>)
        %dma_wait3A = arith.constant 0 : i32
        %dma_wait3A_36 = arith.constant 0 : i32
        %dma_wait3A_37 = tpu.memref_slice %arg2[%dma_wait3A, %dma_wait3A_36] : memref<10000x128xf32, #tpu.memory_space<hbm>> -> memref<10000x128xf32, #tpu.memory_space<hbm>>
        tpu.wait_indirect_dma semaphore(%arg16 : memref<!tpu.dma_semaphore, #tpu.memory_space<semaphore_mem>>) src(%dma_wait3A_37 : memref<10000x128xf32, #tpu.memory_space<hbm>>) dst(%arg14 : memref<128x128xf32, #tpu.memory_space<vmem>>)
        %scan3A_38 = arith.constant 0 : i32
        %scan3A_39 = arith.constant 0 : i32
        %scan3A_40 = arith.constant 8 : i32
        %scan3A_41 = arith.addi %scan3A_39, %scan3A_40 : i32
        %scan3A_42 = arith.constant 1 : i32
        scf.for %scan3A_44 = %scan3A_39 to %scan3A_41 step %scan3A_42  : i32 {
          %mul3A_45 = arith.constant 16 : i32
          %mul3A_46 = arith.muli %scan3A_44, %mul3A_45 : i32
          %get3A = arith.index_cast %scan3A_29 : i32 to index
          %get3A_47 = arith.index_cast %mul3A_46 : i32 to index
          %get3A_48 = tpu.vector_load %arg8[%get3A, %get3A_47] {strides = array<i32>} : memref<16x128xi32, #tpu.memory_space<vmem>>, vector<16xi32>,
          %mul3A_49 = arith.constant 16 : i32
          %mul3A_50 = arith.muli %scan3A_44, %mul3A_49 : i32
          %get3A_51 = arith.index_cast %mul3A_50 : i32 to index
          %get3A_52 = tpu.vector_load %arg12[%get3A_51] {strides = array<i32>} : memref<128xi32, #tpu.memory_space<vmem>>, vector<16xi32>,
          %mul3A_53 = arith.constant 16 : i32
          %mul3A_54 = arith.muli %scan3A_44, %mul3A_53 : i32
          %get3A_55 = arith.index_cast %scan3A_29 : i32 to index
          %get3A_56 = arith.index_cast %mul3A_54 : i32 to index
          %get3A_57 = tpu.vector_load %arg10[%get3A_55, %get3A_56] {strides = array<i32>} : memref<16x128xf32, #tpu.memory_space<vmem>>, vector<16xf32>,
          %gather3A = tpu.vector_load_idx %arg13[%get3A_48] : memref<10000xf32, #tpu.memory_space<vmem>>[vector<16xi32>], vector<16xf32>,
          %mul3A_58 = arith.mulf %gather3A, %get3A_57 : vector<16xf32>
          %mul3A_59 = arith.constant 16 : i32
          %mul3A_60 = arith.muli %scan3A_44, %mul3A_59 : i32
          %get3A_61 = arith.index_cast %scan3A_29 : i32 to index
          %get3A_62 = arith.index_cast %mul3A_60 : i32 to index
          %get3A_63 = tpu.vector_load %arg9[%get3A_61, %get3A_62] {strides = array<i32>} : memref<16x128xi32, #tpu.memory_space<vmem>>, vector<16xi32>,
          %gather3A_64 = tpu.vector_load_idx %arg13[%get3A_63] : memref<10000xf32, #tpu.memory_space<vmem>>[vector<16xi32>], vector<16xf32>,
          %mul3A_65 = arith.mulf %mul3A_58, %gather3A_64 : vector<16xf32>
          %slice3A = vector.extract_strided_slice %get3A_52 {offsets = [0], sizes = [1], strides = [1]} : vector<16xi32> to vector<1xi32>
          %squeeze3A = vector.extract %slice3A[0] : i32 from vector<1xi32>
          %ge3A = arith.constant 0 : i32
          %ge3A_66 = arith.cmpi sge, %squeeze3A, %ge3A : i32
          %convert_element_type3A = arith.extui %ge3A_66 : i1 to i32
          %cond3A = arith.constant 0 : i32
          %cond3A_67 = arith.cmpi ne, %convert_element_type3A, %cond3A : i32
          scf.if %cond3A_67 {
            %slice3A_173 = vector.extract_strided_slice %mul3A_65 {offsets = [0], sizes = [1], strides = [1]} : vector<16xf32> to vector<1xf32>
            %squeeze3A_174 = vector.extract %slice3A_173[0] : f32 from vector<1xf32>
            %broadcast_in_dim3A_175 = vector.broadcast %squeeze3A_174 : f32 to vector<16xf32>
            %mul3A_176 = arith.constant 16 : i32
            %mul3A_177 = arith.muli %scan3A_44, %mul3A_176 : i32
            %add3A_178 = arith.constant 0 : i32
            %add3A_179 = arith.addi %mul3A_177, %add3A_178 : i32
            %get3A_180 = arith.index_cast %add3A_179 : i32 to index
            %get3A_181 = arith.constant 0 : index
            %get3A_182 = tpu.vector_load %arg14[%get3A_180, %get3A_181] {strides = array<i32>} : memref<128x128xf32, #tpu.memory_space<vmem>>, vector<16xf32>,
            %mul3A_183 = arith.mulf %get3A_182, %broadcast_in_dim3A_175 : vector<16xf32>
            %swap3A = arith.index_cast %add3A_179 : i32 to index
            %swap3A_184 = arith.constant 0 : index
            %swap3A_185 = tpu.vector_load %arg14[%swap3A, %swap3A_184] {strides = array<i32>} : memref<128x128xf32, #tpu.memory_space<vmem>>, vector<16xf32>,
            tpu.vector_store %arg14[%swap3A, %swap3A_184], %mul3A_183 {strides = array<i32>} : memref<128x128xf32, #tpu.memory_space<vmem>>, vector<16xf32>,
            %get3A_186 = arith.index_cast %add3A_179 : i32 to index
            %get3A_187 = arith.constant 16 : index
            %get3A_188 = tpu.vector_load %arg14[%get3A_186, %get3A_187] {strides = array<i32>} : memref<128x128xf32, #tpu.memory_space<vmem>>, vector<16xf32>,
            %mul3A_189 = arith.mulf %get3A_188, %broadcast_in_dim3A_175 : vector<16xf32>
            %swap3A_190 = arith.index_cast %add3A_179 : i32 to index
            %swap3A_191 = arith.constant 16 : index
            %swap3A_192 = tpu.vector_load %arg14[%swap3A_190, %swap3A_191] {strides = array<i32>} : memref<128x128xf32, #tpu.memory_space<vmem>>, vector<16xf32>,
            tpu.vector_store %arg14[%swap3A_190, %swap3A_191], %mul3A_189 {strides = array<i32>} : memref<128x128xf32, #tpu.memory_space<vmem>>, vector<16xf32>,
            %get3A_193 = arith.index_cast %add3A_179 : i32 to index
            %get3A_194 = arith.constant 32 : index
            %get3A_195 = tpu.vector_load %arg14[%get3A_193, %get3A_194] {strides = array<i32>} : memref<128x128xf32, #tpu.memory_space<vmem>>, vector<16xf32>,
            %mul3A_196 = arith.mulf %get3A_195, %broadcast_in_dim3A_175 : vector<16xf32>
            %swap3A_197 = arith.index_cast %add3A_179 : i32 to index
            %swap3A_198 = arith.constant 32 : index
            %swap3A_199 = tpu.vector_load %arg14[%swap3A_197, %swap3A_198] {strides = array<i32>} : memref<128x128xf32, #tpu.memory_space<vmem>>, vector<16xf32>,
            tpu.vector_store %arg14[%swap3A_197, %swap3A_198], %mul3A_196 {strides = array<i32>} : memref<128x128xf32, #tpu.memory_space<vmem>>, vector<16xf32>,
            %get3A_200 = arith.index_cast %add3A_179 : i32 to index
            %get3A_201 = arith.constant 48 : index
            %get3A_202 = tpu.vector_load %arg14[%get3A_200, %get3A_201] {strides = array<i32>} : memref<128x128xf32, #tpu.memory_space<vmem>>, vector<16xf32>,
            %mul3A_203 = arith.mulf %get3A_202, %broadcast_in_dim3A_175 : vector<16xf32>
            %swap3A_204 = arith.index_cast %add3A_179 : i32 to index
            %swap3A_205 = arith.constant 48 : index
            %swap3A_206 = tpu.vector_load %arg14[%swap3A_204, %swap3A_205] {strides = array<i32>} : memref<128x128xf32, #tpu.memory_space<vmem>>, vector<16xf32>,
            tpu.vector_store %arg14[%swap3A_204, %swap3A_205], %mul3A_203 {strides = array<i32>} : memref<128x128xf32, #tpu.memory_space<vmem>>, vector<16xf32>,
            %get3A_207 = arith.index_cast %add3A_179 : i32 to index
            %get3A_208 = arith.constant 64 : index
            %get3A_209 = tpu.vector_load %arg14[%get3A_207, %get3A_208] {strides = array<i32>} : memref<128x128xf32, #tpu.memory_space<vmem>>, vector<16xf32>,
            %mul3A_210 = arith.mulf %get3A_209, %broadcast_in_dim3A_175 : vector<16xf32>
            %swap3A_211 = arith.index_cast %add3A_179 : i32 to index
            %swap3A_212 = arith.constant 64 : index
            %swap3A_213 = tpu.vector_load %arg14[%swap3A_211, %swap3A_212] {strides = array<i32>} : memref<128x128xf32, #tpu.memory_space<vmem>>, vector<16xf32>,
            tpu.vector_store %arg14[%swap3A_211, %swap3A_212], %mul3A_210 {strides = array<i32>} : memref<128x128xf32, #tpu.memory_space<vmem>>, vector<16xf32>,
            %get3A_214 = arith.index_cast %add3A_179 : i32 to index
            %get3A_215 = arith.constant 80 : index
            %get3A_216 = tpu.vector_load %arg14[%get3A_214, %get3A_215] {strides = array<i32>} : memref<128x128xf32, #tpu.memory_space<vmem>>, vector<16xf32>,
            %mul3A_217 = arith.mulf %get3A_216, %broadcast_in_dim3A_175 : vector<16xf32>
            %swap3A_218 = arith.index_cast %add3A_179 : i32 to index
            %swap3A_219 = arith.constant 80 : index
            %swap3A_220 = tpu.vector_load %arg14[%swap3A_218, %swap3A_219] {strides = array<i32>} : memref<128x128xf32, #tpu.memory_space<vmem>>, vector<16xf32>,
            tpu.vector_store %arg14[%swap3A_218, %swap3A_219], %mul3A_217 {strides = array<i32>} : memref<128x128xf32, #tpu.memory_space<vmem>>, vector<16xf32>,
            %get3A_221 = arith.index_cast %add3A_179 : i32 to index
            %get3A_222 = arith.constant 96 : index
            %get3A_223 = tpu.vector_load %arg14[%get3A_221, %get3A_222] {strides = array<i32>} : memref<128x128xf32, #tpu.memory_space<vmem>>, vector<16xf32>,
            %mul3A_224 = arith.mulf %get3A_223, %broadcast_in_dim3A_175 : vector<16xf32>
            %swap3A_225 = arith.index_cast %add3A_179 : i32 to index
            %swap3A_226 = arith.constant 96 : index
            %swap3A_227 = tpu.vector_load %arg14[%swap3A_225, %swap3A_226] {strides = array<i32>} : memref<128x128xf32, #tpu.memory_space<vmem>>, vector<16xf32>,
            tpu.vector_store %arg14[%swap3A_225, %swap3A_226], %mul3A_224 {strides = array<i32>} : memref<128x128xf32, #tpu.memory_space<vmem>>, vector<16xf32>,
            %get3A_228 = arith.index_cast %add3A_179 : i32 to index
            %get3A_229 = arith.constant 112 : index
            %get3A_230 = tpu.vector_load %arg14[%get3A_228, %get3A_229] {strides = array<i32>} : memref<128x128xf32, #tpu.memory_space<vmem>>, vector<16xf32>,
            %mul3A_231 = arith.mulf %get3A_230, %broadcast_in_dim3A_175 : vector<16xf32>
            %swap3A_232 = arith.index_cast %add3A_179 : i32 to index
            %swap3A_233 = arith.constant 112 : index
            %swap3A_234 = tpu.vector_load %arg14[%swap3A_232, %swap3A_233] {strides = array<i32>} : memref<128x128xf32, #tpu.memory_space<vmem>>, vector<16xf32>,
            tpu.vector_store %arg14[%swap3A_232, %swap3A_233], %mul3A_231 {strides = array<i32>} : memref<128x128xf32, #tpu.memory_space<vmem>>, vector<16xf32>,
          } else {
          }
          %slice3A_68 = vector.extract_strided_slice %get3A_52 {offsets = [1], sizes = [1], strides = [1]} : vector<16xi32> to vector<1xi32>
          %squeeze3A_69 = vector.extract %slice3A_68[0] : i32 from vector<1xi32>
          %ge3A_70 = arith.constant 0 : i32
          %ge3A_71 = arith.cmpi sge, %squeeze3A_69, %ge3A_70 : i32
          %convert_element_type3A_72 = arith.extui %ge3A_71 : i1 to i32
          %cond3A_73 = arith.constant 0 : i32
          %cond3A_74 = arith.cmpi ne, %convert_element_type3A_72, %cond3A_73 : i32
          scf.if %cond3A_74 {
            %slice3A_173 = vector.extract_strided_slice %mul3A_65 {offsets = [1], sizes = [1], strides = [1]} : vector<16xf32> to vector<1xf32>
            %squeeze3A_174 = vector.extract %slice3A_173[0] : f32 from vector<1xf32>
            %broadcast_in_dim3A_175 = vector.broadcast %squeeze3A_174 : f32 to vector<16xf32>
            %mul3A_176 = arith.constant 16 : i32
            %mul3A_177 = arith.muli %scan3A_44, %mul3A_176 : i32
            %add3A_178 = arith.constant 1 : i32
            %add3A_179 = arith.addi %mul3A_177, %add3A_178 : i32
            %get3A_180 = arith.index_cast %add3A_179 : i32 to index
            %get3A_181 = arith.constant 0 : index
            %get3A_182 = tpu.vector_load %arg14[%get3A_180, %get3A_181] {strides = array<i32>} : memref<128x128xf32, #tpu.memory_space<vmem>>, vector<16xf32>,
            %mul3A_183 = arith.mulf %get3A_182, %broadcast_in_dim3A_175 : vector<16xf32>
            %swap3A = arith.index_cast %add3A_179 : i32 to index
            %swap3A_184 = arith.constant 0 : index
            %swap3A_185 = tpu.vector_load %arg14[%swap3A, %swap3A_184] {strides = array<i32>} : memref<128x128xf32, #tpu.memory_space<vmem>>, vector<16xf32>,
            tpu.vector_store %arg14[%swap3A, %swap3A_184], %mul3A_183 {strides = array<i32>} : memref<128x128xf32, #tpu.memory_space<vmem>>, vector<16xf32>,
            %get3A_186 = arith.index_cast %add3A_179 : i32 to index
            %get3A_187 = arith.constant 16 : index
            %get3A_188 = tpu.vector_load %arg14[%get3A_186, %get3A_187] {strides = array<i32>} : memref<128x128xf32, #tpu.memory_space<vmem>>, vector<16xf32>,
            %mul3A_189 = arith.mulf %get3A_188, %broadcast_in_dim3A_175 : vector<16xf32>
            %swap3A_190 = arith.index_cast %add3A_179 : i32 to index
            %swap3A_191 = arith.constant 16 : index
            %swap3A_192 = tpu.vector_load %arg14[%swap3A_190, %swap3A_191] {strides = array<i32>} : memref<128x128xf32, #tpu.memory_space<vmem>>, vector<16xf32>,
            tpu.vector_store %arg14[%swap3A_190, %swap3A_191], %mul3A_189 {strides = array<i32>} : memref<128x128xf32, #tpu.memory_space<vmem>>, vector<16xf32>,
            %get3A_193 = arith.index_cast %add3A_179 : i32 to index
            %get3A_194 = arith.constant 32 : index
            %get3A_195 = tpu.vector_load %arg14[%get3A_193, %get3A_194] {strides = array<i32>} : memref<128x128xf32, #tpu.memory_space<vmem>>, vector<16xf32>,
            %mul3A_196 = arith.mulf %get3A_195, %broadcast_in_dim3A_175 : vector<16xf32>
            %swap3A_197 = arith.index_cast %add3A_179 : i32 to index
            %swap3A_198 = arith.constant 32 : index
            %swap3A_199 = tpu.vector_load %arg14[%swap3A_197, %swap3A_198] {strides = array<i32>} : memref<128x128xf32, #tpu.memory_space<vmem>>, vector<16xf32>,
            tpu.vector_store %arg14[%swap3A_197, %swap3A_198], %mul3A_196 {strides = array<i32>} : memref<128x128xf32, #tpu.memory_space<vmem>>, vector<16xf32>,
            %get3A_200 = arith.index_cast %add3A_179 : i32 to index
            %get3A_201 = arith.constant 48 : index
            %get3A_202 = tpu.vector_load %arg14[%get3A_200, %get3A_201] {strides = array<i32>} : memref<128x128xf32, #tpu.memory_space<vmem>>, vector<16xf32>,
            %mul3A_203 = arith.mulf %get3A_202, %broadcast_in_dim3A_175 : vector<16xf32>
            %swap3A_204 = arith.index_cast %add3A_179 : i32 to index
            %swap3A_205 = arith.constant 48 : index
            %swap3A_206 = tpu.vector_load %arg14[%swap3A_204, %swap3A_205] {strides = array<i32>} : memref<128x128xf32, #tpu.memory_space<vmem>>, vector<16xf32>,
            tpu.vector_store %arg14[%swap3A_204, %swap3A_205], %mul3A_203 {strides = array<i32>} : memref<128x128xf32, #tpu.memory_space<vmem>>, vector<16xf32>,
            %get3A_207 = arith.index_cast %add3A_179 : i32 to index
            %get3A_208 = arith.constant 64 : index
            %get3A_209 = tpu.vector_load %arg14[%get3A_207, %get3A_208] {strides = array<i32>} : memref<128x128xf32, #tpu.memory_space<vmem>>, vector<16xf32>,
            %mul3A_210 = arith.mulf %get3A_209, %broadcast_in_dim3A_175 : vector<16xf32>
            %swap3A_211 = arith.index_cast %add3A_179 : i32 to index
            %swap3A_212 = arith.constant 64 : index
            %swap3A_213 = tpu.vector_load %arg14[%swap3A_211, %swap3A_212] {strides = array<i32>} : memref<128x128xf32, #tpu.memory_space<vmem>>, vector<16xf32>,
            tpu.vector_store %arg14[%swap3A_211, %swap3A_212], %mul3A_210 {strides = array<i32>} : memref<128x128xf32, #tpu.memory_space<vmem>>, vector<16xf32>,
            %get3A_214 = arith.index_cast %add3A_179 : i32 to index
            %get3A_215 = arith.constant 80 : index
            %get3A_216 = tpu.vector_load %arg14[%get3A_214, %get3A_215] {strides = array<i32>} : memref<128x128xf32, #tpu.memory_space<vmem>>, vector<16xf32>,
            %mul3A_217 = arith.mulf %get3A_216, %broadcast_in_dim3A_175 : vector<16xf32>
            %swap3A_218 = arith.index_cast %add3A_179 : i32 to index
            %swap3A_219 = arith.constant 80 : index
            %swap3A_220 = tpu.vector_load %arg14[%swap3A_218, %swap3A_219] {strides = array<i32>} : memref<128x128xf32, #tpu.memory_space<vmem>>, vector<16xf32>,
            tpu.vector_store %arg14[%swap3A_218, %swap3A_219], %mul3A_217 {strides = array<i32>} : memref<128x128xf32, #tpu.memory_space<vmem>>, vector<16xf32>,
            %get3A_221 = arith.index_cast %add3A_179 : i32 to index
            %get3A_222 = arith.constant 96 : index
            %get3A_223 = tpu.vector_load %arg14[%get3A_221, %get3A_222] {strides = array<i32>} : memref<128x128xf32, #tpu.memory_space<vmem>>, vector<16xf32>,
            %mul3A_224 = arith.mulf %get3A_223, %broadcast_in_dim3A_175 : vector<16xf32>
            %swap3A_225 = arith.index_cast %add3A_179 : i32 to index
            %swap3A_226 = arith.constant 96 : index
            %swap3A_227 = tpu.vector_load %arg14[%swap3A_225, %swap3A_226] {strides = array<i32>} : memref<128x128xf32, #tpu.memory_space<vmem>>, vector<16xf32>,
            tpu.vector_store %arg14[%swap3A_225, %swap3A_226], %mul3A_224 {strides = array<i32>} : memref<128x128xf32, #tpu.memory_space<vmem>>, vector<16xf32>,
            %get3A_228 = arith.index_cast %add3A_179 : i32 to index
            %get3A_229 = arith.constant 112 : index
            %get3A_230 = tpu.vector_load %arg14[%get3A_228, %get3A_229] {strides = array<i32>} : memref<128x128xf32, #tpu.memory_space<vmem>>, vector<16xf32>,
            %mul3A_231 = arith.mulf %get3A_230, %broadcast_in_dim3A_175 : vector<16xf32>
            %swap3A_232 = arith.index_cast %add3A_179 : i32 to index
            %swap3A_233 = arith.constant 112 : index
            %swap3A_234 = tpu.vector_load %arg14[%swap3A_232, %swap3A_233] {strides = array<i32>} : memref<128x128xf32, #tpu.memory_space<vmem>>, vector<16xf32>,
            tpu.vector_store %arg14[%swap3A_232, %swap3A_233], %mul3A_231 {strides = array<i32>} : memref<128x128xf32, #tpu.memory_space<vmem>>, vector<16xf32>,
          } else {
          }
          %slice3A_75 = vector.extract_strided_slice %get3A_52 {offsets = [2], sizes = [1], strides = [1]} : vector<16xi32> to vector<1xi32>
          %squeeze3A_76 = vector.extract %slice3A_75[0] : i32 from vector<1xi32>
          %ge3A_77 = arith.constant 0 : i32
          %ge3A_78 = arith.cmpi sge, %squeeze3A_76, %ge3A_77 : i32
          %convert_element_type3A_79 = arith.extui %ge3A_78 : i1 to i32
          %cond3A_80 = arith.constant 0 : i32
          %cond3A_81 = arith.cmpi ne, %convert_element_type3A_79, %cond3A_80 : i32
          scf.if %cond3A_81 {
            %slice3A_173 = vector.extract_strided_slice %mul3A_65 {offsets = [2], sizes = [1], strides = [1]} : vector<16xf32> to vector<1xf32>
            %squeeze3A_174 = vector.extract %slice3A_173[0] : f32 from vector<1xf32>
            %broadcast_in_dim3A_175 = vector.broadcast %squeeze3A_174 : f32 to vector<16xf32>
            %mul3A_176 = arith.constant 16 : i32
            %mul3A_177 = arith.muli %scan3A_44, %mul3A_176 : i32
            %add3A_178 = arith.constant 2 : i32
            %add3A_179 = arith.addi %mul3A_177, %add3A_178 : i32
            %get3A_180 = arith.index_cast %add3A_179 : i32 to index
            %get3A_181 = arith.constant 0 : index
            %get3A_182 = tpu.vector_load %arg14[%get3A_180, %get3A_181] {strides = array<i32>} : memref<128x128xf32, #tpu.memory_space<vmem>>, vector<16xf32>,
            %mul3A_183 = arith.mulf %get3A_182, %broadcast_in_dim3A_175 : vector<16xf32>
            %swap3A = arith.index_cast %add3A_179 : i32 to index
            %swap3A_184 = arith.constant 0 : index
            %swap3A_185 = tpu.vector_load %arg14[%swap3A, %swap3A_184] {strides = array<i32>} : memref<128x128xf32, #tpu.memory_space<vmem>>, vector<16xf32>,
            tpu.vector_store %arg14[%swap3A, %swap3A_184], %mul3A_183 {strides = array<i32>} : memref<128x128xf32, #tpu.memory_space<vmem>>, vector<16xf32>,
            %get3A_186 = arith.index_cast %add3A_179 : i32 to index
            %get3A_187 = arith.constant 16 : index
            %get3A_188 = tpu.vector_load %arg14[%get3A_186, %get3A_187] {strides = array<i32>} : memref<128x128xf32, #tpu.memory_space<vmem>>, vector<16xf32>,
            %mul3A_189 = arith.mulf %get3A_188, %broadcast_in_dim3A_175 : vector<16xf32>
            %swap3A_190 = arith.index_cast %add3A_179 : i32 to index
            %swap3A_191 = arith.constant 16 : index
            %swap3A_192 = tpu.vector_load %arg14[%swap3A_190, %swap3A_191] {strides = array<i32>} : memref<128x128xf32, #tpu.memory_space<vmem>>, vector<16xf32>,
            tpu.vector_store %arg14[%swap3A_190, %swap3A_191], %mul3A_189 {strides = array<i32>} : memref<128x128xf32, #tpu.memory_space<vmem>>, vector<16xf32>,
            %get3A_193 = arith.index_cast %add3A_179 : i32 to index
            %get3A_194 = arith.constant 32 : index
            %get3A_195 = tpu.vector_load %arg14[%get3A_193, %get3A_194] {strides = array<i32>} : memref<128x128xf32, #tpu.memory_space<vmem>>, vector<16xf32>,
            %mul3A_196 = arith.mulf %get3A_195, %broadcast_in_dim3A_175 : vector<16xf32>
            %swap3A_197 = arith.index_cast %add3A_179 : i32 to index
            %swap3A_198 = arith.constant 32 : index
            %swap3A_199 = tpu.vector_load %arg14[%swap3A_197, %swap3A_198] {strides = array<i32>} : memref<128x128xf32, #tpu.memory_space<vmem>>, vector<16xf32>,
            tpu.vector_store %arg14[%swap3A_197, %swap3A_198], %mul3A_196 {strides = array<i32>} : memref<128x128xf32, #tpu.memory_space<vmem>>, vector<16xf32>,
            %get3A_200 = arith.index_cast %add3A_179 : i32 to index
            %get3A_201 = arith.constant 48 : index
            %get3A_202 = tpu.vector_load %arg14[%get3A_200, %get3A_201] {strides = array<i32>} : memref<128x128xf32, #tpu.memory_space<vmem>>, vector<16xf32>,
            %mul3A_203 = arith.mulf %get3A_202, %broadcast_in_dim3A_175 : vector<16xf32>
            %swap3A_204 = arith.index_cast %add3A_179 : i32 to index
            %swap3A_205 = arith.constant 48 : index
            %swap3A_206 = tpu.vector_load %arg14[%swap3A_204, %swap3A_205] {strides = array<i32>} : memref<128x128xf32, #tpu.memory_space<vmem>>, vector<16xf32>,
            tpu.vector_store %arg14[%swap3A_204, %swap3A_205], %mul3A_203 {strides = array<i32>} : memref<128x128xf32, #tpu.memory_space<vmem>>, vector<16xf32>,
            %get3A_207 = arith.index_cast %add3A_179 : i32 to index
            %get3A_208 = arith.constant 64 : index
            %get3A_209 = tpu.vector_load %arg14[%get3A_207, %get3A_208] {strides = array<i32>} : memref<128x128xf32, #tpu.memory_space<vmem>>, vector<16xf32>,
            %mul3A_210 = arith.mulf %get3A_209, %broadcast_in_dim3A_175 : vector<16xf32>
            %swap3A_211 = arith.index_cast %add3A_179 : i32 to index
            %swap3A_212 = arith.constant 64 : index
            %swap3A_213 = tpu.vector_load %arg14[%swap3A_211, %swap3A_212] {strides = array<i32>} : memref<128x128xf32, #tpu.memory_space<vmem>>, vector<16xf32>,
            tpu.vector_store %arg14[%swap3A_211, %swap3A_212], %mul3A_210 {strides = array<i32>} : memref<128x128xf32, #tpu.memory_space<vmem>>, vector<16xf32>,
            %get3A_214 = arith.index_cast %add3A_179 : i32 to index
            %get3A_215 = arith.constant 80 : index
            %get3A_216 = tpu.vector_load %arg14[%get3A_214, %get3A_215] {strides = array<i32>} : memref<128x128xf32, #tpu.memory_space<vmem>>, vector<16xf32>,
            %mul3A_217 = arith.mulf %get3A_216, %broadcast_in_dim3A_175 : vector<16xf32>
            %swap3A_218 = arith.index_cast %add3A_179 : i32 to index
            %swap3A_219 = arith.constant 80 : index
            %swap3A_220 = tpu.vector_load %arg14[%swap3A_218, %swap3A_219] {strides = array<i32>} : memref<128x128xf32, #tpu.memory_space<vmem>>, vector<16xf32>,
            tpu.vector_store %arg14[%swap3A_218, %swap3A_219], %mul3A_217 {strides = array<i32>} : memref<128x128xf32, #tpu.memory_space<vmem>>, vector<16xf32>,
            %get3A_221 = arith.index_cast %add3A_179 : i32 to index
            %get3A_222 = arith.constant 96 : index
            %get3A_223 = tpu.vector_load %arg14[%get3A_221, %get3A_222] {strides = array<i32>} : memref<128x128xf32, #tpu.memory_space<vmem>>, vector<16xf32>,
            %mul3A_224 = arith.mulf %get3A_223, %broadcast_in_dim3A_175 : vector<16xf32>
            %swap3A_225 = arith.index_cast %add3A_179 : i32 to index
            %swap3A_226 = arith.constant 96 : index
            %swap3A_227 = tpu.vector_load %arg14[%swap3A_225, %swap3A_226] {strides = array<i32>} : memref<128x128xf32, #tpu.memory_space<vmem>>, vector<16xf32>,
            tpu.vector_store %arg14[%swap3A_225, %swap3A_226], %mul3A_224 {strides = array<i32>} : memref<128x128xf32, #tpu.memory_space<vmem>>, vector<16xf32>,
            %get3A_228 = arith.index_cast %add3A_179 : i32 to index
            %get3A_229 = arith.constant 112 : index
            %get3A_230 = tpu.vector_load %arg14[%get3A_228, %get3A_229] {strides = array<i32>} : memref<128x128xf32, #tpu.memory_space<vmem>>, vector<16xf32>,
            %mul3A_231 = arith.mulf %get3A_230, %broadcast_in_dim3A_175 : vector<16xf32>
            %swap3A_232 = arith.index_cast %add3A_179 : i32 to index
            %swap3A_233 = arith.constant 112 : index
            %swap3A_234 = tpu.vector_load %arg14[%swap3A_232, %swap3A_233] {strides = array<i32>} : memref<128x128xf32, #tpu.memory_space<vmem>>, vector<16xf32>,
            tpu.vector_store %arg14[%swap3A_232, %swap3A_233], %mul3A_231 {strides = array<i32>} : memref<128x128xf32, #tpu.memory_space<vmem>>, vector<16xf32>,
          } else {
          }
          %slice3A_82 = vector.extract_strided_slice %get3A_52 {offsets = [3], sizes = [1], strides = [1]} : vector<16xi32> to vector<1xi32>
          %squeeze3A_83 = vector.extract %slice3A_82[0] : i32 from vector<1xi32>
          %ge3A_84 = arith.constant 0 : i32
          %ge3A_85 = arith.cmpi sge, %squeeze3A_83, %ge3A_84 : i32
          %convert_element_type3A_86 = arith.extui %ge3A_85 : i1 to i32
          %cond3A_87 = arith.constant 0 : i32
          %cond3A_88 = arith.cmpi ne, %convert_element_type3A_86, %cond3A_87 : i32
          scf.if %cond3A_88 {
            %slice3A_173 = vector.extract_strided_slice %mul3A_65 {offsets = [3], sizes = [1], strides = [1]} : vector<16xf32> to vector<1xf32>
            %squeeze3A_174 = vector.extract %slice3A_173[0] : f32 from vector<1xf32>
            %broadcast_in_dim3A_175 = vector.broadcast %squeeze3A_174 : f32 to vector<16xf32>
            %mul3A_176 = arith.constant 16 : i32
            %mul3A_177 = arith.muli %scan3A_44, %mul3A_176 : i32
            %add3A_178 = arith.constant 3 : i32
            %add3A_179 = arith.addi %mul3A_177, %add3A_178 : i32
            %get3A_180 = arith.index_cast %add3A_179 : i32 to index
            %get3A_181 = arith.constant 0 : index
            %get3A_182 = tpu.vector_load %arg14[%get3A_180, %get3A_181] {strides = array<i32>} : memref<128x128xf32, #tpu.memory_space<vmem>>, vector<16xf32>,
            %mul3A_183 = arith.mulf %get3A_182, %broadcast_in_dim3A_175 : vector<16xf32>
            %swap3A = arith.index_cast %add3A_179 : i32 to index
            %swap3A_184 = arith.constant 0 : index
            %swap3A_185 = tpu.vector_load %arg14[%swap3A, %swap3A_184] {strides = array<i32>} : memref<128x128xf32, #tpu.memory_space<vmem>>, vector<16xf32>,
            tpu.vector_store %arg14[%swap3A, %swap3A_184], %mul3A_183 {strides = array<i32>} : memref<128x128xf32, #tpu.memory_space<vmem>>, vector<16xf32>,
            %get3A_186 = arith.index_cast %add3A_179 : i32 to index
            %get3A_187 = arith.constant 16 : index
            %get3A_188 = tpu.vector_load %arg14[%get3A_186, %get3A_187] {strides = array<i32>} : memref<128x128xf32, #tpu.memory_space<vmem>>, vector<16xf32>,
            %mul3A_189 = arith.mulf %get3A_188, %broadcast_in_dim3A_175 : vector<16xf32>
            %swap3A_190 = arith.index_cast %add3A_179 : i32 to index
            %swap3A_191 = arith.constant 16 : index
            %swap3A_192 = tpu.vector_load %arg14[%swap3A_190, %swap3A_191] {strides = array<i32>} : memref<128x128xf32, #tpu.memory_space<vmem>>, vector<16xf32>,
            tpu.vector_store %arg14[%swap3A_190, %swap3A_191], %mul3A_189 {strides = array<i32>} : memref<128x128xf32, #tpu.memory_space<vmem>>, vector<16xf32>,
            %get3A_193 = arith.index_cast %add3A_179 : i32 to index
            %get3A_194 = arith.constant 32 : index
            %get3A_195 = tpu.vector_load %arg14[%get3A_193, %get3A_194] {strides = array<i32>} : memref<128x128xf32, #tpu.memory_space<vmem>>, vector<16xf32>,
            %mul3A_196 = arith.mulf %get3A_195, %broadcast_in_dim3A_175 : vector<16xf32>
            %swap3A_197 = arith.index_cast %add3A_179 : i32 to index
            %swap3A_198 = arith.constant 32 : index
            %swap3A_199 = tpu.vector_load %arg14[%swap3A_197, %swap3A_198] {strides = array<i32>} : memref<128x128xf32, #tpu.memory_space<vmem>>, vector<16xf32>,
            tpu.vector_store %arg14[%swap3A_197, %swap3A_198], %mul3A_196 {strides = array<i32>} : memref<128x128xf32, #tpu.memory_space<vmem>>, vector<16xf32>,
            %get3A_200 = arith.index_cast %add3A_179 : i32 to index
            %get3A_201 = arith.constant 48 : index
            %get3A_202 = tpu.vector_load %arg14[%get3A_200, %get3A_201] {strides = array<i32>} : memref<128x128xf32, #tpu.memory_space<vmem>>, vector<16xf32>,
            %mul3A_203 = arith.mulf %get3A_202, %broadcast_in_dim3A_175 : vector<16xf32>
            %swap3A_204 = arith.index_cast %add3A_179 : i32 to index
            %swap3A_205 = arith.constant 48 : index
            %swap3A_206 = tpu.vector_load %arg14[%swap3A_204, %swap3A_205] {strides = array<i32>} : memref<128x128xf32, #tpu.memory_space<vmem>>, vector<16xf32>,
            tpu.vector_store %arg14[%swap3A_204, %swap3A_205], %mul3A_203 {strides = array<i32>} : memref<128x128xf32, #tpu.memory_space<vmem>>, vector<16xf32>,
            %get3A_207 = arith.index_cast %add3A_179 : i32 to index
            %get3A_208 = arith.constant 64 : index
            %get3A_209 = tpu.vector_load %arg14[%get3A_207, %get3A_208] {strides = array<i32>} : memref<128x128xf32, #tpu.memory_space<vmem>>, vector<16xf32>,
            %mul3A_210 = arith.mulf %get3A_209, %broadcast_in_dim3A_175 : vector<16xf32>
            %swap3A_211 = arith.index_cast %add3A_179 : i32 to index
            %swap3A_212 = arith.constant 64 : index
            %swap3A_213 = tpu.vector_load %arg14[%swap3A_211, %swap3A_212] {strides = array<i32>} : memref<128x128xf32, #tpu.memory_space<vmem>>, vector<16xf32>,
            tpu.vector_store %arg14[%swap3A_211, %swap3A_212], %mul3A_210 {strides = array<i32>} : memref<128x128xf32, #tpu.memory_space<vmem>>, vector<16xf32>,
            %get3A_214 = arith.index_cast %add3A_179 : i32 to index
            %get3A_215 = arith.constant 80 : index
            %get3A_216 = tpu.vector_load %arg14[%get3A_214, %get3A_215] {strides = array<i32>} : memref<128x128xf32, #tpu.memory_space<vmem>>, vector<16xf32>,
            %mul3A_217 = arith.mulf %get3A_216, %broadcast_in_dim3A_175 : vector<16xf32>
            %swap3A_218 = arith.index_cast %add3A_179 : i32 to index
            %swap3A_219 = arith.constant 80 : index
            %swap3A_220 = tpu.vector_load %arg14[%swap3A_218, %swap3A_219] {strides = array<i32>} : memref<128x128xf32, #tpu.memory_space<vmem>>, vector<16xf32>,
            tpu.vector_store %arg14[%swap3A_218, %swap3A_219], %mul3A_217 {strides = array<i32>} : memref<128x128xf32, #tpu.memory_space<vmem>>, vector<16xf32>,
            %get3A_221 = arith.index_cast %add3A_179 : i32 to index
            %get3A_222 = arith.constant 96 : index
            %get3A_223 = tpu.vector_load %arg14[%get3A_221, %get3A_222] {strides = array<i32>} : memref<128x128xf32, #tpu.memory_space<vmem>>, vector<16xf32>,
            %mul3A_224 = arith.mulf %get3A_223, %broadcast_in_dim3A_175 : vector<16xf32>
            %swap3A_225 = arith.index_cast %add3A_179 : i32 to index
            %swap3A_226 = arith.constant 96 : index
            %swap3A_227 = tpu.vector_load %arg14[%swap3A_225, %swap3A_226] {strides = array<i32>} : memref<128x128xf32, #tpu.memory_space<vmem>>, vector<16xf32>,
            tpu.vector_store %arg14[%swap3A_225, %swap3A_226], %mul3A_224 {strides = array<i32>} : memref<128x128xf32, #tpu.memory_space<vmem>>, vector<16xf32>,
            %get3A_228 = arith.index_cast %add3A_179 : i32 to index
            %get3A_229 = arith.constant 112 : index
            %get3A_230 = tpu.vector_load %arg14[%get3A_228, %get3A_229] {strides = array<i32>} : memref<128x128xf32, #tpu.memory_space<vmem>>, vector<16xf32>,
            %mul3A_231 = arith.mulf %get3A_230, %broadcast_in_dim3A_175 : vector<16xf32>
            %swap3A_232 = arith.index_cast %add3A_179 : i32 to index
            %swap3A_233 = arith.constant 112 : index
            %swap3A_234 = tpu.vector_load %arg14[%swap3A_232, %swap3A_233] {strides = array<i32>} : memref<128x128xf32, #tpu.memory_space<vmem>>, vector<16xf32>,
            tpu.vector_store %arg14[%swap3A_232, %swap3A_233], %mul3A_231 {strides = array<i32>} : memref<128x128xf32, #tpu.memory_space<vmem>>, vector<16xf32>,
          } else {
          }
          %slice3A_89 = vector.extract_strided_slice %get3A_52 {offsets = [4], sizes = [1], strides = [1]} : vector<16xi32> to vector<1xi32>
          %squeeze3A_90 = vector.extract %slice3A_89[0] : i32 from vector<1xi32>
          %ge3A_91 = arith.constant 0 : i32
          %ge3A_92 = arith.cmpi sge, %squeeze3A_90, %ge3A_91 : i32
          %convert_element_type3A_93 = arith.extui %ge3A_92 : i1 to i32
          %cond3A_94 = arith.constant 0 : i32
          %cond3A_95 = arith.cmpi ne, %convert_element_type3A_93, %cond3A_94 : i32
          scf.if %cond3A_95 {
            %slice3A_173 = vector.extract_strided_slice %mul3A_65 {offsets = [4], sizes = [1], strides = [1]} : vector<16xf32> to vector<1xf32>
            %squeeze3A_174 = vector.extract %slice3A_173[0] : f32 from vector<1xf32>
            %broadcast_in_dim3A_175 = vector.broadcast %squeeze3A_174 : f32 to vector<16xf32>
            %mul3A_176 = arith.constant 16 : i32
            %mul3A_177 = arith.muli %scan3A_44, %mul3A_176 : i32
            %add3A_178 = arith.constant 4 : i32
            %add3A_179 = arith.addi %mul3A_177, %add3A_178 : i32
            %get3A_180 = arith.index_cast %add3A_179 : i32 to index
            %get3A_181 = arith.constant 0 : index
            %get3A_182 = tpu.vector_load %arg14[%get3A_180, %get3A_181] {strides = array<i32>} : memref<128x128xf32, #tpu.memory_space<vmem>>, vector<16xf32>,
            %mul3A_183 = arith.mulf %get3A_182, %broadcast_in_dim3A_175 : vector<16xf32>
            %swap3A = arith.index_cast %add3A_179 : i32 to index
            %swap3A_184 = arith.constant 0 : index
            %swap3A_185 = tpu.vector_load %arg14[%swap3A, %swap3A_184] {strides = array<i32>} : memref<128x128xf32, #tpu.memory_space<vmem>>, vector<16xf32>,
            tpu.vector_store %arg14[%swap3A, %swap3A_184], %mul3A_183 {strides = array<i32>} : memref<128x128xf32, #tpu.memory_space<vmem>>, vector<16xf32>,
            %get3A_186 = arith.index_cast %add3A_179 : i32 to index
            %get3A_187 = arith.constant 16 : index
            %get3A_188 = tpu.vector_load %arg14[%get3A_186, %get3A_187] {strides = array<i32>} : memref<128x128xf32, #tpu.memory_space<vmem>>, vector<16xf32>,
            %mul3A_189 = arith.mulf %get3A_188, %broadcast_in_dim3A_175 : vector<16xf32>
            %swap3A_190 = arith.index_cast %add3A_179 : i32 to index
            %swap3A_191 = arith.constant 16 : index
            %swap3A_192 = tpu.vector_load %arg14[%swap3A_190, %swap3A_191] {strides = array<i32>} : memref<128x128xf32, #tpu.memory_space<vmem>>, vector<16xf32>,
            tpu.vector_store %arg14[%swap3A_190, %swap3A_191], %mul3A_189 {strides = array<i32>} : memref<128x128xf32, #tpu.memory_space<vmem>>, vector<16xf32>,
            %get3A_193 = arith.index_cast %add3A_179 : i32 to index
            %get3A_194 = arith.constant 32 : index
            %get3A_195 = tpu.vector_load %arg14[%get3A_193, %get3A_194] {strides = array<i32>} : memref<128x128xf32, #tpu.memory_space<vmem>>, vector<16xf32>,
            %mul3A_196 = arith.mulf %get3A_195, %broadcast_in_dim3A_175 : vector<16xf32>
            %swap3A_197 = arith.index_cast %add3A_179 : i32 to index
            %swap3A_198 = arith.constant 32 : index
            %swap3A_199 = tpu.vector_load %arg14[%swap3A_197, %swap3A_198] {strides = array<i32>} : memref<128x128xf32, #tpu.memory_space<vmem>>, vector<16xf32>,
            tpu.vector_store %arg14[%swap3A_197, %swap3A_198], %mul3A_196 {strides = array<i32>} : memref<128x128xf32, #tpu.memory_space<vmem>>, vector<16xf32>,
            %get3A_200 = arith.index_cast %add3A_179 : i32 to index
            %get3A_201 = arith.constant 48 : index
            %get3A_202 = tpu.vector_load %arg14[%get3A_200, %get3A_201] {strides = array<i32>} : memref<128x128xf32, #tpu.memory_space<vmem>>, vector<16xf32>,
            %mul3A_203 = arith.mulf %get3A_202, %broadcast_in_dim3A_175 : vector<16xf32>
            %swap3A_204 = arith.index_cast %add3A_179 : i32 to index
            %swap3A_205 = arith.constant 48 : index
            %swap3A_206 = tpu.vector_load %arg14[%swap3A_204, %swap3A_205] {strides = array<i32>} : memref<128x128xf32, #tpu.memory_space<vmem>>, vector<16xf32>,
            tpu.vector_store %arg14[%swap3A_204, %swap3A_205], %mul3A_203 {strides = array<i32>} : memref<128x128xf32, #tpu.memory_space<vmem>>, vector<16xf32>,
            %get3A_207 = arith.index_cast %add3A_179 : i32 to index
            %get3A_208 = arith.constant 64 : index
            %get3A_209 = tpu.vector_load %arg14[%get3A_207, %get3A_208] {strides = array<i32>} : memref<128x128xf32, #tpu.memory_space<vmem>>, vector<16xf32>,
            %mul3A_210 = arith.mulf %get3A_209, %broadcast_in_dim3A_175 : vector<16xf32>
            %swap3A_211 = arith.index_cast %add3A_179 : i32 to index
            %swap3A_212 = arith.constant 64 : index
            %swap3A_213 = tpu.vector_load %arg14[%swap3A_211, %swap3A_212] {strides = array<i32>} : memref<128x128xf32, #tpu.memory_space<vmem>>, vector<16xf32>,
            tpu.vector_store %arg14[%swap3A_211, %swap3A_212], %mul3A_210 {strides = array<i32>} : memref<128x128xf32, #tpu.memory_space<vmem>>, vector<16xf32>,
            %get3A_214 = arith.index_cast %add3A_179 : i32 to index
            %get3A_215 = arith.constant 80 : index
            %get3A_216 = tpu.vector_load %arg14[%get3A_214, %get3A_215] {strides = array<i32>} : memref<128x128xf32, #tpu.memory_space<vmem>>, vector<16xf32>,
            %mul3A_217 = arith.mulf %get3A_216, %broadcast_in_dim3A_175 : vector<16xf32>
            %swap3A_218 = arith.index_cast %add3A_179 : i32 to index
            %swap3A_219 = arith.constant 80 : index
            %swap3A_220 = tpu.vector_load %arg14[%swap3A_218, %swap3A_219] {strides = array<i32>} : memref<128x128xf32, #tpu.memory_space<vmem>>, vector<16xf32>,
            tpu.vector_store %arg14[%swap3A_218, %swap3A_219], %mul3A_217 {strides = array<i32>} : memref<128x128xf32, #tpu.memory_space<vmem>>, vector<16xf32>,
            %get3A_221 = arith.index_cast %add3A_179 : i32 to index
            %get3A_222 = arith.constant 96 : index
            %get3A_223 = tpu.vector_load %arg14[%get3A_221, %get3A_222] {strides = array<i32>} : memref<128x128xf32, #tpu.memory_space<vmem>>, vector<16xf32>,
            %mul3A_224 = arith.mulf %get3A_223, %broadcast_in_dim3A_175 : vector<16xf32>
            %swap3A_225 = arith.index_cast %add3A_179 : i32 to index
            %swap3A_226 = arith.constant 96 : index
            %swap3A_227 = tpu.vector_load %arg14[%swap3A_225, %swap3A_226] {strides = array<i32>} : memref<128x128xf32, #tpu.memory_space<vmem>>, vector<16xf32>,
            tpu.vector_store %arg14[%swap3A_225, %swap3A_226], %mul3A_224 {strides = array<i32>} : memref<128x128xf32, #tpu.memory_space<vmem>>, vector<16xf32>,
            %get3A_228 = arith.index_cast %add3A_179 : i32 to index
            %get3A_229 = arith.constant 112 : index
            %get3A_230 = tpu.vector_load %arg14[%get3A_228, %get3A_229] {strides = array<i32>} : memref<128x128xf32, #tpu.memory_space<vmem>>, vector<16xf32>,
            %mul3A_231 = arith.mulf %get3A_230, %broadcast_in_dim3A_175 : vector<16xf32>
            %swap3A_232 = arith.index_cast %add3A_179 : i32 to index
            %swap3A_233 = arith.constant 112 : index
            %swap3A_234 = tpu.vector_load %arg14[%swap3A_232, %swap3A_233] {strides = array<i32>} : memref<128x128xf32, #tpu.memory_space<vmem>>, vector<16xf32>,
            tpu.vector_store %arg14[%swap3A_232, %swap3A_233], %mul3A_231 {strides = array<i32>} : memref<128x128xf32, #tpu.memory_space<vmem>>, vector<16xf32>,
          } else {
          }
          %slice3A_96 = vector.extract_strided_slice %get3A_52 {offsets = [5], sizes = [1], strides = [1]} : vector<16xi32> to vector<1xi32>
          %squeeze3A_97 = vector.extract %slice3A_96[0] : i32 from vector<1xi32>
          %ge3A_98 = arith.constant 0 : i32
          %ge3A_99 = arith.cmpi sge, %squeeze3A_97, %ge3A_98 : i32
          %convert_element_type3A_100 = arith.extui %ge3A_99 : i1 to i32
          %cond3A_101 = arith.constant 0 : i32
          %cond3A_102 = arith.cmpi ne, %convert_element_type3A_100, %cond3A_101 : i32
          scf.if %cond3A_102 {
            %slice3A_173 = vector.extract_strided_slice %mul3A_65 {offsets = [5], sizes = [1], strides = [1]} : vector<16xf32> to vector<1xf32>
            %squeeze3A_174 = vector.extract %slice3A_173[0] : f32 from vector<1xf32>
            %broadcast_in_dim3A_175 = vector.broadcast %squeeze3A_174 : f32 to vector<16xf32>
            %mul3A_176 = arith.constant 16 : i32
            %mul3A_177 = arith.muli %scan3A_44, %mul3A_176 : i32
            %add3A_178 = arith.constant 5 : i32
            %add3A_179 = arith.addi %mul3A_177, %add3A_178 : i32
            %get3A_180 = arith.index_cast %add3A_179 : i32 to index
            %get3A_181 = arith.constant 0 : index
            %get3A_182 = tpu.vector_load %arg14[%get3A_180, %get3A_181] {strides = array<i32>} : memref<128x128xf32, #tpu.memory_space<vmem>>, vector<16xf32>,
            %mul3A_183 = arith.mulf %get3A_182, %broadcast_in_dim3A_175 : vector<16xf32>
            %swap3A = arith.index_cast %add3A_179 : i32 to index
            %swap3A_184 = arith.constant 0 : index
            %swap3A_185 = tpu.vector_load %arg14[%swap3A, %swap3A_184] {strides = array<i32>} : memref<128x128xf32, #tpu.memory_space<vmem>>, vector<16xf32>,
            tpu.vector_store %arg14[%swap3A, %swap3A_184], %mul3A_183 {strides = array<i32>} : memref<128x128xf32, #tpu.memory_space<vmem>>, vector<16xf32>,
            %get3A_186 = arith.index_cast %add3A_179 : i32 to index
            %get3A_187 = arith.constant 16 : index
            %get3A_188 = tpu.vector_load %arg14[%get3A_186, %get3A_187] {strides = array<i32>} : memref<128x128xf32, #tpu.memory_space<vmem>>, vector<16xf32>,
            %mul3A_189 = arith.mulf %get3A_188, %broadcast_in_dim3A_175 : vector<16xf32>
            %swap3A_190 = arith.index_cast %add3A_179 : i32 to index
            %swap3A_191 = arith.constant 16 : index
            %swap3A_192 = tpu.vector_load %arg14[%swap3A_190, %swap3A_191] {strides = array<i32>} : memref<128x128xf32, #tpu.memory_space<vmem>>, vector<16xf32>,
            tpu.vector_store %arg14[%swap3A_190, %swap3A_191], %mul3A_189 {strides = array<i32>} : memref<128x128xf32, #tpu.memory_space<vmem>>, vector<16xf32>,
            %get3A_193 = arith.index_cast %add3A_179 : i32 to index
            %get3A_194 = arith.constant 32 : index
            %get3A_195 = tpu.vector_load %arg14[%get3A_193, %get3A_194] {strides = array<i32>} : memref<128x128xf32, #tpu.memory_space<vmem>>, vector<16xf32>,
            %mul3A_196 = arith.mulf %get3A_195, %broadcast_in_dim3A_175 : vector<16xf32>
            %swap3A_197 = arith.index_cast %add3A_179 : i32 to index
            %swap3A_198 = arith.constant 32 : index
            %swap3A_199 = tpu.vector_load %arg14[%swap3A_197, %swap3A_198] {strides = array<i32>} : memref<128x128xf32, #tpu.memory_space<vmem>>, vector<16xf32>,
            tpu.vector_store %arg14[%swap3A_197, %swap3A_198], %mul3A_196 {strides = array<i32>} : memref<128x128xf32, #tpu.memory_space<vmem>>, vector<16xf32>,
            %get3A_200 = arith.index_cast %add3A_179 : i32 to index
            %get3A_201 = arith.constant 48 : index
            %get3A_202 = tpu.vector_load %arg14[%get3A_200, %get3A_201] {strides = array<i32>} : memref<128x128xf32, #tpu.memory_space<vmem>>, vector<16xf32>,
            %mul3A_203 = arith.mulf %get3A_202, %broadcast_in_dim3A_175 : vector<16xf32>
            %swap3A_204 = arith.index_cast %add3A_179 : i32 to index
            %swap3A_205 = arith.constant 48 : index
            %swap3A_206 = tpu.vector_load %arg14[%swap3A_204, %swap3A_205] {strides = array<i32>} : memref<128x128xf32, #tpu.memory_space<vmem>>, vector<16xf32>,
            tpu.vector_store %arg14[%swap3A_204, %swap3A_205], %mul3A_203 {strides = array<i32>} : memref<128x128xf32, #tpu.memory_space<vmem>>, vector<16xf32>,
            %get3A_207 = arith.index_cast %add3A_179 : i32 to index
            %get3A_208 = arith.constant 64 : index
            %get3A_209 = tpu.vector_load %arg14[%get3A_207, %get3A_208] {strides = array<i32>} : memref<128x128xf32, #tpu.memory_space<vmem>>, vector<16xf32>,
            %mul3A_210 = arith.mulf %get3A_209, %broadcast_in_dim3A_175 : vector<16xf32>
            %swap3A_211 = arith.index_cast %add3A_179 : i32 to index
            %swap3A_212 = arith.constant 64 : index
            %swap3A_213 = tpu.vector_load %arg14[%swap3A_211, %swap3A_212] {strides = array<i32>} : memref<128x128xf32, #tpu.memory_space<vmem>>, vector<16xf32>,
            tpu.vector_store %arg14[%swap3A_211, %swap3A_212], %mul3A_210 {strides = array<i32>} : memref<128x128xf32, #tpu.memory_space<vmem>>, vector<16xf32>,
            %get3A_214 = arith.index_cast %add3A_179 : i32 to index
            %get3A_215 = arith.constant 80 : index
            %get3A_216 = tpu.vector_load %arg14[%get3A_214, %get3A_215] {strides = array<i32>} : memref<128x128xf32, #tpu.memory_space<vmem>>, vector<16xf32>,
            %mul3A_217 = arith.mulf %get3A_216, %broadcast_in_dim3A_175 : vector<16xf32>
            %swap3A_218 = arith.index_cast %add3A_179 : i32 to index
            %swap3A_219 = arith.constant 80 : index
            %swap3A_220 = tpu.vector_load %arg14[%swap3A_218, %swap3A_219] {strides = array<i32>} : memref<128x128xf32, #tpu.memory_space<vmem>>, vector<16xf32>,
            tpu.vector_store %arg14[%swap3A_218, %swap3A_219], %mul3A_217 {strides = array<i32>} : memref<128x128xf32, #tpu.memory_space<vmem>>, vector<16xf32>,
            %get3A_221 = arith.index_cast %add3A_179 : i32 to index
            %get3A_222 = arith.constant 96 : index
            %get3A_223 = tpu.vector_load %arg14[%get3A_221, %get3A_222] {strides = array<i32>} : memref<128x128xf32, #tpu.memory_space<vmem>>, vector<16xf32>,
            %mul3A_224 = arith.mulf %get3A_223, %broadcast_in_dim3A_175 : vector<16xf32>
            %swap3A_225 = arith.index_cast %add3A_179 : i32 to index
            %swap3A_226 = arith.constant 96 : index
            %swap3A_227 = tpu.vector_load %arg14[%swap3A_225, %swap3A_226] {strides = array<i32>} : memref<128x128xf32, #tpu.memory_space<vmem>>, vector<16xf32>,
            tpu.vector_store %arg14[%swap3A_225, %swap3A_226], %mul3A_224 {strides = array<i32>} : memref<128x128xf32, #tpu.memory_space<vmem>>, vector<16xf32>,
            %get3A_228 = arith.index_cast %add3A_179 : i32 to index
            %get3A_229 = arith.constant 112 : index
            %get3A_230 = tpu.vector_load %arg14[%get3A_228, %get3A_229] {strides = array<i32>} : memref<128x128xf32, #tpu.memory_space<vmem>>, vector<16xf32>,
            %mul3A_231 = arith.mulf %get3A_230, %broadcast_in_dim3A_175 : vector<16xf32>
            %swap3A_232 = arith.index_cast %add3A_179 : i32 to index
            %swap3A_233 = arith.constant 112 : index
            %swap3A_234 = tpu.vector_load %arg14[%swap3A_232, %swap3A_233] {strides = array<i32>} : memref<128x128xf32, #tpu.memory_space<vmem>>, vector<16xf32>,
            tpu.vector_store %arg14[%swap3A_232, %swap3A_233], %mul3A_231 {strides = array<i32>} : memref<128x128xf32, #tpu.memory_space<vmem>>, vector<16xf32>,
          } else {
          }
          %slice3A_103 = vector.extract_strided_slice %get3A_52 {offsets = [6], sizes = [1], strides = [1]} : vector<16xi32> to vector<1xi32>
          %squeeze3A_104 = vector.extract %slice3A_103[0] : i32 from vector<1xi32>
          %ge3A_105 = arith.constant 0 : i32
          %ge3A_106 = arith.cmpi sge, %squeeze3A_104, %ge3A_105 : i32
          %convert_element_type3A_107 = arith.extui %ge3A_106 : i1 to i32
          %cond3A_108 = arith.constant 0 : i32
          %cond3A_109 = arith.cmpi ne, %convert_element_type3A_107, %cond3A_108 : i32
          scf.if %cond3A_109 {
            %slice3A_173 = vector.extract_strided_slice %mul3A_65 {offsets = [6], sizes = [1], strides = [1]} : vector<16xf32> to vector<1xf32>
            %squeeze3A_174 = vector.extract %slice3A_173[0] : f32 from vector<1xf32>
            %broadcast_in_dim3A_175 = vector.broadcast %squeeze3A_174 : f32 to vector<16xf32>
            %mul3A_176 = arith.constant 16 : i32
            %mul3A_177 = arith.muli %scan3A_44, %mul3A_176 : i32
            %add3A_178 = arith.constant 6 : i32
            %add3A_179 = arith.addi %mul3A_177, %add3A_178 : i32
            %get3A_180 = arith.index_cast %add3A_179 : i32 to index
            %get3A_181 = arith.constant 0 : index
            %get3A_182 = tpu.vector_load %arg14[%get3A_180, %get3A_181] {strides = array<i32>} : memref<128x128xf32, #tpu.memory_space<vmem>>, vector<16xf32>,
            %mul3A_183 = arith.mulf %get3A_182, %broadcast_in_dim3A_175 : vector<16xf32>
            %swap3A = arith.index_cast %add3A_179 : i32 to index
            %swap3A_184 = arith.constant 0 : index
            %swap3A_185 = tpu.vector_load %arg14[%swap3A, %swap3A_184] {strides = array<i32>} : memref<128x128xf32, #tpu.memory_space<vmem>>, vector<16xf32>,
            tpu.vector_store %arg14[%swap3A, %swap3A_184], %mul3A_183 {strides = array<i32>} : memref<128x128xf32, #tpu.memory_space<vmem>>, vector<16xf32>,
            %get3A_186 = arith.index_cast %add3A_179 : i32 to index
            %get3A_187 = arith.constant 16 : index
            %get3A_188 = tpu.vector_load %arg14[%get3A_186, %get3A_187] {strides = array<i32>} : memref<128x128xf32, #tpu.memory_space<vmem>>, vector<16xf32>,
            %mul3A_189 = arith.mulf %get3A_188, %broadcast_in_dim3A_175 : vector<16xf32>
            %swap3A_190 = arith.index_cast %add3A_179 : i32 to index
            %swap3A_191 = arith.constant 16 : index
            %swap3A_192 = tpu.vector_load %arg14[%swap3A_190, %swap3A_191] {strides = array<i32>} : memref<128x128xf32, #tpu.memory_space<vmem>>, vector<16xf32>,
            tpu.vector_store %arg14[%swap3A_190, %swap3A_191], %mul3A_189 {strides = array<i32>} : memref<128x128xf32, #tpu.memory_space<vmem>>, vector<16xf32>,
            %get3A_193 = arith.index_cast %add3A_179 : i32 to index
            %get3A_194 = arith.constant 32 : index
            %get3A_195 = tpu.vector_load %arg14[%get3A_193, %get3A_194] {strides = array<i32>} : memref<128x128xf32, #tpu.memory_space<vmem>>, vector<16xf32>,
            %mul3A_196 = arith.mulf %get3A_195, %broadcast_in_dim3A_175 : vector<16xf32>
            %swap3A_197 = arith.index_cast %add3A_179 : i32 to index
            %swap3A_198 = arith.constant 32 : index
            %swap3A_199 = tpu.vector_load %arg14[%swap3A_197, %swap3A_198] {strides = array<i32>} : memref<128x128xf32, #tpu.memory_space<vmem>>, vector<16xf32>,
            tpu.vector_store %arg14[%swap3A_197, %swap3A_198], %mul3A_196 {strides = array<i32>} : memref<128x128xf32, #tpu.memory_space<vmem>>, vector<16xf32>,
            %get3A_200 = arith.index_cast %add3A_179 : i32 to index
            %get3A_201 = arith.constant 48 : index
            %get3A_202 = tpu.vector_load %arg14[%get3A_200, %get3A_201] {strides = array<i32>} : memref<128x128xf32, #tpu.memory_space<vmem>>, vector<16xf32>,
            %mul3A_203 = arith.mulf %get3A_202, %broadcast_in_dim3A_175 : vector<16xf32>
            %swap3A_204 = arith.index_cast %add3A_179 : i32 to index
            %swap3A_205 = arith.constant 48 : index
            %swap3A_206 = tpu.vector_load %arg14[%swap3A_204, %swap3A_205] {strides = array<i32>} : memref<128x128xf32, #tpu.memory_space<vmem>>, vector<16xf32>,
            tpu.vector_store %arg14[%swap3A_204, %swap3A_205], %mul3A_203 {strides = array<i32>} : memref<128x128xf32, #tpu.memory_space<vmem>>, vector<16xf32>,
            %get3A_207 = arith.index_cast %add3A_179 : i32 to index
            %get3A_208 = arith.constant 64 : index
            %get3A_209 = tpu.vector_load %arg14[%get3A_207, %get3A_208] {strides = array<i32>} : memref<128x128xf32, #tpu.memory_space<vmem>>, vector<16xf32>,
            %mul3A_210 = arith.mulf %get3A_209, %broadcast_in_dim3A_175 : vector<16xf32>
            %swap3A_211 = arith.index_cast %add3A_179 : i32 to index
            %swap3A_212 = arith.constant 64 : index
            %swap3A_213 = tpu.vector_load %arg14[%swap3A_211, %swap3A_212] {strides = array<i32>} : memref<128x128xf32, #tpu.memory_space<vmem>>, vector<16xf32>,
            tpu.vector_store %arg14[%swap3A_211, %swap3A_212], %mul3A_210 {strides = array<i32>} : memref<128x128xf32, #tpu.memory_space<vmem>>, vector<16xf32>,
            %get3A_214 = arith.index_cast %add3A_179 : i32 to index
            %get3A_215 = arith.constant 80 : index
            %get3A_216 = tpu.vector_load %arg14[%get3A_214, %get3A_215] {strides = array<i32>} : memref<128x128xf32, #tpu.memory_space<vmem>>, vector<16xf32>,
            %mul3A_217 = arith.mulf %get3A_216, %broadcast_in_dim3A_175 : vector<16xf32>
            %swap3A_218 = arith.index_cast %add3A_179 : i32 to index
            %swap3A_219 = arith.constant 80 : index
            %swap3A_220 = tpu.vector_load %arg14[%swap3A_218, %swap3A_219] {strides = array<i32>} : memref<128x128xf32, #tpu.memory_space<vmem>>, vector<16xf32>,
            tpu.vector_store %arg14[%swap3A_218, %swap3A_219], %mul3A_217 {strides = array<i32>} : memref<128x128xf32, #tpu.memory_space<vmem>>, vector<16xf32>,
            %get3A_221 = arith.index_cast %add3A_179 : i32 to index
            %get3A_222 = arith.constant 96 : index
            %get3A_223 = tpu.vector_load %arg14[%get3A_221, %get3A_222] {strides = array<i32>} : memref<128x128xf32, #tpu.memory_space<vmem>>, vector<16xf32>,
            %mul3A_224 = arith.mulf %get3A_223, %broadcast_in_dim3A_175 : vector<16xf32>
            %swap3A_225 = arith.index_cast %add3A_179 : i32 to index
            %swap3A_226 = arith.constant 96 : index
            %swap3A_227 = tpu.vector_load %arg14[%swap3A_225, %swap3A_226] {strides = array<i32>} : memref<128x128xf32, #tpu.memory_space<vmem>>, vector<16xf32>,
            tpu.vector_store %arg14[%swap3A_225, %swap3A_226], %mul3A_224 {strides = array<i32>} : memref<128x128xf32, #tpu.memory_space<vmem>>, vector<16xf32>,
            %get3A_228 = arith.index_cast %add3A_179 : i32 to index
            %get3A_229 = arith.constant 112 : index
            %get3A_230 = tpu.vector_load %arg14[%get3A_228, %get3A_229] {strides = array<i32>} : memref<128x128xf32, #tpu.memory_space<vmem>>, vector<16xf32>,
            %mul3A_231 = arith.mulf %get3A_230, %broadcast_in_dim3A_175 : vector<16xf32>
            %swap3A_232 = arith.index_cast %add3A_179 : i32 to index
            %swap3A_233 = arith.constant 112 : index
            %swap3A_234 = tpu.vector_load %arg14[%swap3A_232, %swap3A_233] {strides = array<i32>} : memref<128x128xf32, #tpu.memory_space<vmem>>, vector<16xf32>,
            tpu.vector_store %arg14[%swap3A_232, %swap3A_233], %mul3A_231 {strides = array<i32>} : memref<128x128xf32, #tpu.memory_space<vmem>>, vector<16xf32>,
          } else {
          }
          %slice3A_110 = vector.extract_strided_slice %get3A_52 {offsets = [7], sizes = [1], strides = [1]} : vector<16xi32> to vector<1xi32>
          %squeeze3A_111 = vector.extract %slice3A_110[0] : i32 from vector<1xi32>
          %ge3A_112 = arith.constant 0 : i32
          %ge3A_113 = arith.cmpi sge, %squeeze3A_111, %ge3A_112 : i32
          %convert_element_type3A_114 = arith.extui %ge3A_113 : i1 to i32
          %cond3A_115 = arith.constant 0 : i32
          %cond3A_116 = arith.cmpi ne, %convert_element_type3A_114, %cond3A_115 : i32
          scf.if %cond3A_116 {
            %slice3A_173 = vector.extract_strided_slice %mul3A_65 {offsets = [7], sizes = [1], strides = [1]} : vector<16xf32> to vector<1xf32>
            %squeeze3A_174 = vector.extract %slice3A_173[0] : f32 from vector<1xf32>
            %broadcast_in_dim3A_175 = vector.broadcast %squeeze3A_174 : f32 to vector<16xf32>
            %mul3A_176 = arith.constant 16 : i32
            %mul3A_177 = arith.muli %scan3A_44, %mul3A_176 : i32
            %add3A_178 = arith.constant 7 : i32
            %add3A_179 = arith.addi %mul3A_177, %add3A_178 : i32
            %get3A_180 = arith.index_cast %add3A_179 : i32 to index
            %get3A_181 = arith.constant 0 : index
            %get3A_182 = tpu.vector_load %arg14[%get3A_180, %get3A_181] {strides = array<i32>} : memref<128x128xf32, #tpu.memory_space<vmem>>, vector<16xf32>,
            %mul3A_183 = arith.mulf %get3A_182, %broadcast_in_dim3A_175 : vector<16xf32>
            %swap3A = arith.index_cast %add3A_179 : i32 to index
            %swap3A_184 = arith.constant 0 : index
            %swap3A_185 = tpu.vector_load %arg14[%swap3A, %swap3A_184] {strides = array<i32>} : memref<128x128xf32, #tpu.memory_space<vmem>>, vector<16xf32>,
            tpu.vector_store %arg14[%swap3A, %swap3A_184], %mul3A_183 {strides = array<i32>} : memref<128x128xf32, #tpu.memory_space<vmem>>, vector<16xf32>,
            %get3A_186 = arith.index_cast %add3A_179 : i32 to index
            %get3A_187 = arith.constant 16 : index
            %get3A_188 = tpu.vector_load %arg14[%get3A_186, %get3A_187] {strides = array<i32>} : memref<128x128xf32, #tpu.memory_space<vmem>>, vector<16xf32>,
            %mul3A_189 = arith.mulf %get3A_188, %broadcast_in_dim3A_175 : vector<16xf32>
            %swap3A_190 = arith.index_cast %add3A_179 : i32 to index
            %swap3A_191 = arith.constant 16 : index
            %swap3A_192 = tpu.vector_load %arg14[%swap3A_190, %swap3A_191] {strides = array<i32>} : memref<128x128xf32, #tpu.memory_space<vmem>>, vector<16xf32>,
            tpu.vector_store %arg14[%swap3A_190, %swap3A_191], %mul3A_189 {strides = array<i32>} : memref<128x128xf32, #tpu.memory_space<vmem>>, vector<16xf32>,
            %get3A_193 = arith.index_cast %add3A_179 : i32 to index
            %get3A_194 = arith.constant 32 : index
            %get3A_195 = tpu.vector_load %arg14[%get3A_193, %get3A_194] {strides = array<i32>} : memref<128x128xf32, #tpu.memory_space<vmem>>, vector<16xf32>,
            %mul3A_196 = arith.mulf %get3A_195, %broadcast_in_dim3A_175 : vector<16xf32>
            %swap3A_197 = arith.index_cast %add3A_179 : i32 to index
            %swap3A_198 = arith.constant 32 : index
            %swap3A_199 = tpu.vector_load %arg14[%swap3A_197, %swap3A_198] {strides = array<i32>} : memref<128x128xf32, #tpu.memory_space<vmem>>, vector<16xf32>,
            tpu.vector_store %arg14[%swap3A_197, %swap3A_198], %mul3A_196 {strides = array<i32>} : memref<128x128xf32, #tpu.memory_space<vmem>>, vector<16xf32>,
            %get3A_200 = arith.index_cast %add3A_179 : i32 to index
            %get3A_201 = arith.constant 48 : index
            %get3A_202 = tpu.vector_load %arg14[%get3A_200, %get3A_201] {strides = array<i32>} : memref<128x128xf32, #tpu.memory_space<vmem>>, vector<16xf32>,
            %mul3A_203 = arith.mulf %get3A_202, %broadcast_in_dim3A_175 : vector<16xf32>
            %swap3A_204 = arith.index_cast %add3A_179 : i32 to index
            %swap3A_205 = arith.constant 48 : index
            %swap3A_206 = tpu.vector_load %arg14[%swap3A_204, %swap3A_205] {strides = array<i32>} : memref<128x128xf32, #tpu.memory_space<vmem>>, vector<16xf32>,
            tpu.vector_store %arg14[%swap3A_204, %swap3A_205], %mul3A_203 {strides = array<i32>} : memref<128x128xf32, #tpu.memory_space<vmem>>, vector<16xf32>,
            %get3A_207 = arith.index_cast %add3A_179 : i32 to index
            %get3A_208 = arith.constant 64 : index
            %get3A_209 = tpu.vector_load %arg14[%get3A_207, %get3A_208] {strides = array<i32>} : memref<128x128xf32, #tpu.memory_space<vmem>>, vector<16xf32>,
            %mul3A_210 = arith.mulf %get3A_209, %broadcast_in_dim3A_175 : vector<16xf32>
            %swap3A_211 = arith.index_cast %add3A_179 : i32 to index
            %swap3A_212 = arith.constant 64 : index
            %swap3A_213 = tpu.vector_load %arg14[%swap3A_211, %swap3A_212] {strides = array<i32>} : memref<128x128xf32, #tpu.memory_space<vmem>>, vector<16xf32>,
            tpu.vector_store %arg14[%swap3A_211, %swap3A_212], %mul3A_210 {strides = array<i32>} : memref<128x128xf32, #tpu.memory_space<vmem>>, vector<16xf32>,
            %get3A_214 = arith.index_cast %add3A_179 : i32 to index
            %get3A_215 = arith.constant 80 : index
            %get3A_216 = tpu.vector_load %arg14[%get3A_214, %get3A_215] {strides = array<i32>} : memref<128x128xf32, #tpu.memory_space<vmem>>, vector<16xf32>,
            %mul3A_217 = arith.mulf %get3A_216, %broadcast_in_dim3A_175 : vector<16xf32>
            %swap3A_218 = arith.index_cast %add3A_179 : i32 to index
            %swap3A_219 = arith.constant 80 : index
            %swap3A_220 = tpu.vector_load %arg14[%swap3A_218, %swap3A_219] {strides = array<i32>} : memref<128x128xf32, #tpu.memory_space<vmem>>, vector<16xf32>,
            tpu.vector_store %arg14[%swap3A_218, %swap3A_219], %mul3A_217 {strides = array<i32>} : memref<128x128xf32, #tpu.memory_space<vmem>>, vector<16xf32>,
            %get3A_221 = arith.index_cast %add3A_179 : i32 to index
            %get3A_222 = arith.constant 96 : index
            %get3A_223 = tpu.vector_load %arg14[%get3A_221, %get3A_222] {strides = array<i32>} : memref<128x128xf32, #tpu.memory_space<vmem>>, vector<16xf32>,
            %mul3A_224 = arith.mulf %get3A_223, %broadcast_in_dim3A_175 : vector<16xf32>
            %swap3A_225 = arith.index_cast %add3A_179 : i32 to index
            %swap3A_226 = arith.constant 96 : index
            %swap3A_227 = tpu.vector_load %arg14[%swap3A_225, %swap3A_226] {strides = array<i32>} : memref<128x128xf32, #tpu.memory_space<vmem>>, vector<16xf32>,
            tpu.vector_store %arg14[%swap3A_225, %swap3A_226], %mul3A_224 {strides = array<i32>} : memref<128x128xf32, #tpu.memory_space<vmem>>, vector<16xf32>,
            %get3A_228 = arith.index_cast %add3A_179 : i32 to index
            %get3A_229 = arith.constant 112 : index
            %get3A_230 = tpu.vector_load %arg14[%get3A_228, %get3A_229] {strides = array<i32>} : memref<128x128xf32, #tpu.memory_space<vmem>>, vector<16xf32>,
            %mul3A_231 = arith.mulf %get3A_230, %broadcast_in_dim3A_175 : vector<16xf32>
            %swap3A_232 = arith.index_cast %add3A_179 : i32 to index
            %swap3A_233 = arith.constant 112 : index
            %swap3A_234 = tpu.vector_load %arg14[%swap3A_232, %swap3A_233] {strides = array<i32>} : memref<128x128xf32, #tpu.memory_space<vmem>>, vector<16xf32>,
            tpu.vector_store %arg14[%swap3A_232, %swap3A_233], %mul3A_231 {strides = array<i32>} : memref<128x128xf32, #tpu.memory_space<vmem>>, vector<16xf32>,
          } else {
          }
          %slice3A_117 = vector.extract_strided_slice %get3A_52 {offsets = [8], sizes = [1], strides = [1]} : vector<16xi32> to vector<1xi32>
          %squeeze3A_118 = vector.extract %slice3A_117[0] : i32 from vector<1xi32>
          %ge3A_119 = arith.constant 0 : i32
          %ge3A_120 = arith.cmpi sge, %squeeze3A_118, %ge3A_119 : i32
          %convert_element_type3A_121 = arith.extui %ge3A_120 : i1 to i32
          %cond3A_122 = arith.constant 0 : i32
          %cond3A_123 = arith.cmpi ne, %convert_element_type3A_121, %cond3A_122 : i32
          scf.if %cond3A_123 {
            %slice3A_173 = vector.extract_strided_slice %mul3A_65 {offsets = [8], sizes = [1], strides = [1]} : vector<16xf32> to vector<1xf32>
            %squeeze3A_174 = vector.extract %slice3A_173[0] : f32 from vector<1xf32>
            %broadcast_in_dim3A_175 = vector.broadcast %squeeze3A_174 : f32 to vector<16xf32>
            %mul3A_176 = arith.constant 16 : i32
            %mul3A_177 = arith.muli %scan3A_44, %mul3A_176 : i32
            %add3A_178 = arith.constant 8 : i32
            %add3A_179 = arith.addi %mul3A_177, %add3A_178 : i32
            %get3A_180 = arith.index_cast %add3A_179 : i32 to index
            %get3A_181 = arith.constant 0 : index
            %get3A_182 = tpu.vector_load %arg14[%get3A_180, %get3A_181] {strides = array<i32>} : memref<128x128xf32, #tpu.memory_space<vmem>>, vector<16xf32>,
            %mul3A_183 = arith.mulf %get3A_182, %broadcast_in_dim3A_175 : vector<16xf32>
            %swap3A = arith.index_cast %add3A_179 : i32 to index
            %swap3A_184 = arith.constant 0 : index
            %swap3A_185 = tpu.vector_load %arg14[%swap3A, %swap3A_184] {strides = array<i32>} : memref<128x128xf32, #tpu.memory_space<vmem>>, vector<16xf32>,
            tpu.vector_store %arg14[%swap3A, %swap3A_184], %mul3A_183 {strides = array<i32>} : memref<128x128xf32, #tpu.memory_space<vmem>>, vector<16xf32>,
            %get3A_186 = arith.index_cast %add3A_179 : i32 to index
            %get3A_187 = arith.constant 16 : index
            %get3A_188 = tpu.vector_load %arg14[%get3A_186, %get3A_187] {strides = array<i32>} : memref<128x128xf32, #tpu.memory_space<vmem>>, vector<16xf32>,
            %mul3A_189 = arith.mulf %get3A_188, %broadcast_in_dim3A_175 : vector<16xf32>
            %swap3A_190 = arith.index_cast %add3A_179 : i32 to index
            %swap3A_191 = arith.constant 16 : index
            %swap3A_192 = tpu.vector_load %arg14[%swap3A_190, %swap3A_191] {strides = array<i32>} : memref<128x128xf32, #tpu.memory_space<vmem>>, vector<16xf32>,
            tpu.vector_store %arg14[%swap3A_190, %swap3A_191], %mul3A_189 {strides = array<i32>} : memref<128x128xf32, #tpu.memory_space<vmem>>, vector<16xf32>,
            %get3A_193 = arith.index_cast %add3A_179 : i32 to index
            %get3A_194 = arith.constant 32 : index
            %get3A_195 = tpu.vector_load %arg14[%get3A_193, %get3A_194] {strides = array<i32>} : memref<128x128xf32, #tpu.memory_space<vmem>>, vector<16xf32>,
            %mul3A_196 = arith.mulf %get3A_195, %broadcast_in_dim3A_175 : vector<16xf32>
            %swap3A_197 = arith.index_cast %add3A_179 : i32 to index
            %swap3A_198 = arith.constant 32 : index
            %swap3A_199 = tpu.vector_load %arg14[%swap3A_197, %swap3A_198] {strides = array<i32>} : memref<128x128xf32, #tpu.memory_space<vmem>>, vector<16xf32>,
            tpu.vector_store %arg14[%swap3A_197, %swap3A_198], %mul3A_196 {strides = array<i32>} : memref<128x128xf32, #tpu.memory_space<vmem>>, vector<16xf32>,
            %get3A_200 = arith.index_cast %add3A_179 : i32 to index
            %get3A_201 = arith.constant 48 : index
            %get3A_202 = tpu.vector_load %arg14[%get3A_200, %get3A_201] {strides = array<i32>} : memref<128x128xf32, #tpu.memory_space<vmem>>, vector<16xf32>,
            %mul3A_203 = arith.mulf %get3A_202, %broadcast_in_dim3A_175 : vector<16xf32>
            %swap3A_204 = arith.index_cast %add3A_179 : i32 to index
            %swap3A_205 = arith.constant 48 : index
            %swap3A_206 = tpu.vector_load %arg14[%swap3A_204, %swap3A_205] {strides = array<i32>} : memref<128x128xf32, #tpu.memory_space<vmem>>, vector<16xf32>,
            tpu.vector_store %arg14[%swap3A_204, %swap3A_205], %mul3A_203 {strides = array<i32>} : memref<128x128xf32, #tpu.memory_space<vmem>>, vector<16xf32>,
            %get3A_207 = arith.index_cast %add3A_179 : i32 to index
            %get3A_208 = arith.constant 64 : index
            %get3A_209 = tpu.vector_load %arg14[%get3A_207, %get3A_208] {strides = array<i32>} : memref<128x128xf32, #tpu.memory_space<vmem>>, vector<16xf32>,
            %mul3A_210 = arith.mulf %get3A_209, %broadcast_in_dim3A_175 : vector<16xf32>
            %swap3A_211 = arith.index_cast %add3A_179 : i32 to index
            %swap3A_212 = arith.constant 64 : index
            %swap3A_213 = tpu.vector_load %arg14[%swap3A_211, %swap3A_212] {strides = array<i32>} : memref<128x128xf32, #tpu.memory_space<vmem>>, vector<16xf32>,
            tpu.vector_store %arg14[%swap3A_211, %swap3A_212], %mul3A_210 {strides = array<i32>} : memref<128x128xf32, #tpu.memory_space<vmem>>, vector<16xf32>,
            %get3A_214 = arith.index_cast %add3A_179 : i32 to index
            %get3A_215 = arith.constant 80 : index
            %get3A_216 = tpu.vector_load %arg14[%get3A_214, %get3A_215] {strides = array<i32>} : memref<128x128xf32, #tpu.memory_space<vmem>>, vector<16xf32>,
            %mul3A_217 = arith.mulf %get3A_216, %broadcast_in_dim3A_175 : vector<16xf32>
            %swap3A_218 = arith.index_cast %add3A_179 : i32 to index
            %swap3A_219 = arith.constant 80 : index
            %swap3A_220 = tpu.vector_load %arg14[%swap3A_218, %swap3A_219] {strides = array<i32>} : memref<128x128xf32, #tpu.memory_space<vmem>>, vector<16xf32>,
            tpu.vector_store %arg14[%swap3A_218, %swap3A_219], %mul3A_217 {strides = array<i32>} : memref<128x128xf32, #tpu.memory_space<vmem>>, vector<16xf32>,
            %get3A_221 = arith.index_cast %add3A_179 : i32 to index
            %get3A_222 = arith.constant 96 : index
            %get3A_223 = tpu.vector_load %arg14[%get3A_221, %get3A_222] {strides = array<i32>} : memref<128x128xf32, #tpu.memory_space<vmem>>, vector<16xf32>,
            %mul3A_224 = arith.mulf %get3A_223, %broadcast_in_dim3A_175 : vector<16xf32>
            %swap3A_225 = arith.index_cast %add3A_179 : i32 to index
            %swap3A_226 = arith.constant 96 : index
            %swap3A_227 = tpu.vector_load %arg14[%swap3A_225, %swap3A_226] {strides = array<i32>} : memref<128x128xf32, #tpu.memory_space<vmem>>, vector<16xf32>,
            tpu.vector_store %arg14[%swap3A_225, %swap3A_226], %mul3A_224 {strides = array<i32>} : memref<128x128xf32, #tpu.memory_space<vmem>>, vector<16xf32>,
            %get3A_228 = arith.index_cast %add3A_179 : i32 to index
            %get3A_229 = arith.constant 112 : index
            %get3A_230 = tpu.vector_load %arg14[%get3A_228, %get3A_229] {strides = array<i32>} : memref<128x128xf32, #tpu.memory_space<vmem>>, vector<16xf32>,
            %mul3A_231 = arith.mulf %get3A_230, %broadcast_in_dim3A_175 : vector<16xf32>
            %swap3A_232 = arith.index_cast %add3A_179 : i32 to index
            %swap3A_233 = arith.constant 112 : index
            %swap3A_234 = tpu.vector_load %arg14[%swap3A_232, %swap3A_233] {strides = array<i32>} : memref<128x128xf32, #tpu.memory_space<vmem>>, vector<16xf32>,
            tpu.vector_store %arg14[%swap3A_232, %swap3A_233], %mul3A_231 {strides = array<i32>} : memref<128x128xf32, #tpu.memory_space<vmem>>, vector<16xf32>,
          } else {
          }
          %slice3A_124 = vector.extract_strided_slice %get3A_52 {offsets = [9], sizes = [1], strides = [1]} : vector<16xi32> to vector<1xi32>
          %squeeze3A_125 = vector.extract %slice3A_124[0] : i32 from vector<1xi32>
          %ge3A_126 = arith.constant 0 : i32
          %ge3A_127 = arith.cmpi sge, %squeeze3A_125, %ge3A_126 : i32
          %convert_element_type3A_128 = arith.extui %ge3A_127 : i1 to i32
          %cond3A_129 = arith.constant 0 : i32
          %cond3A_130 = arith.cmpi ne, %convert_element_type3A_128, %cond3A_129 : i32
          scf.if %cond3A_130 {
            %slice3A_173 = vector.extract_strided_slice %mul3A_65 {offsets = [9], sizes = [1], strides = [1]} : vector<16xf32> to vector<1xf32>
            %squeeze3A_174 = vector.extract %slice3A_173[0] : f32 from vector<1xf32>
            %broadcast_in_dim3A_175 = vector.broadcast %squeeze3A_174 : f32 to vector<16xf32>
            %mul3A_176 = arith.constant 16 : i32
            %mul3A_177 = arith.muli %scan3A_44, %mul3A_176 : i32
            %add3A_178 = arith.constant 9 : i32
            %add3A_179 = arith.addi %mul3A_177, %add3A_178 : i32
            %get3A_180 = arith.index_cast %add3A_179 : i32 to index
            %get3A_181 = arith.constant 0 : index
            %get3A_182 = tpu.vector_load %arg14[%get3A_180, %get3A_181] {strides = array<i32>} : memref<128x128xf32, #tpu.memory_space<vmem>>, vector<16xf32>,
            %mul3A_183 = arith.mulf %get3A_182, %broadcast_in_dim3A_175 : vector<16xf32>
            %swap3A = arith.index_cast %add3A_179 : i32 to index
            %swap3A_184 = arith.constant 0 : index
            %swap3A_185 = tpu.vector_load %arg14[%swap3A, %swap3A_184] {strides = array<i32>} : memref<128x128xf32, #tpu.memory_space<vmem>>, vector<16xf32>,
            tpu.vector_store %arg14[%swap3A, %swap3A_184], %mul3A_183 {strides = array<i32>} : memref<128x128xf32, #tpu.memory_space<vmem>>, vector<16xf32>,
            %get3A_186 = arith.index_cast %add3A_179 : i32 to index
            %get3A_187 = arith.constant 16 : index
            %get3A_188 = tpu.vector_load %arg14[%get3A_186, %get3A_187] {strides = array<i32>} : memref<128x128xf32, #tpu.memory_space<vmem>>, vector<16xf32>,
            %mul3A_189 = arith.mulf %get3A_188, %broadcast_in_dim3A_175 : vector<16xf32>
            %swap3A_190 = arith.index_cast %add3A_179 : i32 to index
            %swap3A_191 = arith.constant 16 : index
            %swap3A_192 = tpu.vector_load %arg14[%swap3A_190, %swap3A_191] {strides = array<i32>} : memref<128x128xf32, #tpu.memory_space<vmem>>, vector<16xf32>,
            tpu.vector_store %arg14[%swap3A_190, %swap3A_191], %mul3A_189 {strides = array<i32>} : memref<128x128xf32, #tpu.memory_space<vmem>>, vector<16xf32>,
            %get3A_193 = arith.index_cast %add3A_179 : i32 to index
            %get3A_194 = arith.constant 32 : index
            %get3A_195 = tpu.vector_load %arg14[%get3A_193, %get3A_194] {strides = array<i32>} : memref<128x128xf32, #tpu.memory_space<vmem>>, vector<16xf32>,
            %mul3A_196 = arith.mulf %get3A_195, %broadcast_in_dim3A_175 : vector<16xf32>
            %swap3A_197 = arith.index_cast %add3A_179 : i32 to index
            %swap3A_198 = arith.constant 32 : index
            %swap3A_199 = tpu.vector_load %arg14[%swap3A_197, %swap3A_198] {strides = array<i32>} : memref<128x128xf32, #tpu.memory_space<vmem>>, vector<16xf32>,
            tpu.vector_store %arg14[%swap3A_197, %swap3A_198], %mul3A_196 {strides = array<i32>} : memref<128x128xf32, #tpu.memory_space<vmem>>, vector<16xf32>,
            %get3A_200 = arith.index_cast %add3A_179 : i32 to index
            %get3A_201 = arith.constant 48 : index
            %get3A_202 = tpu.vector_load %arg14[%get3A_200, %get3A_201] {strides = array<i32>} : memref<128x128xf32, #tpu.memory_space<vmem>>, vector<16xf32>,
            %mul3A_203 = arith.mulf %get3A_202, %broadcast_in_dim3A_175 : vector<16xf32>
            %swap3A_204 = arith.index_cast %add3A_179 : i32 to index
            %swap3A_205 = arith.constant 48 : index
            %swap3A_206 = tpu.vector_load %arg14[%swap3A_204, %swap3A_205] {strides = array<i32>} : memref<128x128xf32, #tpu.memory_space<vmem>>, vector<16xf32>,
            tpu.vector_store %arg14[%swap3A_204, %swap3A_205], %mul3A_203 {strides = array<i32>} : memref<128x128xf32, #tpu.memory_space<vmem>>, vector<16xf32>,
            %get3A_207 = arith.index_cast %add3A_179 : i32 to index
            %get3A_208 = arith.constant 64 : index
            %get3A_209 = tpu.vector_load %arg14[%get3A_207, %get3A_208] {strides = array<i32>} : memref<128x128xf32, #tpu.memory_space<vmem>>, vector<16xf32>,
            %mul3A_210 = arith.mulf %get3A_209, %broadcast_in_dim3A_175 : vector<16xf32>
            %swap3A_211 = arith.index_cast %add3A_179 : i32 to index
            %swap3A_212 = arith.constant 64 : index
            %swap3A_213 = tpu.vector_load %arg14[%swap3A_211, %swap3A_212] {strides = array<i32>} : memref<128x128xf32, #tpu.memory_space<vmem>>, vector<16xf32>,
            tpu.vector_store %arg14[%swap3A_211, %swap3A_212], %mul3A_210 {strides = array<i32>} : memref<128x128xf32, #tpu.memory_space<vmem>>, vector<16xf32>,
            %get3A_214 = arith.index_cast %add3A_179 : i32 to index
            %get3A_215 = arith.constant 80 : index
            %get3A_216 = tpu.vector_load %arg14[%get3A_214, %get3A_215] {strides = array<i32>} : memref<128x128xf32, #tpu.memory_space<vmem>>, vector<16xf32>,
            %mul3A_217 = arith.mulf %get3A_216, %broadcast_in_dim3A_175 : vector<16xf32>
            %swap3A_218 = arith.index_cast %add3A_179 : i32 to index
            %swap3A_219 = arith.constant 80 : index
            %swap3A_220 = tpu.vector_load %arg14[%swap3A_218, %swap3A_219] {strides = array<i32>} : memref<128x128xf32, #tpu.memory_space<vmem>>, vector<16xf32>,
            tpu.vector_store %arg14[%swap3A_218, %swap3A_219], %mul3A_217 {strides = array<i32>} : memref<128x128xf32, #tpu.memory_space<vmem>>, vector<16xf32>,
            %get3A_221 = arith.index_cast %add3A_179 : i32 to index
            %get3A_222 = arith.constant 96 : index
            %get3A_223 = tpu.vector_load %arg14[%get3A_221, %get3A_222] {strides = array<i32>} : memref<128x128xf32, #tpu.memory_space<vmem>>, vector<16xf32>,
            %mul3A_224 = arith.mulf %get3A_223, %broadcast_in_dim3A_175 : vector<16xf32>
            %swap3A_225 = arith.index_cast %add3A_179 : i32 to index
            %swap3A_226 = arith.constant 96 : index
            %swap3A_227 = tpu.vector_load %arg14[%swap3A_225, %swap3A_226] {strides = array<i32>} : memref<128x128xf32, #tpu.memory_space<vmem>>, vector<16xf32>,
            tpu.vector_store %arg14[%swap3A_225, %swap3A_226], %mul3A_224 {strides = array<i32>} : memref<128x128xf32, #tpu.memory_space<vmem>>, vector<16xf32>,
            %get3A_228 = arith.index_cast %add3A_179 : i32 to index
            %get3A_229 = arith.constant 112 : index
            %get3A_230 = tpu.vector_load %arg14[%get3A_228, %get3A_229] {strides = array<i32>} : memref<128x128xf32, #tpu.memory_space<vmem>>, vector<16xf32>,
            %mul3A_231 = arith.mulf %get3A_230, %broadcast_in_dim3A_175 : vector<16xf32>
            %swap3A_232 = arith.index_cast %add3A_179 : i32 to index
            %swap3A_233 = arith.constant 112 : index
            %swap3A_234 = tpu.vector_load %arg14[%swap3A_232, %swap3A_233] {strides = array<i32>} : memref<128x128xf32, #tpu.memory_space<vmem>>, vector<16xf32>,
            tpu.vector_store %arg14[%swap3A_232, %swap3A_233], %mul3A_231 {strides = array<i32>} : memref<128x128xf32, #tpu.memory_space<vmem>>, vector<16xf32>,
          } else {
          }
          %slice3A_131 = vector.extract_strided_slice %get3A_52 {offsets = [10], sizes = [1], strides = [1]} : vector<16xi32> to vector<1xi32>
          %squeeze3A_132 = vector.extract %slice3A_131[0] : i32 from vector<1xi32>
          %ge3A_133 = arith.constant 0 : i32
          %ge3A_134 = arith.cmpi sge, %squeeze3A_132, %ge3A_133 : i32
          %convert_element_type3A_135 = arith.extui %ge3A_134 : i1 to i32
          %cond3A_136 = arith.constant 0 : i32
          %cond3A_137 = arith.cmpi ne, %convert_element_type3A_135, %cond3A_136 : i32
          scf.if %cond3A_137 {
            %slice3A_173 = vector.extract_strided_slice %mul3A_65 {offsets = [10], sizes = [1], strides = [1]} : vector<16xf32> to vector<1xf32>
            %squeeze3A_174 = vector.extract %slice3A_173[0] : f32 from vector<1xf32>
            %broadcast_in_dim3A_175 = vector.broadcast %squeeze3A_174 : f32 to vector<16xf32>
            %mul3A_176 = arith.constant 16 : i32
            %mul3A_177 = arith.muli %scan3A_44, %mul3A_176 : i32
            %add3A_178 = arith.constant 10 : i32
            %add3A_179 = arith.addi %mul3A_177, %add3A_178 : i32
            %get3A_180 = arith.index_cast %add3A_179 : i32 to index
            %get3A_181 = arith.constant 0 : index
            %get3A_182 = tpu.vector_load %arg14[%get3A_180, %get3A_181] {strides = array<i32>} : memref<128x128xf32, #tpu.memory_space<vmem>>, vector<16xf32>,
            %mul3A_183 = arith.mulf %get3A_182, %broadcast_in_dim3A_175 : vector<16xf32>
            %swap3A = arith.index_cast %add3A_179 : i32 to index
            %swap3A_184 = arith.constant 0 : index
            %swap3A_185 = tpu.vector_load %arg14[%swap3A, %swap3A_184] {strides = array<i32>} : memref<128x128xf32, #tpu.memory_space<vmem>>, vector<16xf32>,
            tpu.vector_store %arg14[%swap3A, %swap3A_184], %mul3A_183 {strides = array<i32>} : memref<128x128xf32, #tpu.memory_space<vmem>>, vector<16xf32>,
            %get3A_186 = arith.index_cast %add3A_179 : i32 to index
            %get3A_187 = arith.constant 16 : index
            %get3A_188 = tpu.vector_load %arg14[%get3A_186, %get3A_187] {strides = array<i32>} : memref<128x128xf32, #tpu.memory_space<vmem>>, vector<16xf32>,
            %mul3A_189 = arith.mulf %get3A_188, %broadcast_in_dim3A_175 : vector<16xf32>
            %swap3A_190 = arith.index_cast %add3A_179 : i32 to index
            %swap3A_191 = arith.constant 16 : index
            %swap3A_192 = tpu.vector_load %arg14[%swap3A_190, %swap3A_191] {strides = array<i32>} : memref<128x128xf32, #tpu.memory_space<vmem>>, vector<16xf32>,
            tpu.vector_store %arg14[%swap3A_190, %swap3A_191], %mul3A_189 {strides = array<i32>} : memref<128x128xf32, #tpu.memory_space<vmem>>, vector<16xf32>,
            %get3A_193 = arith.index_cast %add3A_179 : i32 to index
            %get3A_194 = arith.constant 32 : index
            %get3A_195 = tpu.vector_load %arg14[%get3A_193, %get3A_194] {strides = array<i32>} : memref<128x128xf32, #tpu.memory_space<vmem>>, vector<16xf32>,
            %mul3A_196 = arith.mulf %get3A_195, %broadcast_in_dim3A_175 : vector<16xf32>
            %swap3A_197 = arith.index_cast %add3A_179 : i32 to index
            %swap3A_198 = arith.constant 32 : index
            %swap3A_199 = tpu.vector_load %arg14[%swap3A_197, %swap3A_198] {strides = array<i32>} : memref<128x128xf32, #tpu.memory_space<vmem>>, vector<16xf32>,
            tpu.vector_store %arg14[%swap3A_197, %swap3A_198], %mul3A_196 {strides = array<i32>} : memref<128x128xf32, #tpu.memory_space<vmem>>, vector<16xf32>,
            %get3A_200 = arith.index_cast %add3A_179 : i32 to index
            %get3A_201 = arith.constant 48 : index
            %get3A_202 = tpu.vector_load %arg14[%get3A_200, %get3A_201] {strides = array<i32>} : memref<128x128xf32, #tpu.memory_space<vmem>>, vector<16xf32>,
            %mul3A_203 = arith.mulf %get3A_202, %broadcast_in_dim3A_175 : vector<16xf32>
            %swap3A_204 = arith.index_cast %add3A_179 : i32 to index
            %swap3A_205 = arith.constant 48 : index
            %swap3A_206 = tpu.vector_load %arg14[%swap3A_204, %swap3A_205] {strides = array<i32>} : memref<128x128xf32, #tpu.memory_space<vmem>>, vector<16xf32>,
            tpu.vector_store %arg14[%swap3A_204, %swap3A_205], %mul3A_203 {strides = array<i32>} : memref<128x128xf32, #tpu.memory_space<vmem>>, vector<16xf32>,
            %get3A_207 = arith.index_cast %add3A_179 : i32 to index
            %get3A_208 = arith.constant 64 : index
            %get3A_209 = tpu.vector_load %arg14[%get3A_207, %get3A_208] {strides = array<i32>} : memref<128x128xf32, #tpu.memory_space<vmem>>, vector<16xf32>,
            %mul3A_210 = arith.mulf %get3A_209, %broadcast_in_dim3A_175 : vector<16xf32>
            %swap3A_211 = arith.index_cast %add3A_179 : i32 to index
            %swap3A_212 = arith.constant 64 : index
            %swap3A_213 = tpu.vector_load %arg14[%swap3A_211, %swap3A_212] {strides = array<i32>} : memref<128x128xf32, #tpu.memory_space<vmem>>, vector<16xf32>,
            tpu.vector_store %arg14[%swap3A_211, %swap3A_212], %mul3A_210 {strides = array<i32>} : memref<128x128xf32, #tpu.memory_space<vmem>>, vector<16xf32>,
            %get3A_214 = arith.index_cast %add3A_179 : i32 to index
            %get3A_215 = arith.constant 80 : index
            %get3A_216 = tpu.vector_load %arg14[%get3A_214, %get3A_215] {strides = array<i32>} : memref<128x128xf32, #tpu.memory_space<vmem>>, vector<16xf32>,
            %mul3A_217 = arith.mulf %get3A_216, %broadcast_in_dim3A_175 : vector<16xf32>
            %swap3A_218 = arith.index_cast %add3A_179 : i32 to index
            %swap3A_219 = arith.constant 80 : index
            %swap3A_220 = tpu.vector_load %arg14[%swap3A_218, %swap3A_219] {strides = array<i32>} : memref<128x128xf32, #tpu.memory_space<vmem>>, vector<16xf32>,
            tpu.vector_store %arg14[%swap3A_218, %swap3A_219], %mul3A_217 {strides = array<i32>} : memref<128x128xf32, #tpu.memory_space<vmem>>, vector<16xf32>,
            %get3A_221 = arith.index_cast %add3A_179 : i32 to index
            %get3A_222 = arith.constant 96 : index
            %get3A_223 = tpu.vector_load %arg14[%get3A_221, %get3A_222] {strides = array<i32>} : memref<128x128xf32, #tpu.memory_space<vmem>>, vector<16xf32>,
            %mul3A_224 = arith.mulf %get3A_223, %broadcast_in_dim3A_175 : vector<16xf32>
            %swap3A_225 = arith.index_cast %add3A_179 : i32 to index
            %swap3A_226 = arith.constant 96 : index
            %swap3A_227 = tpu.vector_load %arg14[%swap3A_225, %swap3A_226] {strides = array<i32>} : memref<128x128xf32, #tpu.memory_space<vmem>>, vector<16xf32>,
            tpu.vector_store %arg14[%swap3A_225, %swap3A_226], %mul3A_224 {strides = array<i32>} : memref<128x128xf32, #tpu.memory_space<vmem>>, vector<16xf32>,
            %get3A_228 = arith.index_cast %add3A_179 : i32 to index
            %get3A_229 = arith.constant 112 : index
            %get3A_230 = tpu.vector_load %arg14[%get3A_228, %get3A_229] {strides = array<i32>} : memref<128x128xf32, #tpu.memory_space<vmem>>, vector<16xf32>,
            %mul3A_231 = arith.mulf %get3A_230, %broadcast_in_dim3A_175 : vector<16xf32>
            %swap3A_232 = arith.index_cast %add3A_179 : i32 to index
            %swap3A_233 = arith.constant 112 : index
            %swap3A_234 = tpu.vector_load %arg14[%swap3A_232, %swap3A_233] {strides = array<i32>} : memref<128x128xf32, #tpu.memory_space<vmem>>, vector<16xf32>,
            tpu.vector_store %arg14[%swap3A_232, %swap3A_233], %mul3A_231 {strides = array<i32>} : memref<128x128xf32, #tpu.memory_space<vmem>>, vector<16xf32>,
          } else {
          }
          %slice3A_138 = vector.extract_strided_slice %get3A_52 {offsets = [11], sizes = [1], strides = [1]} : vector<16xi32> to vector<1xi32>
          %squeeze3A_139 = vector.extract %slice3A_138[0] : i32 from vector<1xi32>
          %ge3A_140 = arith.constant 0 : i32
          %ge3A_141 = arith.cmpi sge, %squeeze3A_139, %ge3A_140 : i32
          %convert_element_type3A_142 = arith.extui %ge3A_141 : i1 to i32
          %cond3A_143 = arith.constant 0 : i32
          %cond3A_144 = arith.cmpi ne, %convert_element_type3A_142, %cond3A_143 : i32
          scf.if %cond3A_144 {
            %slice3A_173 = vector.extract_strided_slice %mul3A_65 {offsets = [11], sizes = [1], strides = [1]} : vector<16xf32> to vector<1xf32>
            %squeeze3A_174 = vector.extract %slice3A_173[0] : f32 from vector<1xf32>
            %broadcast_in_dim3A_175 = vector.broadcast %squeeze3A_174 : f32 to vector<16xf32>
            %mul3A_176 = arith.constant 16 : i32
            %mul3A_177 = arith.muli %scan3A_44, %mul3A_176 : i32
            %add3A_178 = arith.constant 11 : i32
            %add3A_179 = arith.addi %mul3A_177, %add3A_178 : i32
            %get3A_180 = arith.index_cast %add3A_179 : i32 to index
            %get3A_181 = arith.constant 0 : index
            %get3A_182 = tpu.vector_load %arg14[%get3A_180, %get3A_181] {strides = array<i32>} : memref<128x128xf32, #tpu.memory_space<vmem>>, vector<16xf32>,
            %mul3A_183 = arith.mulf %get3A_182, %broadcast_in_dim3A_175 : vector<16xf32>
            %swap3A = arith.index_cast %add3A_179 : i32 to index
            %swap3A_184 = arith.constant 0 : index
            %swap3A_185 = tpu.vector_load %arg14[%swap3A, %swap3A_184] {strides = array<i32>} : memref<128x128xf32, #tpu.memory_space<vmem>>, vector<16xf32>,
            tpu.vector_store %arg14[%swap3A, %swap3A_184], %mul3A_183 {strides = array<i32>} : memref<128x128xf32, #tpu.memory_space<vmem>>, vector<16xf32>,
            %get3A_186 = arith.index_cast %add3A_179 : i32 to index
            %get3A_187 = arith.constant 16 : index
            %get3A_188 = tpu.vector_load %arg14[%get3A_186, %get3A_187] {strides = array<i32>} : memref<128x128xf32, #tpu.memory_space<vmem>>, vector<16xf32>,
            %mul3A_189 = arith.mulf %get3A_188, %broadcast_in_dim3A_175 : vector<16xf32>
            %swap3A_190 = arith.index_cast %add3A_179 : i32 to index
            %swap3A_191 = arith.constant 16 : index
            %swap3A_192 = tpu.vector_load %arg14[%swap3A_190, %swap3A_191] {strides = array<i32>} : memref<128x128xf32, #tpu.memory_space<vmem>>, vector<16xf32>,
            tpu.vector_store %arg14[%swap3A_190, %swap3A_191], %mul3A_189 {strides = array<i32>} : memref<128x128xf32, #tpu.memory_space<vmem>>, vector<16xf32>,
            %get3A_193 = arith.index_cast %add3A_179 : i32 to index
            %get3A_194 = arith.constant 32 : index
            %get3A_195 = tpu.vector_load %arg14[%get3A_193, %get3A_194] {strides = array<i32>} : memref<128x128xf32, #tpu.memory_space<vmem>>, vector<16xf32>,
            %mul3A_196 = arith.mulf %get3A_195, %broadcast_in_dim3A_175 : vector<16xf32>
            %swap3A_197 = arith.index_cast %add3A_179 : i32 to index
            %swap3A_198 = arith.constant 32 : index
            %swap3A_199 = tpu.vector_load %arg14[%swap3A_197, %swap3A_198] {strides = array<i32>} : memref<128x128xf32, #tpu.memory_space<vmem>>, vector<16xf32>,
            tpu.vector_store %arg14[%swap3A_197, %swap3A_198], %mul3A_196 {strides = array<i32>} : memref<128x128xf32, #tpu.memory_space<vmem>>, vector<16xf32>,
            %get3A_200 = arith.index_cast %add3A_179 : i32 to index
            %get3A_201 = arith.constant 48 : index
            %get3A_202 = tpu.vector_load %arg14[%get3A_200, %get3A_201] {strides = array<i32>} : memref<128x128xf32, #tpu.memory_space<vmem>>, vector<16xf32>,
            %mul3A_203 = arith.mulf %get3A_202, %broadcast_in_dim3A_175 : vector<16xf32>
            %swap3A_204 = arith.index_cast %add3A_179 : i32 to index
            %swap3A_205 = arith.constant 48 : index
            %swap3A_206 = tpu.vector_load %arg14[%swap3A_204, %swap3A_205] {strides = array<i32>} : memref<128x128xf32, #tpu.memory_space<vmem>>, vector<16xf32>,
            tpu.vector_store %arg14[%swap3A_204, %swap3A_205], %mul3A_203 {strides = array<i32>} : memref<128x128xf32, #tpu.memory_space<vmem>>, vector<16xf32>,
            %get3A_207 = arith.index_cast %add3A_179 : i32 to index
            %get3A_208 = arith.constant 64 : index
            %get3A_209 = tpu.vector_load %arg14[%get3A_207, %get3A_208] {strides = array<i32>} : memref<128x128xf32, #tpu.memory_space<vmem>>, vector<16xf32>,
            %mul3A_210 = arith.mulf %get3A_209, %broadcast_in_dim3A_175 : vector<16xf32>
            %swap3A_211 = arith.index_cast %add3A_179 : i32 to index
            %swap3A_212 = arith.constant 64 : index
            %swap3A_213 = tpu.vector_load %arg14[%swap3A_211, %swap3A_212] {strides = array<i32>} : memref<128x128xf32, #tpu.memory_space<vmem>>, vector<16xf32>,
            tpu.vector_store %arg14[%swap3A_211, %swap3A_212], %mul3A_210 {strides = array<i32>} : memref<128x128xf32, #tpu.memory_space<vmem>>, vector<16xf32>,
            %get3A_214 = arith.index_cast %add3A_179 : i32 to index
            %get3A_215 = arith.constant 80 : index
            %get3A_216 = tpu.vector_load %arg14[%get3A_214, %get3A_215] {strides = array<i32>} : memref<128x128xf32, #tpu.memory_space<vmem>>, vector<16xf32>,
            %mul3A_217 = arith.mulf %get3A_216, %broadcast_in_dim3A_175 : vector<16xf32>
            %swap3A_218 = arith.index_cast %add3A_179 : i32 to index
            %swap3A_219 = arith.constant 80 : index
            %swap3A_220 = tpu.vector_load %arg14[%swap3A_218, %swap3A_219] {strides = array<i32>} : memref<128x128xf32, #tpu.memory_space<vmem>>, vector<16xf32>,
            tpu.vector_store %arg14[%swap3A_218, %swap3A_219], %mul3A_217 {strides = array<i32>} : memref<128x128xf32, #tpu.memory_space<vmem>>, vector<16xf32>,
            %get3A_221 = arith.index_cast %add3A_179 : i32 to index
            %get3A_222 = arith.constant 96 : index
            %get3A_223 = tpu.vector_load %arg14[%get3A_221, %get3A_222] {strides = array<i32>} : memref<128x128xf32, #tpu.memory_space<vmem>>, vector<16xf32>,
            %mul3A_224 = arith.mulf %get3A_223, %broadcast_in_dim3A_175 : vector<16xf32>
            %swap3A_225 = arith.index_cast %add3A_179 : i32 to index
            %swap3A_226 = arith.constant 96 : index
            %swap3A_227 = tpu.vector_load %arg14[%swap3A_225, %swap3A_226] {strides = array<i32>} : memref<128x128xf32, #tpu.memory_space<vmem>>, vector<16xf32>,
            tpu.vector_store %arg14[%swap3A_225, %swap3A_226], %mul3A_224 {strides = array<i32>} : memref<128x128xf32, #tpu.memory_space<vmem>>, vector<16xf32>,
            %get3A_228 = arith.index_cast %add3A_179 : i32 to index
            %get3A_229 = arith.constant 112 : index
            %get3A_230 = tpu.vector_load %arg14[%get3A_228, %get3A_229] {strides = array<i32>} : memref<128x128xf32, #tpu.memory_space<vmem>>, vector<16xf32>,
            %mul3A_231 = arith.mulf %get3A_230, %broadcast_in_dim3A_175 : vector<16xf32>
            %swap3A_232 = arith.index_cast %add3A_179 : i32 to index
            %swap3A_233 = arith.constant 112 : index
            %swap3A_234 = tpu.vector_load %arg14[%swap3A_232, %swap3A_233] {strides = array<i32>} : memref<128x128xf32, #tpu.memory_space<vmem>>, vector<16xf32>,
            tpu.vector_store %arg14[%swap3A_232, %swap3A_233], %mul3A_231 {strides = array<i32>} : memref<128x128xf32, #tpu.memory_space<vmem>>, vector<16xf32>,
          } else {
          }
          %slice3A_145 = vector.extract_strided_slice %get3A_52 {offsets = [12], sizes = [1], strides = [1]} : vector<16xi32> to vector<1xi32>
          %squeeze3A_146 = vector.extract %slice3A_145[0] : i32 from vector<1xi32>
          %ge3A_147 = arith.constant 0 : i32
          %ge3A_148 = arith.cmpi sge, %squeeze3A_146, %ge3A_147 : i32
          %convert_element_type3A_149 = arith.extui %ge3A_148 : i1 to i32
          %cond3A_150 = arith.constant 0 : i32
          %cond3A_151 = arith.cmpi ne, %convert_element_type3A_149, %cond3A_150 : i32
          scf.if %cond3A_151 {
            %slice3A_173 = vector.extract_strided_slice %mul3A_65 {offsets = [12], sizes = [1], strides = [1]} : vector<16xf32> to vector<1xf32>
            %squeeze3A_174 = vector.extract %slice3A_173[0] : f32 from vector<1xf32>
            %broadcast_in_dim3A_175 = vector.broadcast %squeeze3A_174 : f32 to vector<16xf32>
            %mul3A_176 = arith.constant 16 : i32
            %mul3A_177 = arith.muli %scan3A_44, %mul3A_176 : i32
            %add3A_178 = arith.constant 12 : i32
            %add3A_179 = arith.addi %mul3A_177, %add3A_178 : i32
            %get3A_180 = arith.index_cast %add3A_179 : i32 to index
            %get3A_181 = arith.constant 0 : index
            %get3A_182 = tpu.vector_load %arg14[%get3A_180, %get3A_181] {strides = array<i32>} : memref<128x128xf32, #tpu.memory_space<vmem>>, vector<16xf32>,
            %mul3A_183 = arith.mulf %get3A_182, %broadcast_in_dim3A_175 : vector<16xf32>
            %swap3A = arith.index_cast %add3A_179 : i32 to index
            %swap3A_184 = arith.constant 0 : index
            %swap3A_185 = tpu.vector_load %arg14[%swap3A, %swap3A_184] {strides = array<i32>} : memref<128x128xf32, #tpu.memory_space<vmem>>, vector<16xf32>,
            tpu.vector_store %arg14[%swap3A, %swap3A_184], %mul3A_183 {strides = array<i32>} : memref<128x128xf32, #tpu.memory_space<vmem>>, vector<16xf32>,
            %get3A_186 = arith.index_cast %add3A_179 : i32 to index
            %get3A_187 = arith.constant 16 : index
            %get3A_188 = tpu.vector_load %arg14[%get3A_186, %get3A_187] {strides = array<i32>} : memref<128x128xf32, #tpu.memory_space<vmem>>, vector<16xf32>,
            %mul3A_189 = arith.mulf %get3A_188, %broadcast_in_dim3A_175 : vector<16xf32>
            %swap3A_190 = arith.index_cast %add3A_179 : i32 to index
            %swap3A_191 = arith.constant 16 : index
            %swap3A_192 = tpu.vector_load %arg14[%swap3A_190, %swap3A_191] {strides = array<i32>} : memref<128x128xf32, #tpu.memory_space<vmem>>, vector<16xf32>,
            tpu.vector_store %arg14[%swap3A_190, %swap3A_191], %mul3A_189 {strides = array<i32>} : memref<128x128xf32, #tpu.memory_space<vmem>>, vector<16xf32>,
            %get3A_193 = arith.index_cast %add3A_179 : i32 to index
            %get3A_194 = arith.constant 32 : index
            %get3A_195 = tpu.vector_load %arg14[%get3A_193, %get3A_194] {strides = array<i32>} : memref<128x128xf32, #tpu.memory_space<vmem>>, vector<16xf32>,
            %mul3A_196 = arith.mulf %get3A_195, %broadcast_in_dim3A_175 : vector<16xf32>
            %swap3A_197 = arith.index_cast %add3A_179 : i32 to index
            %swap3A_198 = arith.constant 32 : index
            %swap3A_199 = tpu.vector_load %arg14[%swap3A_197, %swap3A_198] {strides = array<i32>} : memref<128x128xf32, #tpu.memory_space<vmem>>, vector<16xf32>,
            tpu.vector_store %arg14[%swap3A_197, %swap3A_198], %mul3A_196 {strides = array<i32>} : memref<128x128xf32, #tpu.memory_space<vmem>>, vector<16xf32>,
            %get3A_200 = arith.index_cast %add3A_179 : i32 to index
            %get3A_201 = arith.constant 48 : index
            %get3A_202 = tpu.vector_load %arg14[%get3A_200, %get3A_201] {strides = array<i32>} : memref<128x128xf32, #tpu.memory_space<vmem>>, vector<16xf32>,
            %mul3A_203 = arith.mulf %get3A_202, %broadcast_in_dim3A_175 : vector<16xf32>
            %swap3A_204 = arith.index_cast %add3A_179 : i32 to index
            %swap3A_205 = arith.constant 48 : index
            %swap3A_206 = tpu.vector_load %arg14[%swap3A_204, %swap3A_205] {strides = array<i32>} : memref<128x128xf32, #tpu.memory_space<vmem>>, vector<16xf32>,
            tpu.vector_store %arg14[%swap3A_204, %swap3A_205], %mul3A_203 {strides = array<i32>} : memref<128x128xf32, #tpu.memory_space<vmem>>, vector<16xf32>,
            %get3A_207 = arith.index_cast %add3A_179 : i32 to index
            %get3A_208 = arith.constant 64 : index
            %get3A_209 = tpu.vector_load %arg14[%get3A_207, %get3A_208] {strides = array<i32>} : memref<128x128xf32, #tpu.memory_space<vmem>>, vector<16xf32>,
            %mul3A_210 = arith.mulf %get3A_209, %broadcast_in_dim3A_175 : vector<16xf32>
            %swap3A_211 = arith.index_cast %add3A_179 : i32 to index
            %swap3A_212 = arith.constant 64 : index
            %swap3A_213 = tpu.vector_load %arg14[%swap3A_211, %swap3A_212] {strides = array<i32>} : memref<128x128xf32, #tpu.memory_space<vmem>>, vector<16xf32>,
            tpu.vector_store %arg14[%swap3A_211, %swap3A_212], %mul3A_210 {strides = array<i32>} : memref<128x128xf32, #tpu.memory_space<vmem>>, vector<16xf32>,
            %get3A_214 = arith.index_cast %add3A_179 : i32 to index
            %get3A_215 = arith.constant 80 : index
            %get3A_216 = tpu.vector_load %arg14[%get3A_214, %get3A_215] {strides = array<i32>} : memref<128x128xf32, #tpu.memory_space<vmem>>, vector<16xf32>,
            %mul3A_217 = arith.mulf %get3A_216, %broadcast_in_dim3A_175 : vector<16xf32>
            %swap3A_218 = arith.index_cast %add3A_179 : i32 to index
            %swap3A_219 = arith.constant 80 : index
            %swap3A_220 = tpu.vector_load %arg14[%swap3A_218, %swap3A_219] {strides = array<i32>} : memref<128x128xf32, #tpu.memory_space<vmem>>, vector<16xf32>,
            tpu.vector_store %arg14[%swap3A_218, %swap3A_219], %mul3A_217 {strides = array<i32>} : memref<128x128xf32, #tpu.memory_space<vmem>>, vector<16xf32>,
            %get3A_221 = arith.index_cast %add3A_179 : i32 to index
            %get3A_222 = arith.constant 96 : index
            %get3A_223 = tpu.vector_load %arg14[%get3A_221, %get3A_222] {strides = array<i32>} : memref<128x128xf32, #tpu.memory_space<vmem>>, vector<16xf32>,
            %mul3A_224 = arith.mulf %get3A_223, %broadcast_in_dim3A_175 : vector<16xf32>
            %swap3A_225 = arith.index_cast %add3A_179 : i32 to index
            %swap3A_226 = arith.constant 96 : index
            %swap3A_227 = tpu.vector_load %arg14[%swap3A_225, %swap3A_226] {strides = array<i32>} : memref<128x128xf32, #tpu.memory_space<vmem>>, vector<16xf32>,
            tpu.vector_store %arg14[%swap3A_225, %swap3A_226], %mul3A_224 {strides = array<i32>} : memref<128x128xf32, #tpu.memory_space<vmem>>, vector<16xf32>,
            %get3A_228 = arith.index_cast %add3A_179 : i32 to index
            %get3A_229 = arith.constant 112 : index
            %get3A_230 = tpu.vector_load %arg14[%get3A_228, %get3A_229] {strides = array<i32>} : memref<128x128xf32, #tpu.memory_space<vmem>>, vector<16xf32>,
            %mul3A_231 = arith.mulf %get3A_230, %broadcast_in_dim3A_175 : vector<16xf32>
            %swap3A_232 = arith.index_cast %add3A_179 : i32 to index
            %swap3A_233 = arith.constant 112 : index
            %swap3A_234 = tpu.vector_load %arg14[%swap3A_232, %swap3A_233] {strides = array<i32>} : memref<128x128xf32, #tpu.memory_space<vmem>>, vector<16xf32>,
            tpu.vector_store %arg14[%swap3A_232, %swap3A_233], %mul3A_231 {strides = array<i32>} : memref<128x128xf32, #tpu.memory_space<vmem>>, vector<16xf32>,
          } else {
          }
          %slice3A_152 = vector.extract_strided_slice %get3A_52 {offsets = [13], sizes = [1], strides = [1]} : vector<16xi32> to vector<1xi32>
          %squeeze3A_153 = vector.extract %slice3A_152[0] : i32 from vector<1xi32>
          %ge3A_154 = arith.constant 0 : i32
          %ge3A_155 = arith.cmpi sge, %squeeze3A_153, %ge3A_154 : i32
          %convert_element_type3A_156 = arith.extui %ge3A_155 : i1 to i32
          %cond3A_157 = arith.constant 0 : i32
          %cond3A_158 = arith.cmpi ne, %convert_element_type3A_156, %cond3A_157 : i32
          scf.if %cond3A_158 {
            %slice3A_173 = vector.extract_strided_slice %mul3A_65 {offsets = [13], sizes = [1], strides = [1]} : vector<16xf32> to vector<1xf32>
            %squeeze3A_174 = vector.extract %slice3A_173[0] : f32 from vector<1xf32>
            %broadcast_in_dim3A_175 = vector.broadcast %squeeze3A_174 : f32 to vector<16xf32>
            %mul3A_176 = arith.constant 16 : i32
            %mul3A_177 = arith.muli %scan3A_44, %mul3A_176 : i32
            %add3A_178 = arith.constant 13 : i32
            %add3A_179 = arith.addi %mul3A_177, %add3A_178 : i32
            %get3A_180 = arith.index_cast %add3A_179 : i32 to index
            %get3A_181 = arith.constant 0 : index
            %get3A_182 = tpu.vector_load %arg14[%get3A_180, %get3A_181] {strides = array<i32>} : memref<128x128xf32, #tpu.memory_space<vmem>>, vector<16xf32>,
            %mul3A_183 = arith.mulf %get3A_182, %broadcast_in_dim3A_175 : vector<16xf32>
            %swap3A = arith.index_cast %add3A_179 : i32 to index
            %swap3A_184 = arith.constant 0 : index
            %swap3A_185 = tpu.vector_load %arg14[%swap3A, %swap3A_184] {strides = array<i32>} : memref<128x128xf32, #tpu.memory_space<vmem>>, vector<16xf32>,
            tpu.vector_store %arg14[%swap3A, %swap3A_184], %mul3A_183 {strides = array<i32>} : memref<128x128xf32, #tpu.memory_space<vmem>>, vector<16xf32>,
            %get3A_186 = arith.index_cast %add3A_179 : i32 to index
            %get3A_187 = arith.constant 16 : index
            %get3A_188 = tpu.vector_load %arg14[%get3A_186, %get3A_187] {strides = array<i32>} : memref<128x128xf32, #tpu.memory_space<vmem>>, vector<16xf32>,
            %mul3A_189 = arith.mulf %get3A_188, %broadcast_in_dim3A_175 : vector<16xf32>
            %swap3A_190 = arith.index_cast %add3A_179 : i32 to index
            %swap3A_191 = arith.constant 16 : index
            %swap3A_192 = tpu.vector_load %arg14[%swap3A_190, %swap3A_191] {strides = array<i32>} : memref<128x128xf32, #tpu.memory_space<vmem>>, vector<16xf32>,
            tpu.vector_store %arg14[%swap3A_190, %swap3A_191], %mul3A_189 {strides = array<i32>} : memref<128x128xf32, #tpu.memory_space<vmem>>, vector<16xf32>,
            %get3A_193 = arith.index_cast %add3A_179 : i32 to index
            %get3A_194 = arith.constant 32 : index
            %get3A_195 = tpu.vector_load %arg14[%get3A_193, %get3A_194] {strides = array<i32>} : memref<128x128xf32, #tpu.memory_space<vmem>>, vector<16xf32>,
            %mul3A_196 = arith.mulf %get3A_195, %broadcast_in_dim3A_175 : vector<16xf32>
            %swap3A_197 = arith.index_cast %add3A_179 : i32 to index
            %swap3A_198 = arith.constant 32 : index
            %swap3A_199 = tpu.vector_load %arg14[%swap3A_197, %swap3A_198] {strides = array<i32>} : memref<128x128xf32, #tpu.memory_space<vmem>>, vector<16xf32>,
            tpu.vector_store %arg14[%swap3A_197, %swap3A_198], %mul3A_196 {strides = array<i32>} : memref<128x128xf32, #tpu.memory_space<vmem>>, vector<16xf32>,
            %get3A_200 = arith.index_cast %add3A_179 : i32 to index
            %get3A_201 = arith.constant 48 : index
            %get3A_202 = tpu.vector_load %arg14[%get3A_200, %get3A_201] {strides = array<i32>} : memref<128x128xf32, #tpu.memory_space<vmem>>, vector<16xf32>,
            %mul3A_203 = arith.mulf %get3A_202, %broadcast_in_dim3A_175 : vector<16xf32>
            %swap3A_204 = arith.index_cast %add3A_179 : i32 to index
            %swap3A_205 = arith.constant 48 : index
            %swap3A_206 = tpu.vector_load %arg14[%swap3A_204, %swap3A_205] {strides = array<i32>} : memref<128x128xf32, #tpu.memory_space<vmem>>, vector<16xf32>,
            tpu.vector_store %arg14[%swap3A_204, %swap3A_205], %mul3A_203 {strides = array<i32>} : memref<128x128xf32, #tpu.memory_space<vmem>>, vector<16xf32>,
            %get3A_207 = arith.index_cast %add3A_179 : i32 to index
            %get3A_208 = arith.constant 64 : index
            %get3A_209 = tpu.vector_load %arg14[%get3A_207, %get3A_208] {strides = array<i32>} : memref<128x128xf32, #tpu.memory_space<vmem>>, vector<16xf32>,
            %mul3A_210 = arith.mulf %get3A_209, %broadcast_in_dim3A_175 : vector<16xf32>
            %swap3A_211 = arith.index_cast %add3A_179 : i32 to index
            %swap3A_212 = arith.constant 64 : index
            %swap3A_213 = tpu.vector_load %arg14[%swap3A_211, %swap3A_212] {strides = array<i32>} : memref<128x128xf32, #tpu.memory_space<vmem>>, vector<16xf32>,
            tpu.vector_store %arg14[%swap3A_211, %swap3A_212], %mul3A_210 {strides = array<i32>} : memref<128x128xf32, #tpu.memory_space<vmem>>, vector<16xf32>,
            %get3A_214 = arith.index_cast %add3A_179 : i32 to index
            %get3A_215 = arith.constant 80 : index
            %get3A_216 = tpu.vector_load %arg14[%get3A_214, %get3A_215] {strides = array<i32>} : memref<128x128xf32, #tpu.memory_space<vmem>>, vector<16xf32>,
            %mul3A_217 = arith.mulf %get3A_216, %broadcast_in_dim3A_175 : vector<16xf32>
            %swap3A_218 = arith.index_cast %add3A_179 : i32 to index
            %swap3A_219 = arith.constant 80 : index
            %swap3A_220 = tpu.vector_load %arg14[%swap3A_218, %swap3A_219] {strides = array<i32>} : memref<128x128xf32, #tpu.memory_space<vmem>>, vector<16xf32>,
            tpu.vector_store %arg14[%swap3A_218, %swap3A_219], %mul3A_217 {strides = array<i32>} : memref<128x128xf32, #tpu.memory_space<vmem>>, vector<16xf32>,
            %get3A_221 = arith.index_cast %add3A_179 : i32 to index
            %get3A_222 = arith.constant 96 : index
            %get3A_223 = tpu.vector_load %arg14[%get3A_221, %get3A_222] {strides = array<i32>} : memref<128x128xf32, #tpu.memory_space<vmem>>, vector<16xf32>,
            %mul3A_224 = arith.mulf %get3A_223, %broadcast_in_dim3A_175 : vector<16xf32>
            %swap3A_225 = arith.index_cast %add3A_179 : i32 to index
            %swap3A_226 = arith.constant 96 : index
            %swap3A_227 = tpu.vector_load %arg14[%swap3A_225, %swap3A_226] {strides = array<i32>} : memref<128x128xf32, #tpu.memory_space<vmem>>, vector<16xf32>,
            tpu.vector_store %arg14[%swap3A_225, %swap3A_226], %mul3A_224 {strides = array<i32>} : memref<128x128xf32, #tpu.memory_space<vmem>>, vector<16xf32>,
            %get3A_228 = arith.index_cast %add3A_179 : i32 to index
            %get3A_229 = arith.constant 112 : index
            %get3A_230 = tpu.vector_load %arg14[%get3A_228, %get3A_229] {strides = array<i32>} : memref<128x128xf32, #tpu.memory_space<vmem>>, vector<16xf32>,
            %mul3A_231 = arith.mulf %get3A_230, %broadcast_in_dim3A_175 : vector<16xf32>
            %swap3A_232 = arith.index_cast %add3A_179 : i32 to index
            %swap3A_233 = arith.constant 112 : index
            %swap3A_234 = tpu.vector_load %arg14[%swap3A_232, %swap3A_233] {strides = array<i32>} : memref<128x128xf32, #tpu.memory_space<vmem>>, vector<16xf32>,
            tpu.vector_store %arg14[%swap3A_232, %swap3A_233], %mul3A_231 {strides = array<i32>} : memref<128x128xf32, #tpu.memory_space<vmem>>, vector<16xf32>,
          } else {
          }
          %slice3A_159 = vector.extract_strided_slice %get3A_52 {offsets = [14], sizes = [1], strides = [1]} : vector<16xi32> to vector<1xi32>
          %squeeze3A_160 = vector.extract %slice3A_159[0] : i32 from vector<1xi32>
          %ge3A_161 = arith.constant 0 : i32
          %ge3A_162 = arith.cmpi sge, %squeeze3A_160, %ge3A_161 : i32
          %convert_element_type3A_163 = arith.extui %ge3A_162 : i1 to i32
          %cond3A_164 = arith.constant 0 : i32
          %cond3A_165 = arith.cmpi ne, %convert_element_type3A_163, %cond3A_164 : i32
          scf.if %cond3A_165 {
            %slice3A_173 = vector.extract_strided_slice %mul3A_65 {offsets = [14], sizes = [1], strides = [1]} : vector<16xf32> to vector<1xf32>
            %squeeze3A_174 = vector.extract %slice3A_173[0] : f32 from vector<1xf32>
            %broadcast_in_dim3A_175 = vector.broadcast %squeeze3A_174 : f32 to vector<16xf32>
            %mul3A_176 = arith.constant 16 : i32
            %mul3A_177 = arith.muli %scan3A_44, %mul3A_176 : i32
            %add3A_178 = arith.constant 14 : i32
            %add3A_179 = arith.addi %mul3A_177, %add3A_178 : i32
            %get3A_180 = arith.index_cast %add3A_179 : i32 to index
            %get3A_181 = arith.constant 0 : index
            %get3A_182 = tpu.vector_load %arg14[%get3A_180, %get3A_181] {strides = array<i32>} : memref<128x128xf32, #tpu.memory_space<vmem>>, vector<16xf32>,
            %mul3A_183 = arith.mulf %get3A_182, %broadcast_in_dim3A_175 : vector<16xf32>
            %swap3A = arith.index_cast %add3A_179 : i32 to index
            %swap3A_184 = arith.constant 0 : index
            %swap3A_185 = tpu.vector_load %arg14[%swap3A, %swap3A_184] {strides = array<i32>} : memref<128x128xf32, #tpu.memory_space<vmem>>, vector<16xf32>,
            tpu.vector_store %arg14[%swap3A, %swap3A_184], %mul3A_183 {strides = array<i32>} : memref<128x128xf32, #tpu.memory_space<vmem>>, vector<16xf32>,
            %get3A_186 = arith.index_cast %add3A_179 : i32 to index
            %get3A_187 = arith.constant 16 : index
            %get3A_188 = tpu.vector_load %arg14[%get3A_186, %get3A_187] {strides = array<i32>} : memref<128x128xf32, #tpu.memory_space<vmem>>, vector<16xf32>,
            %mul3A_189 = arith.mulf %get3A_188, %broadcast_in_dim3A_175 : vector<16xf32>
            %swap3A_190 = arith.index_cast %add3A_179 : i32 to index
            %swap3A_191 = arith.constant 16 : index
            %swap3A_192 = tpu.vector_load %arg14[%swap3A_190, %swap3A_191] {strides = array<i32>} : memref<128x128xf32, #tpu.memory_space<vmem>>, vector<16xf32>,
            tpu.vector_store %arg14[%swap3A_190, %swap3A_191], %mul3A_189 {strides = array<i32>} : memref<128x128xf32, #tpu.memory_space<vmem>>, vector<16xf32>,
            %get3A_193 = arith.index_cast %add3A_179 : i32 to index
            %get3A_194 = arith.constant 32 : index
            %get3A_195 = tpu.vector_load %arg14[%get3A_193, %get3A_194] {strides = array<i32>} : memref<128x128xf32, #tpu.memory_space<vmem>>, vector<16xf32>,
            %mul3A_196 = arith.mulf %get3A_195, %broadcast_in_dim3A_175 : vector<16xf32>
            %swap3A_197 = arith.index_cast %add3A_179 : i32 to index
            %swap3A_198 = arith.constant 32 : index
            %swap3A_199 = tpu.vector_load %arg14[%swap3A_197, %swap3A_198] {strides = array<i32>} : memref<128x128xf32, #tpu.memory_space<vmem>>, vector<16xf32>,
            tpu.vector_store %arg14[%swap3A_197, %swap3A_198], %mul3A_196 {strides = array<i32>} : memref<128x128xf32, #tpu.memory_space<vmem>>, vector<16xf32>,
            %get3A_200 = arith.index_cast %add3A_179 : i32 to index
            %get3A_201 = arith.constant 48 : index
            %get3A_202 = tpu.vector_load %arg14[%get3A_200, %get3A_201] {strides = array<i32>} : memref<128x128xf32, #tpu.memory_space<vmem>>, vector<16xf32>,
            %mul3A_203 = arith.mulf %get3A_202, %broadcast_in_dim3A_175 : vector<16xf32>
            %swap3A_204 = arith.index_cast %add3A_179 : i32 to index
            %swap3A_205 = arith.constant 48 : index
            %swap3A_206 = tpu.vector_load %arg14[%swap3A_204, %swap3A_205] {strides = array<i32>} : memref<128x128xf32, #tpu.memory_space<vmem>>, vector<16xf32>,
            tpu.vector_store %arg14[%swap3A_204, %swap3A_205], %mul3A_203 {strides = array<i32>} : memref<128x128xf32, #tpu.memory_space<vmem>>, vector<16xf32>,
            %get3A_207 = arith.index_cast %add3A_179 : i32 to index
            %get3A_208 = arith.constant 64 : index
            %get3A_209 = tpu.vector_load %arg14[%get3A_207, %get3A_208] {strides = array<i32>} : memref<128x128xf32, #tpu.memory_space<vmem>>, vector<16xf32>,
            %mul3A_210 = arith.mulf %get3A_209, %broadcast_in_dim3A_175 : vector<16xf32>
            %swap3A_211 = arith.index_cast %add3A_179 : i32 to index
            %swap3A_212 = arith.constant 64 : index
            %swap3A_213 = tpu.vector_load %arg14[%swap3A_211, %swap3A_212] {strides = array<i32>} : memref<128x128xf32, #tpu.memory_space<vmem>>, vector<16xf32>,
            tpu.vector_store %arg14[%swap3A_211, %swap3A_212], %mul3A_210 {strides = array<i32>} : memref<128x128xf32, #tpu.memory_space<vmem>>, vector<16xf32>,
            %get3A_214 = arith.index_cast %add3A_179 : i32 to index
            %get3A_215 = arith.constant 80 : index
            %get3A_216 = tpu.vector_load %arg14[%get3A_214, %get3A_215] {strides = array<i32>} : memref<128x128xf32, #tpu.memory_space<vmem>>, vector<16xf32>,
            %mul3A_217 = arith.mulf %get3A_216, %broadcast_in_dim3A_175 : vector<16xf32>
            %swap3A_218 = arith.index_cast %add3A_179 : i32 to index
            %swap3A_219 = arith.constant 80 : index
            %swap3A_220 = tpu.vector_load %arg14[%swap3A_218, %swap3A_219] {strides = array<i32>} : memref<128x128xf32, #tpu.memory_space<vmem>>, vector<16xf32>,
            tpu.vector_store %arg14[%swap3A_218, %swap3A_219], %mul3A_217 {strides = array<i32>} : memref<128x128xf32, #tpu.memory_space<vmem>>, vector<16xf32>,
            %get3A_221 = arith.index_cast %add3A_179 : i32 to index
            %get3A_222 = arith.constant 96 : index
            %get3A_223 = tpu.vector_load %arg14[%get3A_221, %get3A_222] {strides = array<i32>} : memref<128x128xf32, #tpu.memory_space<vmem>>, vector<16xf32>,
            %mul3A_224 = arith.mulf %get3A_223, %broadcast_in_dim3A_175 : vector<16xf32>
            %swap3A_225 = arith.index_cast %add3A_179 : i32 to index
            %swap3A_226 = arith.constant 96 : index
            %swap3A_227 = tpu.vector_load %arg14[%swap3A_225, %swap3A_226] {strides = array<i32>} : memref<128x128xf32, #tpu.memory_space<vmem>>, vector<16xf32>,
            tpu.vector_store %arg14[%swap3A_225, %swap3A_226], %mul3A_224 {strides = array<i32>} : memref<128x128xf32, #tpu.memory_space<vmem>>, vector<16xf32>,
            %get3A_228 = arith.index_cast %add3A_179 : i32 to index
            %get3A_229 = arith.constant 112 : index
            %get3A_230 = tpu.vector_load %arg14[%get3A_228, %get3A_229] {strides = array<i32>} : memref<128x128xf32, #tpu.memory_space<vmem>>, vector<16xf32>,
            %mul3A_231 = arith.mulf %get3A_230, %broadcast_in_dim3A_175 : vector<16xf32>
            %swap3A_232 = arith.index_cast %add3A_179 : i32 to index
            %swap3A_233 = arith.constant 112 : index
            %swap3A_234 = tpu.vector_load %arg14[%swap3A_232, %swap3A_233] {strides = array<i32>} : memref<128x128xf32, #tpu.memory_space<vmem>>, vector<16xf32>,
            tpu.vector_store %arg14[%swap3A_232, %swap3A_233], %mul3A_231 {strides = array<i32>} : memref<128x128xf32, #tpu.memory_space<vmem>>, vector<16xf32>,
          } else {
          }
          %slice3A_166 = vector.extract_strided_slice %get3A_52 {offsets = [15], sizes = [1], strides = [1]} : vector<16xi32> to vector<1xi32>
          %squeeze3A_167 = vector.extract %slice3A_166[0] : i32 from vector<1xi32>
          %ge3A_168 = arith.constant 0 : i32
          %ge3A_169 = arith.cmpi sge, %squeeze3A_167, %ge3A_168 : i32
          %convert_element_type3A_170 = arith.extui %ge3A_169 : i1 to i32
          %cond3A_171 = arith.constant 0 : i32
          %cond3A_172 = arith.cmpi ne, %convert_element_type3A_170, %cond3A_171 : i32
          scf.if %cond3A_172 {
            %slice3A_173 = vector.extract_strided_slice %mul3A_65 {offsets = [15], sizes = [1], strides = [1]} : vector<16xf32> to vector<1xf32>
            %squeeze3A_174 = vector.extract %slice3A_173[0] : f32 from vector<1xf32>
            %broadcast_in_dim3A_175 = vector.broadcast %squeeze3A_174 : f32 to vector<16xf32>
            %mul3A_176 = arith.constant 16 : i32
            %mul3A_177 = arith.muli %scan3A_44, %mul3A_176 : i32
            %add3A_178 = arith.constant 15 : i32
            %add3A_179 = arith.addi %mul3A_177, %add3A_178 : i32
            %get3A_180 = arith.index_cast %add3A_179 : i32 to index
            %get3A_181 = arith.constant 0 : index
            %get3A_182 = tpu.vector_load %arg14[%get3A_180, %get3A_181] {strides = array<i32>} : memref<128x128xf32, #tpu.memory_space<vmem>>, vector<16xf32>,
            %mul3A_183 = arith.mulf %get3A_182, %broadcast_in_dim3A_175 : vector<16xf32>
            %swap3A = arith.index_cast %add3A_179 : i32 to index
            %swap3A_184 = arith.constant 0 : index
            %swap3A_185 = tpu.vector_load %arg14[%swap3A, %swap3A_184] {strides = array<i32>} : memref<128x128xf32, #tpu.memory_space<vmem>>, vector<16xf32>,
            tpu.vector_store %arg14[%swap3A, %swap3A_184], %mul3A_183 {strides = array<i32>} : memref<128x128xf32, #tpu.memory_space<vmem>>, vector<16xf32>,
            %get3A_186 = arith.index_cast %add3A_179 : i32 to index
            %get3A_187 = arith.constant 16 : index
            %get3A_188 = tpu.vector_load %arg14[%get3A_186, %get3A_187] {strides = array<i32>} : memref<128x128xf32, #tpu.memory_space<vmem>>, vector<16xf32>,
            %mul3A_189 = arith.mulf %get3A_188, %broadcast_in_dim3A_175 : vector<16xf32>
            %swap3A_190 = arith.index_cast %add3A_179 : i32 to index
            %swap3A_191 = arith.constant 16 : index
            %swap3A_192 = tpu.vector_load %arg14[%swap3A_190, %swap3A_191] {strides = array<i32>} : memref<128x128xf32, #tpu.memory_space<vmem>>, vector<16xf32>,
            tpu.vector_store %arg14[%swap3A_190, %swap3A_191], %mul3A_189 {strides = array<i32>} : memref<128x128xf32, #tpu.memory_space<vmem>>, vector<16xf32>,
            %get3A_193 = arith.index_cast %add3A_179 : i32 to index
            %get3A_194 = arith.constant 32 : index
            %get3A_195 = tpu.vector_load %arg14[%get3A_193, %get3A_194] {strides = array<i32>} : memref<128x128xf32, #tpu.memory_space<vmem>>, vector<16xf32>,
            %mul3A_196 = arith.mulf %get3A_195, %broadcast_in_dim3A_175 : vector<16xf32>
            %swap3A_197 = arith.index_cast %add3A_179 : i32 to index
            %swap3A_198 = arith.constant 32 : index
            %swap3A_199 = tpu.vector_load %arg14[%swap3A_197, %swap3A_198] {strides = array<i32>} : memref<128x128xf32, #tpu.memory_space<vmem>>, vector<16xf32>,
            tpu.vector_store %arg14[%swap3A_197, %swap3A_198], %mul3A_196 {strides = array<i32>} : memref<128x128xf32, #tpu.memory_space<vmem>>, vector<16xf32>,
            %get3A_200 = arith.index_cast %add3A_179 : i32 to index
            %get3A_201 = arith.constant 48 : index
            %get3A_202 = tpu.vector_load %arg14[%get3A_200, %get3A_201] {strides = array<i32>} : memref<128x128xf32, #tpu.memory_space<vmem>>, vector<16xf32>,
            %mul3A_203 = arith.mulf %get3A_202, %broadcast_in_dim3A_175 : vector<16xf32>
            %swap3A_204 = arith.index_cast %add3A_179 : i32 to index
            %swap3A_205 = arith.constant 48 : index
            %swap3A_206 = tpu.vector_load %arg14[%swap3A_204, %swap3A_205] {strides = array<i32>} : memref<128x128xf32, #tpu.memory_space<vmem>>, vector<16xf32>,
            tpu.vector_store %arg14[%swap3A_204, %swap3A_205], %mul3A_203 {strides = array<i32>} : memref<128x128xf32, #tpu.memory_space<vmem>>, vector<16xf32>,
            %get3A_207 = arith.index_cast %add3A_179 : i32 to index
            %get3A_208 = arith.constant 64 : index
            %get3A_209 = tpu.vector_load %arg14[%get3A_207, %get3A_208] {strides = array<i32>} : memref<128x128xf32, #tpu.memory_space<vmem>>, vector<16xf32>,
            %mul3A_210 = arith.mulf %get3A_209, %broadcast_in_dim3A_175 : vector<16xf32>
            %swap3A_211 = arith.index_cast %add3A_179 : i32 to index
            %swap3A_212 = arith.constant 64 : index
            %swap3A_213 = tpu.vector_load %arg14[%swap3A_211, %swap3A_212] {strides = array<i32>} : memref<128x128xf32, #tpu.memory_space<vmem>>, vector<16xf32>,
            tpu.vector_store %arg14[%swap3A_211, %swap3A_212], %mul3A_210 {strides = array<i32>} : memref<128x128xf32, #tpu.memory_space<vmem>>, vector<16xf32>,
            %get3A_214 = arith.index_cast %add3A_179 : i32 to index
            %get3A_215 = arith.constant 80 : index
            %get3A_216 = tpu.vector_load %arg14[%get3A_214, %get3A_215] {strides = array<i32>} : memref<128x128xf32, #tpu.memory_space<vmem>>, vector<16xf32>,
            %mul3A_217 = arith.mulf %get3A_216, %broadcast_in_dim3A_175 : vector<16xf32>
            %swap3A_218 = arith.index_cast %add3A_179 : i32 to index
            %swap3A_219 = arith.constant 80 : index
            %swap3A_220 = tpu.vector_load %arg14[%swap3A_218, %swap3A_219] {strides = array<i32>} : memref<128x128xf32, #tpu.memory_space<vmem>>, vector<16xf32>,
            tpu.vector_store %arg14[%swap3A_218, %swap3A_219], %mul3A_217 {strides = array<i32>} : memref<128x128xf32, #tpu.memory_space<vmem>>, vector<16xf32>,
            %get3A_221 = arith.index_cast %add3A_179 : i32 to index
            %get3A_222 = arith.constant 96 : index
            %get3A_223 = tpu.vector_load %arg14[%get3A_221, %get3A_222] {strides = array<i32>} : memref<128x128xf32, #tpu.memory_space<vmem>>, vector<16xf32>,
            %mul3A_224 = arith.mulf %get3A_223, %broadcast_in_dim3A_175 : vector<16xf32>
            %swap3A_225 = arith.index_cast %add3A_179 : i32 to index
            %swap3A_226 = arith.constant 96 : index
            %swap3A_227 = tpu.vector_load %arg14[%swap3A_225, %swap3A_226] {strides = array<i32>} : memref<128x128xf32, #tpu.memory_space<vmem>>, vector<16xf32>,
            tpu.vector_store %arg14[%swap3A_225, %swap3A_226], %mul3A_224 {strides = array<i32>} : memref<128x128xf32, #tpu.memory_space<vmem>>, vector<16xf32>,
            %get3A_228 = arith.index_cast %add3A_179 : i32 to index
            %get3A_229 = arith.constant 112 : index
            %get3A_230 = tpu.vector_load %arg14[%get3A_228, %get3A_229] {strides = array<i32>} : memref<128x128xf32, #tpu.memory_space<vmem>>, vector<16xf32>,
            %mul3A_231 = arith.mulf %get3A_230, %broadcast_in_dim3A_175 : vector<16xf32>
            %swap3A_232 = arith.index_cast %add3A_179 : i32 to index
            %swap3A_233 = arith.constant 112 : index
            %swap3A_234 = tpu.vector_load %arg14[%swap3A_232, %swap3A_233] {strides = array<i32>} : memref<128x128xf32, #tpu.memory_space<vmem>>, vector<16xf32>,
            tpu.vector_store %arg14[%swap3A_232, %swap3A_233], %mul3A_231 {strides = array<i32>} : memref<128x128xf32, #tpu.memory_space<vmem>>, vector<16xf32>,
          } else {
          }
        }
        %scan3A_43 = arith.constant 8 : i32
        "tpu.region"() ({
          %run_scoped3A = tpu.sem_alloc : memref<!tpu.dma_semaphore, #tpu.memory_space<semaphore_mem>>
          %dma_start3A_44 = arith.constant 0 : i32
          %dma_start3A_45 = arith.constant 0 : i32
          %dma_start3A_46 = tpu.memref_slice %arg15[%dma_start3A_44, %dma_start3A_45] : memref<1024x128xf32, #tpu.memory_space<vmem_shared>> -> memref<1024x128xf32, #tpu.memory_space<vmem_shared>>
          %dma_start3A_47 = arith.constant -1 : i32
          tpu.enqueue_indirect_dma source(%arg14 : memref<128x128xf32, #tpu.memory_space<vmem>>) target(%dma_start3A_46 : memref<1024x128xf32, #tpu.memory_space<vmem_shared>>) offsets(%arg12 : memref<128xi32, #tpu.memory_space<vmem>>) offset_filter(%dma_start3A_47) semaphore(%run_scoped3A : memref<!tpu.dma_semaphore, #tpu.memory_space<semaphore_mem>>) {add = true}
          %dma_wait3A_48 = arith.constant 0 : i32
          %dma_wait3A_49 = arith.constant 0 : i32
          %dma_wait3A_50 = tpu.memref_slice %arg15[%dma_wait3A_48, %dma_wait3A_49] : memref<1024x128xf32, #tpu.memory_space<vmem_shared>> -> memref<1024x128xf32, #tpu.memory_space<vmem_shared>>
          tpu.wait_indirect_dma semaphore(%run_scoped3A : memref<!tpu.dma_semaphore, #tpu.memory_space<semaphore_mem>>) src(%arg14 : memref<128x128xf32, #tpu.memory_space<vmem>>) dst(%dma_wait3A_50 : memref<1024x128xf32, #tpu.memory_space<vmem_shared>>)
          tpu.yield
        }) : () -> ()
      }
      %scan3A_28 = arith.constant 16 : i32
    }
    %scan3A_10 = arith.constant 5 : i32
    %barrier3A_11 = arith.constant 0 : index
    tpu.barrier barrier_id(%barrier3A_11)
    %mul3A_12 = arith.constant 64 : i32
    %mul3A_13 = arith.muli %arg1, %mul3A_12 : i32
    %mul3A_14 = arith.constant 64 : i32
    %mul3A_15 = arith.muli %arg1, %mul3A_14 : i32
    "tpu.region"() ({
      %run_scoped3A = tpu.sem_alloc : memref<!tpu.dma_semaphore, #tpu.memory_space<semaphore_mem>>
      %dma_start3A = arith.constant 0 : i32
      %dma_start3A_16 = tpu.memref_slice %arg7[%arg0, %mul3A_15, %dma_start3A] : memref<2x1024x128xf32, #tpu.memory_space<hbm>> -> memref<1x64x128xf32, #tpu.memory_space<hbm>>
      %dma_start3A_17 = tpu.memref_squeeze %dma_start3A_16 : memref<1x64x128xf32, #tpu.memory_space<hbm>> -> memref<64x128xf32, #tpu.memory_space<hbm>>
      %dma_start3A_18 = arith.constant 0 : i32
      %dma_start3A_19 = tpu.memref_slice %arg15[%mul3A_13, %dma_start3A_18] : memref<1024x128xf32, #tpu.memory_space<vmem_shared>> -> memref<64x128xf32, #tpu.memory_space<vmem_shared>>
      tpu.enqueue_dma source(%dma_start3A_19 : memref<64x128xf32, #tpu.memory_space<vmem_shared>>) target(%dma_start3A_17 : memref<64x128xf32, #tpu.memory_space<hbm>>) target_semaphore(%run_scoped3A : memref<!tpu.dma_semaphore, #tpu.memory_space<semaphore_mem>>)
      %dma_wait3A = arith.constant 0 : i32
      %dma_wait3A_20 = tpu.memref_slice %arg7[%arg0, %mul3A_15, %dma_wait3A] : memref<2x1024x128xf32, #tpu.memory_space<hbm>> -> memref<1x64x128xf32, #tpu.memory_space<hbm>>
      %dma_wait3A_21 = tpu.memref_squeeze %dma_wait3A_20 : memref<1x64x128xf32, #tpu.memory_space<hbm>> -> memref<64x128xf32, #tpu.memory_space<hbm>>
      %dma_wait3A_22 = arith.constant 0 : i32
      %dma_wait3A_23 = tpu.memref_slice %arg15[%mul3A_13, %dma_wait3A_22] : memref<1024x128xf32, #tpu.memory_space<vmem_shared>> -> memref<64x128xf32, #tpu.memory_space<vmem_shared>>
      tpu.wait_dma2 semaphore(%run_scoped3A : memref<!tpu.dma_semaphore, #tpu.memory_space<semaphore_mem>>) src(%dma_wait3A_23 : memref<64x128xf32, #tpu.memory_space<vmem_shared>>) dst(%dma_wait3A_21 : memref<64x128xf32, #tpu.memory_space<hbm>>)
      tpu.yield
    }) : () -> ()
    return
  }
}

module attributes {stable_mosaic.version = 14 : i64} {
  func.func @_dis_body(%arg0: memref<2x80x128xf32, #tpu.memory_space<vmem>>, %arg1: memref<80x128xf32, #tpu.memory_space<vmem>>) attributes {dimension_semantics = [], scalar_prefetch = 0 : i64, scratch_operands = 0 : i64, tpu.core_type = #tpu.core_type<tc>} {
    %get3A = arith.constant 0 : index
    %get3A_0 = arith.constant 0 : index
    %get3A_1 = arith.constant 0 : index
    %get3A_2 = vector.load %arg0[%get3A, %get3A_0, %get3A_1] : memref<2x80x128xf32, #tpu.memory_space<vmem>>, vector<1x80x128xf32>
    %get3A_3 = vector.shape_cast %get3A_2 : vector<1x80x128xf32> to vector<80x128xf32>
    %get3A_4 = arith.constant 1 : index
    %get3A_5 = arith.constant 0 : index
    %get3A_6 = arith.constant 0 : index
    %get3A_7 = vector.load %arg0[%get3A_4, %get3A_5, %get3A_6] : memref<2x80x128xf32, #tpu.memory_space<vmem>>, vector<1x80x128xf32>
    %get3A_8 = vector.shape_cast %get3A_7 : vector<1x80x128xf32> to vector<80x128xf32>
    %add3A = arith.addf %get3A_3, %get3A_8 : vector<80x128xf32>
    %max3A = arith.constant 9.99999996E-13 : f32
    %max3A_9 = vector.broadcast %max3A : f32 to vector<80x128xf32>
    %max3A_10 = arith.maximumf %add3A, %max3A_9 : vector<80x128xf32>
    %rsqrt3A = math.rsqrt %max3A_10 : vector<80x128xf32>
    %mul3A = arith.constant 5.000000e-01 : f32
    %mul3A_11 = vector.broadcast %mul3A : f32 to vector<80x128xf32>
    %mul3A_12 = arith.mulf %mul3A_11, %max3A_10 : vector<80x128xf32>
    %mul3A_13 = arith.mulf %mul3A_12, %rsqrt3A : vector<80x128xf32>
    %mul3A_14 = arith.mulf %mul3A_13, %rsqrt3A : vector<80x128xf32>
    %sub3A = arith.constant 1.500000e+00 : f32
    %sub3A_15 = vector.broadcast %sub3A : f32 to vector<80x128xf32>
    %sub3A_16 = arith.subf %sub3A_15, %mul3A_14 : vector<80x128xf32>
    %mul3A_17 = arith.mulf %rsqrt3A, %sub3A_16 : vector<80x128xf32>
    %gt3A = arith.constant 0.000000e+00 : f32
    %gt3A_18 = vector.broadcast %gt3A : f32 to vector<80x128xf32>
    %gt3A_19 = arith.cmpf ogt, %add3A, %gt3A_18 : vector<80x128xf32>
    %jit3A = arith.constant 0.000000e+00 : f32
    %broadcast_in_dim3A = vector.broadcast %jit3A : f32 to vector<80x128xf32>
    %select_n3A = arith.select %gt3A_19, %mul3A_17, %broadcast_in_dim3A : vector<80x128xi1>, vector<80x128xf32>
    %swap3A = arith.constant 0 : index
    %swap3A_20 = arith.constant 0 : index
    %swap3A_21 = vector.load %arg1[%swap3A, %swap3A_20] : memref<80x128xf32, #tpu.memory_space<vmem>>, vector<80x128xf32>
    tpu.vector_store %arg1[%swap3A, %swap3A_20], %select_n3A {strides = array<i32>} : memref<80x128xf32, #tpu.memory_space<vmem>>, vector<80x128xf32>,
    return
  }
}

module attributes {stable_mosaic.version = 14 : i64} {
  func.func @_mm_body(%arg0: i32, %arg1: memref<400x128xf32, #tpu.memory_space<vmem>>, %arg2: memref<128x128xf32, #tpu.memory_space<vmem>>, %arg3: memref<400x128xf32, #tpu.memory_space<vmem>>) attributes {dimension_semantics = [#tpu.dimension_semantics<arbitrary>], iteration_bounds = array<i64: 25>, scalar_prefetch = 0 : i64, scratch_operands = 0 : i64, tpu.core_type = #tpu.core_type<tc>, window_params = [{transform_indices = @transform_0, window_bounds = array<i64: 400, 128>}, {pipeline_mode = #tpu.pipeline_mode<synchronous>, transform_indices = @transform_1, window_bounds = array<i64: 128, 128>}, {transform_indices = @transform_2, window_bounds = array<i64: 400, 128>}]} {
    %get3A = arith.constant 0 : index
    %get3A_0 = arith.constant 0 : index
    %get3A_1 = vector.load %arg1[%get3A, %get3A_0] : memref<400x128xf32, #tpu.memory_space<vmem>>, vector<400x128xf32>
    %convert_element_type3A = arith.truncf %get3A_1 : vector<400x128xf32> to vector<400x128xbf16>
    %get3A_2 = arith.constant 0 : index
    %get3A_3 = arith.constant 0 : index
    %get3A_4 = vector.load %arg2[%get3A_2, %get3A_3] : memref<128x128xf32, #tpu.memory_space<vmem>>, vector<128x128xf32>
    %convert_element_type3A_5 = arith.truncf %get3A_4 : vector<128x128xf32> to vector<128x128xbf16>
    %dot_general3A = arith.constant dense<0.000000e+00> : vector<400x128xf32>
    %dot_general3A_6 = tpu.matmul %convert_element_type3A, %convert_element_type3A_5, %dot_general3A {dimension_numbers = #tpu.dot_dimension_numbers<[1], [0], [0], [1], [0, 0, 1, 1], [], []>, transpose_lhs_hint = false} : vector<400x128xbf16>, vector<128x128xbf16>, vector<400x128xf32> -> vector<400x128xf32>
    %swap3A = arith.constant 0 : index
    %swap3A_7 = arith.constant 0 : index
    %swap3A_8 = vector.load %arg3[%swap3A, %swap3A_7] : memref<400x128xf32, #tpu.memory_space<vmem>>, vector<400x128xf32>
    tpu.vector_store %arg3[%swap3A, %swap3A_7], %dot_general3A_6 {strides = array<i32>} : memref<400x128xf32, #tpu.memory_space<vmem>>, vector<400x128xf32>,
    return
  }
  func.func @transform_0(%arg0: i32) -> (i32, i32) {
    %c0_i32 = arith.constant 0 : i32
    %c0_i32_0 = arith.constant 0 : i32
    return %arg0, %c0_i32 : i32, i32
  }
  func.func @transform_1(%arg0: i32) -> (i32, i32) {
    %c0_i32 = arith.constant 0 : i32
    %c0_i32_0 = arith.constant 0 : i32
    %c0_i32_1 = arith.constant 0 : i32
    return %c0_i32, %c0_i32_0 : i32, i32
  }
  func.func @transform_2(%arg0: i32) -> (i32, i32) {
    %c0_i32 = arith.constant 0 : i32
    %c0_i32_0 = arith.constant 0 : i32
    return %arg0, %c0_i32 : i32, i32
  }
}

module attributes {stable_mosaic.version = 14 : i64} {
  func.func @_mid_body(%arg0: i32, %arg1: memref<400x128xf32, #tpu.memory_space<vmem>>, %arg2: memref<400x128xf32, #tpu.memory_space<vmem>>, %arg3: memref<128x128xf32, #tpu.memory_space<vmem>>, %arg4: memref<400x128xf32, #tpu.memory_space<vmem>>) attributes {dimension_semantics = [#tpu.dimension_semantics<arbitrary>], iteration_bounds = array<i64: 25>, scalar_prefetch = 0 : i64, scratch_operands = 0 : i64, tpu.core_type = #tpu.core_type<tc>, window_params = [{transform_indices = @transform_0, window_bounds = array<i64: 400, 128>}, {transform_indices = @transform_1, window_bounds = array<i64: 400, 128>}, {pipeline_mode = #tpu.pipeline_mode<synchronous>, transform_indices = @transform_2, window_bounds = array<i64: 128, 128>}, {transform_indices = @transform_3, window_bounds = array<i64: 400, 128>}]} {
    %get3A = arith.constant 0 : index
    %get3A_0 = arith.constant 0 : index
    %get3A_1 = vector.load %arg1[%get3A, %get3A_0] : memref<400x128xf32, #tpu.memory_space<vmem>>, vector<400x128xf32>
    %get3A_2 = arith.constant 0 : index
    %get3A_3 = arith.constant 0 : index
    %get3A_4 = vector.load %arg2[%get3A_2, %get3A_3] : memref<400x128xf32, #tpu.memory_space<vmem>>, vector<400x128xf32>
    %add3A = arith.addf %get3A_1, %get3A_4 : vector<400x128xf32>
    %max3A = arith.constant 0.000000e+00 : f32
    %max3A_5 = vector.broadcast %max3A : f32 to vector<400x128xf32>
    %max3A_6 = arith.maximumf %add3A, %max3A_5 : vector<400x128xf32>
    %convert_element_type3A = arith.truncf %max3A_6 : vector<400x128xf32> to vector<400x128xbf16>
    %get3A_7 = arith.constant 0 : index
    %get3A_8 = arith.constant 0 : index
    %get3A_9 = vector.load %arg3[%get3A_7, %get3A_8] : memref<128x128xf32, #tpu.memory_space<vmem>>, vector<128x128xf32>
    %convert_element_type3A_10 = arith.truncf %get3A_9 : vector<128x128xf32> to vector<128x128xbf16>
    %dot_general3A = arith.constant dense<0.000000e+00> : vector<400x128xf32>
    %dot_general3A_11 = tpu.matmul %convert_element_type3A, %convert_element_type3A_10, %dot_general3A {dimension_numbers = #tpu.dot_dimension_numbers<[1], [0], [0], [1], [0, 0, 1, 1], [], []>, transpose_lhs_hint = false} : vector<400x128xbf16>, vector<128x128xbf16>, vector<400x128xf32> -> vector<400x128xf32>
    %swap3A = arith.constant 0 : index
    %swap3A_12 = arith.constant 0 : index
    %swap3A_13 = vector.load %arg4[%swap3A, %swap3A_12] : memref<400x128xf32, #tpu.memory_space<vmem>>, vector<400x128xf32>
    tpu.vector_store %arg4[%swap3A, %swap3A_12], %dot_general3A_11 {strides = array<i32>} : memref<400x128xf32, #tpu.memory_space<vmem>>, vector<400x128xf32>,
    return
  }
  func.func @transform_0(%arg0: i32) -> (i32, i32) {
    %c0_i32 = arith.constant 0 : i32
    %c0_i32_0 = arith.constant 0 : i32
    return %arg0, %c0_i32 : i32, i32
  }
  func.func @transform_1(%arg0: i32) -> (i32, i32) {
    %c0_i32 = arith.constant 0 : i32
    %c0_i32_0 = arith.constant 0 : i32
    return %arg0, %c0_i32 : i32, i32
  }
  func.func @transform_2(%arg0: i32) -> (i32, i32) {
    %c0_i32 = arith.constant 0 : i32
    %c0_i32_0 = arith.constant 0 : i32
    %c0_i32_1 = arith.constant 0 : i32
    return %c0_i32, %c0_i32_0 : i32, i32
  }
  func.func @transform_3(%arg0: i32) -> (i32, i32) {
    %c0_i32 = arith.constant 0 : i32
    %c0_i32_0 = arith.constant 0 : i32
    return %arg0, %c0_i32 : i32, i32
  }
}

module attributes {stable_mosaic.version = 14 : i64} {
  func.func @_head_body(%arg0: memref<1000x128xf32, #tpu.memory_space<vmem>>, %arg1: memref<1000x128xf32, #tpu.memory_space<vmem>>, %arg2: memref<1x128xf32, #tpu.memory_space<vmem>>, %arg3: memref<1000x1xf32, #tpu.memory_space<vmem>>) attributes {dimension_semantics = [], scalar_prefetch = 0 : i64, scratch_operands = 0 : i64, tpu.core_type = #tpu.core_type<tc>} {
    %get3A = arith.constant 0 : index
    %get3A_0 = arith.constant 0 : index
    %get3A_1 = vector.load %arg0[%get3A, %get3A_0] : memref<1000x128xf32, #tpu.memory_space<vmem>>, vector<1000x128xf32>
    %get3A_2 = arith.constant 0 : index
    %get3A_3 = arith.constant 0 : index
    %get3A_4 = vector.load %arg1[%get3A_2, %get3A_3] : memref<1000x128xf32, #tpu.memory_space<vmem>>, vector<1000x128xf32>
    %add3A = arith.addf %get3A_1, %get3A_4 : vector<1000x128xf32>
    %max3A = arith.constant 0.000000e+00 : f32
    %max3A_5 = vector.broadcast %max3A : f32 to vector<1000x128xf32>
    %max3A_6 = arith.maximumf %add3A, %max3A_5 : vector<1000x128xf32>
    %convert_element_type3A = arith.truncf %max3A_6 : vector<1000x128xf32> to vector<1000x128xbf16>
    %convert_element_type3A_7 = arith.extf %convert_element_type3A : vector<1000x128xbf16> to vector<1000x128xf32>
    %get3A_8 = arith.constant 0 : index
    %get3A_9 = arith.constant 0 : index
    %get3A_10 = vector.load %arg2[%get3A_8, %get3A_9] : memref<1x128xf32, #tpu.memory_space<vmem>>, vector<1x128xf32>
    %convert_element_type3A_11 = arith.truncf %get3A_10 : vector<1x128xf32> to vector<1x128xbf16>
    %convert_element_type3A_12 = arith.extf %convert_element_type3A_11 : vector<1x128xbf16> to vector<1x128xf32>
    %mul3A = vector.broadcast %convert_element_type3A_12 : vector<1x128xf32> to vector<1000x128xf32>
    %mul3A_13 = arith.mulf %convert_element_type3A_7, %mul3A : vector<1000x128xf32>
    %reduce_sum3A = arith.constant dense<0.000000e+00> : vector<1000xf32>
    %reduce_sum3A_14 = vector.multi_reduction <add>, %mul3A_13, %reduce_sum3A [1] : vector<1000x128xf32> to vector<1000xf32>
    %broadcast_in_dim3A = vector.shape_cast %reduce_sum3A_14 : vector<1000xf32> to vector<1000x1xf32>
    %max3A_15 = arith.constant 0.000000e+00 : f32
    %max3A_16 = vector.broadcast %max3A_15 : f32 to vector<1000x1xf32>
    %max3A_17 = arith.maximumf %broadcast_in_dim3A, %max3A_16 : vector<1000x1xf32>
    %swap3A = arith.constant 0 : index
    %swap3A_18 = arith.constant 0 : index
    %swap3A_19 = vector.load %arg3[%swap3A, %swap3A_18] : memref<1000x1xf32, #tpu.memory_space<vmem>>, vector<1000x1xf32>
    tpu.vector_store %arg3[%swap3A, %swap3A_18], %max3A_17 {strides = array<i32>} : memref<1000x1xf32, #tpu.memory_space<vmem>>, vector<1000x1xf32>,
    return
  }
}

</mosaic_0001>

<sc_bundles>
// kernel: kernel.12.cloned.1.call-start
scs
__scs_entry_jumppad:
0x0: {  	(pc) =	sbr.rel $0x88, $3  }
0x1: {  	(tag) =	ssettag $0x0;
	lr =	simm.s32 $0x1  }
0x2: {  	[smem:$0x3F9B] =	sst lr;
	_ =	strace $0xD0000000  }
0x3: {  	_ = 	snop  }
0x4: {  	_ = 	snop  }
0x5: {  	_ = 	snop  }
0x6: {  	_ = 	snop  }
0x7: {  	_ = 	snop  }
__scs_overlays_trampoline_lowered:
0x8: {  	[smem:$0x3FAA] =	sst s0  }
0x9: {  	[smem:$0x3FAB] =	sst s1  }
0xa: {  	[smem:$0x3FAC] =	sst s2  }
0xb: {  	[smem:$0x3FAD] =	sst s3  }
0xc: {  	[smem:$0x3FAE] =	sst s4  }
0xd: {  	[smem:$0x3FAF] =	sst s5  }
0xe: {  	[smem:$0x3FB0] =	sst s6  }
0xf: {  	[smem:$0x3FB1] =	sst s7  }
0x10: {  	[smem:$0x3FB2] =	sst s8  }
0x11: {  	[smem:$0x3FB3] =	sst s9;
	s0 =	simm.s32 @!p0 $0x0  }
0x12: {  	s1 =	sld [smem:$0x3F99];
	s0 =	simm.s32 @p0 $0x1  }
0x13: {  	[smem:$0x3FB4] =	sst s0;
	s0 =	simm.s32 @!p1 $0x0  }
0x14: {  	s2 =	sld [smem:$0x3F98];
	s0 =	simm.s32 @p1 $0x1  }
0x15: {  	[smem:$0x3FB5] =	sst s0;
	s0 =	simm.s32 @!p2 $0x0  }
0x16: {  	s3 =	sld [smem:$0x3FDB];
	s0 =	simm.s32 @p2 $0x1  }
0x17: {  	s4 =	simm.s32 $0x1BF5;
	[smem:$0x3FB7] =	sst s0  }
0x18: {  	s0 =	sld [smem:$0x3F9A];
	_ =	swait.ge [sflag:s4], $0x0  }
0x19: {  	s7 =	sld [smem:$0x3F9B]  }
0x1a: {  	s8 =	sadd.s32 $0xFFFFE003, lr  }
0x1b: {  	s9 =	sadd.s32 $0xFFFFFEF7, lr;
	s5 =	simm.s32 $0xFFFFFFFF;
	p2 =	slt.u32 s8, $0xFFFFF086  }
0x1c: {  	p1 =	slt.u32 s9, $0xF7A;
	s5 =	simm.s32 @!p2 $0x0  }
0x1d: {  	s5 =	simm.s32 @p1 $0x1;
	p0 =	seq.s32 s7, s2  }
0x1e: {  	s7 =	smul.u32 @!p0 $0xF7A, s2;
	p2 =	seq.s32 @!p0 s5, $0x0  }
0x1f: {  	s9 =	smul.u32 $0xF7A, s1;
	s8 =	simm.s32 @!p0 $0x1BF5;
	p2 =	por !p2, p0  }
0x20: {  	[sflag:s8] =	ssyncset.s32 @!p0 $0xFFFFF086;
	s6 =	sadd.s32 @!p0 s3, s7;
	s7 =	simm.s32 @!p0 $0x108  }
0x21: {  	s3 =	sadd.s32 s3, s9;
	s6 =	sadd.s32 @!p0 $0x88, s6;
	s7 =	simm.s32 @p2 $0x1082  }
0x22: {  	[simem:s7], [sflag:s8] =	dma.local @!p0 [hbm:s6], $0xF7A  }
0x23: {  	s9 =	sor.u32 $0xD0000000, s2;
	s6 =	simm.s32 $0x108;
	_ =	swait.ge @!p0 [sflag:s8], $0x0  }
0x24: {  	s3 =	sadd.s32 $0x88, s3;
	s6 =	simm.s32 @!p1 $0x1082;
	[sflag:s4] =	ssyncset.s32 $0xFFFFF086  }
0x25: {  	[simem:s6], [sflag:s4] =	dma.local [hbm:s3], $0xF7A  }
0x26: {  	[smem:$0x3F9B] =	sst s1;
	(tag) =	ssettag s2;
	_ =	strace s9  }
0x27: {  	s1 =	sld [smem:$0x3FAB]  }
0x28: {  	s2 =	sld [smem:$0x3FAC]  }
0x29: {  	s4 =	sld [smem:$0x3FAE]  }
0x2a: {  	p0 =	seq.s32 s5, $0x0;
	s5 =	sld [smem:$0x3FAF]  }
0x2b: {  	s6 =	sld [smem:$0x3FB0]  }
0x2c: {  	s7 =	sld [smem:$0x3FB1]  }
0x2d: {  	s3 =	simm.s32 $0x108;
	s8 =	sld [smem:$0x3FB2]  }
0x2e: {  	s3 =	simm.s32 @!p0 $0x1082;
	s9 =	sld [smem:$0x3FB3]  }
0x2f: {  	lr =	sadd.s32 s0, s3;
	s0 =	sld [smem:$0x3FAA]  }
0x30: {  	s3 =	sld [smem:$0x3FAD]  }
0x31: {  	[smem:$0x3FB6] =	sst s10  }
0x32: {  	s10 =	sld [smem:$0x3FB4];
	_ =	sdelay $0x3  }
0x33: {  	p0 =	seq.s32 s10, $0x1;
	s10 =	sld [smem:$0x3FB6];
	_ =	sdelay $0x3  }
0x34: {  	[smem:$0x3FB6] =	sst s10  }
0x35: {  	s10 =	sld [smem:$0x3FB5];
	_ =	sdelay $0x3  }
0x36: {  	p1 =	seq.s32 s10, $0x1;
	s10 =	sld [smem:$0x3FB6];
	_ =	sdelay $0x3  }
0x37: {  	[smem:$0x3FB6] =	sst s10  }
0x38: {  	s10 =	sld [smem:$0x3FB7]  }
0x39: {  	_ = 	snop;
	(pc) =	sbr.ind lr, $3  }
0x3a: {  	_ = 	snop  }
0x3b: {  	_ = 	snop  }
0x3c: {  	p2 =	seq.s32 s10, $0x1;
	s10 =	sld [smem:$0x3FB6]  }
0x3d: {  	_ =	shalt  }
0x3e: {  	_ =	shalt  }
0x3f: {  	_ =	shalt  }
0x40: {  	_ =	shalt  }
0x41: {  	_ =	shalt  }
0x42: {  	_ =	shalt  }
0x43: {  	_ =	shalt  }
0x44: {  	_ =	shalt  }
0x45: {  	_ =	shalt  }
0x46: {  	_ =	shalt  }
0x47: {  	_ =	shalt  }
0x48: {  	_ =	shalt  }
0x49: {  	_ =	shalt  }
0x4a: {  	_ =	shalt  }
0x4b: {  	_ =	shalt  }
0x4c: {  	_ =	shalt  }
0x4d: {  	_ =	shalt  }
0x4e: {  	_ =	shalt  }
0x4f: {  	_ =	shalt  }
0x50: {  	_ =	shalt  }
0x51: {  	_ =	shalt  }
0x52: {  	_ =	shalt  }
0x53: {  	_ =	shalt  }
0x54: {  	_ =	shalt  }
0x55: {  	_ =	shalt  }
0x56: {  	_ =	shalt  }
0x57: {  	_ =	shalt  }
0x58: {  	_ =	shalt  }
0x59: {  	_ =	shalt  }
0x5a: {  	_ =	shalt  }
0x5b: {  	_ =	shalt  }
0x5c: {  	_ =	shalt  }
0x5d: {  	_ =	shalt  }
0x5e: {  	_ =	shalt  }
0x5f: {  	_ =	shalt  }
0x60: {  	_ =	shalt  }
0x61: {  	_ =	shalt  }
0x62: {  	_ =	shalt  }
0x63: {  	_ =	shalt  }
0x64: {  	_ =	shalt  }
0x65: {  	_ =	shalt  }
0x66: {  	_ =	shalt  }
0x67: {  	_ =	shalt  }
0x68: {  	_ =	shalt  }
0x69: {  	_ =	shalt  }
0x6a: {  	_ =	shalt  }
0x6b: {  	_ =	shalt  }
0x6c: {  	_ =	shalt  }
0x6d: {  	_ =	shalt  }
0x6e: {  	_ =	shalt  }
0x6f: {  	_ =	shalt  }
0x70: {  	_ =	shalt  }
0x71: {  	_ =	shalt  }
0x72: {  	_ =	shalt  }
0x73: {  	_ =	shalt  }
0x74: {  	_ =	shalt  }
0x75: {  	_ =	shalt  }
0x76: {  	_ =	shalt  }
0x77: {  	_ =	shalt  }
0x78: {  	_ =	shalt  }
0x79: {  	_ =	shalt  }
0x7a: {  	_ =	shalt  }
0x7b: {  	_ =	shalt  }
0x7c: {  	_ =	shalt  }
0x7d: {  	_ =	shalt  }
0x7e: {  	_ =	shalt  }
0x7f: {  	_ =	shalt  }
0x80: {  	_ =	shalt  }
0x81: {  	_ =	shalt  }
0x82: {  	_ =	shalt  }
0x83: {  	_ =	shalt  }
0x84: {  	_ =	shalt  }
0x85: {  	_ =	shalt  }
0x86: {  	_ =	shalt  }
0x87: {  	_ =	shalt  }
.Lfunc_end0:
.L_simem_size_0:
called_computation.1_lowered:
.L_overlay_start_0:
0x88: {  	s2 =	sld [smem:$0x3FD9]  }
0x89: {  	s3 =	sld [smem:$0x3FFE];
	_ =	sdelay $0x1  }
0x8a: {  	s1 =	srdreg.scid  }
0x8b: {  	s0 =	sand.u32 $0x1, s1  }
0x8c: {  	s16 =	sshll.u32 s0, $0xA;
	s2 =	sadd.s32 s3, s2  }
0x8d: {  	s2 =	sadd.s32 s2, s16  }
0x8e: {  	[smem:$0x3FC2] =	sst s2  }
0x8f: {  	_ = 	snop  }
0x90: {  	(tm) =	ssettm $0x1  }
0x91: {  	s17 =	sld [smem:$0x3FFB];
	_ =	sdelay $0x3  }
0x92: {  	_ =	strace s17  }
0x93: {  	s2 =	sld [smem:$0x3FFC];
	_ =	sdelay $0x3  }
0x94: {  	_ =	strace s2  }
0x95: {  	s2 =	sld [smem:$0x3FFD];
	_ =	sdelay $0x3  }
0x96: {  	_ =	strace s2  }
0x97: {  	_ =	strace $0x8FFFFFFF  }
0x98: {  	s18 =	sld [smem:$0x3FDB];
	_ =	sdelay $0x1  }
0x99: {  	s19 =	simm.s32 $_scs_section_size  }
0x9a: {  	s4 =	simm.s32 $_size__tile_overlayer_lowered;
	s5 =	simm.s32 $_tile_overlayer_lowered  }
0x9b: {  	s22 =	simm.s32 $0x1BFF;
	s21 =	sshll.u32 s5, $0x1;
	s2 =	sadd.s32 s19, s18  }
0x9c: {  	s6 =	simm.s32 $0x0;
	s20 =	sshll.u32 s4, $0x1;
	s4 =	sadd.s32 s21, s2  }
0x9d: {  	[timem:s6], [sflag:s22] =	dma.local [hbm:s4], s20  }
0x9e: {  	_ =	swait.ge [sflag:s22], s20  }
0x9f: {  	s3 =	ssub.s32 $0x0, s20;
	[sflag:s22] =	ssyncset.done $0x0  }
0xa0: {  	[sflag:s22] =	ssyncadd.s32 s3;
	_ =	sdelay $0x1  }
0xa1: {  	s23 =	simm.s32 $0x1B8B  }
0xa2: {  	_ =	swait.ge [sflag:s23], $0x1  }
0xa3: {  	[sflag:s23] =	ssyncset.done $0x0  }
0xa4: {  	s25 =	simm.s32 $0x1B8E;
	s24 =	sld [smem:$0x3FFE];
	[sflag:s23] =	ssyncadd.s32 $0xFFFFFFFF  }
0xa5: {  	s26 =	simm.s32 $execute0_lowered;
	[smem:$0x3FD2] =	sst s25  }
0xa6: {  	s4 =	sshll.u32 s26, $0x1;
	_ =	strace $0x80000049;
	[dreg:$0x1] =	wrdreg $0xFFFFFFFF  }
0xa7: {  	s28 =	simm.s32 $_size_execute0_lowered;
	s2 =	sadd.s32 s2, s4;
	[dreg:$0x0] =	wrdreg $0x0  }
0xa8: {  	s4 =	sshll.u32 s28, $0x1;
	[dreg:$0x2] =	wrdreg s2  }
0xa9: {  	[dreg:$0x3] =	wrdreg s4  }
0xaa: {  	[dreg:$0x4] =	wrdreg $0xC0  }
0xab: {  	_ =	task [dreg:s6], $0x5FFFF  }
0xac: {  	[dreg:$0x1] =	wrdreg $0xFFFFFFFF  }
0xad: {  	[dreg:$0x0] =	wrdreg $0x60  }
0xae: {  	[dreg:$0x2] =	wrdreg s24  }
0xaf: {  	[dreg:$0x3] =	wrdreg $0x7F800  }
0xb0: {  	[dreg:$0x4] =	wrdreg $0x9  }
0xb1: {  	_ =	task.clear_ibuf [dreg:s6], $0x5FFFF;
	_ =	strace $0x90000049  }
0xb2: {  	s29 =	simm.s32 $0x9;
	_ =	strace $0x8000004B  }
0xb3: {  	_ =	swait.ge [sflag:s29], $0x1  }
0xb4: {  	[sflag:s29] =	ssyncadd.s32 $0xFFFFFFFF  }
0xb5: {  	_ =	strace $0x9000004B  }
0xb6: {  	_ =	sfence  }
0xb7: {  	s30 =	sld [smem:$0x0];
	_ =	sdelay $0x2  }
0xb8: {  	s31 =	sshll.u32 s1, $0xD;
	s1 =	sshrl.u32 s1, $0x2  }
0xb9: {  	s3 =	sand.u32 $0x4000, s31;
	s1 =	sadd.s32 s1, s30  }
0xba: {  	s0 =	sor.u32 s3, s0;
	s1 =	sshll.u32 s1, $0x11  }
0xbb: {  	s0 =	sor.u32 s1, s0  }
0xbc: {  	s0 =	sadd.s32 $0x8F2B, s0  }
0xbd: {  	[sflag:s0] =	ssyncadd.remote.s32 $0x1  }
0xbe: {  	_ =	sfence.sel $0xFFFF  }
0xbf: {  	[dreg:$0x0] =	wrdreg $0xFFFFFFFF;
	(pc) =	sbr.abs _section_cstart, $3  }
0xc0: {  	[dreg:$0x1] =	wrdreg $0xFFFFFFFF  }
0xc1: {  	_ =	task.clear_ibuf [dreg:s6], $0x2FFFF;
	_ =	strace $0x9FFFFFFF  }
0xc2: {  	(tm) =	ssettm $0x7FFFFFFF  }
0xc3: {  	_ =	shalt  }
tec
execute0_lowered:
.L_overlay_start_1:
0x0: {  	(tag) =	ssettag $0x1  }
0x1: {  	s8 =	rddreg [dreg:$0x0]  }
0x2: {  	s1 =	rddreg [dreg:$0x1]  }
0x3: {  	s2 =	srdreg.scid;
	s0 =	rddreg [dreg:$0x2]  }
0x4: {  	s3 =	simm.s32 $0x0;
	s16 =	simm.s32 $0x1800;
	s17 =	simm.s32 $0x1  }
0x5: {  	s18 =	simm.s32 $0x3F80;
	s19 =	simm.s32 $0x800;
	s20 =	simm.s32 $0x1000  }
0x6: {  	s21 =	simm.s32 $0x80;
	s22 =	simm.s32 $0x0;
	s9 =	sand.u32 $0x1, s2  }
0x7: {  	s2 =	stileid.u32;
	[smem:$0x7FF] =	sst s3;
	s4 =	sadd.s32 $0x16A00, s8  }
0x8: {  	s5 =	sadd.s32 $0xC000, s8;
	s6 =	sadd.s32 $0x2000, s8;
	s7 =	smul.u32 $0x140000, s9  }
0x9: {  	s10 =	smul.u32 $0x14000, s2;
	_ =	strace $0x8000004A;
	s12 =	ssub.s32 $0x2, s9  }
0xa: {  	s11 =	smul.u32 $0x50000, s2;
	s9 =	sshll.u32 s9, $0x4;
	s30 =	sshrl.u32 s12, $0x1  }
0xb: {  	s13 =	sor.u32 s2, s9;
	s10 =	sadd.s32 s10, s7;
	s7 =	sadd.s32 $0x16000, s8  }
0xc: {  	s31 =	sshrl.u32 s11, $0x2;
	s15 =	ssub.s32 s12, s30;
	s10 =	sshrl.u32 s10, $0x3  }
0xd: {  	s13 =	smul.u32 $0x2800, s13;
	s14 =	sadd.s32 s10, s8;
	s8 =	sadd.s32 s31, s1  }
0xe: {  	s15 =	smax.u32 s15, $0x1;
	s9 =	sadd.s32 $0x4000, s8;
	s10 =	sadd.s32 $0x8000, s8  }
0xf: {  	v0 =	vimm.f32 $0.0e+00;
	s11 =	sadd.s32 $0xC000, s8;
	s12 =	sadd.s32 $0x10000, s8;
	s14 =	sadd.s32 $0x47C00, s14  }
.LBB2_1:
0x10: {  	[tilespmem:s16], [sflag:$0x1] =	stream.linear.gather [hbm4b:s7+s3], $0x2780, $0x38;
	[tilespmem:$0x1BF80] =	vst v63  }
0x11: {  	_ =	swait.ge [sflag:s17], $0x2780  }
0x12: {  	[sflag:s17] =	ssyncset.done $0x0  }
0x13: {  	s23 =	simm.s32 $0x4080;
	[sflag:s17] =	ssyncadd.s32 $0xFFFFD880  }
0x14: {  	[tilespmem:s23+$0xFFFFFF00] =	vst v0  }
0x15: {  	[tilespmem:s23+$0xF0] =	vst v0  }
0x16: {  	[tilespmem:s23+$0xE0] =	vst v0  }
0x17: {  	[tilespmem:s23+$0xD0] =	vst v0  }
0x18: {  	[tilespmem:s23+$0xC0] =	vst v0  }
0x19: {  	[tilespmem:s23+$0xB0] =	vst v0  }
0x1a: {  	[tilespmem:s23+$0xA0] =	vst v0  }
0x1b: {  	[tilespmem:s23+$0x90] =	vst v0  }
0x1c: {  	[tilespmem:s23+$0x80] =	vst v0  }
0x1d: {  	[tilespmem:s23+$0x70] =	vst v0  }
0x1e: {  	[tilespmem:s23+$0x60] =	vst v0  }
0x1f: {  	[tilespmem:s23+$0x50] =	vst v0  }
0x20: {  	[tilespmem:s23+$0x40] =	vst v0  }
0x21: {  	[tilespmem:s23+$0x30] =	vst v0  }
0x22: {  	[tilespmem:s23+$0x20] =	vst v0  }
0x23: {  	[tilespmem:s23+$0x10] =	vst v0  }
0x24: {  	[tilespmem:s23+$0x0] =	vst v0  }
0x25: {  	[tilespmem:s23+$0xFFFFFFF0] =	vst v0  }
0x26: {  	[tilespmem:s23+$0xFFFFFFE0] =	vst v0  }
0x27: {  	[tilespmem:s23+$0xFFFFFFD0] =	vst v0  }
0x28: {  	[tilespmem:s23+$0xFFFFFFC0] =	vst v0  }
0x29: {  	[tilespmem:s23+$0xFFFFFFB0] =	vst v0  }
0x2a: {  	[tilespmem:s23+$0xFFFFFFA0] =	vst v0  }
0x2b: {  	[tilespmem:s23+$0xFFFFFF90] =	vst v0  }
0x2c: {  	[tilespmem:s23+$0xFFFFFF80] =	vst v0  }
0x2d: {  	[tilespmem:s23+$0xFFFFFF70] =	vst v0  }
0x2e: {  	[tilespmem:s23+$0xFFFFFF60] =	vst v0  }
0x2f: {  	[tilespmem:s23+$0xFFFFFF50] =	vst v0  }
0x30: {  	[tilespmem:s23+$0xFFFFFF40] =	vst v0  }
0x31: {  	[tilespmem:s23+$0xFFFFFF30] =	vst v0  }
0x32: {  	s24 =	simm.s32 $0x0;
	[tilespmem:s23+$0xFFFFFF20] =	vst v0  }
.LBB2_2:
0x33: {  	s24 =	sadd.s32 $0x4, s24;
	[tilespmem:s23+$0xFFFFFF10] =	vst v0;
	s23 =	sadd.s32 $0x200, s23  }
0x34: {  	[tilespmem:s23+$0xFFFFFF00] =	vst v0;
	p0 =	slt.u32 s24, $0x7C  }
0x35: {  	[tilespmem:s23+$0xF0] =	vst v0  }
0x36: {  	[tilespmem:s23+$0xE0] =	vst v0  }
0x37: {  	[tilespmem:s23+$0xD0] =	vst v0  }
0x38: {  	[tilespmem:s23+$0xC0] =	vst v0  }
0x39: {  	[tilespmem:s23+$0xB0] =	vst v0  }
0x3a: {  	[tilespmem:s23+$0xA0] =	vst v0  }
0x3b: {  	[tilespmem:s23+$0x90] =	vst v0  }
0x3c: {  	[tilespmem:s23+$0x80] =	vst v0  }
0x3d: {  	[tilespmem:s23+$0x70] =	vst v0  }
0x3e: {  	[tilespmem:s23+$0x60] =	vst v0  }
0x3f: {  	[tilespmem:s23+$0x50] =	vst v0  }
0x40: {  	[tilespmem:s23+$0x40] =	vst v0  }
0x41: {  	[tilespmem:s23+$0x30] =	vst v0  }
0x42: {  	[tilespmem:s23+$0x20] =	vst v0  }
0x43: {  	[tilespmem:s23+$0x10] =	vst v0  }
0x44: {  	[tilespmem:s23+$0x0] =	vst v0  }
0x45: {  	[tilespmem:s23+$0xFFFFFFF0] =	vst v0  }
0x46: {  	[tilespmem:s23+$0xFFFFFFE0] =	vst v0  }
0x47: {  	[tilespmem:s23+$0xFFFFFFD0] =	vst v0  }
0x48: {  	[tilespmem:s23+$0xFFFFFFC0] =	vst v0  }
0x49: {  	[tilespmem:s23+$0xFFFFFFB0] =	vst v0  }
0x4a: {  	[tilespmem:s23+$0xFFFFFFA0] =	vst v0  }
0x4b: {  	[tilespmem:s23+$0xFFFFFF90] =	vst v0  }
0x4c: {  	[tilespmem:s23+$0xFFFFFF80] =	vst v0  }
0x4d: {  	[tilespmem:s23+$0xFFFFFF70] =	vst v0  }
.Ltmp0:
0x4e: {  	[tilespmem:s23+$0xFFFFFF60] =	vst v0;
	(pc) =	sbr.rel @p0 .LBB2_2-.Ltmp0, $4  }
0x4f: {  	[tilespmem:s23+$0xFFFFFF50] =	vst v0  }
0x50: {  	[tilespmem:s23+$0xFFFFFF40] =	vst v0  }
0x51: {  	[tilespmem:s23+$0xFFFFFF30] =	vst v0  }
0x52: {  	[tilespmem:s23+$0xFFFFFF20] =	vst v0  }
0x53: {  	[tilespmem:s23+$0xFFFFFF10] =	vst v0  }
0x54: {  	[spmem:s8] =	stream.linear.scatter [tilespmem:s18], [sflag:$0x1], $0x4000, $0x38;
	[tilespmem:$0x1BF80] =	vst v63  }
0x55: {  	_ =	swait.ge [sflag:s17], $0x4000  }
0x56: {  	[sflag:s17] =	ssyncset.done $0x0  }
0x57: {  	[sflag:s17] =	ssyncadd.s32 $0xFFFFC000  }
0x58: {  	[spmem:s9] =	stream.linear.scatter [tilespmem:s18], [sflag:$0x1], $0x4000, $0x38;
	[tilespmem:$0x1BF80] =	vst v63  }
0x59: {  	_ =	swait.ge [sflag:s17], $0x4000  }
0x5a: {  	[sflag:s17] =	ssyncset.done $0x0  }
0x5b: {  	[sflag:s17] =	ssyncadd.s32 $0xFFFFC000  }
0x5c: {  	[spmem:s10] =	stream.linear.scatter [tilespmem:s18], [sflag:$0x1], $0x4000, $0x38;
	[tilespmem:$0x1BF80] =	vst v63  }
0x5d: {  	_ =	swait.ge [sflag:s17], $0x4000  }
0x5e: {  	[sflag:s17] =	ssyncset.done $0x0  }
0x5f: {  	[sflag:s17] =	ssyncadd.s32 $0xFFFFC000  }
0x60: {  	[spmem:s11] =	stream.linear.scatter [tilespmem:s18], [sflag:$0x1], $0x4000, $0x38;
	[tilespmem:$0x1BF80] =	vst v63  }
0x61: {  	_ =	swait.ge [sflag:s17], $0x4000  }
0x62: {  	[sflag:s17] =	ssyncset.done $0x0  }
0x63: {  	[sflag:s17] =	ssyncadd.s32 $0xFFFFC000  }
0x64: {  	[spmem:s12] =	stream.linear.scatter [tilespmem:s18], [sflag:$0x1], $0x4000, $0x38;
	[tilespmem:$0x1BF80] =	vst v63  }
0x65: {  	_ =	swait.ge [sflag:s17], $0x4000  }
0x66: {  	[sflag:s17] =	ssyncset.done $0x0  }
0x67: {  	[sflag:s17] =	ssyncadd.s32 $0xFFFFC000  }
0x68: {  	s23 =	simm.s32 $0x0;
	s24 =	simm.s32 $0x0;
	[bflag:$0x0] =	sbarrier.arrive $0xFFFF  }
.LBB2_4:
0x69: {  	s25 =	sshll.u32 s24, $0xB  }
0x6a: {  	s25 =	sadd.s32 s13, s25  }
0x6b: {  	s25 =	sshrl.u32 s25, $0x3  }
0x6c: {  	s26 =	sadd.s32 s4, s25  }
0x6d: {  	[tilespmem:s23], [sflag:$0x1] =	stream.linear.gather [hbm4b:s26+s23], $0x800, $0x38;
	[tilespmem:$0x1BF80] =	vst v63  }
0x6e: {  	_ =	swait.ge [sflag:s17], $0x800  }
0x6f: {  	[sflag:s17] =	ssyncset.done $0x0  }
0x70: {  	s31 =	sadd.s32 s5, s25;
	[sflag:s17] =	ssyncadd.s32 $0xFFFFF800  }
0x71: {  	[tilespmem:s19], [sflag:$0x1] =	stream.linear.gather [hbm4b:s31+s23], $0x800, $0x38;
	[tilespmem:$0x1BF80] =	vst v63  }
0x72: {  	_ =	swait.ge [sflag:s17], $0x800  }
0x73: {  	[sflag:s17] =	ssyncset.done $0x0  }
0x74: {  	s25 =	sadd.s32 s6, s25;
	[sflag:s17] =	ssyncadd.s32 $0xFFFFF800  }
0x75: {  	[tilespmem:s20], [sflag:$0x1] =	stream.linear.gather [hbm4b:s25+s23], $0x800, $0x38;
	[tilespmem:$0x1BF80] =	vst v63  }
0x76: {  	_ =	swait.ge [sflag:s17], $0x800  }
0x77: {  	[sflag:s17] =	ssyncset.done $0x0  }
0x78: {  	s25 =	simm.s32 $0x0;
	[sflag:s17] =	ssyncadd.s32 $0xFFFFF800  }
.LBB2_5:
0x79: {  	s26 =	sshll.u32 s25, $0x7;
	s28 =	simm.s32 $0x0  }
.LBB2_6:
0x7a: {  	s30 =	sshll.u32 s28, $0x4  }
0x7b: {  	s29 =	sor.u32 s26, s30  }
0x7c: {  	v1 =	vld [tilespmem:s29+$0x0];
	_ =	sdelay $0x1  }
0x7d: {  	v2 =	vld [tilespmem:s29+$0x800];
	_ =	sdelay $0x4  }
0x7e: {  	v3 =	vld [tilespmem:s29+$0x1000]  }
0x7f: {  	v1 =	vld.idx.msk [tilespmem:v1+s16+$0x0], $0xffff;
	_ =	sdelay $0x1  }
0x80: {  	v2 =	vld.idx.msk [tilespmem:v2+s16+$0x0], $0xffff;
	_ =	sdelay $0x1  }
0x81: {  	s31 =	sshll.u32 s28, $0xB  }
0x82: {  	s29 =	sand.u32 $0x3FFFF800, s31;
	v1 =	vmul.f32 v1, v3  }
0x83: {  	v3 =	vld [tilespmem:s29+$0x3F80]  }
0x84: {  	v2 =	vmul.f32 v2, v1;
	v1 =	vld [tilespmem:s29+$0x3F90]  }
0x85: {  	v4 =	vld [tilespmem:s29+$0x3FA0]  }
0x86: {  	v6 =	vld [tilespmem:s29+$0x3FB0];
	v5 =	vbroadcast v2, $0x0  }
0x87: {  	v7 =	vld [tilespmem:s29+$0x3FC0]  }
0x88: {  	v8 =	vld [tilespmem:s29+$0x3FD0];
	v3 =	vmul.f32 v5, v3  }
0x89: {  	v9 =	vld [tilespmem:s29+$0x3FE0];
	v1 =	vmul.f32 v1, v5  }
0x8a: {  	v34 =	vld [tilespmem:s29+$0x3FF0];
	[tilespmem:s29+$0x3F80] =	vst v3;
	v3 =	vmul.f32 v4, v5  }
0x8b: {  	v35 =	vld [tilespmem:s29+$0x4000];
	[tilespmem:s29+$0x3F90] =	vst v1;
	v1 =	vmul.f32 v6, v5  }
0x8c: {  	[tilespmem:s29+$0x3FA0] =	vst v3;
	v3 =	vmul.f32 v7, v5  }
0x8d: {  	[tilespmem:s29+$0x3FB0] =	vst v1;
	v1 =	vmul.f32 v8, v5  }
0x8e: {  	v36 =	vbroadcast v2, $0x1;
	[tilespmem:s29+$0x3FC0] =	vst v3;
	v3 =	vmul.f32 v9, v5  }
0x8f: {  	[tilespmem:s29+$0x3FD0] =	vst v1;
	v1 =	vmul.f32 v34, v5  }
0x90: {  	[tilespmem:s29+$0x3FE0] =	vst v3;
	v3 =	vmul.f32 v35, v36  }
0x91: {  	[tilespmem:s29+$0x3FF0] =	vst v1  }
0x92: {  	[tilespmem:s29+$0x4000] =	vst v3  }
0x93: {  	v1 =	vld [tilespmem:s29+$0x4010]  }
0x94: {  	v3 =	vld [tilespmem:s29+$0x4020]  }
0x95: {  	v37 =	vld [tilespmem:s29+$0x4030]  }
0x96: {  	v38 =	vld [tilespmem:s29+$0x4040]  }
0x97: {  	v39 =	vld [tilespmem:s29+$0x4050]  }
0x98: {  	v40 =	vld [tilespmem:s29+$0x4060]  }
0x99: {  	v41 =	vld [tilespmem:s29+$0x4070]  }
0x9a: {  	v10 =	vld [tilespmem:s29+$0x4080]  }
0x9b: {  	v11 =	vld [tilespmem:s29+$0x4090]  }
0x9c: {  	v12 =	vld [tilespmem:s29+$0x40A0]  }
0x9d: {  	v13 =	vld [tilespmem:s29+$0x40B0];
	v1 =	vmul.f32 v1, v36  }
0x9e: {  	v14 =	vld [tilespmem:s29+$0x40C0];
	v3 =	vmul.f32 v3, v36  }
0x9f: {  	v42 =	vld [tilespmem:s29+$0x40D0];
	[tilespmem:s29+$0x4010] =	vst v1;
	v1 =	vmul.f32 v37, v36  }
0xa0: {  	v43 =	vld [tilespmem:s29+$0x40E0];
	[tilespmem:s29+$0x4020] =	vst v3;
	v3 =	vmul.f32 v38, v36  }
0xa1: {  	v44 =	vld [tilespmem:s29+$0x40F0];
	[tilespmem:s29+$0x4030] =	vst v1;
	v1 =	vmul.f32 v39, v36  }
0xa2: {  	v45 =	vbroadcast v2, $0x2;
	v15 =	vld [tilespmem:s29+$0x4100];
	[tilespmem:s29+$0x4040] =	vst v3;
	v3 =	vmul.f32 v40, v36  }
0xa3: {  	v46 =	vld [tilespmem:s29+$0x4110];
	[tilespmem:s29+$0x4050] =	vst v1;
	v1 =	vmul.f32 v41, v36  }
0xa4: {  	v47 =	vld [tilespmem:s29+$0x4120];
	[tilespmem:s29+$0x4060] =	vst v3;
	v3 =	vmul.f32 v10, v45  }
0xa5: {  	v48 =	vld [tilespmem:s29+$0x4130];
	[tilespmem:s29+$0x4070] =	vst v1;
	v1 =	vmul.f32 v11, v45  }
0xa6: {  	v49 =	vld [tilespmem:s29+$0x4140];
	[tilespmem:s29+$0x4080] =	vst v3;
	v3 =	vmul.f32 v12, v45  }
0xa7: {  	v50 =	vld [tilespmem:s29+$0x4150];
	[tilespmem:s29+$0x4090] =	vst v1;
	v1 =	vmul.f32 v13, v45  }
0xa8: {  	v51 =	vld [tilespmem:s29+$0x4160];
	[tilespmem:s29+$0x40A0] =	vst v3;
	v3 =	vmul.f32 v14, v45  }
0xa9: {  	v52 =	vld [tilespmem:s29+$0x4170];
	[tilespmem:s29+$0x40B0] =	vst v1;
	v1 =	vmul.f32 v42, v45  }
0xaa: {  	v53 =	vbroadcast v2, $0x3;
	v54 =	vld [tilespmem:s29+$0x4180];
	[tilespmem:s29+$0x40C0] =	vst v3;
	v3 =	vmul.f32 v43, v45  }
0xab: {  	v55 =	vld [tilespmem:s29+$0x4190];
	[tilespmem:s29+$0x40D0] =	vst v1;
	v1 =	vmul.f32 v44, v45  }
0xac: {  	v56 =	vld [tilespmem:s29+$0x41A0];
	[tilespmem:s29+$0x40E0] =	vst v3;
	v3 =	vmul.f32 v15, v53  }
0xad: {  	v57 =	vld [tilespmem:s29+$0x41B0];
	[tilespmem:s29+$0x40F0] =	vst v1;
	v1 =	vmul.f32 v46, v53  }
0xae: {  	v58 =	vld [tilespmem:s29+$0x41C0];
	[tilespmem:s29+$0x4100] =	vst v3;
	v3 =	vmul.f32 v47, v53  }
0xaf: {  	v59 =	vld [tilespmem:s29+$0x41D0];
	[tilespmem:s29+$0x4110] =	vst v1;
	v1 =	vmul.f32 v48, v53  }
0xb0: {  	v60 =	vld [tilespmem:s29+$0x41E0];
	[tilespmem:s29+$0x4120] =	vst v3;
	v3 =	vmul.f32 v49, v53  }
0xb1: {  	v61 =	vld [tilespmem:s29+$0x41F0];
	[tilespmem:s29+$0x4130] =	vst v1;
	v1 =	vmul.f32 v50, v53  }
0xb2: {  	v62 =	vbroadcast v2, $0x4;
	v63 =	vld [tilespmem:s29+$0x4200];
	[tilespmem:s29+$0x4140] =	vst v3;
	v3 =	vmul.f32 v51, v53  }
0xb3: {  	v16 =	vld [tilespmem:s29+$0x4210];
	[tilespmem:s29+$0x4150] =	vst v1;
	v1 =	vmul.f32 v52, v53  }
0xb4: {  	v17 =	vld [tilespmem:s29+$0x4220];
	[tilespmem:s29+$0x4160] =	vst v3;
	v3 =	vmul.f32 v54, v62  }
0xb5: {  	v18 =	vld [tilespmem:s29+$0x4230];
	[tilespmem:s29+$0x4170] =	vst v1;
	v1 =	vmul.f32 v55, v62  }
0xb6: {  	v19 =	vld [tilespmem:s29+$0x4240];
	[tilespmem:s29+$0x4180] =	vst v3;
	v3 =	vmul.f32 v56, v62  }
0xb7: {  	v20 =	vld [tilespmem:s29+$0x4250];
	[tilespmem:s29+$0x4190] =	vst v1;
	v1 =	vmul.f32 v57, v62  }
0xb8: {  	v21 =	vld [tilespmem:s29+$0x4260];
	[tilespmem:s29+$0x41A0] =	vst v3;
	v3 =	vmul.f32 v58, v62  }
0xb9: {  	v22 =	vld [tilespmem:s29+$0x4270];
	[tilespmem:s29+$0x41B0] =	vst v1;
	v1 =	vmul.f32 v59, v62  }
0xba: {  	v23 =	vbroadcast v2, $0x5;
	v24 =	vld [tilespmem:s29+$0x4280];
	[tilespmem:s29+$0x41C0] =	vst v3;
	v3 =	vmul.f32 v60, v62  }
0xbb: {  	v25 =	vld [tilespmem:s29+$0x4290];
	[tilespmem:s29+$0x41D0] =	vst v1;
	v1 =	vmul.f32 v61, v62  }
0xbc: {  	v26 =	vld [tilespmem:s29+$0x42A0];
	[tilespmem:s29+$0x41E0] =	vst v3;
	v3 =	vmul.f32 v63, v23  }
0xbd: {  	v27 =	vld [tilespmem:s29+$0x42B0];
	[tilespmem:s29+$0x41F0] =	vst v1;
	v1 =	vmul.f32 v16, v23  }
0xbe: {  	v28 =	vld [tilespmem:s29+$0x42C0];
	[tilespmem:s29+$0x4200] =	vst v3;
	v3 =	vmul.f32 v17, v23  }
0xbf: {  	v29 =	vld [tilespmem:s29+$0x42D0];
	[tilespmem:s29+$0x4210] =	vst v1;
	v1 =	vmul.f32 v18, v23  }
0xc0: {  	v30 =	vld [tilespmem:s29+$0x42E0];
	[tilespmem:s29+$0x4220] =	vst v3;
	v3 =	vmul.f32 v19, v23  }
0xc1: {  	v31 =	vld [tilespmem:s29+$0x42F0];
	[tilespmem:s29+$0x4230] =	vst v1;
	v1 =	vmul.f32 v20, v23  }
0xc2: {  	v32 =	vbroadcast v2, $0x6;
	v33 =	vld [tilespmem:s29+$0x4300];
	[tilespmem:s29+$0x4240] =	vst v3;
	v3 =	vmul.f32 v21, v23  }
0xc3: {  	v34 =	vld [tilespmem:s29+$0x4310];
	[tilespmem:s29+$0x4250] =	vst v1;
	v1 =	vmul.f32 v22, v23  }
0xc4: {  	v35 =	vld [tilespmem:s29+$0x4320];
	[tilespmem:s29+$0x4260] =	vst v3;
	v3 =	vmul.f32 v24, v32  }
0xc5: {  	v37 =	vld [tilespmem:s29+$0x4340];
	[tilespmem:s29+$0x4270] =	vst v1;
	v1 =	vmul.f32 v25, v32  }
0xc6: {  	v38 =	vld [tilespmem:s29+$0x4350];
	[tilespmem:s29+$0x4280] =	vst v3;
	v3 =	vmul.f32 v26, v32  }
0xc7: {  	v39 =	vld [tilespmem:s29+$0x4360];
	[tilespmem:s29+$0x4290] =	vst v1;
	v1 =	vmul.f32 v27, v32  }
0xc8: {  	v40 =	vld [tilespmem:s29+$0x4370];
	[tilespmem:s29+$0x42A0] =	vst v3;
	v3 =	vmul.f32 v28, v32  }
0xc9: {  	v36 =	vld [tilespmem:s29+$0x4330];
	[tilespmem:s29+$0x42B0] =	vst v1;
	v1 =	vmul.f32 v29, v32  }
0xca: {  	v41 =	vbroadcast v2, $0x7;
	v42 =	vld [tilespmem:s29+$0x4380];
	[tilespmem:s29+$0x42C0] =	vst v3;
	v3 =	vmul.f32 v30, v32  }
0xcb: {  	v43 =	vld [tilespmem:s29+$0x4390];
	[tilespmem:s29+$0x42D0] =	vst v1;
	v1 =	vmul.f32 v31, v32  }
0xcc: {  	v44 =	vld [tilespmem:s29+$0x43A0];
	[tilespmem:s29+$0x42E0] =	vst v3;
	v3 =	vmul.f32 v33, v41  }
0xcd: {  	v45 =	vld [tilespmem:s29+$0x43B0];
	[tilespmem:s29+$0x42F0] =	vst v1;
	v1 =	vmul.f32 v34, v41  }
0xce: {  	v46 =	vld [tilespmem:s29+$0x43C0];
	[tilespmem:s29+$0x4300] =	vst v3;
	v3 =	vmul.f32 v35, v41  }
0xcf: {  	v47 =	vld [tilespmem:s29+$0x43D0];
	[tilespmem:s29+$0x4310] =	vst v1;
	v1 =	vmul.f32 v36, v41  }
0xd0: {  	v48 =	vld [tilespmem:s29+$0x43E0];
	[tilespmem:s29+$0x4320] =	vst v3;
	v3 =	vmul.f32 v37, v41  }
0xd1: {  	v49 =	vld [tilespmem:s29+$0x43F0];
	[tilespmem:s29+$0x4330] =	vst v1;
	v1 =	vmul.f32 v38, v41  }
0xd2: {  	v50 =	vbroadcast v2, $0x8;
	v51 =	vld [tilespmem:s29+$0x4400];
	[tilespmem:s29+$0x4340] =	vst v3;
	v3 =	vmul.f32 v39, v41  }
0xd3: {  	v52 =	vld [tilespmem:s29+$0x4410];
	[tilespmem:s29+$0x4350] =	vst v1;
	v1 =	vmul.f32 v40, v41  }
0xd4: {  	v53 =	vld [tilespmem:s29+$0x4420];
	[tilespmem:s29+$0x4360] =	vst v3;
	v3 =	vmul.f32 v42, v50  }
0xd5: {  	v54 =	vld [tilespmem:s29+$0x4430];
	[tilespmem:s29+$0x4370] =	vst v1;
	v1 =	vmul.f32 v43, v50  }
0xd6: {  	v55 =	vld [tilespmem:s29+$0x4440];
	[tilespmem:s29+$0x4380] =	vst v3;
	v3 =	vmul.f32 v44, v50  }
0xd7: {  	v56 =	vld [tilespmem:s29+$0x4450];
	[tilespmem:s29+$0x4390] =	vst v1;
	v1 =	vmul.f32 v45, v50  }
0xd8: {  	v57 =	vld [tilespmem:s29+$0x4460];
	[tilespmem:s29+$0x43A0] =	vst v3;
	v3 =	vmul.f32 v46, v50  }
0xd9: {  	v58 =	vld [tilespmem:s29+$0x4470];
	[tilespmem:s29+$0x43B0] =	vst v1;
	v1 =	vmul.f32 v47, v50  }
0xda: {  	v59 =	vbroadcast v2, $0x9;
	v60 =	vld [tilespmem:s29+$0x4480];
	[tilespmem:s29+$0x43C0] =	vst v3;
	v3 =	vmul.f32 v48, v50  }
0xdb: {  	v61 =	vld [tilespmem:s29+$0x4490];
	[tilespmem:s29+$0x43D0] =	vst v1;
	v1 =	vmul.f32 v49, v50  }
0xdc: {  	v62 =	vld [tilespmem:s29+$0x44A0];
	[tilespmem:s29+$0x43E0] =	vst v3;
	v3 =	vmul.f32 v51, v59  }
0xdd: {  	v63 =	vld [tilespmem:s29+$0x44B0];
	[tilespmem:s29+$0x43F0] =	vst v1;
	v1 =	vmul.f32 v52, v59  }
0xde: {  	v18 =	vld [tilespmem:s29+$0x44C0];
	[tilespmem:s29+$0x4400] =	vst v3;
	v3 =	vmul.f32 v53, v59  }
0xdf: {  	v19 =	vld [tilespmem:s29+$0x44D0];
	[tilespmem:s29+$0x4410] =	vst v1;
	v1 =	vmul.f32 v54, v59  }
0xe0: {  	v20 =	vld [tilespmem:s29+$0x44E0];
	[tilespmem:s29+$0x4420] =	vst v3;
	v3 =	vmul.f32 v55, v59  }
0xe1: {  	v21 =	vld [tilespmem:s29+$0x44F0];
	[tilespmem:s29+$0x4430] =	vst v1;
	v1 =	vmul.f32 v56, v59  }
0xe2: {  	v22 =	vbroadcast v2, $0xA;
	v23 =	vld [tilespmem:s29+$0x4500];
	[tilespmem:s29+$0x4440] =	vst v3;
	v3 =	vmul.f32 v57, v59  }
0xe3: {  	v24 =	vld [tilespmem:s29+$0x4510];
	[tilespmem:s29+$0x4450] =	vst v1;
	v1 =	vmul.f32 v58, v59  }
0xe4: {  	v25 =	vld [tilespmem:s29+$0x4520];
	[tilespmem:s29+$0x4460] =	vst v3;
	v3 =	vmul.f32 v60, v22  }
0xe5: {  	v26 =	vld [tilespmem:s29+$0x4530];
	[tilespmem:s29+$0x4470] =	vst v1;
	v1 =	vmul.f32 v61, v22  }
0xe6: {  	v27 =	vld [tilespmem:s29+$0x4540];
	[tilespmem:s29+$0x4480] =	vst v3;
	v3 =	vmul.f32 v62, v22  }
0xe7: {  	v28 =	vld [tilespmem:s29+$0x4550];
	[tilespmem:s29+$0x4490] =	vst v1;
	v1 =	vmul.f32 v63, v22  }
0xe8: {  	v29 =	vld [tilespmem:s29+$0x4560];
	[tilespmem:s29+$0x44A0] =	vst v3;
	v3 =	vmul.f32 v18, v22  }
0xe9: {  	v30 =	vld [tilespmem:s29+$0x4570];
	[tilespmem:s29+$0x44B0] =	vst v1;
	v1 =	vmul.f32 v19, v22  }
0xea: {  	v31 =	vbroadcast v2, $0xB;
	v32 =	vld [tilespmem:s29+$0x4580];
	[tilespmem:s29+$0x44C0] =	vst v3;
	v3 =	vmul.f32 v20, v22  }
0xeb: {  	v33 =	vld [tilespmem:s29+$0x4590];
	[tilespmem:s29+$0x44D0] =	vst v1;
	v1 =	vmul.f32 v21, v22  }
0xec: {  	v34 =	vld [tilespmem:s29+$0x45A0];
	[tilespmem:s29+$0x44E0] =	vst v3;
	v3 =	vmul.f32 v23, v31  }
0xed: {  	v35 =	vld [tilespmem:s29+$0x45B0];
	[tilespmem:s29+$0x44F0] =	vst v1;
	v1 =	vmul.f32 v24, v31  }
0xee: {  	v36 =	vld [tilespmem:s29+$0x45C0];
	[tilespmem:s29+$0x4500] =	vst v3;
	v3 =	vmul.f32 v25, v31  }
0xef: {  	v37 =	vld [tilespmem:s29+$0x45D0];
	[tilespmem:s29+$0x4510] =	vst v1;
	v1 =	vmul.f32 v26, v31  }
0xf0: {  	v38 =	vld [tilespmem:s29+$0x45E0];
	[tilespmem:s29+$0x4520] =	vst v3;
	v3 =	vmul.f32 v27, v31  }
0xf1: {  	v39 =	vld [tilespmem:s29+$0x45F0];
	[tilespmem:s29+$0x4530] =	vst v1;
	v1 =	vmul.f32 v28, v31  }
0xf2: {  	v40 =	vbroadcast v2, $0xC;
	v41 =	vld [tilespmem:s29+$0x4600];
	[tilespmem:s29+$0x4540] =	vst v3;
	v3 =	vmul.f32 v29, v31  }
0xf3: {  	v42 =	vld [tilespmem:s29+$0x4610];
	[tilespmem:s29+$0x4550] =	vst v1;
	v1 =	vmul.f32 v30, v31  }
0xf4: {  	v43 =	vld [tilespmem:s29+$0x4620];
	[tilespmem:s29+$0x4560] =	vst v3;
	v3 =	vmul.f32 v32, v40  }
0xf5: {  	v44 =	vld [tilespmem:s29+$0x4630];
	[tilespmem:s29+$0x4570] =	vst v1;
	v1 =	vmul.f32 v33, v40  }
0xf6: {  	v45 =	vld [tilespmem:s29+$0x4640];
	[tilespmem:s29+$0x4580] =	vst v3;
	v3 =	vmul.f32 v34, v40  }
0xf7: {  	v46 =	vld [tilespmem:s29+$0x4650];
	[tilespmem:s29+$0x4590] =	vst v1;
	v1 =	vmul.f32 v35, v40  }
0xf8: {  	s30 =	sor.u32 $0x10, s30;
	v47 =	vld [tilespmem:s29+$0x4660];
	[tilespmem:s29+$0x45A0] =	vst v3;
	v3 =	vmul.f32 v36, v40  }
0xf9: {  	s31 =	sor.u32 s26, s30;
	v48 =	vld [tilespmem:s29+$0x4670];
	[tilespmem:s29+$0x45B0] =	vst v1;
	v1 =	vmul.f32 v37, v40  }
0xfa: {  	v49 =	vbroadcast v2, $0xD;
	v50 =	vld [tilespmem:s31+$0x0];
	[tilespmem:s29+$0x45C0] =	vst v3;
	v3 =	vmul.f32 v38, v40  }
0xfb: {  	v51 =	vld [tilespmem:s29+$0x4680];
	[tilespmem:s29+$0x45D0] =	vst v1;
	v1 =	vmul.f32 v39, v40  }
0xfc: {  	v52 =	vld [tilespmem:s31+$0x800];
	[tilespmem:s29+$0x45E0] =	vst v3;
	v3 =	vmul.f32 v41, v49  }
0xfd: {  	v53 =	vld [tilespmem:s29+$0x4690];
	[tilespmem:s29+$0x45F0] =	vst v1;
	v1 =	vmul.f32 v42, v49  }
0xfe: {  	v54 =	vld [tilespmem:s29+$0x46A0];
	[tilespmem:s29+$0x4600] =	vst v3;
	v3 =	vmul.f32 v43, v49  }
0xff: {  	v55 =	vld [tilespmem:s29+$0x46B0];
	[tilespmem:s29+$0x4610] =	vst v1;
	v1 =	vmul.f32 v44, v49  }
0x100: {  	v56 =	vld [tilespmem:s29+$0x46C0];
	[tilespmem:s29+$0x4620] =	vst v3;
	v3 =	vmul.f32 v45, v49  }
0x101: {  	v57 =	vld [tilespmem:s31+$0x1000];
	[tilespmem:s29+$0x4630] =	vst v1;
	v1 =	vmul.f32 v46, v49  }
0x102: {  	v58 =	vbroadcast v2, $0xE;
	v14 =	vld.idx.msk [tilespmem:v50+s16+$0x0], $0xffff;
	[tilespmem:s29+$0x4640] =	vst v3;
	v3 =	vmul.f32 v47, v49  }
0x103: {  	v59 =	vld [tilespmem:s29+$0x46D0];
	[tilespmem:s29+$0x4650] =	vst v1;
	v1 =	vmul.f32 v48, v49  }
0x104: {  	v60 =	vld.idx.msk [tilespmem:v52+s16+$0x0], $0xffff;
	[tilespmem:s29+$0x4660] =	vst v3;
	v3 =	vmul.f32 v51, v58  }
0x105: {  	v61 =	vld [tilespmem:s29+$0x46E0];
	[tilespmem:s29+$0x4670] =	vst v1;
	v1 =	vmul.f32 v53, v58  }
0x106: {  	s30 =	sshll.u32 s30, $0x7;
	v62 =	vld [tilespmem:s29+$0x46F0];
	[tilespmem:s29+$0x4680] =	vst v3;
	v3 =	vmul.f32 v54, v58  }
0x107: {  	s30 =	sand.u32 $0x3FFFF800, s30;
	v12 =	vld [tilespmem:s29+$0x4700];
	v63 =	vmul.f32 v14, v57;
	[tilespmem:s29+$0x4690] =	vst v1;
	v1 =	vmul.f32 v55, v58  }
0x108: {  	v14 =	vld [tilespmem:s30+$0x3F80];
	[tilespmem:s29+$0x46A0] =	vst v3;
	v3 =	vmul.f32 v56, v58  }
0x109: {  	v15 =	vld [tilespmem:s30+$0x3F90];
	v4 =	vmul.f32 v59, v58;
	[tilespmem:s29+$0x46B0] =	vst v1;
	v1 =	vmul.f32 v60, v63  }
0x10a: {  	v16 =	vld [tilespmem:s30+$0x3FA0];
	v2 =	vbroadcast v2, $0xF;
	[tilespmem:s29+$0x46C0] =	vst v3;
	v3 =	vmul.f32 v61, v58  }
0x10b: {  	v19 =	vld [tilespmem:s30+$0x3FB0];
	[tilespmem:s29+$0x46D0] =	vst v4;
	v17 =	vmul.f32 v62, v58;
	v18 =	vbroadcast v1, $0x0  }
0x10c: {  	v20 =	vld [tilespmem:s30+$0x3FC0];
	[tilespmem:s29+$0x46E0] =	vst v3;
	v3 =	vmul.f32 v12, v2  }
0x10d: {  	v22 =	vld [tilespmem:s30+$0x3FD0];
	[tilespmem:s29+$0x46F0] =	vst v17;
	v21 =	vmul.f32 v18, v14  }
0x10e: {  	v23 =	vld [tilespmem:s30+$0x3FE0];
	[tilespmem:s29+$0x4700] =	vst v3;
	v3 =	vmul.f32 v15, v18  }
0x10f: {  	v25 =	vld [tilespmem:s30+$0x3FF0];
	v24 =	vmul.f32 v16, v18;
	[tilespmem:s30+$0x3F80] =	vst v21  }
0x110: {  	v8 =	vmul.f32 v19, v18;
	[tilespmem:s30+$0x3F90] =	vst v3;
	v3 =	vld [tilespmem:s29+$0x4710]  }
0x111: {  	v26 =	vld [tilespmem:s29+$0x4720];
	v9 =	vmul.f32 v20, v18;
	[tilespmem:s30+$0x3FA0] =	vst v24  }
0x112: {  	v27 =	vld [tilespmem:s29+$0x4730];
	v10 =	vmul.f32 v22, v18;
	[tilespmem:s30+$0x3FB0] =	vst v8  }
0x113: {  	v28 =	vld [tilespmem:s29+$0x4740];
	v5 =	vmul.f32 v23, v18;
	[tilespmem:s30+$0x3FC0] =	vst v9  }
0x114: {  	v29 =	vld [tilespmem:s29+$0x4750];
	v6 =	vmul.f32 v25, v18;
	[tilespmem:s30+$0x3FD0] =	vst v10  }
0x115: {  	v30 =	vld [tilespmem:s29+$0x4760];
	[tilespmem:s30+$0x3FE0] =	vst v5;
	v3 =	vmul.f32 v3, v2  }
0x116: {  	v31 =	vld [tilespmem:s29+$0x4770];
	v4 =	vmul.f32 v26, v2;
	[tilespmem:s30+$0x3FF0] =	vst v6  }
0x117: {  	v6 =	vld [tilespmem:s29+$0x4800];
	[tilespmem:s29+$0x4710] =	vst v3;
	v3 =	vmul.f32 v27, v2  }
0x118: {  	[tilespmem:s29+$0x4720] =	vst v4;
	v32 =	vmul.f32 v28, v2;
	v33 =	vld [tilespmem:s29+$0x4810]  }
0x119: {  	v34 =	vld [tilespmem:s29+$0x4820];
	[tilespmem:s29+$0x4730] =	vst v3;
	v3 =	vmul.f32 v29, v2  }
0x11a: {  	[tilespmem:s29+$0x4740] =	vst v32;
	v35 =	vmul.f32 v30, v2;
	v36 =	vbroadcast v1, $0x1;
	v37 =	vld [tilespmem:s29+$0x4830]  }
0x11b: {  	v2 =	vmul.f32 v31, v2;
	[tilespmem:s29+$0x4750] =	vst v3;
	v3 =	vld [tilespmem:s29+$0x4840]  }
0x11c: {  	[tilespmem:s29+$0x4760] =	vst v35;
	v39 =	vld [tilespmem:s29+$0x4850];
	v38 =	vmul.f32 v6, v36  }
0x11d: {  	v40 =	vld [tilespmem:s29+$0x4860];
	[tilespmem:s29+$0x4770] =	vst v2;
	v2 =	vmul.f32 v33, v36  }
0x11e: {  	v42 =	vld [tilespmem:s29+$0x4870];
	v41 =	vmul.f32 v34, v36;
	[tilespmem:s29+$0x4800] =	vst v38  }
0x11f: {  	v43 =	vld [tilespmem:s29+$0x4880];
	[tilespmem:s29+$0x4810] =	vst v2;
	v2 =	vmul.f32 v37, v36  }
0x120: {  	v44 =	vld [tilespmem:s29+$0x4890];
	[tilespmem:s29+$0x4820] =	vst v41;
	v3 =	vmul.f32 v3, v36  }
0x121: {  	v45 =	vld [tilespmem:s29+$0x48A0];
	[tilespmem:s29+$0x4830] =	vst v2;
	v2 =	vmul.f32 v39, v36  }
0x122: {  	v46 =	vbroadcast v1, $0x2;
	v47 =	vld [tilespmem:s29+$0x48B0];
	[tilespmem:s29+$0x4840] =	vst v3;
	v3 =	vmul.f32 v40, v36  }
0x123: {  	v48 =	vld [tilespmem:s29+$0x48C0];
	[tilespmem:s29+$0x4850] =	vst v2;
	v2 =	vmul.f32 v42, v36  }
0x124: {  	v49 =	vld [tilespmem:s29+$0x48D0];
	[tilespmem:s29+$0x4860] =	vst v3;
	v3 =	vmul.f32 v43, v46  }
0x125: {  	v50 =	vld [tilespmem:s29+$0x48E0];
	[tilespmem:s29+$0x4870] =	vst v2;
	v2 =	vmul.f32 v44, v46  }
0x126: {  	v51 =	vld [tilespmem:s29+$0x48F0];
	[tilespmem:s29+$0x4880] =	vst v3;
	v3 =	vmul.f32 v45, v46  }
0x127: {  	v52 =	vld [tilespmem:s29+$0x4900];
	[tilespmem:s29+$0x4890] =	vst v2;
	v2 =	vmul.f32 v47, v46  }
0x128: {  	v53 =	vld [tilespmem:s29+$0x4910];
	[tilespmem:s29+$0x48A0] =	vst v3;
	v3 =	vmul.f32 v48, v46  }
0x129: {  	v54 =	vld [tilespmem:s29+$0x4920];
	[tilespmem:s29+$0x48B0] =	vst v2;
	v2 =	vmul.f32 v49, v46  }
0x12a: {  	v55 =	vbroadcast v1, $0x3;
	v56 =	vld [tilespmem:s29+$0x4930];
	[tilespmem:s29+$0x48C0] =	vst v3;
	v3 =	vmul.f32 v50, v46  }
0x12b: {  	v57 =	vld [tilespmem:s29+$0x4940];
	[tilespmem:s29+$0x48D0] =	vst v2;
	v2 =	vmul.f32 v51, v46  }
0x12c: {  	v58 =	vld [tilespmem:s29+$0x4950];
	[tilespmem:s29+$0x48E0] =	vst v3;
	v3 =	vmul.f32 v52, v55  }
0x12d: {  	v59 =	vld [tilespmem:s29+$0x4960];
	[tilespmem:s29+$0x48F0] =	vst v2;
	v2 =	vmul.f32 v53, v55  }
0x12e: {  	v60 =	vld [tilespmem:s29+$0x4970];
	[tilespmem:s29+$0x4900] =	vst v3;
	v3 =	vmul.f32 v54, v55  }
0x12f: {  	v61 =	vld [tilespmem:s29+$0x4980];
	[tilespmem:s29+$0x4910] =	vst v2;
	v2 =	vmul.f32 v56, v55  }
0x130: {  	v62 =	vld [tilespmem:s29+$0x4990];
	[tilespmem:s29+$0x4920] =	vst v3;
	v3 =	vmul.f32 v57, v55  }
0x131: {  	v63 =	vld [tilespmem:s29+$0x49A0];
	[tilespmem:s29+$0x4930] =	vst v2;
	v2 =	vmul.f32 v58, v55  }
0x132: {  	v12 =	vbroadcast v1, $0x4;
	v13 =	vld [tilespmem:s29+$0x49B0];
	[tilespmem:s29+$0x4940] =	vst v3;
	v3 =	vmul.f32 v59, v55  }
0x133: {  	v14 =	vld [tilespmem:s29+$0x49C0];
	[tilespmem:s29+$0x4950] =	vst v2;
	v2 =	vmul.f32 v60, v55  }
0x134: {  	v15 =	vld [tilespmem:s29+$0x49D0];
	[tilespmem:s29+$0x4960] =	vst v3;
	v3 =	vmul.f32 v61, v12  }
0x135: {  	v16 =	vld [tilespmem:s29+$0x49E0];
	[tilespmem:s29+$0x4970] =	vst v2;
	v2 =	vmul.f32 v62, v12  }
0x136: {  	v17 =	vld [tilespmem:s29+$0x49F0];
	[tilespmem:s29+$0x4980] =	vst v3;
	v3 =	vmul.f32 v63, v12  }
0x137: {  	v18 =	vld [tilespmem:s29+$0x4A00];
	[tilespmem:s29+$0x4990] =	vst v2;
	v2 =	vmul.f32 v13, v12  }
0x138: {  	v19 =	vld [tilespmem:s29+$0x4A10];
	[tilespmem:s29+$0x49A0] =	vst v3;
	v3 =	vmul.f32 v14, v12  }
0x139: {  	v20 =	vld [tilespmem:s29+$0x4A20];
	[tilespmem:s29+$0x49B0] =	vst v2;
	v2 =	vmul.f32 v15, v12  }
0x13a: {  	v21 =	vbroadcast v1, $0x5;
	v22 =	vld [tilespmem:s29+$0x4A30];
	[tilespmem:s29+$0x49C0] =	vst v3;
	v3 =	vmul.f32 v16, v12  }
0x13b: {  	v23 =	vld [tilespmem:s29+$0x4A40];
	[tilespmem:s29+$0x49D0] =	vst v2;
	v2 =	vmul.f32 v17, v12  }
0x13c: {  	v24 =	vld [tilespmem:s29+$0x4A50];
	[tilespmem:s29+$0x49E0] =	vst v3;
	v3 =	vmul.f32 v18, v21  }
0x13d: {  	v25 =	vld [tilespmem:s29+$0x4A60];
	[tilespmem:s29+$0x49F0] =	vst v2;
	v2 =	vmul.f32 v19, v21  }
0x13e: {  	v26 =	vld [tilespmem:s29+$0x4A70];
	[tilespmem:s29+$0x4A00] =	vst v3;
	v3 =	vmul.f32 v20, v21  }
0x13f: {  	v27 =	vld [tilespmem:s29+$0x4A80];
	[tilespmem:s29+$0x4A10] =	vst v2;
	v2 =	vmul.f32 v22, v21  }
0x140: {  	v28 =	vld [tilespmem:s29+$0x4A90];
	[tilespmem:s29+$0x4A20] =	vst v3;
	v3 =	vmul.f32 v23, v21  }
0x141: {  	v29 =	vld [tilespmem:s29+$0x4AA0];
	[tilespmem:s29+$0x4A30] =	vst v2;
	v2 =	vmul.f32 v24, v21  }
0x142: {  	v30 =	vbroadcast v1, $0x6;
	v31 =	vld [tilespmem:s29+$0x4AB0];
	[tilespmem:s29+$0x4A40] =	vst v3;
	v3 =	vmul.f32 v25, v21  }
0x143: {  	v32 =	vld [tilespmem:s29+$0x4AC0];
	[tilespmem:s29+$0x4A50] =	vst v2;
	v2 =	vmul.f32 v26, v21  }
0x144: {  	v33 =	vld [tilespmem:s29+$0x4AD0];
	[tilespmem:s29+$0x4A60] =	vst v3;
	v3 =	vmul.f32 v27, v30  }
0x145: {  	v34 =	vld [tilespmem:s29+$0x4AE0];
	[tilespmem:s29+$0x4A70] =	vst v2;
	v2 =	vmul.f32 v28, v30  }
0x146: {  	v35 =	vld [tilespmem:s29+$0x4AF0];
	[tilespmem:s29+$0x4A80] =	vst v3;
	v3 =	vmul.f32 v29, v30  }
0x147: {  	v36 =	vld [tilespmem:s29+$0x4B00];
	[tilespmem:s29+$0x4A90] =	vst v2;
	v2 =	vmul.f32 v31, v30  }
0x148: {  	v37 =	vld [tilespmem:s29+$0x4B10];
	[tilespmem:s29+$0x4AA0] =	vst v3;
	v3 =	vmul.f32 v32, v30  }
0x149: {  	v38 =	vld [tilespmem:s29+$0x4B20];
	[tilespmem:s29+$0x4AB0] =	vst v2;
	v2 =	vmul.f32 v33, v30  }
0x14a: {  	v39 =	vbroadcast v1, $0x7;
	v40 =	vld [tilespmem:s29+$0x4B30];
	[tilespmem:s29+$0x4AC0] =	vst v3;
	v3 =	vmul.f32 v34, v30  }
0x14b: {  	v41 =	vld [tilespmem:s29+$0x4B40];
	[tilespmem:s29+$0x4AD0] =	vst v2;
	v2 =	vmul.f32 v35, v30  }
0x14c: {  	v42 =	vld [tilespmem:s29+$0x4B50];
	[tilespmem:s29+$0x4AE0] =	vst v3;
	v3 =	vmul.f32 v36, v39  }
0x14d: {  	v43 =	vld [tilespmem:s29+$0x4B60];
	[tilespmem:s29+$0x4AF0] =	vst v2;
	v2 =	vmul.f32 v37, v39  }
0x14e: {  	v44 =	vld [tilespmem:s29+$0x4B70];
	[tilespmem:s29+$0x4B00] =	vst v3;
	v3 =	vmul.f32 v38, v39  }
0x14f: {  	v45 =	vld [tilespmem:s29+$0x4B80];
	[tilespmem:s29+$0x4B10] =	vst v2;
	v2 =	vmul.f32 v40, v39  }
0x150: {  	v46 =	vld [tilespmem:s29+$0x4B90];
	[tilespmem:s29+$0x4B20] =	vst v3;
	v3 =	vmul.f32 v41, v39  }
0x151: {  	v47 =	vld [tilespmem:s29+$0x4BA0];
	[tilespmem:s29+$0x4B30] =	vst v2;
	v2 =	vmul.f32 v42, v39  }
0x152: {  	v49 =	vld [tilespmem:s29+$0x4BB0];
	v48 =	vbroadcast v1, $0x8;
	[tilespmem:s29+$0x4B40] =	vst v3;
	v3 =	vmul.f32 v43, v39  }
0x153: {  	v50 =	vld [tilespmem:s29+$0x4BC0];
	[tilespmem:s29+$0x4B50] =	vst v2;
	v2 =	vmul.f32 v44, v39  }
0x154: {  	v51 =	vld [tilespmem:s29+$0x4BD0];
	[tilespmem:s29+$0x4B60] =	vst v3;
	v3 =	vmul.f32 v45, v48  }
0x155: {  	v52 =	vld [tilespmem:s29+$0x4BE0];
	[tilespmem:s29+$0x4B70] =	vst v2;
	v2 =	vmul.f32 v46, v48  }
0x156: {  	v53 =	vld [tilespmem:s29+$0x4BF0];
	[tilespmem:s29+$0x4B80] =	vst v3;
	v3 =	vmul.f32 v47, v48  }
0x157: {  	v54 =	vld [tilespmem:s29+$0x4C00];
	[tilespmem:s29+$0x4B90] =	vst v2;
	v2 =	vmul.f32 v49, v48  }
0x158: {  	v55 =	vld [tilespmem:s29+$0x4C10];
	[tilespmem:s29+$0x4BA0] =	vst v3;
	v3 =	vmul.f32 v50, v48  }
0x159: {  	v56 =	vld [tilespmem:s29+$0x4C20];
	[tilespmem:s29+$0x4BB0] =	vst v2;
	v2 =	vmul.f32 v51, v48  }
0x15a: {  	v58 =	vld [tilespmem:s29+$0x4C30];
	v57 =	vbroadcast v1, $0x9;
	[tilespmem:s29+$0x4BC0] =	vst v3;
	v3 =	vmul.f32 v52, v48  }
0x15b: {  	v59 =	vld [tilespmem:s29+$0x4C40];
	[tilespmem:s29+$0x4BD0] =	vst v2;
	v2 =	vmul.f32 v53, v48  }
0x15c: {  	v60 =	vld [tilespmem:s29+$0x4C50];
	[tilespmem:s29+$0x4BE0] =	vst v3;
	v3 =	vmul.f32 v54, v57  }
0x15d: {  	v61 =	vld [tilespmem:s29+$0x4C60];
	[tilespmem:s29+$0x4BF0] =	vst v2;
	v2 =	vmul.f32 v55, v57  }
0x15e: {  	v62 =	vld [tilespmem:s29+$0x4C70];
	[tilespmem:s29+$0x4C00] =	vst v3;
	v3 =	vmul.f32 v56, v57  }
0x15f: {  	v63 =	vld [tilespmem:s29+$0x4C80];
	[tilespmem:s29+$0x4C10] =	vst v2;
	v2 =	vmul.f32 v58, v57  }
0x160: {  	v12 =	vld [tilespmem:s29+$0x4C90];
	[tilespmem:s29+$0x4C20] =	vst v3;
	v3 =	vmul.f32 v59, v57  }
0x161: {  	v13 =	vld [tilespmem:s29+$0x4CA0];
	[tilespmem:s29+$0x4C30] =	vst v2;
	v2 =	vmul.f32 v60, v57  }
0x162: {  	v15 =	vld [tilespmem:s29+$0x4CB0];
	v14 =	vbroadcast v1, $0xA;
	[tilespmem:s29+$0x4C40] =	vst v3;
	v3 =	vmul.f32 v61, v57  }
0x163: {  	v16 =	vld [tilespmem:s29+$0x4CC0];
	[tilespmem:s29+$0x4C50] =	vst v2;
	v2 =	vmul.f32 v62, v57  }
0x164: {  	v17 =	vld [tilespmem:s29+$0x4CD0];
	[tilespmem:s29+$0x4C60] =	vst v3;
	v3 =	vmul.f32 v63, v14  }
0x165: {  	v18 =	vld [tilespmem:s29+$0x4CE0];
	[tilespmem:s29+$0x4C70] =	vst v2;
	v2 =	vmul.f32 v12, v14  }
0x166: {  	v19 =	vld [tilespmem:s29+$0x4CF0];
	[tilespmem:s29+$0x4C80] =	vst v3;
	v3 =	vmul.f32 v13, v14  }
0x167: {  	v20 =	vld [tilespmem:s29+$0x4D00];
	[tilespmem:s29+$0x4C90] =	vst v2;
	v2 =	vmul.f32 v15, v14  }
0x168: {  	v21 =	vld [tilespmem:s29+$0x4D10];
	[tilespmem:s29+$0x4CA0] =	vst v3;
	v3 =	vmul.f32 v16, v14  }
0x169: {  	v22 =	vld [tilespmem:s29+$0x4D20];
	[tilespmem:s29+$0x4CB0] =	vst v2;
	v2 =	vmul.f32 v17, v14  }
0x16a: {  	v24 =	vld [tilespmem:s29+$0x4D30];
	v23 =	vbroadcast v1, $0xB;
	[tilespmem:s29+$0x4CC0] =	vst v3;
	v3 =	vmul.f32 v18, v14  }
0x16b: {  	v25 =	vld [tilespmem:s29+$0x4D40];
	[tilespmem:s29+$0x4CD0] =	vst v2;
	v2 =	vmul.f32 v19, v14  }
0x16c: {  	v26 =	vld [tilespmem:s29+$0x4D50];
	[tilespmem:s29+$0x4CE0] =	vst v3;
	v3 =	vmul.f32 v20, v23  }
0x16d: {  	v27 =	vld [tilespmem:s29+$0x4D60];
	[tilespmem:s29+$0x4CF0] =	vst v2;
	v2 =	vmul.f32 v21, v23  }
0x16e: {  	v28 =	vld [tilespmem:s29+$0x4D70];
	[tilespmem:s29+$0x4D00] =	vst v3;
	v3 =	vmul.f32 v22, v23  }
0x16f: {  	v29 =	vld [tilespmem:s29+$0x4D80];
	[tilespmem:s29+$0x4D10] =	vst v2;
	v2 =	vmul.f32 v24, v23  }
0x170: {  	v30 =	vld [tilespmem:s29+$0x4D90];
	[tilespmem:s29+$0x4D20] =	vst v3;
	v3 =	vmul.f32 v25, v23  }
0x171: {  	v31 =	vld [tilespmem:s29+$0x4DA0];
	[tilespmem:s29+$0x4D30] =	vst v2;
	v2 =	vmul.f32 v26, v23  }
0x172: {  	v33 =	vld [tilespmem:s29+$0x4DB0];
	v32 =	vbroadcast v1, $0xC;
	[tilespmem:s29+$0x4D40] =	vst v3;
	v3 =	vmul.f32 v27, v23  }
0x173: {  	v34 =	vld [tilespmem:s29+$0x4DC0];
	[tilespmem:s29+$0x4D50] =	vst v2;
	v2 =	vmul.f32 v28, v23  }
0x174: {  	v35 =	vld [tilespmem:s29+$0x4DD0];
	[tilespmem:s29+$0x4D60] =	vst v3;
	v3 =	vmul.f32 v29, v32  }
0x175: {  	v36 =	vld [tilespmem:s29+$0x4DE0];
	[tilespmem:s29+$0x4D70] =	vst v2;
	v2 =	vmul.f32 v30, v32  }
0x176: {  	v37 =	vld [tilespmem:s29+$0x4DF0];
	[tilespmem:s29+$0x4D80] =	vst v3;
	v3 =	vmul.f32 v31, v32  }
0x177: {  	v38 =	vld [tilespmem:s29+$0x4E00];
	[tilespmem:s29+$0x4D90] =	vst v2;
	v2 =	vmul.f32 v33, v32  }
0x178: {  	v39 =	vld [tilespmem:s29+$0x4E10];
	[tilespmem:s29+$0x4DA0] =	vst v3;
	v3 =	vmul.f32 v34, v32  }
0x179: {  	v40 =	vld [tilespmem:s29+$0x4E20];
	[tilespmem:s29+$0x4DB0] =	vst v2;
	v2 =	vmul.f32 v35, v32  }
0x17a: {  	v42 =	vld [tilespmem:s29+$0x4E30];
	v41 =	vbroadcast v1, $0xD;
	[tilespmem:s29+$0x4DC0] =	vst v3;
	v3 =	vmul.f32 v36, v32  }
0x17b: {  	v43 =	vld [tilespmem:s29+$0x4E40];
	[tilespmem:s29+$0x4DD0] =	vst v2;
	v2 =	vmul.f32 v37, v32  }
0x17c: {  	v44 =	vld [tilespmem:s29+$0x4E50];
	[tilespmem:s29+$0x4DE0] =	vst v3;
	v3 =	vmul.f32 v38, v41  }
0x17d: {  	v45 =	vld [tilespmem:s29+$0x4E60];
	[tilespmem:s29+$0x4DF0] =	vst v2;
	v2 =	vmul.f32 v39, v41  }
0x17e: {  	v46 =	vld [tilespmem:s29+$0x4E70];
	[tilespmem:s29+$0x4E00] =	vst v3;
	v3 =	vmul.f32 v40, v41  }
0x17f: {  	v47 =	vld [tilespmem:s29+$0x4E80];
	[tilespmem:s29+$0x4E10] =	vst v2;
	v2 =	vmul.f32 v42, v41  }
0x180: {  	v48 =	vld [tilespmem:s29+$0x4E90];
	[tilespmem:s29+$0x4E20] =	vst v3;
	v3 =	vmul.f32 v43, v41  }
0x181: {  	v49 =	vld [tilespmem:s29+$0x4EA0];
	[tilespmem:s29+$0x4E30] =	vst v2;
	v2 =	vmul.f32 v44, v41  }
0x182: {  	v51 =	vld [tilespmem:s29+$0x4EB0];
	v50 =	vbroadcast v1, $0xE;
	[tilespmem:s29+$0x4E40] =	vst v3;
	v3 =	vmul.f32 v45, v41  }
0x183: {  	v52 =	vld [tilespmem:s29+$0x4EC0];
	[tilespmem:s29+$0x4E50] =	vst v2;
	v2 =	vmul.f32 v46, v41  }
0x184: {  	v53 =	vld [tilespmem:s29+$0x4ED0];
	[tilespmem:s29+$0x4E60] =	vst v3;
	v3 =	vmul.f32 v47, v50  }
0x185: {  	v54 =	vld [tilespmem:s29+$0x4EE0];
	[tilespmem:s29+$0x4E70] =	vst v2;
	v2 =	vmul.f32 v48, v50  }
0x186: {  	v55 =	vld [tilespmem:s29+$0x4EF0];
	[tilespmem:s29+$0x4E80] =	vst v3;
	v3 =	vmul.f32 v49, v50  }
0x187: {  	v56 =	vld [tilespmem:s29+$0x4F00];
	[tilespmem:s29+$0x4E90] =	vst v2;
	v2 =	vmul.f32 v51, v50  }
0x188: {  	v57 =	vld [tilespmem:s29+$0x4F10];
	[tilespmem:s29+$0x4EA0] =	vst v3;
	v3 =	vmul.f32 v52, v50  }
0x189: {  	v58 =	vld [tilespmem:s29+$0x4F20];
	[tilespmem:s29+$0x4EB0] =	vst v2;
	v2 =	vmul.f32 v53, v50  }
0x18a: {  	v1 =	vbroadcast v1, $0xF;
	v59 =	vld [tilespmem:s29+$0x4F30];
	[tilespmem:s29+$0x4EC0] =	vst v3;
	v3 =	vmul.f32 v54, v50  }
0x18b: {  	v60 =	vld [tilespmem:s29+$0x4F40];
	[tilespmem:s29+$0x4ED0] =	vst v2;
	v2 =	vmul.f32 v55, v50  }
0x18c: {  	v61 =	vld [tilespmem:s29+$0x4F50];
	[tilespmem:s29+$0x4EE0] =	vst v3;
	v3 =	vmul.f32 v56, v1  }
0x18d: {  	v62 =	vld [tilespmem:s29+$0x4F60];
	[tilespmem:s29+$0x4EF0] =	vst v2;
	v2 =	vmul.f32 v57, v1  }
0x18e: {  	v63 =	vld [tilespmem:s29+$0x4F70];
	[tilespmem:s29+$0x4F00] =	vst v3;
	v3 =	vmul.f32 v58, v1  }
0x18f: {  	[tilespmem:s29+$0x4F10] =	vst v2;
	v2 =	vmul.f32 v59, v1  }
0x190: {  	p0 =	slt.u32 s28, $0x6;
	[tilespmem:s29+$0x4F20] =	vst v3;
	v3 =	vmul.f32 v60, v1  }
.Ltmp1:
0x191: {  	[tilespmem:s29+$0x4F30] =	vst v2;
	v2 =	vmul.f32 v61, v1;
	(pc) =	sbr.rel @p0 .LBB2_6-.Ltmp1, $4  }
0x192: {  	[tilespmem:s29+$0x4F40] =	vst v3;
	v3 =	vmul.f32 v62, v1  }
0x193: {  	[tilespmem:s29+$0x4F50] =	vst v2;
	v1 =	vmul.f32 v63, v1  }
0x194: {  	s31 =	sadd.s32 $0x2, s28;
	[tilespmem:s29+$0x4F60] =	vst v3  }
0x195: {  	s28 =	smov.u32 s31;
	[tilespmem:s29+$0x4F70] =	vst v1  }
0x196: {  	s25 =	sadd.s32 $0x1, s25  }
0x197: {  	s26 =	sand.u32 $0x3FFFFF80, s26;
	p0 =	sne.s32 s25, $0x10  }
.Ltmp2:
0x198: {  	s26 =	sadd.s32 $0x800, s26;
	(pc) =	sbr.rel @p0 .LBB2_5-.Ltmp2, $4  }
0x199: {  	[spmem:s1] =	stream.indirect.scatter.add.f32 [tilespmem:s18], [sflag:$0x1], $0x80, s26, s21, $0xb8;
	[tilespmem:$0x1BF80] =	vst v63  }
0x19a: {  	_ =	swait.ge [sflag:s17], $0x4000  }
0x19b: {  	[sflag:s17] =	ssyncset.done $0x0  }
0x19c: {  	[sflag:s17] =	ssyncadd.s32 $0xFFFFC000  }
0x19d: {  	s24 =	sadd.s32 $0x1, s24  }
0x19e: {  	p0 =	sne.s32 s24, $0x5  }
.Ltmp3:
0x19f: {  	_ = 	snop;
	(pc) =	sbr.rel @p0 .LBB2_4-.Ltmp3, $1  }
0x1a0: {  	_ =	sdelay $0x3  }
0x1a1: {  	s22 =	sadd.s32 $0x1, s22  }
0x1a2: {  	s23 =	sshll.u32 s2, $0x6;
	[bflag:$0x0] =	sbarrier.arrive $0xFFFF;
	p0 =	sne.s32 s22, s15  }
.Ltmp4:
0x1a3: {  	s24 =	sshrl.u32 s8, $0x3;
	s23 =	sor.u32 $0x1C01, s23;
	(pc) =	sbr.rel @p0 .LBB2_1-.Ltmp4, $4  }
0x1a4: {  	[hbm:s14], [sflag:s23] =	dma.local [spmem:s24], $0x2800  }
0x1a5: {  	_ =	swait.ge [sflag:s17], $0x2800  }
0x1a6: {  	[sflag:s17] =	ssyncset.done $0x0  }
0x1a7: {  	[sflag:s17] =	ssyncadd.s32 $0xFFFFD800  }
0x1a8: {  	_ =	sfence.sel $0x180000  }
0x1a9: {  	[bflag:$0x0] =	sbarrier.arrive $0xFFFF  }
0x1aa: {  	p0 =	sne.s32 s2, $0x0;
	_ =	strace $0x9000004A  }
0x1ab: {  	s0 =	sadd.s32 @!p0 $0x100000, s0;
	[bflag:$0x2] =	sbarrier.arrive $0xFFFF  }
0x1ac: {  	[sflag:s0] =	ssyncadd.tile.s32 @!p0 $0x1;
	_ =	shalt  }
.Lfunc_end2:
_tile_overlayer_lowered:
.L_overlay_start_2:
0x1ad: {  	(tag) =	ssettag $0x2  }
0x1ae: {  	s0 =	rddreg [dreg:$0x0];
	s2 =	stileid.u32  }
0x1af: {  	s1 =	rddreg [dreg:$0x1];
	p0 =	sne.s32 s2, $0x0  }
0x1b0: {  	s3 =	rddreg [dreg:$0x2];
	[bflag:$0x3] =	sbarrier.arrive $0xFFFF;
	s2 =	simm.s32 @!p0 $0x1C01  }
0x1b1: {  	[timem:s3], [sflag:s2] =	dma.local @!p0 [hbm:s0], s1  }
0x1b2: {  	s0 =	simm.s32 @!p0 $0x1  }
0x1b3: {  	_ =	swait.ge @!p0 [sflag:s0], s1  }
0x1b4: {  	s1 =	ssub.s32 @!p0 $0x0, s1;
	[sflag:s0] =	ssyncset.done @!p0 $0x0  }
0x1b5: {  	[sflag:s0] =	ssyncadd.s32 @!p0 s1  }
0x1b6: {  	[bflag:$0x3] =	sbarrier.arrive $0xFFFF  }
0x1b7: {  	_ =	shalt  }

// kernel: kernel.15.cloned.1.call-start
scs
__scs_entry_jumppad:
0x0: {  	(pc) =	sbr.rel $0x88, $3  }
0x1: {  	(tag) =	ssettag $0x0;
	lr =	simm.s32 $0x1  }
0x2: {  	[smem:$0x3F9B] =	sst lr;
	_ =	strace $0xD0000000  }
0x3: {  	_ = 	snop  }
0x4: {  	_ = 	snop  }
0x5: {  	_ = 	snop  }
0x6: {  	_ = 	snop  }
0x7: {  	_ = 	snop  }
__scs_overlays_trampoline_lowered:
0x8: {  	[smem:$0x3FAA] =	sst s0  }
0x9: {  	[smem:$0x3FAB] =	sst s1  }
0xa: {  	[smem:$0x3FAC] =	sst s2  }
0xb: {  	[smem:$0x3FAD] =	sst s3  }
0xc: {  	[smem:$0x3FAE] =	sst s4  }
0xd: {  	[smem:$0x3FAF] =	sst s5  }
0xe: {  	[smem:$0x3FB0] =	sst s6  }
0xf: {  	[smem:$0x3FB1] =	sst s7  }
0x10: {  	[smem:$0x3FB2] =	sst s8  }
0x11: {  	[smem:$0x3FB3] =	sst s9;
	s0 =	simm.s32 @!p0 $0x0  }
0x12: {  	s1 =	sld [smem:$0x3F99];
	s0 =	simm.s32 @p0 $0x1  }
0x13: {  	[smem:$0x3FB4] =	sst s0;
	s0 =	simm.s32 @!p1 $0x0  }
0x14: {  	s2 =	sld [smem:$0x3F98];
	s0 =	simm.s32 @p1 $0x1  }
0x15: {  	[smem:$0x3FB5] =	sst s0;
	s0 =	simm.s32 @!p2 $0x0  }
0x16: {  	s3 =	sld [smem:$0x3FDB];
	s0 =	simm.s32 @p2 $0x1  }
0x17: {  	s4 =	simm.s32 $0x1BF5;
	[smem:$0x3FB7] =	sst s0  }
0x18: {  	s0 =	sld [smem:$0x3F9A];
	_ =	swait.ge [sflag:s4], $0x0  }
0x19: {  	s7 =	sld [smem:$0x3F9B]  }
0x1a: {  	s8 =	sadd.s32 $0xFFFFE003, lr  }
0x1b: {  	s9 =	sadd.s32 $0xFFFFFEF7, lr;
	s5 =	simm.s32 $0xFFFFFFFF;
	p2 =	slt.u32 s8, $0xFFFFF086  }
0x1c: {  	p1 =	slt.u32 s9, $0xF7A;
	s5 =	simm.s32 @!p2 $0x0  }
0x1d: {  	s5 =	simm.s32 @p1 $0x1;
	p0 =	seq.s32 s7, s2  }
0x1e: {  	s7 =	smul.u32 @!p0 $0xF7A, s2;
	p2 =	seq.s32 @!p0 s5, $0x0  }
0x1f: {  	s9 =	smul.u32 $0xF7A, s1;
	s8 =	simm.s32 @!p0 $0x1BF5;
	p2 =	por !p2, p0  }
0x20: {  	[sflag:s8] =	ssyncset.s32 @!p0 $0xFFFFF086;
	s6 =	sadd.s32 @!p0 s3, s7;
	s7 =	simm.s32 @!p0 $0x108  }
0x21: {  	s3 =	sadd.s32 s3, s9;
	s6 =	sadd.s32 @!p0 $0x88, s6;
	s7 =	simm.s32 @p2 $0x1082  }
0x22: {  	[simem:s7], [sflag:s8] =	dma.local @!p0 [hbm:s6], $0xF7A  }
0x23: {  	s9 =	sor.u32 $0xD0000000, s2;
	s6 =	simm.s32 $0x108;
	_ =	swait.ge @!p0 [sflag:s8], $0x0  }
0x24: {  	s3 =	sadd.s32 $0x88, s3;
	s6 =	simm.s32 @!p1 $0x1082;
	[sflag:s4] =	ssyncset.s32 $0xFFFFF086  }
0x25: {  	[simem:s6], [sflag:s4] =	dma.local [hbm:s3], $0xF7A  }
0x26: {  	[smem:$0x3F9B] =	sst s1;
	(tag) =	ssettag s2;
	_ =	strace s9  }
0x27: {  	s1 =	sld [smem:$0x3FAB]  }
0x28: {  	s2 =	sld [smem:$0x3FAC]  }
0x29: {  	s4 =	sld [smem:$0x3FAE]  }
0x2a: {  	p0 =	seq.s32 s5, $0x0;
	s5 =	sld [smem:$0x3FAF]  }
0x2b: {  	s6 =	sld [smem:$0x3FB0]  }
0x2c: {  	s7 =	sld [smem:$0x3FB1]  }
0x2d: {  	s3 =	simm.s32 $0x108;
	s8 =	sld [smem:$0x3FB2]  }
0x2e: {  	s3 =	simm.s32 @!p0 $0x1082;
	s9 =	sld [smem:$0x3FB3]  }
0x2f: {  	lr =	sadd.s32 s0, s3;
	s0 =	sld [smem:$0x3FAA]  }
0x30: {  	s3 =	sld [smem:$0x3FAD]  }
0x31: {  	[smem:$0x3FB6] =	sst s10  }
0x32: {  	s10 =	sld [smem:$0x3FB4];
	_ =	sdelay $0x3  }
0x33: {  	p0 =	seq.s32 s10, $0x1;
	s10 =	sld [smem:$0x3FB6];
	_ =	sdelay $0x3  }
0x34: {  	[smem:$0x3FB6] =	sst s10  }
0x35: {  	s10 =	sld [smem:$0x3FB5];
	_ =	sdelay $0x3  }
0x36: {  	p1 =	seq.s32 s10, $0x1;
	s10 =	sld [smem:$0x3FB6];
	_ =	sdelay $0x3  }
0x37: {  	[smem:$0x3FB6] =	sst s10  }
0x38: {  	s10 =	sld [smem:$0x3FB7]  }
0x39: {  	_ = 	snop;
	(pc) =	sbr.ind lr, $3  }
0x3a: {  	_ = 	snop  }
0x3b: {  	_ = 	snop  }
0x3c: {  	p2 =	seq.s32 s10, $0x1;
	s10 =	sld [smem:$0x3FB6]  }
0x3d: {  	_ =	shalt  }
0x3e: {  	_ =	shalt  }
0x3f: {  	_ =	shalt  }
0x40: {  	_ =	shalt  }
0x41: {  	_ =	shalt  }
0x42: {  	_ =	shalt  }
0x43: {  	_ =	shalt  }
0x44: {  	_ =	shalt  }
0x45: {  	_ =	shalt  }
0x46: {  	_ =	shalt  }
0x47: {  	_ =	shalt  }
0x48: {  	_ =	shalt  }
0x49: {  	_ =	shalt  }
0x4a: {  	_ =	shalt  }
0x4b: {  	_ =	shalt  }
0x4c: {  	_ =	shalt  }
0x4d: {  	_ =	shalt  }
0x4e: {  	_ =	shalt  }
0x4f: {  	_ =	shalt  }
0x50: {  	_ =	shalt  }
0x51: {  	_ =	shalt  }
0x52: {  	_ =	shalt  }
0x53: {  	_ =	shalt  }
0x54: {  	_ =	shalt  }
0x55: {  	_ =	shalt  }
0x56: {  	_ =	shalt  }
0x57: {  	_ =	shalt  }
0x58: {  	_ =	shalt  }
0x59: {  	_ =	shalt  }
0x5a: {  	_ =	shalt  }
0x5b: {  	_ =	shalt  }
0x5c: {  	_ =	shalt  }
0x5d: {  	_ =	shalt  }
0x5e: {  	_ =	shalt  }
0x5f: {  	_ =	shalt  }
0x60: {  	_ =	shalt  }
0x61: {  	_ =	shalt  }
0x62: {  	_ =	shalt  }
0x63: {  	_ =	shalt  }
0x64: {  	_ =	shalt  }
0x65: {  	_ =	shalt  }
0x66: {  	_ =	shalt  }
0x67: {  	_ =	shalt  }
0x68: {  	_ =	shalt  }
0x69: {  	_ =	shalt  }
0x6a: {  	_ =	shalt  }
0x6b: {  	_ =	shalt  }
0x6c: {  	_ =	shalt  }
0x6d: {  	_ =	shalt  }
0x6e: {  	_ =	shalt  }
0x6f: {  	_ =	shalt  }
0x70: {  	_ =	shalt  }
0x71: {  	_ =	shalt  }
0x72: {  	_ =	shalt  }
0x73: {  	_ =	shalt  }
0x74: {  	_ =	shalt  }
0x75: {  	_ =	shalt  }
0x76: {  	_ =	shalt  }
0x77: {  	_ =	shalt  }
0x78: {  	_ =	shalt  }
0x79: {  	_ =	shalt  }
0x7a: {  	_ =	shalt  }
0x7b: {  	_ =	shalt  }
0x7c: {  	_ =	shalt  }
0x7d: {  	_ =	shalt  }
0x7e: {  	_ =	shalt  }
0x7f: {  	_ =	shalt  }
0x80: {  	_ =	shalt  }
0x81: {  	_ =	shalt  }
0x82: {  	_ =	shalt  }
0x83: {  	_ =	shalt  }
0x84: {  	_ =	shalt  }
0x85: {  	_ =	shalt  }
0x86: {  	_ =	shalt  }
0x87: {  	_ =	shalt  }
.Lfunc_end0:
.L_simem_size_0:
called_computation.2_lowered:
.L_overlay_start_0:
0x88: {  	s2 =	sld [smem:$0x3FD9]  }
0x89: {  	s3 =	sld [smem:$0x3FFE];
	_ =	sdelay $0x1  }
0x8a: {  	s1 =	srdreg.scid  }
0x8b: {  	s0 =	sand.u32 $0x1, s1  }
0x8c: {  	s16 =	sshll.u32 s0, $0xA;
	s2 =	sadd.s32 s3, s2  }
0x8d: {  	s2 =	sadd.s32 s2, s16  }
0x8e: {  	[smem:$0x3FC2] =	sst s2  }
0x8f: {  	_ = 	snop  }
0x90: {  	(tm) =	ssettm $0x1  }
0x91: {  	s17 =	sld [smem:$0x3FFB];
	_ =	sdelay $0x3  }
0x92: {  	_ =	strace s17  }
0x93: {  	s2 =	sld [smem:$0x3FFC];
	_ =	sdelay $0x3  }
0x94: {  	_ =	strace s2  }
0x95: {  	s2 =	sld [smem:$0x3FFD];
	_ =	sdelay $0x3  }
0x96: {  	_ =	strace s2  }
0x97: {  	_ =	strace $0x8FFFFFFF  }
0x98: {  	s18 =	sld [smem:$0x3FDB];
	_ =	sdelay $0x1  }
0x99: {  	s19 =	simm.s32 $_scs_section_size  }
0x9a: {  	s4 =	simm.s32 $_size__tile_overlayer_lowered;
	s5 =	simm.s32 $_tile_overlayer_lowered  }
0x9b: {  	s22 =	simm.s32 $0x1BFF;
	s21 =	sshll.u32 s5, $0x1;
	s2 =	sadd.s32 s19, s18  }
0x9c: {  	s6 =	simm.s32 $0x0;
	s20 =	sshll.u32 s4, $0x1;
	s4 =	sadd.s32 s21, s2  }
0x9d: {  	[timem:s6], [sflag:s22] =	dma.local [hbm:s4], s20  }
0x9e: {  	_ =	swait.ge [sflag:s22], s20  }
0x9f: {  	s3 =	ssub.s32 $0x0, s20;
	[sflag:s22] =	ssyncset.done $0x0  }
0xa0: {  	[sflag:s22] =	ssyncadd.s32 s3;
	_ =	sdelay $0x1  }
0xa1: {  	s23 =	simm.s32 $0x1B8B  }
0xa2: {  	_ =	swait.ge [sflag:s23], $0x1  }
0xa3: {  	[sflag:s23] =	ssyncset.done $0x0  }
0xa4: {  	s25 =	simm.s32 $0x1B8E;
	s24 =	sld [smem:$0x3FFE];
	[sflag:s23] =	ssyncadd.s32 $0xFFFFFFFF  }
0xa5: {  	s26 =	simm.s32 $execute0_lowered;
	[smem:$0x3FD2] =	sst s25  }
0xa6: {  	s4 =	sshll.u32 s26, $0x1;
	_ =	strace $0x8000004C;
	[dreg:$0x1] =	wrdreg $0xFFFFFFFF  }
0xa7: {  	s28 =	simm.s32 $_size_execute0_lowered;
	s2 =	sadd.s32 s2, s4;
	[dreg:$0x0] =	wrdreg $0x0  }
0xa8: {  	s4 =	sshll.u32 s28, $0x1;
	[dreg:$0x2] =	wrdreg s2  }
0xa9: {  	[dreg:$0x3] =	wrdreg s4  }
0xaa: {  	[dreg:$0x4] =	wrdreg $0xC0  }
0xab: {  	_ =	task [dreg:s6], $0x5FFFF  }
0xac: {  	[dreg:$0x1] =	wrdreg $0xFFFFFFFF  }
0xad: {  	[dreg:$0x0] =	wrdreg $0x60  }
0xae: {  	[dreg:$0x2] =	wrdreg s24  }
0xaf: {  	[dreg:$0x3] =	wrdreg $0x80800  }
0xb0: {  	[dreg:$0x4] =	wrdreg $0x9  }
0xb1: {  	_ =	task.clear_ibuf [dreg:s6], $0x5FFFF;
	_ =	strace $0x9000004C  }
0xb2: {  	s29 =	simm.s32 $0x9;
	_ =	strace $0x8000004E  }
0xb3: {  	_ =	swait.ge [sflag:s29], $0x1  }
0xb4: {  	[sflag:s29] =	ssyncadd.s32 $0xFFFFFFFF  }
0xb5: {  	_ =	strace $0x9000004E  }
0xb6: {  	_ =	sfence  }
0xb7: {  	s30 =	sld [smem:$0x0];
	_ =	sdelay $0x2  }
0xb8: {  	s31 =	sshll.u32 s1, $0xD;
	s1 =	sshrl.u32 s1, $0x2  }
0xb9: {  	s3 =	sand.u32 $0x4000, s31;
	s1 =	sadd.s32 s1, s30  }
0xba: {  	s0 =	sor.u32 s3, s0;
	s1 =	sshll.u32 s1, $0x11  }
0xbb: {  	s0 =	sor.u32 s1, s0  }
0xbc: {  	s0 =	sadd.s32 $0x8F2B, s0  }
0xbd: {  	[sflag:s0] =	ssyncadd.remote.s32 $0x1  }
0xbe: {  	_ =	sfence.sel $0xFFFF  }
0xbf: {  	[dreg:$0x0] =	wrdreg $0xFFFFFFFF;
	(pc) =	sbr.abs _section_cstart, $3  }
0xc0: {  	[dreg:$0x1] =	wrdreg $0xFFFFFFFF  }
0xc1: {  	_ =	task.clear_ibuf [dreg:s6], $0x2FFFF;
	_ =	strace $0x9FFFFFFF  }
0xc2: {  	(tm) =	ssettm $0x7FFFFFFF  }
0xc3: {  	_ =	shalt  }
tec
execute0_lowered:
.L_overlay_start_1:
0x0: {  	(tag) =	ssettag $0x1  }
0x1: {  	s0 =	rddreg [dreg:$0x0]  }
0x2: {  	s5 =	rddreg [dreg:$0x1]  }
0x3: {  	s1 =	simm.s32 $0x0;
	s22 =	srdreg.scid;
	s6 =	stileid.u32  }
0x4: {  	[smem:$0x7FF] =	sst s1;
	s2 =	sadd.s32 $0x20A00, s0;
	s23 =	sadd.s32 $0x16A00, s0  }
0x5: {  	s1 =	sand.u32 $0x1, s22;
	_ =	strace $0x8000004D;
	[dreg:$0x8] =	wrdreg s2  }
0x6: {  	s24 =	sadd.s32 $0xC000, s0;
	s3 =	sadd.s32 $0x2000, s0;
	[dreg:$0x9] =	wrdreg s23  }
0x7: {  	s26 =	sshll.u32 s6, $0xA;
	s7 =	sadd.s32 $0x16000, s0;
	[dreg:$0xa] =	wrdreg s24  }
0x8: {  	s29 =	sshll.u32 s6, $0xD;
	s25 =	ssub.s32 $0x2, s1;
	[dreg:$0xb] =	wrdreg s3  }
0x9: {  	v0 =	vimm.s32 $0xECA86420;
	vm0 =	vcmask $0xB08;
	vm1 =	vcmask $0x1310;
	s0 =	sadd.s32 s26, s0;
	s28 =	sshll.u32 s1, $0x4;
	s1 =	sshll.u32 s1, $0xE  }
0xa: {  	vm2 =	vcmask $0x1B18;
	vm4 =	vcmask $0x300;
	vm5 =	vcmask $0x2320;
	[dreg:$0xc] =	wrdreg s7;
	s4 =	sshrl.u32 s25, $0x1;
	s0 =	sadd.s32 s1, s0  }
0xb: {  	v2 =	vlaneseq.u32;
	vm7 =	vcmask $0x3330;
	vm3 =	vcmask $0x3B38;
	s3 =	sor.u32 s6, s28;
	s2 =	ssub.s32 s25, s4;
	s0 =	sadd.s32 $0x47C00, s0  }
0xc: {  	vm8 =	vmmov $0xff;
	vm9 =	vcmask $0x704;
	vm10 =	vcmask $0xF0C;
	s4 =	sadd.s32 s29, s5;
	s30 =	smul.u32 $0x2800, s3;
	[dreg:$0xf] =	wrdreg s0  }
0xd: {  	vm13 =	vcmask $0x1714;
	vm14 =	vcmask $0x1F1C;
	v1 =	vunpack.c.l.s4.s8 v0;
	s6 =	simm.s32 $0x4080;
	[dreg:$0xd] =	wrdreg s4  }
0xe: {  	vm15 =	vcmask $0x2724;
	v3 =	vimm.s32 $0x0;
	vm6 =	vcmask $0x2B28;
	s1 =	simm.s32 $0x0;
	s31 =	smax.u32 s2, $0x1;
	[dreg:$0xe] =	wrdreg s30  }
0xf: {  	v0 =	vimm.f32 $0.0e+00;
	v2 =	vmul.u32 $0x2, v2;
	v1 =	vunpack.c.0.s8.s32 v1;
	s3 =	simm.s32 $0x1900;
	s5 =	simm.s32 $0x2;
	[dreg:$0x10] =	wrdreg s31  }
.LBB2_1:
0x10: {  	[dreg:$0x11] =	wrdreg s1  }
0x11: {  	s0 =	simm.s32 $0x0;
	s31 =	rddreg [dreg:$0xc]  }
0x12: {  	[tilespmem:s3], [sflag:$0x2] =	stream.linear.gather [hbm4b:s31+s0], $0x2780, $0x38;
	[tilespmem:$0xA080] =	vst v63  }
0x13: {  	_ =	swait.ge [sflag:s5], $0x2780  }
0x14: {  	[sflag:s5] =	ssyncset.done $0x0  }
0x15: {  	s0 =	simm.s32 $0x4180;
	[sflag:s5] =	ssyncadd.s32 $0xFFFFD880  }
0x16: {  	[tilespmem:s0+$0xFFFFFF00] =	vst v0  }
0x17: {  	[tilespmem:s0+$0xF0] =	vst v0  }
0x18: {  	[tilespmem:s0+$0xE0] =	vst v0  }
0x19: {  	[tilespmem:s0+$0xD0] =	vst v0  }
0x1a: {  	[tilespmem:s0+$0xC0] =	vst v0  }
0x1b: {  	[tilespmem:s0+$0xB0] =	vst v0  }
0x1c: {  	[tilespmem:s0+$0xA0] =	vst v0  }
0x1d: {  	[tilespmem:s0+$0x90] =	vst v0  }
0x1e: {  	[tilespmem:s0+$0x80] =	vst v0  }
0x1f: {  	[tilespmem:s0+$0x70] =	vst v0  }
0x20: {  	[tilespmem:s0+$0x60] =	vst v0  }
0x21: {  	[tilespmem:s0+$0x50] =	vst v0  }
0x22: {  	[tilespmem:s0+$0x40] =	vst v0  }
0x23: {  	[tilespmem:s0+$0x30] =	vst v0  }
0x24: {  	[tilespmem:s0+$0x20] =	vst v0  }
0x25: {  	[tilespmem:s0+$0x10] =	vst v0  }
0x26: {  	[tilespmem:s0+$0x0] =	vst v0  }
0x27: {  	[tilespmem:s0+$0xFFFFFFF0] =	vst v0  }
0x28: {  	[tilespmem:s0+$0xFFFFFFE0] =	vst v0  }
0x29: {  	[tilespmem:s0+$0xFFFFFFD0] =	vst v0  }
0x2a: {  	[tilespmem:s0+$0xFFFFFFC0] =	vst v0  }
0x2b: {  	[tilespmem:s0+$0xFFFFFFB0] =	vst v0  }
0x2c: {  	[tilespmem:s0+$0xFFFFFFA0] =	vst v0  }
0x2d: {  	[tilespmem:s0+$0xFFFFFF90] =	vst v0  }
0x2e: {  	[tilespmem:s0+$0xFFFFFF80] =	vst v0  }
0x2f: {  	[tilespmem:s0+$0xFFFFFF70] =	vst v0  }
0x30: {  	[tilespmem:s0+$0xFFFFFF60] =	vst v0  }
0x31: {  	[tilespmem:s0+$0xFFFFFF50] =	vst v0  }
0x32: {  	[tilespmem:s0+$0xFFFFFF40] =	vst v0  }
0x33: {  	[tilespmem:s0+$0xFFFFFF30] =	vst v0  }
0x34: {  	s1 =	simm.s32 $0x0;
	[tilespmem:s0+$0xFFFFFF20] =	vst v0  }
.LBB2_2:
0x35: {  	s1 =	sadd.s32 $0x4, s1;
	[tilespmem:s0+$0xFFFFFF10] =	vst v0;
	s0 =	sadd.s32 $0x200, s0  }
0x36: {  	[tilespmem:s0+$0xFFFFFF00] =	vst v0;
	p0 =	slt.u32 s1, $0x3C  }
0x37: {  	[tilespmem:s0+$0xF0] =	vst v0  }
0x38: {  	[tilespmem:s0+$0xE0] =	vst v0  }
0x39: {  	[tilespmem:s0+$0xD0] =	vst v0  }
0x3a: {  	[tilespmem:s0+$0xC0] =	vst v0  }
0x3b: {  	[tilespmem:s0+$0xB0] =	vst v0  }
0x3c: {  	[tilespmem:s0+$0xA0] =	vst v0  }
0x3d: {  	[tilespmem:s0+$0x90] =	vst v0  }
0x3e: {  	[tilespmem:s0+$0x80] =	vst v0  }
0x3f: {  	[tilespmem:s0+$0x70] =	vst v0  }
0x40: {  	[tilespmem:s0+$0x60] =	vst v0  }
0x41: {  	[tilespmem:s0+$0x50] =	vst v0  }
0x42: {  	[tilespmem:s0+$0x40] =	vst v0  }
0x43: {  	[tilespmem:s0+$0x30] =	vst v0  }
0x44: {  	[tilespmem:s0+$0x20] =	vst v0  }
0x45: {  	[tilespmem:s0+$0x10] =	vst v0  }
0x46: {  	[tilespmem:s0+$0x0] =	vst v0  }
0x47: {  	[tilespmem:s0+$0xFFFFFFF0] =	vst v0  }
0x48: {  	[tilespmem:s0+$0xFFFFFFE0] =	vst v0  }
0x49: {  	[tilespmem:s0+$0xFFFFFFD0] =	vst v0  }
0x4a: {  	[tilespmem:s0+$0xFFFFFFC0] =	vst v0  }
0x4b: {  	[tilespmem:s0+$0xFFFFFFB0] =	vst v0  }
0x4c: {  	[tilespmem:s0+$0xFFFFFFA0] =	vst v0  }
0x4d: {  	[tilespmem:s0+$0xFFFFFF90] =	vst v0  }
0x4e: {  	[tilespmem:s0+$0xFFFFFF80] =	vst v0  }
0x4f: {  	[tilespmem:s0+$0xFFFFFF70] =	vst v0  }
.Ltmp0:
0x50: {  	[tilespmem:s0+$0xFFFFFF60] =	vst v0;
	(pc) =	sbr.rel @p0 .LBB2_2-.Ltmp0, $4  }
0x51: {  	[tilespmem:s0+$0xFFFFFF50] =	vst v0  }
0x52: {  	[tilespmem:s0+$0xFFFFFF40] =	vst v0  }
0x53: {  	[tilespmem:s0+$0xFFFFFF30] =	vst v0  }
0x54: {  	[tilespmem:s0+$0xFFFFFF20] =	vst v0  }
0x55: {  	[tilespmem:s0+$0xFFFFFF10] =	vst v0  }
0x56: {  	[spmem:s4] =	stream.linear.scatter [tilespmem:s6], [sflag:$0x2], $0x2000, $0x38;
	[tilespmem:$0xA080] =	vst v63  }
0x57: {  	_ =	swait.ge [sflag:s5], $0x2000  }
0x58: {  	[sflag:s5] =	ssyncset.done $0x0  }
0x59: {  	[sflag:s5] =	ssyncadd.s32 $0xFFFFE000  }
0x5a: {  	s0 =	simm.s32 $0x0;
	[bflag:$0x0] =	sbarrier.arrive $0xFFFF  }
.LBB2_4:
0x5b: {  	s26 =	sshll.u32 s0, $0xB;
	s1 =	rddreg [dreg:$0xe]  }
0x5c: {  	[dreg:$0x12] =	wrdreg s0;
	s0 =	sadd.s32 s1, s26  }
0x5d: {  	s28 =	rddreg [dreg:$0x9];
	s0 =	sshrl.u32 s0, $0x3  }
0x5e: {  	s2 =	simm.s32 $0x0;
	s1 =	sadd.s32 s28, s0  }
0x5f: {  	[tilespmem:s2], [sflag:$0x2] =	stream.linear.gather [hbm4b:s1+s2], $0x800, $0x38;
	[tilespmem:$0xA080] =	vst v63  }
0x60: {  	_ =	swait.ge [sflag:s5], $0x800  }
0x61: {  	[sflag:s5] =	ssyncset.done $0x0;
	s29 =	rddreg [dreg:$0xa]  }
0x62: {  	s4 =	simm.s32 $0x800;
	[sflag:s5] =	ssyncadd.s32 $0xFFFFF800;
	s1 =	sadd.s32 s29, s0  }
0x63: {  	[tilespmem:s4], [sflag:$0x2] =	stream.linear.gather [hbm4b:s1+s2], $0x800, $0x38;
	[tilespmem:$0xA080] =	vst v63  }
0x64: {  	_ =	swait.ge [sflag:s5], $0x800  }
0x65: {  	[sflag:s5] =	ssyncset.done $0x0;
	s30 =	rddreg [dreg:$0xb]  }
0x66: {  	s31 =	simm.s32 $0x1000;
	[sflag:s5] =	ssyncadd.s32 $0xFFFFF800;
	s0 =	sadd.s32 s30, s0  }
0x67: {  	[tilespmem:s31], [sflag:$0x2] =	stream.linear.gather [hbm4b:s0+s2], $0x800, $0x38;
	[tilespmem:$0xA080] =	vst v63  }
0x68: {  	_ =	swait.ge [sflag:s5], $0x800  }
0x69: {  	[sflag:s5] =	ssyncset.done $0x0  }
0x6a: {  	s18 =	simm.s32 $0x0;
	s12 =	simm.s32 $0x0;
	[sflag:s5] =	ssyncadd.s32 $0xFFFFF800  }
.LBB2_5:
0x6b: {  	v7 =	vmov s4;
	_ =	sdelay $0x2  }
0x6c: {  	[dreg:$0x13] =	wrdreg s4;
	s0 =	simm.s32 $0x0  }
0x6d: {  	s1 =	simm.s32 $0x0;
	[dreg:$0x3] =	wrdreg s0  }
0x6e: {  	v4 =	vld.idx.msk [tilespmem:v7+s1+$0x0 ss:$0x1], $0xffff;
	_ =	sdelay $0x4  }
0x6f: {  	(v2sf) =	vpush v4, $0x1;
	_ =	sdelay $0x1  }
0x70: {  	(v2sf) =	vpush v4, $0x0  }
0x71: {  	(v2sf) =	vpush v4, $0x7;
	_ =	sdelay $0x1  }
0x72: {  	(v2sf) =	vpush v4, $0x2  }
0x73: {  	(v2sf) =	vpush v4, $0xB;
	_ =	sdelay $0x2  }
0x74: {  	(v2sf) =	vpush v4, $0x3  }
0x75: {  	(v2sf) =	vpush v4, $0x4;
	_ =	sdelay $0x1  }
0x76: {  	(v2sf) =	vpush v4, $0x5;
	_ =	sdelay $0x2  }
0x77: {  	s26 =	sshll.u32 s12, $0x7;
	(v2sf) =	vpush v4, $0xC;
	s23 =	spop (v2sf)  }
0x78: {  	[dreg:$0x16] =	wrdreg s26;
	s3 =	smulhi.u32 $0x66666667, s23;
	s0 =	sshra.s32 s23, $0x1F  }
0x79: {  	(v2sf) =	vpush v4, $0x8;
	s2 =	spop (v2sf);
	s0 =	smul.u32 $0x66666667, s0  }
0x7a: {  	(v2sf) =	vpush v4, $0xD;
	s24 =	spop (v2sf);
	s26 =	smulhi.u32 $0x66666667, s2  }
0x7b: {  	s5 =	smulhi.u32 $0x66666667, s24;
	s1 =	sshra.s32 s24, $0x1F  }
0x7c: {  	(v2sf) =	vpush v4, $0x9;
	s25 =	spop (v2sf);
	s1 =	smul.u32 $0x66666667, s1  }
0x7d: {  	s6 =	spop (v2sf);
	s8 =	smulhi.u32 $0x66666667, s25  }
0x7e: {  	s4 =	sshra.s32 s25, $0x1F;
	s7 =	smulhi.u32 $0x66666667, s6  }
0x7f: {  	[dreg:$0x15] =	wrdreg s12;
	(v2sf) =	vpush v4, $0xA;
	s6 =	sshra.s32 s6, $0x1F;
	s11 =	smul.u32 $0x66666667, s4  }
0x80: {  	s15 =	sshra.s32 s2, $0x1F;
	s9 =	spop (v2sf);
	(v2sf) =	vpush v4, $0xE;
	s6 =	smul.u32 $0x66666667, s6  }
0x81: {  	s4 =	sadd.s32 s0, s3;
	s10 =	spop (v2sf);
	s14 =	smulhi.u32 $0x66666667, s9  }
0x82: {  	s9 =	sshra.s32 s9, $0x1F;
	s1 =	sadd.s32 s1, s5;
	s13 =	sshra.s32 s4, $0x2  }
0x83: {  	s19 =	sshra.s32 s4, $0x1F;
	s28 =	spop (v2sf);
	s9 =	smul.u32 $0x66666667, s9  }
0x84: {  	s4 =	sshrl.u32 s4, $0x1F;
	s29 =	sshra.s32 s10, $0x1F;
	s16 =	smulhi.u32 $0x66666667, s28  }
0x85: {  	(v2sf) =	vpush v4, $0x6;
	s17 =	sshra.s32 s28, $0x1F;
	s31 =	sadd.s32 s6, s7;
	s6 =	smul.u32 $0x66666667, s29  }
0x86: {  	s22 =	sshra.s32 s1, $0x1F;
	s24 =	spop (v2sf);
	s30 =	smul.u32 $0x66666667, s17  }
0x87: {  	s17 =	sadd.s32 s11, s8;
	s12 =	smulhi.u32 $0x66666667, s24;
	s24 =	sshra.s32 s24, $0x1F  }
0x88: {  	s0 =	sadd.s32 s30, s16;
	s30 =	smulhi.u32 $0x66666667, s10;
	s25 =	spop (v2sf)  }
0x89: {  	s11 =	sadd.s32 s9, s14;
	s28 =	spop (v2sf);
	s20 =	smulhi.u32 $0x66666667, s25  }
0x8a: {  	s10 =	sshrl.u32 s0, $0x1F;
	s7 =	sshra.s32 s25, $0x1F;
	s16 =	smulhi.u32 $0x66666667, s28  }
0x8b: {  	s3 =	sshra.s32 s0, $0x1F;
	s29 =	spop (v2sf);
	s7 =	smul.u32 $0x66666667, s7  }
0x8c: {  	[dreg:$0x6] =	wrdreg s10;
	s25 =	simm.s32 $0x10;
	s21 =	smulhi.u32 $0x66666667, s29  }
0x8d: {  	(v2sf) =	vpush v4, $0xF;
	s5 =	sshra.s32 s28, $0x1F;
	s23 =	sshra.s32 s29, $0x1F;
	s29 =	smul.u32 $0x66666667, s15  }
0x8e: {  	s15 =	sshrl.u32 s17, $0x1F;
	s14 =	smul.u32 $0x66666667, s23;
	s8 =	spop (v2sf)  }
0x8f: {  	s10 =	sadd.s32 s29, s26;
	s23 =	spop (v2sf);
	s26 =	simm.s32 $0x10  }
0x90: {  	v6 =	vmov s22;
	s22 =	sshra.s32 s8, $0x1F;
	s9 =	sadd.s32 s14, s21;
	[dreg:$0x4] =	wrdreg s26  }
0x91: {  	s21 =	sadd.s32 s6, s30;
	s6 =	sadd.s32 s7, s20;
	s7 =	smulhi.u32 $0x66666667, s8;
	v5 =	vld.idx.msk [tilespmem:v7+s25+$0x0 ss:$0x1], $0xffff  }
0x92: {  	s28 =	sshra.s32 s23, $0x1F;
	s29 =	sshra.s32 s10, $0x1F;
	s14 =	smulhi.u32 $0x66666667, s23  }
0x93: {  	s30 =	sshra.s32 s10, $0x2;
	s8 =	sshra.s32 s0, $0x2;
	s20 =	smul.u32 $0x66666667, s24  }
0x94: {  	s26 =	spop (v2sf);
	s23 =	simm.s32 $0x80;
	v6 =	vsel vm4, s30, v6;
	s2 =	smul.u32 $0x66666667, s28  }
0x95: {  	s25 =	sshrl.u32 s10, $0x1F;
	s28 =	sshra.s32 s26, $0x1F;
	s30 =	sshra.s32 s17, $0x2;
	v6 =	vsel vm9, s29, v6  }
0x96: {  	s17 =	sshra.s32 s17, $0x1F;
	s10 =	sshrl.u32 s6, $0x1F;
	s24 =	sshra.s32 s6, $0x2;
	v6 =	vsel vm0, s13, v6;
	(v2sf) =	vpush v5, $0x1  }
0x97: {  	s6 =	sshrl.u32 s9, $0x1F;
	s9 =	sshra.s32 s9, $0x2;
	[dreg:$0x14] =	wrdreg s18;
	v8 =	vmov s25;
	v6 =	vsel vm10, s19, v6;
	(v2sf) =	vpush v5, $0x0  }
0x98: {  	s29 =	smulhi.u32 $0x66666667, s26;
	s25 =	sshra.s32 s11, $0x2;
	v9 =	vmov s24;
	s26 =	sshra.s32 s1, $0x2;
	v6 =	vsel vm1, s30, v6;
	(v2sf) =	vpush v5, $0x7  }
0x99: {  	s2 =	sadd.s32 s2, s14;
	s13 =	sshra.s32 s11, $0x1F;
	s14 =	smul.u32 $0x66666667, s28;
	v9 =	vsel vm0, s9, v9;
	v6 =	vsel vm13, s17, v6;
	(v2sf) =	vpush v5, $0x2  }
0x9a: {  	[dreg:$0x5] =	wrdreg s26;
	v8 =	vnsel vm4, $0x0, v8;
	s28 =	sshra.s32 s21, $0x2;
	s9 =	sshrl.u32 s1, $0x1F;
	v6 =	vsel vm2, s25, v6;
	(v2sf) =	vpush v5, $0xB  }
0x9b: {  	v8 =	vsel vm0, s4, v8;
	s19 =	smul.u32 $0x66666667, s22;
	s1 =	sshrl.u32 s2, $0x1F;
	s30 =	sshra.s32 s21, $0x1F;
	v6 =	vsel vm14, s13, v6;
	(v2sf) =	vpush v5, $0x3  }
0x9c: {  	v10 =	vsel vm1, s15, v8;
	s17 =	smul.u32 $0x66666667, s5;
	s5 =	sadd.s32 s14, s29;
	s29 =	spop (v2sf);
	v11 =	vsel vm5, s28, v6;
	(v2sf) =	vpush v5, $0x4  }
0x9d: {  	s22 =	sshra.s32 s2, $0x2;
	s15 =	smulhi.u32 $0x66666667, s29;
	s14 =	sshra.s32 s29, $0x1F;
	v6 =	vmov s18;
	v8 =	vsel vm15, s30, v11;
	(v2sf) =	vpush v5, $0x5  }
.LBB2_6:
0x9e: {  	v11 =	vmov s10;
	s10 =	smov.u32 s23;
	s0 =	rddreg [dreg:$0x3]  }
0x9f: {  	s2 =	rddreg [dreg:$0x4];
	s14 =	smul.u32 $0x66666667, s14;
	s11 =	sshrl.u32 s11, $0x1F  }
0xa0: {  	s13 =	sshra.s32 s31, $0x2;
	s4 =	sadd.s32 s17, s16;
	s12 =	sadd.s32 s20, s12  }
0xa1: {  	s25 =	sadd.s32 s19, s7;
	s7 =	smov.u32 s0;
	s26 =	smov.u32 s2  }
0xa2: {  	(v2sf) =	vpush v5, $0xC;
	s16 =	sshrl.u32 s31, $0x1F;
	[dreg:$0x3] =	wrdreg s26;
	s28 =	sshrl.u32 s12, $0x1F  }
0xa3: {  	v8 =	vsel vm6, s8, v8;
	vm11 =	vcmask $0x2F2C;
	(v2sf) =	vpush v5, $0x8;
	s29 =	sshrl.u32 s25, $0x1F;
	s12 =	sshra.s32 s12, $0x2;
	s30 =	sshra.s32 s4, $0x2  }
0xa4: {  	v11 =	vsel vm0, s6, v11;
	v10 =	vsel vm2, s11, v10;
	v8 =	vsel vm11, s3, v8;
	s0 =	sshra.s32 s25, $0x2;
	s4 =	sshrl.u32 s4, $0x1F;
	s2 =	sadd.s32 s14, s15  }
0xa5: {  	vm11 =	vcmask $0x3734;
	(v2sf) =	vpush v5, $0xD;
	s25 =	rddreg [dreg:$0x6];
	s26 =	sshrl.u32 s5, $0x1F;
	v13 =	vmov s12;
	s12 =	sshrl.u32 s21, $0x1F  }
0xa6: {  	v12 =	vmov s28;
	v11 =	vsel vm1, s29, v11;
	s19 =	sshrl.u32 s2, $0x1F;
	s24 =	sshra.s32 s2, $0x2;
	v10 =	vsel vm5, s12, v10;
	s15 =	spop (v2sf)  }
0xa7: {  	v9 =	vsel vm1, s0, v9;
	v12 =	vsel vm0, s4, v12;
	v10 =	vsel vm6, s25, v10;
	s4 =	spop (v2sf);
	s17 =	smulhi.u32 $0x66666667, s15;
	s29 =	sshra.s32 s15, $0x1F  }
0xa8: {  	(v2sf) =	vpush v5, $0x9;
	s28 =	sshra.s32 s5, $0x2;
	v13 =	vsel vm0, s30, v13;
	v10 =	vsel vm7, s26, v10;
	s18 =	spop (v2sf);
	s26 =	smul.u32 $0x66666667, s29  }
0xa9: {  	v9 =	vsel vm2, s13, v9;
	v11 =	vsel vm2, s16, v11;
	v13 =	vsel vm1, s22, v13;
	s25 =	rddreg [dreg:$0x5];
	s30 =	sshra.s32 s18, $0x1F;
	s20 =	smulhi.u32 $0x66666667, s18  }
0xaa: {  	v8 =	vsel vm7, s28, v8;
	v12 =	vsel vm1, s1, v12;
	s22 =	sshra.s32 s5, $0x1F;
	v13 =	vsel vm2, s24, v13;
	s0 =	spop (v2sf);
	s11 =	smul.u32 $0x66666667, s30  }
0xab: {  	p0 =	sne.s32 s23, $0x1C0;
	v12 =	vsel vm2, s19, v12;
	v8 =	vsel vm11, s22, v8;
	v10 =	vsel vm3, s9, v10;
	s21 =	spop (v2sf);
	s14 =	smulhi.u32 $0x66666667, s0  }
0xac: {  	v9 =	vcombine.low v9, v13;
	v11 =	vcombine.low v11, v12;
	v8 =	vsel vm3, s25, v8;
	s29 =	sadd.s32 $0x40, s23;
	s8 =	sshra.s32 s0, $0x1F;
	s16 =	smulhi.u32 $0x66666667, s21  }
0xad: {  	v10 =	vperm.xlane v10, v2;
	v8 =	vperm.xlane v8, v2;
	s2 =	sshra.s32 s4, $0x1F;
	[dreg:$0x7] =	wrdreg s29;
	s18 =	smul.u32 $0x66666667, s8  }
0xae: {  	v9 =	vperm.xlane v9, v1;
	v11 =	vperm.xlane v11, v1;
	s19 =	spop (v2sf);
	s13 =	sshra.s32 s21, $0x1F;
	s8 =	smul.u32 $0x66666667, s2  }
0xaf: {  	s1 =	sadd.s32 s26, s17;
	s24 =	sshra.s32 s19, $0x1F;
	s30 =	smul.u32 $0x66666667, s13  }
0xb0: {  	v10 =	vsel vm8, v10, v11;
	v8 =	vsel vm8, v8, v9;
	s17 =	sshra.s32 s1, $0x1F;
	s3 =	spop (v2sf);
	s23 =	smul.u32 $0x66666667, s24  }
0xb1: {  	(v2sf) =	vpush v5, $0xA;
	v8 =	vadd.s32 v10, v8;
	s28 =	spop (v2sf);
	s31 =	sadd.s32 s30, s16;
	s16 =	smulhi.u32 $0x66666667, s19  }
0xb2: {  	(v2sf) =	vpush v5, $0xE;
	v9 =	vmul.u32 $0xFFFFFFF6, v8;
	s21 =	sshra.s32 s3, $0x1F;
	s9 =	sadd.s32 s18, s14;
	s18 =	smulhi.u32 $0x66666667, s28  }
0xb3: {  	vm12 =	vmmov vm10;
	v10 =	vsub.s32 $0x0, v4;
	s5 =	sadd.s32 s11, s20;
	s13 =	sshra.s32 s28, $0x1F;
	s21 =	smul.u32 $0x66666667, s21  }
0xb4: {  	vm11 =	vmmov vm9;
	vm9 =	vlt.s32 v4, $0x1;
	s24 =	sshra.s32 s5, $0x1F;
	s20 =	spop (v2sf);
	vm10 =	vne.s32 v9, v10;
	s28 =	smul.u32 $0x66666667, s13  }
0xb5: {  	(v2sf) =	vpush v5, $0x6;
	s19 =	sshra.s32 s1, $0x2;
	s1 =	sshrl.u32 s1, $0x1F;
	vm9 =	vmand vm9, vm10;
	s13 =	smulhi.u32 $0x66666667, s4  }
0xb6: {  	s22 =	spop (v2sf);
	s12 =	smulhi.u32 $0x66666667, s20;
	s20 =	sshra.s32 s20, $0x1F;
	v10 =	vsel vm9, $0xFFFFFFFF, v3  }
0xb7: {  	s4 =	sshrl.u32 s9, $0x1F;
	s29 =	spop (v2sf);
	s14 =	smulhi.u32 $0x66666667, s22;
	v8 =	vadd.s32 v10, v8  }
0xb8: {  	s26 =	sshra.s32 s22, $0x1F;
	s11 =	sadd.s32 s23, s16;
	s20 =	smul.u32 $0x66666667, s20;
	v10 =	vmul.u32 $0xA, v8  }
0xb9: {  	s15 =	sshra.s32 s29, $0x1F;
	s30 =	spop (v2sf);
	s28 =	sadd.s32 s28, s18  }
0xba: {  	(v2sf) =	vpush v5, $0xF;
	s18 =	sshra.s32 s10, $0x2;
	s22 =	sshra.s32 s11, $0x1F;
	s23 =	sshra.s32 s11, $0x2;
	vm9 =	veq.s32 v4, v10  }
0xbb: {  	v9 =	vld.idx.msk [tilespmem:v6+s7+$0x0 ss:$0x1], $0xffff;
	s16 =	smulhi.u32 $0x66666667, s29;
	s10 =	sshra.s32 s5, $0x2;
	s13 =	sadd.s32 s8, s13;
	v8 =	vnsel vm9, $0xFFFFFFFF, v8  }
0xbc: {  	s29 =	smulhi.u32 $0x66666667, s3;
	[dreg:$0x5] =	wrdreg s10;
	s10 =	sshra.s32 s13, $0x2;
	v4 =	vmov v5;
	v5 =	vld.idx.msk [tilespmem:v7+s18+$0x0 ss:$0x1], $0xffff;
	[tilespmem:s7+$0x1880] =	vst v8;
	v8 =	vmov s24  }
0xbd: {  	s25 =	sshra.s32 s30, $0x1F;
	s6 =	smulhi.u32 $0x66666667, s30;
	s24 =	sshra.s32 s13, $0x1F;
	v8 =	vsel vm4, s10, v8  }
0xbe: {  	s30 =	sshrl.u32 s28, $0x1F;
	[dreg:$0x4] =	wrdreg s18;
	s8 =	sshra.s32 s28, $0x2;
	v8 =	vsel vm11, s24, v8  }
0xbf: {  	s3 =	sshra.s32 s28, $0x1F;
	[dreg:$0x6] =	wrdreg s30;
	s25 =	smul.u32 $0x66666667, s25;
	v8 =	vsel vm0, s19, v8  }
0xc0: {  	s21 =	sadd.s32 s21, s29;
	v9 =	vnsel vm9, $0xFFFFFFFF, v9;
	s18 =	spop (v2sf);
	v8 =	vsel vm12, s17, v8;
	s17 =	smul.u32 $0x66666667, s15  }
0xc1: {  	s29 =	sshra.s32 s9, $0x2;
	[tilespmem:s7+$0x1800] =	vst v9;
	s30 =	spop (v2sf);
	s7 =	smulhi.u32 $0x66666667, s18  }
0xc2: {  	s25 =	sadd.s32 s25, s6;
	s13 =	sshrl.u32 s13, $0x1F;
	s28 =	smulhi.u32 $0x66666667, s30  }
0xc3: {  	s18 =	sshra.s32 s18, $0x1F;
	s0 =	sshra.s32 s30, $0x1F;
	s30 =	smul.u32 $0x66666667, s26  }
0xc4: {  	s6 =	sshrl.u32 s25, $0x1F;
	s2 =	spop (v2sf);
	(v2sf) =	vpush v5, $0x1;
	s19 =	smul.u32 $0x66666667, s18  }
0xc5: {  	vm10 =	vmmov vm12;
	vm9 =	vmmov vm11;
	s25 =	sshra.s32 s25, $0x2;
	(v2sf) =	vpush v5, $0x0;
	s26 =	sshra.s32 s2, $0x1F;
	s2 =	smulhi.u32 $0x66666667, s2  }
0xc6: {  	v9 =	vmov s13;
	v8 =	vsel vm1, s29, v8;
	s0 =	smul.u32 $0x66666667, s0;
	(v2sf) =	vpush v5, $0x7;
	s14 =	sadd.s32 s30, s14;
	s30 =	sshra.s32 s9, $0x1F  }
.Ltmp1:
0xc7: {  	v11 =	vnsel vm4, $0x0, v9;
	(v2sf) =	vpush v5, $0x2;
	s10 =	sshrl.u32 s14, $0x1F;
	s14 =	sshra.s32 s14, $0x2;
	v8 =	vsel vm13, s30, v8;
	(pc) =	sbr.rel @p0 .LBB2_6-.Ltmp1, $4  }
0xc8: {  	s29 =	sshra.s32 s21, $0x1F;
	s9 =	sshrl.u32 s5, $0x1F;
	s13 =	smul.u32 $0x66666667, s26;
	(v2sf) =	vpush v5, $0xB;
	v10 =	vmov s14;
	v8 =	vsel vm2, s23, v8  }
0xc9: {  	s26 =	sshra.s32 s21, $0x2;
	s0 =	sadd.s32 s0, s28;
	s30 =	spop (v2sf);
	(v2sf) =	vpush v5, $0x3;
	v9 =	vsel vm0, s25, v10;
	v8 =	vsel vm14, s22, v8  }
0xca: {  	s5 =	sadd.s32 s13, s2;
	s23 =	rddreg [dreg:$0x7];
	s15 =	smulhi.u32 $0x66666667, s30;
	v10 =	vsel vm0, s1, v11;
	(v2sf) =	vpush v5, $0x4;
	v8 =	vsel vm5, s26, v8  }
0xcb: {  	s1 =	sshrl.u32 s0, $0x1F;
	s14 =	sshra.s32 s30, $0x1F;
	s22 =	sshra.s32 s0, $0x2;
	v10 =	vsel vm1, s4, v10;
	(v2sf) =	vpush v5, $0x5;
	v8 =	vsel vm15, s29, v8  }
0xcc: {  	_ =	sdelay $0x6  }
0xcd: {  	(v2sf) =	vpush v5, $0xC;
	s14 =	smul.u32 $0x66666667, s14;
	s0 =	spop (v2sf)  }
0xce: {  	s4 =	spop (v2sf);
	s18 =	smulhi.u32 $0x66666667, s0;
	s0 =	sshra.s32 s0, $0x1F  }
0xcf: {  	s13 =	spop (v2sf);
	s26 =	smul.u32 $0x66666667, s0  }
0xd0: {  	s2 =	smulhi.u32 $0x66666667, s13;
	s13 =	sshra.s32 s13, $0x1F  }
0xd1: {  	s23 =	spop (v2sf);
	s25 =	smul.u32 $0x66666667, s13  }
0xd2: {  	(v2sf) =	vpush v5, $0x8;
	s24 =	spop (v2sf);
	s29 =	smulhi.u32 $0x66666667, s23  }
0xd3: {  	(v2sf) =	vpush v5, $0xD;
	s23 =	sshra.s32 s23, $0x1F;
	[dreg:$0x1c] =	wrdreg s2;
	s13 =	smulhi.u32 $0x66666667, s24  }
0xd4: {  	(v2sf) =	vpush v5, $0x9;
	s24 =	sshra.s32 s24, $0x1F;
	s28 =	spop (v2sf);
	s2 =	smul.u32 $0x66666667, s23  }
0xd5: {  	[dreg:$0x1e] =	wrdreg s29;
	s30 =	smul.u32 $0x66666667, s24  }
0xd6: {  	s23 =	spop (v2sf);
	[dreg:$0x1d] =	wrdreg s13  }
0xd7: {  	s15 =	sadd.s32 s14, s15;
	[smem:$0x7FB] =	sst s2;
	s13 =	smulhi.u32 $0x66666667, s28  }
0xd8: {  	s28 =	sshra.s32 s28, $0x1F;
	[smem:$0x7FA] =	sst s30;
	s30 =	spop (v2sf)  }
0xd9: {  	(v2sf) =	vpush v5, $0xA;
	s2 =	sshra.s32 s23, $0x1F;
	s24 =	smul.u32 $0x66666667, s28;
	s14 =	rddreg [dreg:$0x1d]  }
0xda: {  	s17 =	sadd.s32 s17, s16;
	(v2sf) =	vpush v5, $0xE;
	s0 =	smul.u32 $0x66666667, s2;
	[dreg:$0x1f] =	wrdreg s13  }
0xdb: {  	s16 =	sshra.s32 s4, $0x1F;
	(v2sf) =	vpush v5, $0x6;
	s29 =	smulhi.u32 $0x66666667, s30;
	[smem:$0x7FC] =	sst s24  }
0xdc: {  	s30 =	sshra.s32 s30, $0x1F;
	s13 =	spop (v2sf);
	[smem:$0x7FD] =	sst s0  }
0xdd: {  	[dreg:$0x1a] =	wrdreg s13;
	s24 =	smulhi.u32 $0x66666667, s4;
	s13 =	sadd.s32 s20, s12  }
0xde: {  	s12 =	sadd.s32 s19, s7;
	s4 =	rddreg [dreg:$0x1c];
	s7 =	sadd.s32 s26, s18  }
0xdf: {  	s30 =	smul.u32 $0x66666667, s30;
	[dreg:$0x19] =	wrdreg s7  }
0xe0: {  	s20 =	smul.u32 $0x66666667, s16;
	s2 =	sadd.s32 s25, s4;
	s7 =	rddreg [dreg:$0x1e]  }
0xe1: {  	s11 =	sshrl.u32 s11, $0x1F;
	[dreg:$0x1b] =	wrdreg s2;
	s0 =	spop (v2sf)  }
0xe2: {  	s30 =	sadd.s32 s30, s29;
	s29 =	rddreg [dreg:$0x1f];
	s28 =	spop (v2sf)  }
0xe3: {  	s21 =	sshrl.u32 s21, $0x1F;
	[dreg:$0x18] =	wrdreg s30;
	s16 =	spop (v2sf)  }
0xe4: {  	s23 =	smulhi.u32 $0x66666667, s23;
	s30 =	sld [smem:$0x7FC];
	s19 =	sshra.s32 s16, $0x1F  }
0xe5: {  	v7 =	vmov s10;
	s10 =	sshrl.u32 s31, $0x1F;
	v10 =	vsel vm2, s11, v10;
	s26 =	smul.u32 $0x66666667, s19;
	s19 =	sld [smem:$0x7FA]  }
0xe6: {  	v7 =	vsel vm0, s6, v7;
	s6 =	sshrl.u32 s5, $0x1F;
	v10 =	vsel vm5, s21, v10;
	s21 =	rddreg [dreg:$0x1b];
	s25 =	smulhi.u32 $0x66666667, s16  }
0xe7: {  	v8 =	vsel vm6, s8, v8;
	s8 =	rddreg [dreg:$0x18];
	s16 =	smulhi.u32 $0x66666667, s0;
	s0 =	sshra.s32 s0, $0x1F  }
0xe8: {  	s18 =	spop (v2sf);
	s2 =	sadd.s32 s19, s14;
	s14 =	smul.u32 $0x66666667, s0  }
0xe9: {  	s24 =	sadd.s32 s20, s24;
	s0 =	spop (v2sf);
	s19 =	sld [smem:$0x7FB]  }
0xea: {  	s30 =	sadd.s32 s30, s29;
	[dreg:$0x17] =	wrdreg s2;
	s2 =	spop (v2sf)  }
0xeb: {  	s4 =	smulhi.u32 $0x66666667, s2;
	s29 =	sshra.s32 s2, $0x1F;
	s2 =	sadd.s32 s26, s25  }
0xec: {  	(v2sf) =	vpush v5, $0xF;
	s14 =	sadd.s32 s14, s16;
	s16 =	sshrl.u32 s12, $0x1F;
	s12 =	sshra.s32 s12, $0x2  }
0xed: {  	s25 =	sshra.s32 s31, $0x2;
	s19 =	sadd.s32 s19, s7;
	s7 =	smulhi.u32 $0x66666667, s0  }
0xee: {  	s0 =	sshra.s32 s0, $0x1F;
	s26 =	smul.u32 $0x66666667, s29;
	s29 =	sld [smem:$0x7FD]  }
0xef: {  	s31 =	sshra.s32 s21, $0x1F;
	v7 =	vsel vm1, s16, v7;
	v9 =	vsel vm1, s12, v9;
	s16 =	sshra.s32 s18, $0x1F;
	s0 =	smul.u32 $0x66666667, s0  }
0xf0: {  	s12 =	sshra.s32 s28, $0x1F;
	v13 =	vmov s31;
	s31 =	sshra.s32 s19, $0x2;
	v9 =	vsel vm2, s25, v9;
	s25 =	smul.u32 $0x66666667, s16  }
0xf1: {  	s23 =	sadd.s32 s29, s23;
	s20 =	sadd.s32 s0, s7;
	s7 =	sshrl.u32 s13, $0x1F  }
0xf2: {  	s13 =	sshra.s32 s13, $0x2;
	s29 =	sshra.s32 s17, $0x2;
	s17 =	sshrl.u32 s17, $0x1F;
	v11 =	vmov s7  }
0xf3: {  	v7 =	vsel vm2, s10, v7;
	s0 =	sadd.s32 s26, s4;
	s26 =	sshrl.u32 s15, $0x1F;
	v12 =	vmov s13;
	v11 =	vsel vm0, s17, v11;
	s17 =	rddreg [dreg:$0x6]  }
0xf4: {  	s4 =	sshra.s32 s15, $0x2;
	v12 =	vsel vm0, s29, v12;
	v11 =	vsel vm1, s1, v11;
	v10 =	vsel vm6, s17, v10;
	s1 =	smulhi.u32 $0x66666667, s18;
	s18 =	sshra.s32 s24, $0x2  }
0xf5: {  	s15 =	smulhi.u32 $0x66666667, s28;
	s7 =	sshra.s32 s5, $0x2;
	v12 =	vsel vm1, s22, v12;
	s17 =	sshrl.u32 s24, $0x1F;
	v10 =	vsel vm7, s6, v10;
	v13 =	vsel vm4, s18, v13  }
0xf6: {  	s5 =	sshra.s32 s5, $0x1F;
	s29 =	rddreg [dreg:$0x1a];
	s22 =	sshra.s32 s24, $0x1F;
	v12 =	vsel vm2, s4, v12;
	v11 =	vsel vm2, s26, v11;
	v14 =	vmov s17  }
0xf7: {  	s11 =	smulhi.u32 $0x66666667, s29;
	s13 =	sshra.s32 s29, $0x1F;
	s18 =	rddreg [dreg:$0x19];
	v13 =	vsel vm9, s22, v13;
	vm9 =	vcmask $0x2F2C;
	v10 =	vsel vm3, s9, v10  }
0xf8: {  	s13 =	smul.u32 $0x66666667, s13;
	s6 =	sshrl.u32 s19, $0x1F;
	s29 =	sshra.s32 s18, $0x2;
	v14 =	vnsel vm4, $0x0, v14;
	v9 =	vcombine.low v9, v12;
	v7 =	vcombine.low v7, v11  }
0xf9: {  	s4 =	smul.u32 $0x66666667, s12;
	s26 =	sshra.s32 s30, $0x2;
	s22 =	sshra.s32 s14, $0x2;
	vm4 =	vcmask $0x2F2C;
	v8 =	vsel vm9, s3, v8;
	v13 =	vsel vm0, s29, v13  }
0xfa: {  	s1 =	sadd.s32 s25, s1;
	s3 =	sshra.s32 s19, $0x1F;
	s19 =	sshra.s32 s18, $0x1F;
	vm9 =	vcmask $0x3734;
	v15 =	vmov s22;
	v10 =	vperm.xlane v10, v2  }
0xfb: {  	s29 =	spop (v2sf);
	s17 =	sadd.s32 s13, s11;
	v8 =	vsel vm7, s7, v8;
	v13 =	vsel vm10, s19, v13;
	s7 =	sshrl.u32 s14, $0x1F;
	v7 =	vperm.xlane v7, v1  }
0xfc: {  	s16 =	sshra.s32 s29, $0x1F;
	s19 =	sshra.s32 s2, $0x2;
	v9 =	vperm.xlane v9, v1;
	v8 =	vsel vm9, s5, v8;
	v13 =	vsel vm1, s31, v13;
	s31 =	rddreg [dreg:$0x5]  }
0xfd: {  	s2 =	sshrl.u32 s2, $0x1F;
	v15 =	vsel vm0, s19, v15;
	v16 =	vmov s7;
	s5 =	sshrl.u32 s1, $0x1F;
	s1 =	sshra.s32 s1, $0x2;
	v8 =	vsel vm3, s31, v8  }
0xfe: {  	v13 =	vsel vm13, s3, v13;
	s3 =	sadd.s32 s4, s15;
	s15 =	smulhi.u32 $0x66666667, s29;
	v16 =	vsel vm0, s2, v16;
	s29 =	sshra.s32 s17, $0x2;
	v15 =	vsel vm1, s1, v15  }
0xff: {  	s24 =	sshra.s32 s30, $0x1F;
	s22 =	sshra.s32 s23, $0x2;
	s10 =	smul.u32 $0x66666667, s16;
	v7 =	vsel vm8, v10, v7;
	v13 =	vsel vm2, s26, v13;
	v18 =	vmov s29  }
0x100: {  	s14 =	rddreg [dreg:$0x17];
	s26 =	sshrl.u32 s17, $0x1F;
	v16 =	vsel vm1, s5, v16;
	v8 =	vperm.xlane v8, v2;
	v13 =	vsel vm14, s24, v13;
	s24 =	sshrl.u32 s18, $0x1F  }
0x101: {  	s4 =	sadd.s32 s10, s15;
	v17 =	vmov s26;
	s15 =	sshra.s32 s14, $0x2;
	s18 =	sshrl.u32 s14, $0x1F;
	v14 =	vsel vm0, s24, v14;
	v13 =	vsel vm5, s22, v13  }
0x102: {  	s25 =	sshra.s32 s23, $0x1F;
	s31 =	sshrl.u32 s30, $0x1F;
	v15 =	vsel vm2, s15, v15;
	v16 =	vsel vm2, s18, v16;
	v14 =	vsel vm1, s6, v14;
	s6 =	sshra.s32 s3, $0x2  }
0x103: {  	s7 =	sshrl.u32 s23, $0x1F;
	s17 =	sshra.s32 s8, $0x2;
	v13 =	vsel vm15, s25, v13;
	s3 =	sshrl.u32 s3, $0x1F;
	v14 =	vsel vm2, s31, v14;
	v18 =	vsel vm0, s6, v18  }
0x104: {  	s11 =	sshra.s32 s20, $0x2;
	s10 =	sshrl.u32 s20, $0x1F;
	s20 =	sshra.s32 s8, $0x1F;
	v17 =	vsel vm0, s3, v17;
	v13 =	vsel vm6, s17, v13;
	v14 =	vsel vm5, s7, v14  }
0x105: {  	s9 =	sshrl.u32 s8, $0x1F;
	s16 =	sshra.s32 s4, $0x2;
	s19 =	sshrl.u32 s4, $0x1F;
	v17 =	vsel vm1, s10, v17;
	v18 =	vsel vm1, s11, v18;
	v51 =	vsel vm4, s20, v13  }
0x106: {  	s12 =	sshrl.u32 s0, $0x1F;
	s22 =	sshra.s32 s0, $0x2;
	v14 =	vsel vm6, s9, v14;
	v18 =	vsel vm2, s16, v18;
	v17 =	vsel vm2, s19, v17  }
0x107: {  	s13 =	sshrl.u32 s21, $0x1F;
	s0 =	sshra.s32 s0, $0x1F;
	v11 =	vsel vm7, s22, v51;
	v14 =	vsel vm7, s12, v14;
	v52 =	vcombine.low v15, v18  }
0x108: {  	s23 =	sshra.s32 s21, $0x2;
	v53 =	vcombine.low v16, v17;
	v11 =	vsel vm9, s0, v11;
	v14 =	vsel vm3, s13, v14  }
0x109: {  	v11 =	vsel vm3, s23, v11;
	v54 =	vperm.xlane v14, v2;
	v12 =	vperm.xlane v52, v1  }
0x10a: {  	v8 =	vsel vm8, v8, v9;
	v55 =	vperm.xlane v53, v1;
	v11 =	vperm.xlane v11, v2  }
0x10b: {  	v7 =	vadd.s32 v7, v8  }
0x10c: {  	v8 =	vmul.u32 $0xFFFFFFF6, v7;
	v9 =	vsel vm8, v54, v55;
	v56 =	vsel vm8, v11, v12  }
0x10d: {  	v57 =	vsub.s32 $0x0, v4;
	v9 =	vadd.s32 v9, v56  }
0x10e: {  	vm10 =	vne.s32 v8, v57;
	vm9 =	vlt.s32 v4, $0x1;
	v58 =	vmul.u32 $0xFFFFFFF6, v9  }
0x10f: {  	v59 =	vsub.s32 $0x0, v5;
	vm9 =	vmand vm9, vm10  }
0x110: {  	s24 =	rddreg [dreg:$0x3];
	v60 =	vsel vm9, $0xFFFFFFFF, v3;
	vm9 =	vlt.s32 v5, $0x1;
	vm10 =	vne.s32 v58, v59  }
0x111: {  	v61 =	vld.idx.msk [tilespmem:v6+s24+$0x0 ss:$0x1], $0xffff;
	v7 =	vadd.s32 v60, v7;
	vm9 =	vmand vm9, vm10  }
0x112: {  	s25 =	rddreg [dreg:$0x4];
	v62 =	vmul.u32 $0xA, v7;
	v63 =	vsel vm9, $0xFFFFFFFF, v3  }
0x113: {  	v6 =	vld.idx.msk [tilespmem:v6+s25+$0x0 ss:$0x1], $0xffff;
	v9 =	vadd.s32 v63, v9  }
0x114: {  	vm9 =	veq.s32 v4, v62;
	v4 =	vmul.u32 $0xA, v9  }
0x115: {  	v7 =	vnsel vm9, $0xFFFFFFFF, v7  }
0x116: {  	v8 =	vnsel vm9, $0xFFFFFFFF, v61;
	[tilespmem:s24+$0x1880] =	vst v7;
	vm9 =	veq.s32 v5, v4  }
0x117: {  	[tilespmem:s24+$0x1800] =	vst v8;
	v4 =	vnsel vm9, $0xFFFFFFFF, v9  }
0x118: {  	s2 =	simm.s32 $0x80;
	v5 =	vnsel vm9, $0xFFFFFFFF, v6;
	[tilespmem:s25+$0x1880] =	vst v4  }
0x119: {  	s30 =	simm.s32 $0x1;
	s29 =	simm.s32 $0x1800;
	[tilespmem:s25+$0x1800] =	vst v5;
	(ifvalue) =	ssetifvalue $0xFFFFFFFF  }
0x11a: {  	s6 =	simm.s32 $0x4080;
	(ifvalue) =	ssetifvalue $0xFFFFFFFF;
	s26 =	rddreg [dreg:$0x8]  }
0x11b: {  	[tilespmem:s6], [sflag:$0x1] =	stream.indirect.gather [hbm4b:s26+s2], $0x80, s29, s2, $0x40b8;
	[tilespmem:$0xA080] =	vst v63  }
0x11c: {  	_ =	swait.ge [sflag:s30], $0x4000  }
0x11d: {  	[sflag:s30] =	ssyncset.done $0x0;
	s31 =	rddreg [dreg:$0x16]  }
0x11e: {  	s28 =	simm.s32 $0x0;
	s3 =	simm.s32 $0x1900;
	[sflag:s30] =	ssyncadd.s32 $0xFFFFC000;
	v4 =	vmov s31  }
.LBB2_8:
0x11f: {  	s0 =	sshll.u32 s28, $0x4  }
0x120: {  	v6 =	vld [tilespmem:s0+$0x1880];
	_ =	sdelay $0x4  }
0x121: {  	(v2sf) =	vpush v6, $0x0;
	_ =	sdelay $0x4  }
0x122: {  	v5 =	vld.idx.msk [tilespmem:v4+s0+$0x0 ss:$0x1], $0xffff;
	_ =	sdelay $0x1  }
0x123: {  	v7 =	vld.idx.msk [tilespmem:v4+s0+$0x800 ss:$0x1], $0xffff;
	_ =	sdelay $0x4  }
0x124: {  	v8 =	vld.idx.msk [tilespmem:v4+s0+$0x1000 ss:$0x1], $0xffff  }
0x125: {  	v5 =	vld.idx.msk [tilespmem:v5+s3+$0x0], $0xffff;
	_ =	sdelay $0x1  }
0x126: {  	v7 =	vld.idx.msk [tilespmem:v7+s3+$0x0], $0xffff;
	s15 =	spop (v2sf);
	(v2sf) =	vpush v6, $0x1  }
0x127: {  	p0 =	slt.s32 s15, $0x0  }
0x128: {  	s0 =	sshll.u32 @!p0 s28, $0xB  }
0x129: {  	v5 =	vmul.f32 v5, v8;
	s0 =	sand.u32 @!p0 $0x3FFFF800, s0  }
0x12a: {  	v8 =	vld @!p0 [tilespmem:s0+$0x4080]  }
0x12b: {  	v5 =	vmul.f32 v7, v5;
	v7 =	vld @!p0 [tilespmem:s0+$0x4090]  }
0x12c: {  	v9 =	vld @!p0 [tilespmem:s0+$0x40A0]  }
0x12d: {  	v10 =	vbroadcast @!p0 v5, $0x0;
	v11 =	vld @!p0 [tilespmem:s0+$0x40B0]  }
0x12e: {  	v12 =	vld @!p0 [tilespmem:s0+$0x40C0]  }
0x12f: {  	v13 =	vld @!p0 [tilespmem:s0+$0x40D0];
	v8 =	vmul.f32 @!p0 v8, v10  }
0x130: {  	v14 =	vld @!p0 [tilespmem:s0+$0x40E0];
	v7 =	vmul.f32 @!p0 v7, v10  }
0x131: {  	[tilespmem:s0+$0x4080] =	vst @!p0 v8;
	v8 =	vmul.f32 @!p0 v9, v10;
	v9 =	vld @!p0 [tilespmem:s0+$0x40F0]  }
0x132: {  	[tilespmem:s0+$0x4090] =	vst @!p0 v7;
	v7 =	vmul.f32 @!p0 v11, v10  }
0x133: {  	[tilespmem:s0+$0x40A0] =	vst @!p0 v8;
	v8 =	vmul.f32 @!p0 v12, v10  }
0x134: {  	[tilespmem:s0+$0x40B0] =	vst @!p0 v7;
	v7 =	vmul.f32 @!p0 v13, v10  }
0x135: {  	[tilespmem:s0+$0x40C0] =	vst @!p0 v8;
	v8 =	vmul.f32 @!p0 v14, v10;
	s1 =	spop (v2sf);
	(v2sf) =	vpush v6, $0x2  }
0x136: {  	[tilespmem:s0+$0x40D0] =	vst @!p0 v7;
	v7 =	vmul.f32 @!p0 v9, v10;
	p1 =	slt.s32 s1, $0x0  }
0x137: {  	[tilespmem:s0+$0x40E0] =	vst @!p0 v8;
	s1 =	sshll.u32 @!p1 s28, $0xB  }
0x138: {  	[tilespmem:s0+$0x40F0] =	vst @!p0 v7;
	s0 =	sand.u32 @!p1 $0x3FFFF800, s1  }
0x139: {  	v7 =	vld @!p1 [tilespmem:s0+$0x4100]  }
0x13a: {  	v8 =	vld @!p1 [tilespmem:s0+$0x4110]  }
0x13b: {  	v9 =	vld @!p1 [tilespmem:s0+$0x4120]  }
0x13c: {  	v10 =	vbroadcast @!p1 v5, $0x1;
	v11 =	vld @!p1 [tilespmem:s0+$0x4130]  }
0x13d: {  	v12 =	vld @!p1 [tilespmem:s0+$0x4140]  }
0x13e: {  	v13 =	vld @!p1 [tilespmem:s0+$0x4150];
	v7 =	vmul.f32 @!p1 v7, v10  }
0x13f: {  	v14 =	vld @!p1 [tilespmem:s0+$0x4160];
	v8 =	vmul.f32 @!p1 v8, v10  }
0x140: {  	[tilespmem:s0+$0x4100] =	vst @!p1 v7;
	v7 =	vmul.f32 @!p1 v9, v10;
	v9 =	vld @!p1 [tilespmem:s0+$0x4170]  }
0x141: {  	[tilespmem:s0+$0x4110] =	vst @!p1 v8;
	v8 =	vmul.f32 @!p1 v11, v10  }
0x142: {  	[tilespmem:s0+$0x4120] =	vst @!p1 v7;
	v7 =	vmul.f32 @!p1 v12, v10  }
0x143: {  	[tilespmem:s0+$0x4130] =	vst @!p1 v8;
	v8 =	vmul.f32 @!p1 v13, v10  }
0x144: {  	[tilespmem:s0+$0x4140] =	vst @!p1 v7;
	v7 =	vmul.f32 @!p1 v14, v10;
	s16 =	spop (v2sf);
	(v2sf) =	vpush v6, $0x3  }
0x145: {  	[tilespmem:s0+$0x4150] =	vst @!p1 v8;
	v8 =	vmul.f32 @!p1 v9, v10;
	p0 =	slt.s32 s16, $0x0  }
0x146: {  	[tilespmem:s0+$0x4160] =	vst @!p1 v7;
	s1 =	sshll.u32 @!p0 s28, $0xB  }
0x147: {  	[tilespmem:s0+$0x4170] =	vst @!p1 v8;
	s0 =	sand.u32 @!p0 $0x3FFFF800, s1  }
0x148: {  	v7 =	vld @!p0 [tilespmem:s0+$0x4180]  }
0x149: {  	v8 =	vld @!p0 [tilespmem:s0+$0x4190]  }
0x14a: {  	v9 =	vld @!p0 [tilespmem:s0+$0x41A0]  }
0x14b: {  	v10 =	vbroadcast @!p0 v5, $0x2;
	v11 =	vld @!p0 [tilespmem:s0+$0x41B0]  }
0x14c: {  	v12 =	vld @!p0 [tilespmem:s0+$0x41C0]  }
0x14d: {  	v13 =	vld @!p0 [tilespmem:s0+$0x41D0];
	v7 =	vmul.f32 @!p0 v7, v10  }
0x14e: {  	v14 =	vld @!p0 [tilespmem:s0+$0x41E0];
	v8 =	vmul.f32 @!p0 v8, v10  }
0x14f: {  	[tilespmem:s0+$0x4180] =	vst @!p0 v7;
	v7 =	vmul.f32 @!p0 v9, v10;
	v9 =	vld @!p0 [tilespmem:s0+$0x41F0]  }
0x150: {  	[tilespmem:s0+$0x4190] =	vst @!p0 v8;
	v8 =	vmul.f32 @!p0 v11, v10  }
0x151: {  	[tilespmem:s0+$0x41A0] =	vst @!p0 v7;
	v7 =	vmul.f32 @!p0 v12, v10  }
0x152: {  	[tilespmem:s0+$0x41B0] =	vst @!p0 v8;
	v8 =	vmul.f32 @!p0 v13, v10  }
0x153: {  	[tilespmem:s0+$0x41C0] =	vst @!p0 v7;
	v7 =	vmul.f32 @!p0 v14, v10;
	s17 =	spop (v2sf);
	(v2sf) =	vpush v6, $0x4  }
0x154: {  	[tilespmem:s0+$0x41D0] =	vst @!p0 v8;
	v8 =	vmul.f32 @!p0 v9, v10;
	p1 =	slt.s32 s17, $0x0  }
0x155: {  	[tilespmem:s0+$0x41E0] =	vst @!p0 v7;
	s1 =	sshll.u32 @!p1 s28, $0xB  }
0x156: {  	[tilespmem:s0+$0x41F0] =	vst @!p0 v8;
	s0 =	sand.u32 @!p1 $0x3FFFF800, s1  }
0x157: {  	v7 =	vld @!p1 [tilespmem:s0+$0x4200]  }
0x158: {  	v8 =	vld @!p1 [tilespmem:s0+$0x4210]  }
0x159: {  	v9 =	vld @!p1 [tilespmem:s0+$0x4220]  }
0x15a: {  	v10 =	vbroadcast @!p1 v5, $0x3;
	v11 =	vld @!p1 [tilespmem:s0+$0x4230]  }
0x15b: {  	v12 =	vld @!p1 [tilespmem:s0+$0x4240]  }
0x15c: {  	v13 =	vld @!p1 [tilespmem:s0+$0x4250];
	v7 =	vmul.f32 @!p1 v7, v10  }
0x15d: {  	v14 =	vld @!p1 [tilespmem:s0+$0x4260];
	v8 =	vmul.f32 @!p1 v8, v10  }
0x15e: {  	[tilespmem:s0+$0x4200] =	vst @!p1 v7;
	v7 =	vmul.f32 @!p1 v9, v10;
	v9 =	vld @!p1 [tilespmem:s0+$0x4270]  }
0x15f: {  	[tilespmem:s0+$0x4210] =	vst @!p1 v8;
	v8 =	vmul.f32 @!p1 v11, v10  }
0x160: {  	[tilespmem:s0+$0x4220] =	vst @!p1 v7;
	v7 =	vmul.f32 @!p1 v12, v10  }
0x161: {  	[tilespmem:s0+$0x4230] =	vst @!p1 v8;
	v8 =	vmul.f32 @!p1 v13, v10  }
0x162: {  	[tilespmem:s0+$0x4240] =	vst @!p1 v7;
	v7 =	vmul.f32 @!p1 v14, v10;
	s18 =	spop (v2sf);
	(v2sf) =	vpush v6, $0x5  }
0x163: {  	[tilespmem:s0+$0x4250] =	vst @!p1 v8;
	v8 =	vmul.f32 @!p1 v9, v10;
	p0 =	slt.s32 s18, $0x0  }
0x164: {  	[tilespmem:s0+$0x4260] =	vst @!p1 v7;
	s1 =	sshll.u32 @!p0 s28, $0xB  }
0x165: {  	[tilespmem:s0+$0x4270] =	vst @!p1 v8;
	s0 =	sand.u32 @!p0 $0x3FFFF800, s1  }
0x166: {  	v7 =	vld @!p0 [tilespmem:s0+$0x4280]  }
0x167: {  	v8 =	vld @!p0 [tilespmem:s0+$0x4290]  }
0x168: {  	v9 =	vld @!p0 [tilespmem:s0+$0x42A0]  }
0x169: {  	v10 =	vbroadcast @!p0 v5, $0x4;
	v11 =	vld @!p0 [tilespmem:s0+$0x42B0]  }
0x16a: {  	v12 =	vld @!p0 [tilespmem:s0+$0x42C0]  }
0x16b: {  	v13 =	vld @!p0 [tilespmem:s0+$0x42D0];
	v7 =	vmul.f32 @!p0 v7, v10  }
0x16c: {  	v14 =	vld @!p0 [tilespmem:s0+$0x42E0];
	v8 =	vmul.f32 @!p0 v8, v10  }
0x16d: {  	[tilespmem:s0+$0x4280] =	vst @!p0 v7;
	v7 =	vmul.f32 @!p0 v9, v10;
	v9 =	vld @!p0 [tilespmem:s0+$0x42F0]  }
0x16e: {  	[tilespmem:s0+$0x4290] =	vst @!p0 v8;
	v8 =	vmul.f32 @!p0 v11, v10  }
0x16f: {  	[tilespmem:s0+$0x42A0] =	vst @!p0 v7;
	v7 =	vmul.f32 @!p0 v12, v10  }
0x170: {  	[tilespmem:s0+$0x42B0] =	vst @!p0 v8;
	v8 =	vmul.f32 @!p0 v13, v10  }
0x171: {  	[tilespmem:s0+$0x42C0] =	vst @!p0 v7;
	v7 =	vmul.f32 @!p0 v14, v10;
	s19 =	spop (v2sf);
	(v2sf) =	vpush v6, $0x6  }
0x172: {  	[tilespmem:s0+$0x42D0] =	vst @!p0 v8;
	v8 =	vmul.f32 @!p0 v9, v10;
	p1 =	slt.s32 s19, $0x0  }
0x173: {  	[tilespmem:s0+$0x42E0] =	vst @!p0 v7;
	s1 =	sshll.u32 @!p1 s28, $0xB  }
0x174: {  	[tilespmem:s0+$0x42F0] =	vst @!p0 v8;
	s0 =	sand.u32 @!p1 $0x3FFFF800, s1  }
0x175: {  	v7 =	vld @!p1 [tilespmem:s0+$0x4300]  }
0x176: {  	v8 =	vld @!p1 [tilespmem:s0+$0x4310]  }
0x177: {  	v9 =	vld @!p1 [tilespmem:s0+$0x4320]  }
0x178: {  	v10 =	vbroadcast @!p1 v5, $0x5;
	v11 =	vld @!p1 [tilespmem:s0+$0x4330]  }
0x179: {  	v12 =	vld @!p1 [tilespmem:s0+$0x4340]  }
0x17a: {  	v13 =	vld @!p1 [tilespmem:s0+$0x4350];
	v7 =	vmul.f32 @!p1 v7, v10  }
0x17b: {  	v14 =	vld @!p1 [tilespmem:s0+$0x4360];
	v8 =	vmul.f32 @!p1 v8, v10  }
0x17c: {  	[tilespmem:s0+$0x4300] =	vst @!p1 v7;
	v7 =	vmul.f32 @!p1 v9, v10;
	v9 =	vld @!p1 [tilespmem:s0+$0x4370]  }
0x17d: {  	[tilespmem:s0+$0x4310] =	vst @!p1 v8;
	v8 =	vmul.f32 @!p1 v11, v10  }
0x17e: {  	[tilespmem:s0+$0x4320] =	vst @!p1 v7;
	v7 =	vmul.f32 @!p1 v12, v10  }
0x17f: {  	[tilespmem:s0+$0x4330] =	vst @!p1 v8;
	v8 =	vmul.f32 @!p1 v13, v10  }
0x180: {  	[tilespmem:s0+$0x4340] =	vst @!p1 v7;
	v7 =	vmul.f32 @!p1 v14, v10;
	s20 =	spop (v2sf);
	(v2sf) =	vpush v6, $0x7  }
0x181: {  	[tilespmem:s0+$0x4350] =	vst @!p1 v8;
	v8 =	vmul.f32 @!p1 v9, v10;
	p0 =	slt.s32 s20, $0x0  }
0x182: {  	[tilespmem:s0+$0x4360] =	vst @!p1 v7;
	s1 =	sshll.u32 @!p0 s28, $0xB  }
0x183: {  	[tilespmem:s0+$0x4370] =	vst @!p1 v8;
	s0 =	sand.u32 @!p0 $0x3FFFF800, s1  }
0x184: {  	v7 =	vld @!p0 [tilespmem:s0+$0x4380]  }
0x185: {  	v8 =	vld @!p0 [tilespmem:s0+$0x4390]  }
0x186: {  	v9 =	vld @!p0 [tilespmem:s0+$0x43A0]  }
0x187: {  	v10 =	vbroadcast @!p0 v5, $0x6;
	v11 =	vld @!p0 [tilespmem:s0+$0x43B0]  }
0x188: {  	v12 =	vld @!p0 [tilespmem:s0+$0x43C0]  }
0x189: {  	v13 =	vld @!p0 [tilespmem:s0+$0x43D0];
	v7 =	vmul.f32 @!p0 v7, v10  }
0x18a: {  	v14 =	vld @!p0 [tilespmem:s0+$0x43E0];
	v8 =	vmul.f32 @!p0 v8, v10  }
0x18b: {  	[tilespmem:s0+$0x4380] =	vst @!p0 v7;
	v7 =	vmul.f32 @!p0 v9, v10;
	v9 =	vld @!p0 [tilespmem:s0+$0x43F0]  }
0x18c: {  	[tilespmem:s0+$0x4390] =	vst @!p0 v8;
	v8 =	vmul.f32 @!p0 v11, v10  }
0x18d: {  	[tilespmem:s0+$0x43A0] =	vst @!p0 v7;
	v7 =	vmul.f32 @!p0 v12, v10  }
0x18e: {  	[tilespmem:s0+$0x43B0] =	vst @!p0 v8;
	v8 =	vmul.f32 @!p0 v13, v10  }
0x18f: {  	[tilespmem:s0+$0x43C0] =	vst @!p0 v7;
	v7 =	vmul.f32 @!p0 v14, v10;
	s21 =	spop (v2sf);
	(v2sf) =	vpush v6, $0x8  }
0x190: {  	[tilespmem:s0+$0x43D0] =	vst @!p0 v8;
	v8 =	vmul.f32 @!p0 v9, v10;
	p1 =	slt.s32 s21, $0x0  }
0x191: {  	[tilespmem:s0+$0x43E0] =	vst @!p0 v7;
	s1 =	sshll.u32 @!p1 s28, $0xB  }
0x192: {  	[tilespmem:s0+$0x43F0] =	vst @!p0 v8;
	s0 =	sand.u32 @!p1 $0x3FFFF800, s1  }
0x193: {  	v7 =	vld @!p1 [tilespmem:s0+$0x4400]  }
0x194: {  	v8 =	vld @!p1 [tilespmem:s0+$0x4410]  }
0x195: {  	v9 =	vld @!p1 [tilespmem:s0+$0x4420]  }
0x196: {  	v10 =	vbroadcast @!p1 v5, $0x7;
	v11 =	vld @!p1 [tilespmem:s0+$0x4430]  }
0x197: {  	v12 =	vld @!p1 [tilespmem:s0+$0x4440]  }
0x198: {  	v13 =	vld @!p1 [tilespmem:s0+$0x4450];
	v7 =	vmul.f32 @!p1 v7, v10  }
0x199: {  	v14 =	vld @!p1 [tilespmem:s0+$0x4460];
	v8 =	vmul.f32 @!p1 v8, v10  }
0x19a: {  	[tilespmem:s0+$0x4400] =	vst @!p1 v7;
	v7 =	vmul.f32 @!p1 v9, v10;
	v9 =	vld @!p1 [tilespmem:s0+$0x4470]  }
0x19b: {  	[tilespmem:s0+$0x4410] =	vst @!p1 v8;
	v8 =	vmul.f32 @!p1 v11, v10  }
0x19c: {  	[tilespmem:s0+$0x4420] =	vst @!p1 v7;
	v7 =	vmul.f32 @!p1 v12, v10  }
0x19d: {  	[tilespmem:s0+$0x4430] =	vst @!p1 v8;
	v8 =	vmul.f32 @!p1 v13, v10  }
0x19e: {  	[tilespmem:s0+$0x4440] =	vst @!p1 v7;
	v7 =	vmul.f32 @!p1 v14, v10;
	s22 =	spop (v2sf);
	(v2sf) =	vpush v6, $0x9  }
0x19f: {  	[tilespmem:s0+$0x4450] =	vst @!p1 v8;
	v8 =	vmul.f32 @!p1 v9, v10;
	p0 =	slt.s32 s22, $0x0  }
0x1a0: {  	[tilespmem:s0+$0x4460] =	vst @!p1 v7;
	s1 =	sshll.u32 @!p0 s28, $0xB  }
0x1a1: {  	[tilespmem:s0+$0x4470] =	vst @!p1 v8;
	s0 =	sand.u32 @!p0 $0x3FFFF800, s1  }
0x1a2: {  	v7 =	vld @!p0 [tilespmem:s0+$0x4480]  }
0x1a3: {  	v8 =	vld @!p0 [tilespmem:s0+$0x4490]  }
0x1a4: {  	v9 =	vld @!p0 [tilespmem:s0+$0x44A0]  }
0x1a5: {  	v10 =	vbroadcast @!p0 v5, $0x8;
	v11 =	vld @!p0 [tilespmem:s0+$0x44B0]  }
0x1a6: {  	v12 =	vld @!p0 [tilespmem:s0+$0x44C0]  }
0x1a7: {  	v13 =	vld @!p0 [tilespmem:s0+$0x44D0];
	v7 =	vmul.f32 @!p0 v7, v10  }
0x1a8: {  	v14 =	vld @!p0 [tilespmem:s0+$0x44E0];
	v8 =	vmul.f32 @!p0 v8, v10  }
0x1a9: {  	[tilespmem:s0+$0x4480] =	vst @!p0 v7;
	v7 =	vmul.f32 @!p0 v9, v10;
	v9 =	vld @!p0 [tilespmem:s0+$0x44F0]  }
0x1aa: {  	[tilespmem:s0+$0x4490] =	vst @!p0 v8;
	v8 =	vmul.f32 @!p0 v11, v10  }
0x1ab: {  	[tilespmem:s0+$0x44A0] =	vst @!p0 v7;
	v7 =	vmul.f32 @!p0 v12, v10  }
0x1ac: {  	[tilespmem:s0+$0x44B0] =	vst @!p0 v8;
	v8 =	vmul.f32 @!p0 v13, v10  }
0x1ad: {  	[tilespmem:s0+$0x44C0] =	vst @!p0 v7;
	v7 =	vmul.f32 @!p0 v14, v10;
	s23 =	spop (v2sf);
	(v2sf) =	vpush v6, $0xA  }
0x1ae: {  	[tilespmem:s0+$0x44D0] =	vst @!p0 v8;
	v8 =	vmul.f32 @!p0 v9, v10;
	p1 =	slt.s32 s23, $0x0  }
0x1af: {  	[tilespmem:s0+$0x44E0] =	vst @!p0 v7;
	s1 =	sshll.u32 @!p1 s28, $0xB  }
0x1b0: {  	[tilespmem:s0+$0x44F0] =	vst @!p0 v8;
	s0 =	sand.u32 @!p1 $0x3FFFF800, s1  }
0x1b1: {  	v7 =	vld @!p1 [tilespmem:s0+$0x4500]  }
0x1b2: {  	v8 =	vld @!p1 [tilespmem:s0+$0x4510]  }
0x1b3: {  	v9 =	vld @!p1 [tilespmem:s0+$0x4520]  }
0x1b4: {  	v10 =	vbroadcast @!p1 v5, $0x9;
	v11 =	vld @!p1 [tilespmem:s0+$0x4530]  }
0x1b5: {  	v12 =	vld @!p1 [tilespmem:s0+$0x4540]  }
0x1b6: {  	v13 =	vld @!p1 [tilespmem:s0+$0x4550];
	v7 =	vmul.f32 @!p1 v7, v10  }
0x1b7: {  	v14 =	vld @!p1 [tilespmem:s0+$0x4560];
	v8 =	vmul.f32 @!p1 v8, v10  }
0x1b8: {  	[tilespmem:s0+$0x4500] =	vst @!p1 v7;
	v7 =	vmul.f32 @!p1 v9, v10;
	v9 =	vld @!p1 [tilespmem:s0+$0x4570]  }
0x1b9: {  	[tilespmem:s0+$0x4510] =	vst @!p1 v8;
	v8 =	vmul.f32 @!p1 v11, v10  }
0x1ba: {  	[tilespmem:s0+$0x4520] =	vst @!p1 v7;
	v7 =	vmul.f32 @!p1 v12, v10  }
0x1bb: {  	[tilespmem:s0+$0x4530] =	vst @!p1 v8;
	v8 =	vmul.f32 @!p1 v13, v10  }
0x1bc: {  	[tilespmem:s0+$0x4540] =	vst @!p1 v7;
	v7 =	vmul.f32 @!p1 v14, v10;
	s24 =	spop (v2sf);
	(v2sf) =	vpush v6, $0xB  }
0x1bd: {  	[tilespmem:s0+$0x4550] =	vst @!p1 v8;
	v8 =	vmul.f32 @!p1 v9, v10;
	p0 =	slt.s32 s24, $0x0  }
0x1be: {  	[tilespmem:s0+$0x4560] =	vst @!p1 v7;
	s1 =	sshll.u32 @!p0 s28, $0xB  }
0x1bf: {  	[tilespmem:s0+$0x4570] =	vst @!p1 v8;
	s0 =	sand.u32 @!p0 $0x3FFFF800, s1  }
0x1c0: {  	v7 =	vld @!p0 [tilespmem:s0+$0x4580]  }
0x1c1: {  	v8 =	vld @!p0 [tilespmem:s0+$0x4590]  }
0x1c2: {  	v9 =	vld @!p0 [tilespmem:s0+$0x45A0]  }
0x1c3: {  	v10 =	vbroadcast @!p0 v5, $0xA;
	v11 =	vld @!p0 [tilespmem:s0+$0x45B0]  }
0x1c4: {  	v12 =	vld @!p0 [tilespmem:s0+$0x45C0]  }
0x1c5: {  	v13 =	vld @!p0 [tilespmem:s0+$0x45D0];
	v7 =	vmul.f32 @!p0 v7, v10  }
0x1c6: {  	v14 =	vld @!p0 [tilespmem:s0+$0x45E0];
	v8 =	vmul.f32 @!p0 v8, v10  }
0x1c7: {  	[tilespmem:s0+$0x4580] =	vst @!p0 v7;
	v7 =	vmul.f32 @!p0 v9, v10;
	v9 =	vld @!p0 [tilespmem:s0+$0x45F0]  }
0x1c8: {  	[tilespmem:s0+$0x4590] =	vst @!p0 v8;
	v8 =	vmul.f32 @!p0 v11, v10  }
0x1c9: {  	[tilespmem:s0+$0x45A0] =	vst @!p0 v7;
	v7 =	vmul.f32 @!p0 v12, v10  }
0x1ca: {  	[tilespmem:s0+$0x45B0] =	vst @!p0 v8;
	v8 =	vmul.f32 @!p0 v13, v10  }
0x1cb: {  	[tilespmem:s0+$0x45C0] =	vst @!p0 v7;
	v7 =	vmul.f32 @!p0 v14, v10;
	s25 =	spop (v2sf);
	(v2sf) =	vpush v6, $0xC  }
0x1cc: {  	[tilespmem:s0+$0x45D0] =	vst @!p0 v8;
	v8 =	vmul.f32 @!p0 v9, v10;
	p1 =	slt.s32 s25, $0x0  }
0x1cd: {  	[tilespmem:s0+$0x45E0] =	vst @!p0 v7;
	s1 =	sshll.u32 @!p1 s28, $0xB  }
0x1ce: {  	[tilespmem:s0+$0x45F0] =	vst @!p0 v8;
	s0 =	sand.u32 @!p1 $0x3FFFF800, s1  }
0x1cf: {  	v7 =	vld @!p1 [tilespmem:s0+$0x4600]  }
0x1d0: {  	v8 =	vld @!p1 [tilespmem:s0+$0x4610]  }
0x1d1: {  	v9 =	vld @!p1 [tilespmem:s0+$0x4620]  }
0x1d2: {  	v10 =	vbroadcast @!p1 v5, $0xB;
	v11 =	vld @!p1 [tilespmem:s0+$0x4630]  }
0x1d3: {  	v12 =	vld @!p1 [tilespmem:s0+$0x4640]  }
0x1d4: {  	v13 =	vld @!p1 [tilespmem:s0+$0x4650];
	v7 =	vmul.f32 @!p1 v7, v10  }
0x1d5: {  	v14 =	vld @!p1 [tilespmem:s0+$0x4660];
	v8 =	vmul.f32 @!p1 v8, v10  }
0x1d6: {  	[tilespmem:s0+$0x4600] =	vst @!p1 v7;
	v7 =	vmul.f32 @!p1 v9, v10;
	v9 =	vld @!p1 [tilespmem:s0+$0x4670]  }
0x1d7: {  	[tilespmem:s0+$0x4610] =	vst @!p1 v8;
	v8 =	vmul.f32 @!p1 v11, v10  }
0x1d8: {  	[tilespmem:s0+$0x4620] =	vst @!p1 v7;
	v7 =	vmul.f32 @!p1 v12, v10  }
0x1d9: {  	[tilespmem:s0+$0x4630] =	vst @!p1 v8;
	v8 =	vmul.f32 @!p1 v13, v10  }
0x1da: {  	[tilespmem:s0+$0x4640] =	vst @!p1 v7;
	v7 =	vmul.f32 @!p1 v14, v10;
	s26 =	spop (v2sf);
	(v2sf) =	vpush v6, $0xD  }
0x1db: {  	[tilespmem:s0+$0x4650] =	vst @!p1 v8;
	v8 =	vmul.f32 @!p1 v9, v10;
	p0 =	slt.s32 s26, $0x0  }
0x1dc: {  	[tilespmem:s0+$0x4660] =	vst @!p1 v7;
	s1 =	sshll.u32 @!p0 s28, $0xB  }
0x1dd: {  	[tilespmem:s0+$0x4670] =	vst @!p1 v8;
	s0 =	sand.u32 @!p0 $0x3FFFF800, s1  }
0x1de: {  	v7 =	vld @!p0 [tilespmem:s0+$0x4680]  }
0x1df: {  	v8 =	vld @!p0 [tilespmem:s0+$0x4690]  }
0x1e0: {  	v9 =	vld @!p0 [tilespmem:s0+$0x46A0]  }
0x1e1: {  	v10 =	vbroadcast @!p0 v5, $0xC;
	v11 =	vld @!p0 [tilespmem:s0+$0x46B0]  }
0x1e2: {  	v12 =	vld @!p0 [tilespmem:s0+$0x46C0]  }
0x1e3: {  	v13 =	vld @!p0 [tilespmem:s0+$0x46D0];
	v7 =	vmul.f32 @!p0 v7, v10  }
0x1e4: {  	v14 =	vld @!p0 [tilespmem:s0+$0x46E0];
	v8 =	vmul.f32 @!p0 v8, v10  }
0x1e5: {  	[tilespmem:s0+$0x4680] =	vst @!p0 v7;
	v7 =	vmul.f32 @!p0 v9, v10;
	v9 =	vld @!p0 [tilespmem:s0+$0x46F0]  }
0x1e6: {  	[tilespmem:s0+$0x4690] =	vst @!p0 v8;
	v8 =	vmul.f32 @!p0 v11, v10  }
0x1e7: {  	[tilespmem:s0+$0x46A0] =	vst @!p0 v7;
	v7 =	vmul.f32 @!p0 v12, v10  }
0x1e8: {  	[tilespmem:s0+$0x46B0] =	vst @!p0 v8;
	v8 =	vmul.f32 @!p0 v13, v10  }
0x1e9: {  	[tilespmem:s0+$0x46C0] =	vst @!p0 v7;
	v7 =	vmul.f32 @!p0 v14, v10;
	s29 =	spop (v2sf);
	(v2sf) =	vpush v6, $0xE  }
0x1ea: {  	[tilespmem:s0+$0x46D0] =	vst @!p0 v8;
	v8 =	vmul.f32 @!p0 v9, v10;
	p1 =	slt.s32 s29, $0x0  }
0x1eb: {  	[tilespmem:s0+$0x46E0] =	vst @!p0 v7;
	s1 =	sshll.u32 @!p1 s28, $0xB  }
0x1ec: {  	[tilespmem:s0+$0x46F0] =	vst @!p0 v8;
	s0 =	sand.u32 @!p1 $0x3FFFF800, s1  }
0x1ed: {  	v7 =	vld @!p1 [tilespmem:s0+$0x4700]  }
0x1ee: {  	v8 =	vld @!p1 [tilespmem:s0+$0x4710]  }
0x1ef: {  	v9 =	vld @!p1 [tilespmem:s0+$0x4720]  }
0x1f0: {  	v10 =	vbroadcast @!p1 v5, $0xD;
	v11 =	vld @!p1 [tilespmem:s0+$0x4730]  }
0x1f1: {  	v12 =	vld @!p1 [tilespmem:s0+$0x4740]  }
0x1f2: {  	v13 =	vld @!p1 [tilespmem:s0+$0x4750];
	v7 =	vmul.f32 @!p1 v7, v10  }
0x1f3: {  	v14 =	vld @!p1 [tilespmem:s0+$0x4760];
	v8 =	vmul.f32 @!p1 v8, v10  }
0x1f4: {  	[tilespmem:s0+$0x4700] =	vst @!p1 v7;
	v7 =	vmul.f32 @!p1 v9, v10;
	v9 =	vld @!p1 [tilespmem:s0+$0x4770]  }
0x1f5: {  	[tilespmem:s0+$0x4710] =	vst @!p1 v8;
	v8 =	vmul.f32 @!p1 v11, v10  }
0x1f6: {  	[tilespmem:s0+$0x4720] =	vst @!p1 v7;
	v7 =	vmul.f32 @!p1 v12, v10  }
0x1f7: {  	[tilespmem:s0+$0x4730] =	vst @!p1 v8;
	v8 =	vmul.f32 @!p1 v13, v10  }
0x1f8: {  	[tilespmem:s0+$0x4740] =	vst @!p1 v7;
	v7 =	vmul.f32 @!p1 v14, v10;
	s30 =	spop (v2sf);
	(v2sf) =	vpush v6, $0xF  }
0x1f9: {  	[tilespmem:s0+$0x4750] =	vst @!p1 v8;
	v6 =	vmul.f32 @!p1 v9, v10;
	p0 =	slt.s32 s30, $0x0  }
0x1fa: {  	[tilespmem:s0+$0x4760] =	vst @!p1 v7;
	s1 =	sshll.u32 @!p0 s28, $0xB  }
0x1fb: {  	[tilespmem:s0+$0x4770] =	vst @!p1 v6;
	s0 =	sand.u32 @!p0 $0x3FFFF800, s1  }
0x1fc: {  	v6 =	vld @!p0 [tilespmem:s0+$0x4780]  }
0x1fd: {  	v7 =	vld @!p0 [tilespmem:s0+$0x4790]  }
0x1fe: {  	v8 =	vld @!p0 [tilespmem:s0+$0x47A0]  }
0x1ff: {  	v9 =	vbroadcast @!p0 v5, $0xE;
	v10 =	vld @!p0 [tilespmem:s0+$0x47B0]  }
0x200: {  	v11 =	vld @!p0 [tilespmem:s0+$0x47C0]  }
0x201: {  	v12 =	vld @!p0 [tilespmem:s0+$0x47D0];
	v6 =	vmul.f32 @!p0 v6, v9  }
0x202: {  	v13 =	vld @!p0 [tilespmem:s0+$0x47E0];
	v7 =	vmul.f32 @!p0 v7, v9  }
0x203: {  	[tilespmem:s0+$0x4780] =	vst @!p0 v6;
	v6 =	vmul.f32 @!p0 v8, v9;
	v8 =	vld @!p0 [tilespmem:s0+$0x47F0]  }
0x204: {  	[tilespmem:s0+$0x4790] =	vst @!p0 v7;
	v7 =	vmul.f32 @!p0 v10, v9  }
0x205: {  	[tilespmem:s0+$0x47A0] =	vst @!p0 v6;
	v6 =	vmul.f32 @!p0 v11, v9  }
0x206: {  	[tilespmem:s0+$0x47B0] =	vst @!p0 v7;
	v7 =	vmul.f32 @!p0 v12, v9  }
0x207: {  	[tilespmem:s0+$0x47C0] =	vst @!p0 v6;
	v6 =	vmul.f32 @!p0 v13, v9;
	s31 =	spop (v2sf)  }
0x208: {  	[tilespmem:s0+$0x47D0] =	vst @!p0 v7;
	v7 =	vmul.f32 @!p0 v8, v9;
	p1 =	slt.s32 s31, $0x0  }
0x209: {  	[tilespmem:s0+$0x47E0] =	vst @!p0 v6;
	s1 =	sshll.u32 @!p1 s28, $0xB  }
0x20a: {  	[tilespmem:s0+$0x47F0] =	vst @!p0 v7;
	s0 =	sand.u32 @!p1 $0x3FFFF800, s1  }
0x20b: {  	v6 =	vld @!p1 [tilespmem:s0+$0x4800]  }
0x20c: {  	v7 =	vld @!p1 [tilespmem:s0+$0x4810]  }
0x20d: {  	v8 =	vld @!p1 [tilespmem:s0+$0x4820]  }
0x20e: {  	v5 =	vbroadcast @!p1 v5, $0xF;
	v9 =	vld @!p1 [tilespmem:s0+$0x4830]  }
0x20f: {  	v10 =	vld @!p1 [tilespmem:s0+$0x4840]  }
0x210: {  	v11 =	vld @!p1 [tilespmem:s0+$0x4850];
	v6 =	vmul.f32 @!p1 v6, v5  }
0x211: {  	v12 =	vld @!p1 [tilespmem:s0+$0x4860];
	v7 =	vmul.f32 @!p1 v7, v5  }
0x212: {  	[tilespmem:s0+$0x4800] =	vst @!p1 v6;
	v6 =	vmul.f32 @!p1 v8, v5;
	v8 =	vld @!p1 [tilespmem:s0+$0x4870]  }
0x213: {  	s28 =	sadd.s32 $0x1, s28;
	[tilespmem:s0+$0x4810] =	vst @!p1 v7;
	v7 =	vmul.f32 @!p1 v9, v5  }
0x214: {  	p0 =	sne.s32 s28, $0x8;
	[tilespmem:s0+$0x4820] =	vst @!p1 v6;
	v6 =	vmul.f32 @!p1 v10, v5  }
.Ltmp2:
0x215: {  	[tilespmem:s0+$0x4830] =	vst @!p1 v7;
	v7 =	vmul.f32 @!p1 v11, v5;
	(pc) =	sbr.rel @p0 .LBB2_8-.Ltmp2, $4  }
0x216: {  	[tilespmem:s0+$0x4840] =	vst @!p1 v6;
	v6 =	vmul.f32 @!p1 v12, v5  }
0x217: {  	[tilespmem:s0+$0x4850] =	vst @!p1 v7;
	v5 =	vmul.f32 @!p1 v8, v5  }
0x218: {  	[tilespmem:s0+$0x4860] =	vst @!p1 v6  }
0x219: {  	[tilespmem:s0+$0x4870] =	vst @!p1 v5  }
0x21a: {  	(ifvalue) =	ssetifvalue $0xFFFFFFFF  }
0x21b: {  	s0 =	rddreg [dreg:$0x1];
	s1 =	simm.s32 $0x1880;
	s5 =	simm.s32 $0x2  }
0x21c: {  	[spmem:s0] =	stream.indirect.scatter.add.f32 [tilespmem:s6], [sflag:$0x2], $0x80, s1, s2, $0x40b8;
	[tilespmem:$0xA080] =	vst v63  }
0x21d: {  	_ =	swait.ge [sflag:s5], $0x4000  }
0x21e: {  	s12 =	rddreg [dreg:$0x15]  }
0x21f: {  	s12 =	sadd.s32 $0x1, s12  }
0x220: {  	p0 =	sne.s32 s12, $0x10  }
.Ltmp3:
0x221: {  	_ = 	snop;
	(pc) =	sbr.rel @p0 .LBB2_5-.Ltmp3, $4  }
0x222: {  	_ = 	snop  }
0x223: {  	vm9 =	vmmov vm11;
	s18 =	rddreg [dreg:$0x14]  }
0x224: {  	vm10 =	vmmov vm12;
	vm13 =	vcmask $0x1714;
	vm14 =	vcmask $0x1F1C;
	[sflag:s5] =	ssyncset.done $0x0;
	s4 =	rddreg [dreg:$0x13]  }
0x225: {  	vm15 =	vcmask $0x2724;
	vm4 =	vcmask $0x300;
	vm5 =	vcmask $0x2320;
	[sflag:s5] =	ssyncadd.s32 $0xFFFFC000;
	s18 =	sadd.s32 $0x80, s18;
	s4 =	sadd.s32 $0x80, s4  }
0x226: {  	s0 =	rddreg [dreg:$0x12]  }
0x227: {  	s0 =	sadd.s32 $0x1, s0  }
0x228: {  	p0 =	sne.s32 s0, $0x5  }
.Ltmp4:
0x229: {  	_ = 	snop;
	(pc) =	sbr.rel @p0 .LBB2_4-.Ltmp4, $1  }
0x22a: {  	_ =	sdelay $0x3  }
0x22b: {  	s0 =	stileid.u32;
	[bflag:$0x0] =	sbarrier.arrive $0xFFFF  }
0x22c: {  	s0 =	sshll.u32 s0, $0x6;
	s4 =	rddreg [dreg:$0xd]  }
0x22d: {  	s2 =	rddreg [dreg:$0xf];
	s0 =	sor.u32 $0x1C02, s0;
	s1 =	sshrl.u32 s4, $0x3  }
0x22e: {  	[hbm:s2], [sflag:s0] =	dma.local [spmem:s1], $0x400  }
0x22f: {  	_ =	swait.ge [sflag:s5], $0x400  }
0x230: {  	s30 =	rddreg [dreg:$0x11]  }
0x231: {  	s31 =	rddreg [dreg:$0x10];
	s1 =	sadd.s32 $0x1, s30  }
0x232: {  	p0 =	sne.s32 s1, s31  }
.Ltmp5:
0x233: {  	_ = 	snop;
	(pc) =	sbr.rel @p0 .LBB2_1-.Ltmp5, $3  }
0x234: {  	_ =	sdelay $0x1  }
0x235: {  	[sflag:s5] =	ssyncset.done $0x0  }
0x236: {  	[sflag:s5] =	ssyncadd.s32 $0xFFFFFC00  }
0x237: {  	_ =	sfence.sel $0x180000  }
0x238: {  	[bflag:$0x0] =	sbarrier.arrive $0xFFFF  }
0x239: {  	_ =	strace $0x9000004D  }
0x23a: {  	s0 =	stileid.u32;
	[bflag:$0x2] =	sbarrier.arrive $0xFFFF  }
0x23b: {  	p0 =	sne.s32 s0, $0x0;
	s0 =	rddreg [dreg:$0x2]  }
0x23c: {  	s0 =	sadd.s32 @!p0 $0x100000, s0  }
0x23d: {  	[sflag:s0] =	ssyncadd.tile.s32 @!p0 $0x1;
	_ =	shalt  }
.Lfunc_end2:
_tile_overlayer_lowered:
.L_overlay_start_2:
0x23e: {  	(tag) =	ssettag $0x2  }
0x23f: {  	s0 =	rddreg [dreg:$0x0];
	s2 =	stileid.u32  }
0x240: {  	s1 =	rddreg [dreg:$0x1];
	p0 =	sne.s32 s2, $0x0  }
0x241: {  	s3 =	rddreg [dreg:$0x2];
	[bflag:$0x3] =	sbarrier.arrive $0xFFFF;
	s2 =	simm.s32 @!p0 $0x1C02  }
0x242: {  	[timem:s3], [sflag:s2] =	dma.local @!p0 [hbm:s0], s1  }
0x243: {  	s0 =	simm.s32 @!p0 $0x2  }
0x244: {  	_ =	swait.ge @!p0 [sflag:s0], s1  }
0x245: {  	s1 =	ssub.s32 @!p0 $0x0, s1;
	[sflag:s0] =	ssyncset.done @!p0 $0x0  }
0x246: {  	[sflag:s0] =	ssyncadd.s32 @!p0 s1  }
0x247: {  	[bflag:$0x3] =	sbarrier.arrive $0xFFFF  }
0x248: {  	_ =	shalt  }

// kernel: kernel.9.cloned.1.call-start
scs
__scs_entry_jumppad:
0x0: {  	(pc) =	sbr.rel $0x88, $3  }
0x1: {  	(tag) =	ssettag $0x0;
	lr =	simm.s32 $0x1  }
0x2: {  	[smem:$0x3F9B] =	sst lr;
	_ =	strace $0xD0000000  }
0x3: {  	_ = 	snop  }
0x4: {  	_ = 	snop  }
0x5: {  	_ = 	snop  }
0x6: {  	_ = 	snop  }
0x7: {  	_ = 	snop  }
__scs_overlays_trampoline_lowered:
0x8: {  	[smem:$0x3FAA] =	sst s0  }
0x9: {  	[smem:$0x3FAB] =	sst s1  }
0xa: {  	[smem:$0x3FAC] =	sst s2  }
0xb: {  	[smem:$0x3FAD] =	sst s3  }
0xc: {  	[smem:$0x3FAE] =	sst s4  }
0xd: {  	[smem:$0x3FAF] =	sst s5  }
0xe: {  	[smem:$0x3FB0] =	sst s6  }
0xf: {  	[smem:$0x3FB1] =	sst s7  }
0x10: {  	[smem:$0x3FB2] =	sst s8  }
0x11: {  	[smem:$0x3FB3] =	sst s9;
	s0 =	simm.s32 @!p0 $0x0  }
0x12: {  	s1 =	sld [smem:$0x3F99];
	s0 =	simm.s32 @p0 $0x1  }
0x13: {  	[smem:$0x3FB4] =	sst s0;
	s0 =	simm.s32 @!p1 $0x0  }
0x14: {  	s2 =	sld [smem:$0x3F98];
	s0 =	simm.s32 @p1 $0x1  }
0x15: {  	[smem:$0x3FB5] =	sst s0;
	s0 =	simm.s32 @!p2 $0x0  }
0x16: {  	s3 =	sld [smem:$0x3FDB];
	s0 =	simm.s32 @p2 $0x1  }
0x17: {  	s4 =	simm.s32 $0x1BF5;
	[smem:$0x3FB7] =	sst s0  }
0x18: {  	s0 =	sld [smem:$0x3F9A];
	_ =	swait.ge [sflag:s4], $0x0  }
0x19: {  	s7 =	sld [smem:$0x3F9B]  }
0x1a: {  	s8 =	sadd.s32 $0xFFFFE003, lr  }
0x1b: {  	s9 =	sadd.s32 $0xFFFFFEF7, lr;
	s5 =	simm.s32 $0xFFFFFFFF;
	p2 =	slt.u32 s8, $0xFFFFF086  }
0x1c: {  	p1 =	slt.u32 s9, $0xF7A;
	s5 =	simm.s32 @!p2 $0x0  }
0x1d: {  	s5 =	simm.s32 @p1 $0x1;
	p0 =	seq.s32 s7, s2  }
0x1e: {  	s7 =	smul.u32 @!p0 $0xF7A, s2;
	p2 =	seq.s32 @!p0 s5, $0x0  }
0x1f: {  	s9 =	smul.u32 $0xF7A, s1;
	s8 =	simm.s32 @!p0 $0x1BF5;
	p2 =	por !p2, p0  }
0x20: {  	[sflag:s8] =	ssyncset.s32 @!p0 $0xFFFFF086;
	s6 =	sadd.s32 @!p0 s3, s7;
	s7 =	simm.s32 @!p0 $0x108  }
0x21: {  	s3 =	sadd.s32 s3, s9;
	s6 =	sadd.s32 @!p0 $0x88, s6;
	s7 =	simm.s32 @p2 $0x1082  }
0x22: {  	[simem:s7], [sflag:s8] =	dma.local @!p0 [hbm:s6], $0xF7A  }
0x23: {  	s9 =	sor.u32 $0xD0000000, s2;
	s6 =	simm.s32 $0x108;
	_ =	swait.ge @!p0 [sflag:s8], $0x0  }
0x24: {  	s3 =	sadd.s32 $0x88, s3;
	s6 =	simm.s32 @!p1 $0x1082;
	[sflag:s4] =	ssyncset.s32 $0xFFFFF086  }
0x25: {  	[simem:s6], [sflag:s4] =	dma.local [hbm:s3], $0xF7A  }
0x26: {  	[smem:$0x3F9B] =	sst s1;
	(tag) =	ssettag s2;
	_ =	strace s9  }
0x27: {  	s1 =	sld [smem:$0x3FAB]  }
0x28: {  	s2 =	sld [smem:$0x3FAC]  }
0x29: {  	s4 =	sld [smem:$0x3FAE]  }
0x2a: {  	p0 =	seq.s32 s5, $0x0;
	s5 =	sld [smem:$0x3FAF]  }
0x2b: {  	s6 =	sld [smem:$0x3FB0]  }
0x2c: {  	s7 =	sld [smem:$0x3FB1]  }
0x2d: {  	s3 =	simm.s32 $0x108;
	s8 =	sld [smem:$0x3FB2]  }
0x2e: {  	s3 =	simm.s32 @!p0 $0x1082;
	s9 =	sld [smem:$0x3FB3]  }
0x2f: {  	lr =	sadd.s32 s0, s3;
	s0 =	sld [smem:$0x3FAA]  }
0x30: {  	s3 =	sld [smem:$0x3FAD]  }
0x31: {  	[smem:$0x3FB6] =	sst s10  }
0x32: {  	s10 =	sld [smem:$0x3FB4];
	_ =	sdelay $0x3  }
0x33: {  	p0 =	seq.s32 s10, $0x1;
	s10 =	sld [smem:$0x3FB6];
	_ =	sdelay $0x3  }
0x34: {  	[smem:$0x3FB6] =	sst s10  }
0x35: {  	s10 =	sld [smem:$0x3FB5];
	_ =	sdelay $0x3  }
0x36: {  	p1 =	seq.s32 s10, $0x1;
	s10 =	sld [smem:$0x3FB6];
	_ =	sdelay $0x3  }
0x37: {  	[smem:$0x3FB6] =	sst s10  }
0x38: {  	s10 =	sld [smem:$0x3FB7]  }
0x39: {  	_ = 	snop;
	(pc) =	sbr.ind lr, $3  }
0x3a: {  	_ = 	snop  }
0x3b: {  	_ = 	snop  }
0x3c: {  	p2 =	seq.s32 s10, $0x1;
	s10 =	sld [smem:$0x3FB6]  }
0x3d: {  	_ =	shalt  }
0x3e: {  	_ =	shalt  }
0x3f: {  	_ =	shalt  }
0x40: {  	_ =	shalt  }
0x41: {  	_ =	shalt  }
0x42: {  	_ =	shalt  }
0x43: {  	_ =	shalt  }
0x44: {  	_ =	shalt  }
0x45: {  	_ =	shalt  }
0x46: {  	_ =	shalt  }
0x47: {  	_ =	shalt  }
0x48: {  	_ =	shalt  }
0x49: {  	_ =	shalt  }
0x4a: {  	_ =	shalt  }
0x4b: {  	_ =	shalt  }
0x4c: {  	_ =	shalt  }
0x4d: {  	_ =	shalt  }
0x4e: {  	_ =	shalt  }
0x4f: {  	_ =	shalt  }
0x50: {  	_ =	shalt  }
0x51: {  	_ =	shalt  }
0x52: {  	_ =	shalt  }
0x53: {  	_ =	shalt  }
0x54: {  	_ =	shalt  }
0x55: {  	_ =	shalt  }
0x56: {  	_ =	shalt  }
0x57: {  	_ =	shalt  }
0x58: {  	_ =	shalt  }
0x59: {  	_ =	shalt  }
0x5a: {  	_ =	shalt  }
0x5b: {  	_ =	shalt  }
0x5c: {  	_ =	shalt  }
0x5d: {  	_ =	shalt  }
0x5e: {  	_ =	shalt  }
0x5f: {  	_ =	shalt  }
0x60: {  	_ =	shalt  }
0x61: {  	_ =	shalt  }
0x62: {  	_ =	shalt  }
0x63: {  	_ =	shalt  }
0x64: {  	_ =	shalt  }
0x65: {  	_ =	shalt  }
0x66: {  	_ =	shalt  }
0x67: {  	_ =	shalt  }
0x68: {  	_ =	shalt  }
0x69: {  	_ =	shalt  }
0x6a: {  	_ =	shalt  }
0x6b: {  	_ =	shalt  }
0x6c: {  	_ =	shalt  }
0x6d: {  	_ =	shalt  }
0x6e: {  	_ =	shalt  }
0x6f: {  	_ =	shalt  }
0x70: {  	_ =	shalt  }
0x71: {  	_ =	shalt  }
0x72: {  	_ =	shalt  }
0x73: {  	_ =	shalt  }
0x74: {  	_ =	shalt  }
0x75: {  	_ =	shalt  }
0x76: {  	_ =	shalt  }
0x77: {  	_ =	shalt  }
0x78: {  	_ =	shalt  }
0x79: {  	_ =	shalt  }
0x7a: {  	_ =	shalt  }
0x7b: {  	_ =	shalt  }
0x7c: {  	_ =	shalt  }
0x7d: {  	_ =	shalt  }
0x7e: {  	_ =	shalt  }
0x7f: {  	_ =	shalt  }
0x80: {  	_ =	shalt  }
0x81: {  	_ =	shalt  }
0x82: {  	_ =	shalt  }
0x83: {  	_ =	shalt  }
0x84: {  	_ =	shalt  }
0x85: {  	_ =	shalt  }
0x86: {  	_ =	shalt  }
0x87: {  	_ =	shalt  }
.Lfunc_end0:
.L_simem_size_0:
called_computation_lowered:
.L_overlay_start_0:
0x88: {  	s2 =	sld [smem:$0x3FD9]  }
0x89: {  	s3 =	sld [smem:$0x3FFE];
	_ =	sdelay $0x1  }
0x8a: {  	s1 =	srdreg.scid  }
0x8b: {  	s0 =	sand.u32 $0x1, s1  }
0x8c: {  	s16 =	sshll.u32 s0, $0xA;
	s2 =	sadd.s32 s3, s2  }
0x8d: {  	s2 =	sadd.s32 s2, s16  }
0x8e: {  	[smem:$0x3FC2] =	sst s2  }
0x8f: {  	_ = 	snop  }
0x90: {  	(tm) =	ssettm $0x1  }
0x91: {  	s17 =	sld [smem:$0x3FFB];
	_ =	sdelay $0x3  }
0x92: {  	_ =	strace s17  }
0x93: {  	s2 =	sld [smem:$0x3FFC];
	_ =	sdelay $0x3  }
0x94: {  	_ =	strace s2  }
0x95: {  	s2 =	sld [smem:$0x3FFD];
	_ =	sdelay $0x3  }
0x96: {  	_ =	strace s2  }
0x97: {  	_ =	strace $0x8FFFFFFF  }
0x98: {  	s18 =	sld [smem:$0x3FDB];
	_ =	sdelay $0x1  }
0x99: {  	s19 =	simm.s32 $_scs_section_size  }
0x9a: {  	s4 =	simm.s32 $_size__tile_overlayer_lowered;
	s5 =	simm.s32 $_tile_overlayer_lowered  }
0x9b: {  	s22 =	simm.s32 $0x1BFF;
	s21 =	sshll.u32 s5, $0x1;
	s2 =	sadd.s32 s19, s18  }
0x9c: {  	s6 =	simm.s32 $0x0;
	s20 =	sshll.u32 s4, $0x1;
	s4 =	sadd.s32 s21, s2  }
0x9d: {  	[timem:s6], [sflag:s22] =	dma.local [hbm:s4], s20  }
0x9e: {  	_ =	swait.ge [sflag:s22], s20  }
0x9f: {  	s3 =	ssub.s32 $0x0, s20;
	[sflag:s22] =	ssyncset.done $0x0  }
0xa0: {  	[sflag:s22] =	ssyncadd.s32 s3;
	_ =	sdelay $0x1  }
0xa1: {  	s23 =	simm.s32 $0x1B8B  }
0xa2: {  	_ =	swait.ge [sflag:s23], $0x1  }
0xa3: {  	[sflag:s23] =	ssyncset.done $0x0  }
0xa4: {  	s25 =	simm.s32 $0x1B8E;
	s24 =	sld [smem:$0x3FFE];
	[sflag:s23] =	ssyncadd.s32 $0xFFFFFFFF  }
0xa5: {  	s26 =	simm.s32 $execute0_lowered;
	[smem:$0x3FD2] =	sst s25  }
0xa6: {  	s4 =	sshll.u32 s26, $0x1;
	_ =	strace $0x80000046;
	[dreg:$0x1] =	wrdreg $0xFFFFFFFF  }
0xa7: {  	s28 =	simm.s32 $_size_execute0_lowered;
	s2 =	sadd.s32 s2, s4;
	[dreg:$0x0] =	wrdreg $0x0  }
0xa8: {  	s4 =	sshll.u32 s28, $0x1;
	[dreg:$0x2] =	wrdreg s2  }
0xa9: {  	[dreg:$0x3] =	wrdreg s4  }
0xaa: {  	[dreg:$0x4] =	wrdreg $0xC0  }
0xab: {  	_ =	task [dreg:s6], $0x5FFFF  }
0xac: {  	[dreg:$0x1] =	wrdreg $0xFFFFFFFF  }
0xad: {  	[dreg:$0x0] =	wrdreg $0x60  }
0xae: {  	[dreg:$0x2] =	wrdreg s24  }
0xaf: {  	[dreg:$0x3] =	wrdreg $0x78000  }
0xb0: {  	[dreg:$0x4] =	wrdreg $0x9  }
0xb1: {  	_ =	task.clear_ibuf [dreg:s6], $0x5FFFF;
	_ =	strace $0x90000046  }
0xb2: {  	s29 =	simm.s32 $0x9;
	_ =	strace $0x80000048  }
0xb3: {  	_ =	swait.ge [sflag:s29], $0x1  }
0xb4: {  	[sflag:s29] =	ssyncadd.s32 $0xFFFFFFFF  }
0xb5: {  	_ =	strace $0x90000048  }
0xb6: {  	_ =	sfence  }
0xb7: {  	s30 =	sld [smem:$0x0];
	_ =	sdelay $0x2  }
0xb8: {  	s31 =	sshll.u32 s1, $0xD;
	s1 =	sshrl.u32 s1, $0x2  }
0xb9: {  	s3 =	sand.u32 $0x4000, s31;
	s1 =	sadd.s32 s1, s30  }
0xba: {  	s0 =	sor.u32 s3, s0;
	s1 =	sshll.u32 s1, $0x11  }
0xbb: {  	s0 =	sor.u32 s1, s0  }
0xbc: {  	s0 =	sadd.s32 $0x8F2B, s0  }
0xbd: {  	[sflag:s0] =	ssyncadd.remote.s32 $0x1  }
0xbe: {  	_ =	sfence.sel $0xFFFF  }
0xbf: {  	[dreg:$0x0] =	wrdreg $0xFFFFFFFF;
	(pc) =	sbr.abs _section_cstart, $3  }
0xc0: {  	[dreg:$0x1] =	wrdreg $0xFFFFFFFF  }
0xc1: {  	_ =	task.clear_ibuf [dreg:s6], $0x2FFFF;
	_ =	strace $0x9FFFFFFF  }
0xc2: {  	(tm) =	ssettm $0x7FFFFFFF  }
0xc3: {  	_ =	shalt  }
tec
execute0_lowered:
.L_overlay_start_1:
0x0: {  	(tag) =	ssettag $0x1  }
0x1: {  	s0 =	srdreg.scid;
	s3 =	rddreg [dreg:$0x0]  }
0x2: {  	s1 =	rddreg [dreg:$0x1];
	s7 =	stileid.u32  }
0x3: {  	s2 =	simm.s32 $0x0;
	s9 =	simm.s32 $0x5000;
	s4 =	sand.u32 $0x1, s0  }
0x4: {  	s10 =	simm.s32 $0x80;
	s0 =	rddreg [dreg:$0x2];
	s5 =	sshll.u32 s4, $0x4  }
0x5: {  	s12 =	simm.s32 $0x0;
	[smem:$0x7FF] =	sst s2;
	s6 =	sor.u32 s7, s5  }
0x6: {  	p0 =	sne.s32 s7, $0x0;
	_ =	strace $0x80000047;
	s6 =	smul.u32 $0x500, s6  }
0x7: {  	s4 =	ssub.s32 $0x2, s4;
	s11 =	sshrl.u32 @!p0 s1, $0x3;
	s5 =	sadd.s32 s5, s3  }
0x8: {  	s31 =	sshrl.u32 s4, $0x1;
	s7 =	simm.s32 $0x1;
	s6 =	sadd.s32 s6, s3  }
0x9: {  	s8 =	ssub.s32 s4, s31;
	s5 =	sadd.s32 $0x16000, s5;
	s3 =	sadd.s32 $0xC000, s6  }
0xa: {  	v0 =	vimm.f32 $0.0e+00;
	s4 =	sadd.s32 $0x2000, s6;
	s6 =	smax.u32 s8, $0x1;
	s8 =	simm.s32 $0x2800  }
.LBB2_1:
0xb: {  	[tilespmem:s2], [sflag:$0x1] =	stream.linear.gather [hbm4b:s3+s2], $0x2800, $0x38;
	[tilespmem:$0x7A80] =	vst v63  }
0xc: {  	_ =	swait.ge [sflag:s7], $0x2800  }
0xd: {  	[sflag:s7] =	ssyncset.done $0x0  }
.Ltmp0:
0xe: {  	[sflag:s7] =	ssyncadd.s32 $0xFFFFD800;
	(pc) =	sbr.rel @p0 .LBB2_5-.Ltmp0, $4  }
0xf: {  	[tilespmem:s8], [sflag:$0x1] =	stream.linear.gather [hbm4b:s4+s2], $0x2800, $0x38;
	[tilespmem:$0x7A80] =	vst v63  }
0x10: {  	_ =	swait.ge [sflag:s7], $0x2800  }
0x11: {  	[sflag:s7] =	ssyncset.done $0x0  }
0x12: {  	[sflag:s7] =	ssyncadd.s32 $0xFFFFD800  }
0x13: {  	s13 =	simm.s32 $0x40;
	s14 =	simm.s32 $0x0  }
.LBB2_3:
0x14: {  	p1 =	sne.s32 s13, $0x9FC0;
	[tilespmem:s14+$0x5000] =	vst v0;
	s14 =	smov.u32 s13;
	s13 =	sadd.s32 $0x40, s13  }
.Ltmp1:
0x15: {  	(pc) =	sbr.rel @p1 .LBB2_3-.Ltmp1, $2  }
0x16: {  	_ =	sdelay $0x2  }
0x17: {  	s14 =	sshra.s32 s14, $0x2  }
0x18: {  	[tilespmem:s14+$0x5000] =	vst v0  }
0x19: {  	[spmem:s1] =	stream.linear.scatter [tilespmem:s9], [sflag:$0x1], $0x2800, $0x38;
	[tilespmem:$0x7A80] =	vst v63  }
0x1a: {  	_ =	swait.ge [sflag:s7], $0x2800  }
0x1b: {  	[sflag:s7] =	ssyncset.done $0x0  }
0x1c: {  	[sflag:s7] =	ssyncadd.s32 $0xFFFFD800  }
.LBB2_5:
0x1d: {  	[bflag:$0x0] =	sbarrier.arrive $0xFFFF;
	s13 =	simm.s32 $0x0;
	s14 =	simm.s32 $0x2800  }
0x1e: {  	[spmem:s1] =	stream.indirect.scatter.add.f32 [tilespmem:s14], [sflag:$0x1], $0x1, s13, s10, $0xb8;
	[tilespmem:$0x7A80] =	vst v63  }
0x1f: {  	s13 =	simm.s32 $0x200;
	_ =	swait.ge [sflag:s7], $0x80  }
.LBB2_6:
0x20: {  	s14 =	sshra.s32 s13, $0x2;
	[sflag:s7] =	ssyncset.done $0x0;
	p1 =	sne.s32 s13, $0x9E00  }
.Ltmp2:
0x21: {  	s15 =	sadd.s32 $0x2800, s14;
	[sflag:s7] =	ssyncadd.s32 $0xFFFFFF80;
	(pc) =	sbr.rel @p1 .LBB2_6-.Ltmp2, $3  }
0x22: {  	[spmem:s1] =	stream.indirect.scatter.add.f32 [tilespmem:s15], [sflag:$0x1], $0x1, s14, s10, $0xb8;
	[tilespmem:$0x7A80] =	vst v63  }
0x23: {  	s13 =	sadd.s32 $0x200, s13;
	_ =	sdelay $0x1  }
0x24: {  	_ =	swait.ge [sflag:s7], $0x80  }
0x25: {  	[sflag:s7] =	ssyncset.done $0x0  }
0x26: {  	s13 =	simm.s32 @!p0 $0x1;
	s14 =	simm.s32 @!p0 $0x20;
	s12 =	sadd.s32 $0x1, s12  }
0x27: {  	s15 =	simm.s32 @!p0 $0x10;
	[sflag:s7] =	ssyncadd.s32 $0xFFFFFF80;
	p1 =	sne.s32 s12, s6  }
.Ltmp3:
0x28: {  	s16 =	simm.s32 @!p0 $0x1C01;
	[bflag:$0x0] =	sbarrier.arrive $0xFFFF;
	(pc) =	sbr.rel @p1 .LBB2_1-.Ltmp3, $4  }
0x29: {  	[hbm:s5@s14], [sflag:s16] =	dma.strided @!p0 [spmem:s11@s15], $0x500, s13, $0x10   }
0x2a: {  	_ =	swait.ge @!p0 [sflag:s13], $0x500  }
0x2b: {  	[sflag:s13] =	ssyncset.done @!p0 $0x0  }
0x2c: {  	[sflag:s13] =	ssyncadd.s32 @!p0 $0xFFFFFB00  }
0x2d: {  	_ =	sfence.sel $0x180000  }
0x2e: {  	[bflag:$0x0] =	sbarrier.arrive $0xFFFF  }
0x2f: {  	_ =	strace $0x90000047  }
0x30: {  	s0 =	sadd.s32 @!p0 $0x100000, s0;
	[bflag:$0x2] =	sbarrier.arrive $0xFFFF  }
0x31: {  	[sflag:s0] =	ssyncadd.tile.s32 @!p0 $0x1;
	_ =	shalt  }
.Lfunc_end2:
_tile_overlayer_lowered:
.L_overlay_start_2:
0x32: {  	(tag) =	ssettag $0x2  }
0x33: {  	s0 =	rddreg [dreg:$0x0];
	s2 =	stileid.u32  }
0x34: {  	s1 =	rddreg [dreg:$0x1];
	p0 =	sne.s32 s2, $0x0  }
0x35: {  	s3 =	rddreg [dreg:$0x2];
	[bflag:$0x3] =	sbarrier.arrive $0xFFFF;
	s2 =	simm.s32 @!p0 $0x1C01  }
0x36: {  	[timem:s3], [sflag:s2] =	dma.local @!p0 [hbm:s0], s1  }
0x37: {  	s0 =	simm.s32 @!p0 $0x1  }
0x38: {  	_ =	swait.ge @!p0 [sflag:s0], s1  }
0x39: {  	s1 =	ssub.s32 @!p0 $0x0, s1;
	[sflag:s0] =	ssyncset.done @!p0 $0x0  }
0x3a: {  	[sflag:s0] =	ssyncadd.s32 @!p0 s1  }
0x3b: {  	[bflag:$0x3] =	sbarrier.arrive $0xFFFF  }
0x3c: {  	_ =	shalt  }

</sc_bundles>
